<compile_context>
chip_gen: v7x
topology: tpu7x:2x2x1
jax: 0.10.2.dev20260603
libtpu: 0.0.44.dev20260713+nightly
codegen_flags: <defaults>
</compile_context>

<pallas_src>
import functools

import jax
import jax.numpy as jnp
from jax import lax
from jax.experimental import pallas as pl
from jax.experimental.pallas import tpu as pltpu
from jax.experimental.pallas import tpu_sc as plsc

NC = 2
NS = 16
LANES = 16


def _mesh():
  return plsc.VectorSubcoreMesh(core_axis_name="c", subcore_axis_name="s")


_SC_PARAMS = pltpu.CompilerParams(use_tc_tiling_on_sc=False)
_SC_PARAMS_NL = pltpu.CompilerParams(use_tc_tiling_on_sc=False,
                                     needs_layout_passes=False)


def _build_inv_kernel(n_pad, n_slot_rows):
  chunk = n_pad // NS

  @functools.partial(
      pl.kernel,
      out_type=jax.ShapeDtypeStruct((n_pad,), jnp.int32),
      mesh=_mesh(),
      compiler_params=_SC_PARAMS,
      scratch_types=[
          pltpu.VMEM((chunk,), jnp.int32),
          pltpu.VMEM((n_slot_rows // NS, 128), jnp.int32),
          pltpu.VMEM((n_slot_rows // NS, 128), jnp.int32),
      ],
  )
  def k(nodes_hbm, slots_hbm, inv_hbm, initbuf, nodes_v, slots_v):
    cid = lax.axis_index("c")
    sid = lax.axis_index("s")
    jrows = n_slot_rows // NS

    @pl.when(cid == 0)
    def _():
      def fill(i, _):
        initbuf[pl.ds(i * LANES, LANES)] = jnp.full((LANES,), -1, jnp.int32)
        return 0
      lax.fori_loop(0, chunk // LANES, fill, 0)
      pltpu.sync_copy(initbuf, inv_hbm.at[pl.ds(sid * chunk, chunk)])
      plsc.subcore_barrier()
      pltpu.sync_copy(nodes_hbm.at[pl.ds(sid * jrows, jrows)], nodes_v)
      pltpu.sync_copy(slots_hbm.at[pl.ds(sid * jrows, jrows)], slots_v)
      for j in range(jrows):
        pltpu.sync_copy(slots_v.at[j], inv_hbm.at[nodes_v.at[j]])

  return k


def _edge_accum_kernel(erows, bpt, acc_rows, dump_row, n_pad, d):
  C = 1024
  JR = C // 128
  rpt = acc_rows // NS

  @functools.partial(
      pl.kernel,
      out_type=jax.ShapeDtypeStruct((2 * acc_rows, 2 * d), jnp.float32),
      mesh=_mesh(),
      compiler_params=_SC_PARAMS_NL,
      scratch_types=[
          pltpu.VMEM_SHARED((acc_rows, 2 * d), jnp.float32),
          pltpu.VMEM((JR, 128), jnp.int32),
          pltpu.VMEM((JR, 128), jnp.int32),
          pltpu.VMEM((JR, 128), jnp.float32),
          pltpu.VMEM((JR, 128), jnp.int32),
          pltpu.VMEM((C + 128,), jnp.int32),
          pltpu.VMEM((C + 128,), jnp.int32),
          pltpu.VMEM((C + 128,), jnp.float32),
          pltpu.VMEM((1, 128), jnp.int32),
          pltpu.VMEM((128, d), jnp.float32),
          pltpu.VMEM((128, 2 * d), jnp.float32),
          pltpu.VMEM((64, 2 * d), jnp.float32),
          pltpu.SemaphoreType.DMA,
          pltpu.SemaphoreType.DMA,
      ],
  )
  def k(rows_hbm, cols_hbm, vals_hbm, inv_hbm, f_hbm, p_hbm,
        acc, rows_v, cols_v, vals_v, s_v, cs_buf, cc_buf, cv_buf, s2d,
        g_v, contrib, zbuf, sem, sem2):
    cid = lax.axis_index("c")
    sid = lax.axis_index("s")
    wid = cid * NS + sid

    def zfill(i, _):
      r = i // (2 * d // LANES)
      c16 = (i % (2 * d // LANES)) * LANES
      zbuf[r, pl.ds(c16, LANES)] = jnp.zeros((LANES,), jnp.float32)
      return 0
    lax.fori_loop(0, 64 * (2 * d // LANES), zfill, 0)
    full64 = rpt // 64
    for z in range(full64):
      pltpu.sync_copy(zbuf, acc.at[pl.ds(sid * rpt + z * 64, 64)])
    rem = rpt - full64 * 64
    if rem:
      pltpu.sync_copy(zbuf.at[pl.ds(0, rem)],
                      acc.at[pl.ds(sid * rpt + full64 * 64, rem)])
    plsc.subcore_barrier()

    def block(b, _):
      blk = (wid * bpt + b) * JR
      pltpu.sync_copy(rows_hbm.at[pl.ds(blk, JR)], rows_v)
      pltpu.sync_copy(cols_hbm.at[pl.ds(blk, JR)], cols_v)
      pltpu.sync_copy(vals_hbm.at[pl.ds(blk, JR)], vals_v)
      cps = [pltpu.async_copy(inv_hbm.at[rows_v.at[j]], s_v.at[j], sem)
             for j in range(JR)]
      for cp in cps:
        cp.wait()

      def cgrp(gi, cnt):
        j = gi // 8
        off = (gi % 8) * LANES
        sl = s_v[j, pl.ds(off, LANES)]
        cl = cols_v[j, pl.ds(off, LANES)]
        vl = vals_v[j, pl.ds(off, LANES)]
        m = sl >= 0
        ss, cc = plsc.sort_key_val(sl, cl, descending=True)
        ss2, vv2 = plsc.sort_key_val(sl, vl, descending=True)
        cs_buf[pl.ds(cnt, LANES)] = ss
        cc_buf[pl.ds(cnt, LANES)] = cc
        cv_buf[pl.ds(cnt, LANES)] = vv2
        return cnt + plsc.all_reduce_population_count(m)[0]
      cnt = lax.fori_loop(0, C // LANES, cgrp, jnp.int32(0))

      zf = jnp.zeros((LANES,), jnp.float32)
      zdump = jnp.full((LANES,), dump_row, jnp.int32)
      zcol = jnp.zeros((LANES,), jnp.int32)
      for t in range(8):
        cs_buf[pl.ds(cnt + t * LANES, LANES)] = zdump
        cc_buf[pl.ds(cnt + t * LANES, LANES)] = zcol
        cv_buf[pl.ds(cnt + t * LANES, LANES)] = zf

      def sub(j2, _):
        base = j2 * 128
        pltpu.async_copy(f_hbm.at[cc_buf.at[pl.ds(base, 128)]], g_v,
                         sem2).wait()
        for t in range(8):
          s2d[0, pl.ds(t * LANES, LANES)] = cs_buf[pl.ds(base + t * LANES,
                                                         LANES)]
        def grp(gi, _):
          vv = cv_buf[pl.ds(base + gi * LANES, LANES)]
          for l in range(LANES):
            val = vv[l]
            e = gi * LANES + l
            for g16 in range(d // LANES):
              gk = g_v[e, pl.ds(g16 * LANES, LANES)]
              a = val * gk
              contrib[e, pl.ds(g16 * LANES, LANES)] = a
              contrib[e, pl.ds(d + g16 * LANES, LANES)] = a * gk
          return 0
        lax.fori_loop(0, 128 // LANES, grp, 0)
        pltpu.sync_copy(contrib, acc.at[s2d.at[0]], add=True)
        return 0
      nsub = (cnt + 127) // 128
      lax.fori_loop(0, nsub, sub, 0)
      return 0
    lax.fori_loop(0, bpt, block, 0)

    plsc.subcore_barrier()
    pltpu.sync_copy(acc.at[pl.ds(sid * rpt, rpt)],
                    p_hbm.at[pl.ds(cid * acc_rows + sid * rpt, rpt)])

  return k


def _slot_gather_kernel(nslots, acc_rows, n_pad, d):
  spw = nslots // (NC * NS)
  JR = spw // 128

  @functools.partial(
      pl.kernel,
      out_type=(jax.ShapeDtypeStruct((nslots, 2 * d), jnp.float32),
                jax.ShapeDtypeStruct((nslots, 2 * d), jnp.float32),
                jax.ShapeDtypeStruct((nslots, d), jnp.float32)),
      mesh=_mesh(),
      compiler_params=_SC_PARAMS,
      scratch_types=[
          pltpu.VMEM((JR, 128), jnp.int32),
          pltpu.VMEM((JR, 128), jnp.int32),
          pltpu.VMEM((JR, 128), jnp.int32),
          pltpu.VMEM((spw, 2 * d), jnp.float32),
          pltpu.VMEM((spw, 2 * d), jnp.float32),
          pltpu.VMEM((spw, d), jnp.float32),
          pltpu.SemaphoreType.DMA,
      ],
  )
  def k(nodes_hbm, inv_hbm, p_hbm, f_hbm, a0_hbm, a1_hbm, fb_hbm,
        nodes_v, canon_v, canon2_v, a0_v, a1_v, fb_v, sem):
    cid = lax.axis_index("c")
    sid = lax.axis_index("s")
    wid = cid * NS + sid
    pltpu.sync_copy(nodes_hbm.at[pl.ds(wid * JR, JR)], nodes_v)
    for j in range(JR):
      pltpu.async_copy(inv_hbm.at[nodes_v.at[j]], canon_v.at[j], sem).wait()
      for jj in range(128 // LANES):
        canon2_v[j, pl.ds(jj * LANES, LANES)] = (
            canon_v[j, pl.ds(jj * LANES, LANES)] + jnp.int32(acc_rows))
      pltpu.async_copy(p_hbm.at[canon_v.at[j]],
                       a0_v.at[pl.ds(j * 128, 128)], sem).wait()
      pltpu.async_copy(p_hbm.at[canon2_v.at[j]],
                       a1_v.at[pl.ds(j * 128, 128)], sem).wait()
      pltpu.async_copy(f_hbm.at[nodes_v.at[j]],
                       fb_v.at[pl.ds(j * 128, 128)], sem).wait()
    pltpu.sync_copy(a0_v, a0_hbm.at[pl.ds(wid * spw, spw)])
    pltpu.sync_copy(a1_v, a1_hbm.at[pl.ds(wid * spw, spw)])
    pltpu.sync_copy(fb_v, fb_hbm.at[pl.ds(wid * spw, spw)])

  return k


def _dense_tc(a0g, a1g, fb, gW1, gb1, gW2, gb2, W1, b1, W2, b2, W3, b3):
  nslots, d2 = a0g.shape
  d = d2 // 2
  bsz = nslots // 2

  def body(a0_r, a1_r, fb_r, gW1_r, gb1_r, gW2_r, gb2_r,
           W1_r, b1_r, W2_r, b2_r, W3_r, b3_r, out_r):
    asum = a0_r[...] + a1_r[...]
    agg = asum[:, :d]
    agg2 = asum[:, d:]
    f = fb_r[...]
    hp = jax.lax.Precision.HIGHEST
    inter1 = jnp.dot(agg + f, gW1_r[...].T, precision=hp) + gb1_r[...]
    inter2 = jnp.dot(agg2, gW2_r[...].T, precision=hp) + gb2_r[...]
    x = inter1 + inter2
    feats = jnp.where(x >= 0, x, 0.01 * x)
    embed = jnp.concatenate(
        [f[:bsz], feats[:bsz], f[bsz:], feats[bsz:]], axis=1)
    h = jnp.dot(embed, W1_r[...].T, precision=hp) + b1_r[...]
    h = jnp.maximum(h, 0.0)
    h = jnp.dot(h, W2_r[...].T, precision=hp) + b2_r[...]
    h = jnp.maximum(h, 0.0)
    out_r[...] = jnp.dot(h, W3_r[...].T, precision=hp) + b3_r[...]

  w3p = jnp.zeros((128, W3.shape[1]), W3.dtype).at[0].set(W3[0])
  b3p = jnp.broadcast_to(b3.reshape(1, 1), (1, 128))
  return pl.pallas_call(
      body,
      out_shape=jax.ShapeDtypeStruct((bsz, 128), jnp.float32),
  )(a0g, a1g, fb, gW1, gb1.reshape(1, -1), gW2, gb2.reshape(1, -1),
    W1, b1.reshape(1, -1), W2, b2.reshape(1, -1), w3p, b3p)


def kernel(userID, itemID, L_row, L_col, L_data, user_emb, item_emb,
           gW1, gb1, gW2, gb2, W1, b1, W2, b2, W3, b3):
  U, d = user_emb.shape
  I = item_emb.shape[0]
  N = U + I
  B = userID.shape[0]
  E = L_row.shape[0]
  nslots = 2 * B

  feats_tab = jnp.concatenate([user_emb, item_emb], axis=0)
  nodes = jnp.concatenate([userID, itemID + U]).astype(jnp.int32)
  nodes2d = nodes.reshape(nslots // 128, 128)
  slots2d = jnp.arange(nslots, dtype=jnp.int32).reshape(nslots // 128, 128)

  chunk = ((N + NS - 1) // NS + 7) // 8 * 8
  n_pad = chunk * NS

  inv = _build_inv_kernel(n_pad, nslots // 128)(nodes2d, slots2d)

  C = 1024
  NW = NC * NS
  bpt = -(-E // (NW * C))
  e_pad = bpt * NW * C
  pad = e_pad - E
  rows2d = jnp.concatenate(
      [L_row, jnp.zeros((pad,), jnp.int32)]).reshape(e_pad // 128, 128)
  cols2d = jnp.concatenate(
      [L_col, jnp.zeros((pad,), jnp.int32)]).reshape(e_pad // 128, 128)
  vals2d = jnp.concatenate(
      [L_data, jnp.zeros((pad,), jnp.float32)]).reshape(e_pad // 128, 128)

  acc_rows = ((nslots + 1 + NS * 8 - 1) // (NS * 8)) * NS * 8
  dump_row = nslots

  p = _edge_accum_kernel(e_pad // 128, bpt, acc_rows, dump_row,
                         n_pad, d)(rows2d, cols2d, vals2d, inv, feats_tab)
  a0g, a1g, fb = _slot_gather_kernel(nslots, acc_rows, n_pad, d)(
      nodes2d, inv, p, feats_tab)

  out = _dense_tc(a0g, a1g, fb, gW1, gb1, gW2, gb2, W1, b1, W2, b2, W3, b3)
  return out[:, 0]

# --- scband reference (transcript-rebuilt; emitter-appended) ---
"""Pipeline reference for scband-ngcf-52785148068369 (READ-ONLY COPY).

The authoritative reference and input builder live on the scoring server;
editing this copy changes nothing except your own understanding.
"""

import jax, jax.numpy as jnp
import numpy as np

USER_NUM = 60000
ITEM_NUM = 40000
N = USER_NUM + ITEM_NUM
EMBED = 64
N_RATINGS = 600000
BATCH = 4096


def _build_lap(rng):
    # Replicates NGCF.getLapMat: symmetric bipartite adjacency with ratings,
    # normalized by D^{-1/2} A D^{-1/2} where deg = nnz count per row.
    u = rng.integers(0, USER_NUM, N_RATINGS)
    i = rng.integers(0, ITEM_NUM, N_RATINGS)
    r = rng.integers(1, 6, N_RATINGS).astype(np.float32)
    row = np.concatenate([u, i + USER_NUM])
    col = np.concatenate([i + USER_NUM, u])
    data = np.concatenate([r, r])
    deg = np.bincount(row, minlength=N).astype(np.float32)
    dinv = np.where(deg > 0, deg ** -0.5, 0.0).astype(np.float32)
    ldata = (dinv[row] * data * dinv[col]).astype(np.float32)
    return row.astype(np.int32), col.astype(np.int32), ldata


def _linear_init(key, fan_in, fan_out):
    kw, kb = jax.random.split(key)
    lim = 1.0 / np.sqrt(fan_in)
    W = jax.random.uniform(kw, (fan_out, fan_in), minval=-lim, maxval=lim, dtype=jnp.float32)
    b = jax.random.uniform(kb, (fan_out,), minval=-lim, maxval=lim, dtype=jnp.float32)
    return W, b


def setup_inputs(seed: int = 0) -> dict:
    rng = np.random.default_rng(0)
    L_row, L_col, L_data = _build_lap(rng)
    key = jax.random.key(seed)
    ks = jax.random.split(key, 10)
    user_emb = jax.random.normal(ks[0], (USER_NUM, EMBED), dtype=jnp.float32)
    item_emb = jax.random.normal(ks[1], (ITEM_NUM, EMBED), dtype=jnp.float32)
    gW1, gb1 = _linear_init(ks[2], 64, 64)
    gW2, gb2 = _linear_init(ks[3], 64, 64)
    W1, b1 = _linear_init(ks[4], 256, 64)
    W2, b2 = _linear_init(ks[5], 64, 32)
    W3, b3 = _linear_init(ks[6], 32, 1)
    userID = jax.random.randint(ks[7], (BATCH,), 0, USER_NUM, dtype=jnp.int32)
    itemID = jax.random.randint(ks[8], (BATCH,), 0, ITEM_NUM, dtype=jnp.int32)
    return {
        "userID": userID, "itemID": itemID,
        "L_row": jnp.asarray(L_row), "L_col": jnp.asarray(L_col),
        "L_data": jnp.asarray(L_data),
        "user_emb": user_emb, "item_emb": item_emb,
        "gW1": gW1, "gb1": gb1, "gW2": gW2, "gb2": gb2,
        "W1": W1, "b1": b1, "W2": W2, "b2": b2, "W3": W3, "b3": b3,
    }


def reference(userID, itemID, L_row, L_col, L_data, user_emb, item_emb,
              gW1, gb1, gW2, gb2, W1, b1, W2, b2, W3, b3):
    features = jnp.concatenate([user_emb, item_emb], axis=0)  # [N, 64]

    def spmm(vals, feats):
        # sparse (COO) matmul: gather + scatter-add (SparseCore-friendly)
        return jax.ops.segment_sum(vals[:, None] * feats[L_col], L_row, num_segments=N)

    final = features
    # single GCN layer (layers=[64,64])
    inter_features = features * features
    agg = spmm(L_data, features)
    # L1 = L + I  =>  spmm(L1, f) = spmm(L, f) + f
    inter1 = (agg + features) @ gW1.T + gb1
    inter2 = spmm(L_data, inter_features) @ gW2.T + gb2
    feats = jax.nn.leaky_relu(inter1 + inter2, negative_slope=0.01)
    final = jnp.concatenate([final, feats], axis=1)  # [N, 128]

    ue = final[userID]
    ie = final[itemID + USER_NUM]
    embed = jnp.concatenate([ue, ie], axis=1)  # [B, 256]
    embed = jax.nn.relu(embed @ W1.T + b1)
    embed = jax.nn.relu(embed @ W2.T + b2)
    embed = embed @ W3.T + b3
    return embed.flatten()

if __name__ == "__main__":
    import jax
    _d = setup_inputs()
    print(jax.jit(kernel)(*tuple(_d.values())))

</pallas_src>

<mosaic_0001>
#map = affine_map<(d0, d1) -> (0, 0)>
#map1 = affine_map<(d0, d1) -> (0)>
module attributes {stable_mosaic.version = 14 : i64} {
  func.func @k(%arg0: i32, %arg1: i32, %arg2: memref<64x128xi32, #tpu.memory_space<hbm>>, %arg3: memref<100096xi32, #tpu.memory_space<hbm>>, %arg4: memref<16640x128xf32, #tpu.memory_space<hbm>>, %arg5: memref<100000x64xf32, #tpu.memory_space<hbm>>, %arg6: memref<8192x128xf32, #tpu.memory_space<hbm>>, %arg7: memref<8192x128xf32, #tpu.memory_space<hbm>>, %arg8: memref<8192x64xf32, #tpu.memory_space<hbm>>, %arg9: memref<2x128xi32, #tpu.memory_space<vmem>>, %arg10: memref<2x128xi32, #tpu.memory_space<vmem>>, %arg11: memref<2x128xi32, #tpu.memory_space<vmem>>, %arg12: memref<256x128xf32, #tpu.memory_space<vmem>>, %arg13: memref<256x128xf32, #tpu.memory_space<vmem>>, %arg14: memref<256x64xf32, #tpu.memory_space<vmem>>, %arg15: memref<!tpu.dma_semaphore, #tpu.memory_space<semaphore_mem>>) attributes {dimension_semantics = [#tpu.dimension_semantics<core_parallel>, #tpu.dimension_semantics<subcore_parallel>], iteration_bounds = array<i64: 2, 16>, scalar_prefetch = 0 : i64, scratch_operands = 7 : i64, tpu.core_type = #tpu.core_type<sc_vector_subcore>, window_params = [{transform_indices = #map}, {transform_indices = #map1}, {transform_indices = #map}, {transform_indices = #map}, {transform_indices = #map}, {transform_indices = #map}, {transform_indices = #map}]} {
    %mul3A = arith.constant 16 : i32
    %mul3A_0 = arith.muli %arg0, %mul3A : i32
    %add3A = arith.addi %mul3A_0, %arg1 : i32
    %mul3A_1 = arith.constant 2 : i32
    %mul3A_2 = arith.muli %add3A, %mul3A_1 : i32
    "tpu.region"() ({
      %run_scoped3A = tpu.sem_alloc : memref<!tpu.dma_semaphore, #tpu.memory_space<semaphore_mem>>
      %dma_start3A_389 = arith.constant 0 : i32
      %dma_start3A_390 = tpu.memref_slice %arg2[%mul3A_2, %dma_start3A_389] : memref<64x128xi32, #tpu.memory_space<hbm>> -> memref<2x128xi32, #tpu.memory_space<hbm>>
      %dma_start3A_391 = arith.constant 0 : i32
      %dma_start3A_392 = tpu.memref_slice %arg2[%mul3A_2, %dma_start3A_391] : memref<64x128xi32, #tpu.memory_space<hbm>> -> memref<2x128xi32, #tpu.memory_space<hbm>>
      tpu.enqueue_dma source(%dma_start3A_392 : memref<2x128xi32, #tpu.memory_space<hbm>>) target(%arg9 : memref<2x128xi32, #tpu.memory_space<vmem>>) target_semaphore(%run_scoped3A : memref<!tpu.dma_semaphore, #tpu.memory_space<semaphore_mem>>)
      %dma_wait3A_393 = arith.constant 0 : i32
      %dma_wait3A_394 = tpu.memref_slice %arg2[%mul3A_2, %dma_wait3A_393] : memref<64x128xi32, #tpu.memory_space<hbm>> -> memref<2x128xi32, #tpu.memory_space<hbm>>
      %dma_wait3A_395 = arith.constant 0 : i32
      %dma_wait3A_396 = tpu.memref_slice %arg2[%mul3A_2, %dma_wait3A_395] : memref<64x128xi32, #tpu.memory_space<hbm>> -> memref<2x128xi32, #tpu.memory_space<hbm>>
      tpu.wait_dma2 semaphore(%run_scoped3A : memref<!tpu.dma_semaphore, #tpu.memory_space<semaphore_mem>>) src(%dma_wait3A_396 : memref<2x128xi32, #tpu.memory_space<hbm>>) dst(%arg9 : memref<2x128xi32, #tpu.memory_space<vmem>>)
      tpu.yield
    }) : () -> ()
    %dma_start3A = arith.constant 0 : i32
    %dma_start3A_3 = arith.constant 0 : i32
    %dma_start3A_4 = arith.constant 0 : i32
    %dma_start3A_5 = tpu.memref_slice %arg10[%dma_start3A_3, %dma_start3A_4] : memref<2x128xi32, #tpu.memory_space<vmem>> -> memref<1x128xi32, #tpu.memory_space<vmem>>
    %dma_start3A_6 = tpu.memref_squeeze %dma_start3A_5 : memref<1x128xi32, #tpu.memory_space<vmem>> -> memref<128xi32, #tpu.memory_space<vmem>>
    %dma_start3A_7 = arith.constant 0 : i32
    %dma_start3A_8 = tpu.memref_slice %arg9[%dma_start3A, %dma_start3A_7] : memref<2x128xi32, #tpu.memory_space<vmem>> -> memref<1x128xi32, #tpu.memory_space<vmem>>
    %dma_start3A_9 = tpu.memref_squeeze %dma_start3A_8 : memref<1x128xi32, #tpu.memory_space<vmem>> -> memref<128xi32, #tpu.memory_space<vmem>>
    %dma_start3A_10 = arith.constant 0 : i32
    %dma_start3A_11 = tpu.memref_slice %arg3[%dma_start3A_10] : memref<100096xi32, #tpu.memory_space<hbm>> -> memref<100096xi32, #tpu.memory_space<hbm>>
    tpu.enqueue_indirect_dma source(%dma_start3A_11 : memref<100096xi32, #tpu.memory_space<hbm>>) target(%dma_start3A_6 : memref<128xi32, #tpu.memory_space<vmem>>) offsets(%dma_start3A_9 : memref<128xi32, #tpu.memory_space<vmem>>) semaphore(%arg15 : memref<!tpu.dma_semaphore, #tpu.memory_space<semaphore_mem>>)
    %dma_wait3A = arith.constant 0 : i32
    %dma_wait3A_12 = arith.constant 0 : i32
    %dma_wait3A_13 = arith.constant 0 : i32
    %dma_wait3A_14 = tpu.memref_slice %arg10[%dma_wait3A_12, %dma_wait3A_13] : memref<2x128xi32, #tpu.memory_space<vmem>> -> memref<1x128xi32, #tpu.memory_space<vmem>>
    %dma_wait3A_15 = tpu.memref_squeeze %dma_wait3A_14 : memref<1x128xi32, #tpu.memory_space<vmem>> -> memref<128xi32, #tpu.memory_space<vmem>>
    %dma_wait3A_16 = arith.constant 0 : i32
    %dma_wait3A_17 = tpu.memref_slice %arg9[%dma_wait3A, %dma_wait3A_16] : memref<2x128xi32, #tpu.memory_space<vmem>> -> memref<1x128xi32, #tpu.memory_space<vmem>>
    %dma_wait3A_18 = tpu.memref_squeeze %dma_wait3A_17 : memref<1x128xi32, #tpu.memory_space<vmem>> -> memref<128xi32, #tpu.memory_space<vmem>>
    %dma_wait3A_19 = arith.constant 0 : i32
    %dma_wait3A_20 = tpu.memref_slice %arg3[%dma_wait3A_19] : memref<100096xi32, #tpu.memory_space<hbm>> -> memref<100096xi32, #tpu.memory_space<hbm>>
    tpu.wait_indirect_dma semaphore(%arg15 : memref<!tpu.dma_semaphore, #tpu.memory_space<semaphore_mem>>) src(%dma_wait3A_20 : memref<100096xi32, #tpu.memory_space<hbm>>) dst(%dma_wait3A_15 : memref<128xi32, #tpu.memory_space<vmem>>)
    %get3A = arith.constant 0 : i32
    %get3A_21 = arith.index_cast %get3A : i32 to index
    %get3A_22 = arith.constant 0 : index
    %get3A_23 = tpu.vector_load %arg10[%get3A_21, %get3A_22] {strides = array<i32>} : memref<2x128xi32, #tpu.memory_space<vmem>>, vector<1x16xi32>,
    %get3A_24 = vector.shape_cast %get3A_23 : vector<1x16xi32> to vector<16xi32>
    %add3A_25 = arith.constant 8320 : i32
    %add3A_26 = vector.broadcast %add3A_25 : i32 to vector<16xi32>
    %add3A_27 = arith.addi %get3A_24, %add3A_26 : vector<16xi32>
    %swap3A = arith.constant 0 : i32
    %swap3A_28 = arith.index_cast %swap3A : i32 to index
    %swap3A_29 = arith.constant 0 : index
    %swap3A_30 = tpu.vector_load %arg11[%swap3A_28, %swap3A_29] {strides = array<i32>} : memref<2x128xi32, #tpu.memory_space<vmem>>, vector<1x16xi32>,
    %swap3A_31 = vector.shape_cast %swap3A_30 : vector<1x16xi32> to vector<16xi32>
    %swap3A_32 = vector.shape_cast %add3A_27 : vector<16xi32> to vector<1x16xi32>
    tpu.vector_store %arg11[%swap3A_28, %swap3A_29], %swap3A_32 {strides = array<i32>} : memref<2x128xi32, #tpu.memory_space<vmem>>, vector<1x16xi32>,
    %get3A_33 = arith.constant 0 : i32
    %get3A_34 = arith.index_cast %get3A_33 : i32 to index
    %get3A_35 = arith.constant 16 : index
    %get3A_36 = tpu.vector_load %arg10[%get3A_34, %get3A_35] {strides = array<i32>} : memref<2x128xi32, #tpu.memory_space<vmem>>, vector<1x16xi32>,
    %get3A_37 = vector.shape_cast %get3A_36 : vector<1x16xi32> to vector<16xi32>
    %add3A_38 = arith.constant 8320 : i32
    %add3A_39 = vector.broadcast %add3A_38 : i32 to vector<16xi32>
    %add3A_40 = arith.addi %get3A_37, %add3A_39 : vector<16xi32>
    %swap3A_41 = arith.constant 0 : i32
    %swap3A_42 = arith.index_cast %swap3A_41 : i32 to index
    %swap3A_43 = arith.constant 16 : index
    %swap3A_44 = tpu.vector_load %arg11[%swap3A_42, %swap3A_43] {strides = array<i32>} : memref<2x128xi32, #tpu.memory_space<vmem>>, vector<1x16xi32>,
    %swap3A_45 = vector.shape_cast %swap3A_44 : vector<1x16xi32> to vector<16xi32>
    %swap3A_46 = vector.shape_cast %add3A_40 : vector<16xi32> to vector<1x16xi32>
    tpu.vector_store %arg11[%swap3A_42, %swap3A_43], %swap3A_46 {strides = array<i32>} : memref<2x128xi32, #tpu.memory_space<vmem>>, vector<1x16xi32>,
    %get3A_47 = arith.constant 0 : i32
    %get3A_48 = arith.index_cast %get3A_47 : i32 to index
    %get3A_49 = arith.constant 32 : index
    %get3A_50 = tpu.vector_load %arg10[%get3A_48, %get3A_49] {strides = array<i32>} : memref<2x128xi32, #tpu.memory_space<vmem>>, vector<1x16xi32>,
    %get3A_51 = vector.shape_cast %get3A_50 : vector<1x16xi32> to vector<16xi32>
    %add3A_52 = arith.constant 8320 : i32
    %add3A_53 = vector.broadcast %add3A_52 : i32 to vector<16xi32>
    %add3A_54 = arith.addi %get3A_51, %add3A_53 : vector<16xi32>
    %swap3A_55 = arith.constant 0 : i32
    %swap3A_56 = arith.index_cast %swap3A_55 : i32 to index
    %swap3A_57 = arith.constant 32 : index
    %swap3A_58 = tpu.vector_load %arg11[%swap3A_56, %swap3A_57] {strides = array<i32>} : memref<2x128xi32, #tpu.memory_space<vmem>>, vector<1x16xi32>,
    %swap3A_59 = vector.shape_cast %swap3A_58 : vector<1x16xi32> to vector<16xi32>
    %swap3A_60 = vector.shape_cast %add3A_54 : vector<16xi32> to vector<1x16xi32>
    tpu.vector_store %arg11[%swap3A_56, %swap3A_57], %swap3A_60 {strides = array<i32>} : memref<2x128xi32, #tpu.memory_space<vmem>>, vector<1x16xi32>,
    %get3A_61 = arith.constant 0 : i32
    %get3A_62 = arith.index_cast %get3A_61 : i32 to index
    %get3A_63 = arith.constant 48 : index
    %get3A_64 = tpu.vector_load %arg10[%get3A_62, %get3A_63] {strides = array<i32>} : memref<2x128xi32, #tpu.memory_space<vmem>>, vector<1x16xi32>,
    %get3A_65 = vector.shape_cast %get3A_64 : vector<1x16xi32> to vector<16xi32>
    %add3A_66 = arith.constant 8320 : i32
    %add3A_67 = vector.broadcast %add3A_66 : i32 to vector<16xi32>
    %add3A_68 = arith.addi %get3A_65, %add3A_67 : vector<16xi32>
    %swap3A_69 = arith.constant 0 : i32
    %swap3A_70 = arith.index_cast %swap3A_69 : i32 to index
    %swap3A_71 = arith.constant 48 : index
    %swap3A_72 = tpu.vector_load %arg11[%swap3A_70, %swap3A_71] {strides = array<i32>} : memref<2x128xi32, #tpu.memory_space<vmem>>, vector<1x16xi32>,
    %swap3A_73 = vector.shape_cast %swap3A_72 : vector<1x16xi32> to vector<16xi32>
    %swap3A_74 = vector.shape_cast %add3A_68 : vector<16xi32> to vector<1x16xi32>
    tpu.vector_store %arg11[%swap3A_70, %swap3A_71], %swap3A_74 {strides = array<i32>} : memref<2x128xi32, #tpu.memory_space<vmem>>, vector<1x16xi32>,
    %get3A_75 = arith.constant 0 : i32
    %get3A_76 = arith.index_cast %get3A_75 : i32 to index
    %get3A_77 = arith.constant 64 : index
    %get3A_78 = tpu.vector_load %arg10[%get3A_76, %get3A_77] {strides = array<i32>} : memref<2x128xi32, #tpu.memory_space<vmem>>, vector<1x16xi32>,
    %get3A_79 = vector.shape_cast %get3A_78 : vector<1x16xi32> to vector<16xi32>
    %add3A_80 = arith.constant 8320 : i32
    %add3A_81 = vector.broadcast %add3A_80 : i32 to vector<16xi32>
    %add3A_82 = arith.addi %get3A_79, %add3A_81 : vector<16xi32>
    %swap3A_83 = arith.constant 0 : i32
    %swap3A_84 = arith.index_cast %swap3A_83 : i32 to index
    %swap3A_85 = arith.constant 64 : index
    %swap3A_86 = tpu.vector_load %arg11[%swap3A_84, %swap3A_85] {strides = array<i32>} : memref<2x128xi32, #tpu.memory_space<vmem>>, vector<1x16xi32>,
    %swap3A_87 = vector.shape_cast %swap3A_86 : vector<1x16xi32> to vector<16xi32>
    %swap3A_88 = vector.shape_cast %add3A_82 : vector<16xi32> to vector<1x16xi32>
    tpu.vector_store %arg11[%swap3A_84, %swap3A_85], %swap3A_88 {strides = array<i32>} : memref<2x128xi32, #tpu.memory_space<vmem>>, vector<1x16xi32>,
    %get3A_89 = arith.constant 0 : i32
    %get3A_90 = arith.index_cast %get3A_89 : i32 to index
    %get3A_91 = arith.constant 80 : index
    %get3A_92 = tpu.vector_load %arg10[%get3A_90, %get3A_91] {strides = array<i32>} : memref<2x128xi32, #tpu.memory_space<vmem>>, vector<1x16xi32>,
    %get3A_93 = vector.shape_cast %get3A_92 : vector<1x16xi32> to vector<16xi32>
    %add3A_94 = arith.constant 8320 : i32
    %add3A_95 = vector.broadcast %add3A_94 : i32 to vector<16xi32>
    %add3A_96 = arith.addi %get3A_93, %add3A_95 : vector<16xi32>
    %swap3A_97 = arith.constant 0 : i32
    %swap3A_98 = arith.index_cast %swap3A_97 : i32 to index
    %swap3A_99 = arith.constant 80 : index
    %swap3A_100 = tpu.vector_load %arg11[%swap3A_98, %swap3A_99] {strides = array<i32>} : memref<2x128xi32, #tpu.memory_space<vmem>>, vector<1x16xi32>,
    %swap3A_101 = vector.shape_cast %swap3A_100 : vector<1x16xi32> to vector<16xi32>
    %swap3A_102 = vector.shape_cast %add3A_96 : vector<16xi32> to vector<1x16xi32>
    tpu.vector_store %arg11[%swap3A_98, %swap3A_99], %swap3A_102 {strides = array<i32>} : memref<2x128xi32, #tpu.memory_space<vmem>>, vector<1x16xi32>,
    %get3A_103 = arith.constant 0 : i32
    %get3A_104 = arith.index_cast %get3A_103 : i32 to index
    %get3A_105 = arith.constant 96 : index
    %get3A_106 = tpu.vector_load %arg10[%get3A_104, %get3A_105] {strides = array<i32>} : memref<2x128xi32, #tpu.memory_space<vmem>>, vector<1x16xi32>,
    %get3A_107 = vector.shape_cast %get3A_106 : vector<1x16xi32> to vector<16xi32>
    %add3A_108 = arith.constant 8320 : i32
    %add3A_109 = vector.broadcast %add3A_108 : i32 to vector<16xi32>
    %add3A_110 = arith.addi %get3A_107, %add3A_109 : vector<16xi32>
    %swap3A_111 = arith.constant 0 : i32
    %swap3A_112 = arith.index_cast %swap3A_111 : i32 to index
    %swap3A_113 = arith.constant 96 : index
    %swap3A_114 = tpu.vector_load %arg11[%swap3A_112, %swap3A_113] {strides = array<i32>} : memref<2x128xi32, #tpu.memory_space<vmem>>, vector<1x16xi32>,
    %swap3A_115 = vector.shape_cast %swap3A_114 : vector<1x16xi32> to vector<16xi32>
    %swap3A_116 = vector.shape_cast %add3A_110 : vector<16xi32> to vector<1x16xi32>
    tpu.vector_store %arg11[%swap3A_112, %swap3A_113], %swap3A_116 {strides = array<i32>} : memref<2x128xi32, #tpu.memory_space<vmem>>, vector<1x16xi32>,
    %get3A_117 = arith.constant 0 : i32
    %get3A_118 = arith.index_cast %get3A_117 : i32 to index
    %get3A_119 = arith.constant 112 : index
    %get3A_120 = tpu.vector_load %arg10[%get3A_118, %get3A_119] {strides = array<i32>} : memref<2x128xi32, #tpu.memory_space<vmem>>, vector<1x16xi32>,
    %get3A_121 = vector.shape_cast %get3A_120 : vector<1x16xi32> to vector<16xi32>
    %add3A_122 = arith.constant 8320 : i32
    %add3A_123 = vector.broadcast %add3A_122 : i32 to vector<16xi32>
    %add3A_124 = arith.addi %get3A_121, %add3A_123 : vector<16xi32>
    %swap3A_125 = arith.constant 0 : i32
    %swap3A_126 = arith.index_cast %swap3A_125 : i32 to index
    %swap3A_127 = arith.constant 112 : index
    %swap3A_128 = tpu.vector_load %arg11[%swap3A_126, %swap3A_127] {strides = array<i32>} : memref<2x128xi32, #tpu.memory_space<vmem>>, vector<1x16xi32>,
    %swap3A_129 = vector.shape_cast %swap3A_128 : vector<1x16xi32> to vector<16xi32>
    %swap3A_130 = vector.shape_cast %add3A_124 : vector<16xi32> to vector<1x16xi32>
    tpu.vector_store %arg11[%swap3A_126, %swap3A_127], %swap3A_130 {strides = array<i32>} : memref<2x128xi32, #tpu.memory_space<vmem>>, vector<1x16xi32>,
    %dma_start3A_131 = arith.constant 0 : i32
    %dma_start3A_132 = arith.constant 0 : i32
    %dma_start3A_133 = arith.constant 0 : i32
    %dma_start3A_134 = tpu.memref_slice %arg12[%dma_start3A_132, %dma_start3A_133] : memref<256x128xf32, #tpu.memory_space<vmem>> -> memref<128x128xf32, #tpu.memory_space<vmem>>
    %dma_start3A_135 = arith.constant 0 : i32
    %dma_start3A_136 = tpu.memref_slice %arg10[%dma_start3A_131, %dma_start3A_135] : memref<2x128xi32, #tpu.memory_space<vmem>> -> memref<1x128xi32, #tpu.memory_space<vmem>>
    %dma_start3A_137 = tpu.memref_squeeze %dma_start3A_136 : memref<1x128xi32, #tpu.memory_space<vmem>> -> memref<128xi32, #tpu.memory_space<vmem>>
    %dma_start3A_138 = arith.constant 0 : i32
    %dma_start3A_139 = arith.constant 0 : i32
    %dma_start3A_140 = tpu.memref_slice %arg4[%dma_start3A_138, %dma_start3A_139] : memref<16640x128xf32, #tpu.memory_space<hbm>> -> memref<16640x128xf32, #tpu.memory_space<hbm>>
    tpu.enqueue_indirect_dma source(%dma_start3A_140 : memref<16640x128xf32, #tpu.memory_space<hbm>>) target(%dma_start3A_134 : memref<128x128xf32, #tpu.memory_space<vmem>>) offsets(%dma_start3A_137 : memref<128xi32, #tpu.memory_space<vmem>>) semaphore(%arg15 : memref<!tpu.dma_semaphore, #tpu.memory_space<semaphore_mem>>)
    %dma_wait3A_141 = arith.constant 0 : i32
    %dma_wait3A_142 = arith.constant 0 : i32
    %dma_wait3A_143 = arith.constant 0 : i32
    %dma_wait3A_144 = tpu.memref_slice %arg12[%dma_wait3A_142, %dma_wait3A_143] : memref<256x128xf32, #tpu.memory_space<vmem>> -> memref<128x128xf32, #tpu.memory_space<vmem>>
    %dma_wait3A_145 = arith.constant 0 : i32
    %dma_wait3A_146 = tpu.memref_slice %arg10[%dma_wait3A_141, %dma_wait3A_145] : memref<2x128xi32, #tpu.memory_space<vmem>> -> memref<1x128xi32, #tpu.memory_space<vmem>>
    %dma_wait3A_147 = tpu.memref_squeeze %dma_wait3A_146 : memref<1x128xi32, #tpu.memory_space<vmem>> -> memref<128xi32, #tpu.memory_space<vmem>>
    %dma_wait3A_148 = arith.constant 0 : i32
    %dma_wait3A_149 = arith.constant 0 : i32
    %dma_wait3A_150 = tpu.memref_slice %arg4[%dma_wait3A_148, %dma_wait3A_149] : memref<16640x128xf32, #tpu.memory_space<hbm>> -> memref<16640x128xf32, #tpu.memory_space<hbm>>
    tpu.wait_indirect_dma semaphore(%arg15 : memref<!tpu.dma_semaphore, #tpu.memory_space<semaphore_mem>>) src(%dma_wait3A_150 : memref<16640x128xf32, #tpu.memory_space<hbm>>) dst(%dma_wait3A_144 : memref<128x128xf32, #tpu.memory_space<vmem>>)
    %dma_start3A_151 = arith.constant 0 : i32
    %dma_start3A_152 = arith.constant 0 : i32
    %dma_start3A_153 = arith.constant 0 : i32
    %dma_start3A_154 = tpu.memref_slice %arg13[%dma_start3A_152, %dma_start3A_153] : memref<256x128xf32, #tpu.memory_space<vmem>> -> memref<128x128xf32, #tpu.memory_space<vmem>>
    %dma_start3A_155 = arith.constant 0 : i32
    %dma_start3A_156 = tpu.memref_slice %arg11[%dma_start3A_151, %dma_start3A_155] : memref<2x128xi32, #tpu.memory_space<vmem>> -> memref<1x128xi32, #tpu.memory_space<vmem>>
    %dma_start3A_157 = tpu.memref_squeeze %dma_start3A_156 : memref<1x128xi32, #tpu.memory_space<vmem>> -> memref<128xi32, #tpu.memory_space<vmem>>
    %dma_start3A_158 = arith.constant 0 : i32
    %dma_start3A_159 = arith.constant 0 : i32
    %dma_start3A_160 = tpu.memref_slice %arg4[%dma_start3A_158, %dma_start3A_159] : memref<16640x128xf32, #tpu.memory_space<hbm>> -> memref<16640x128xf32, #tpu.memory_space<hbm>>
    tpu.enqueue_indirect_dma source(%dma_start3A_160 : memref<16640x128xf32, #tpu.memory_space<hbm>>) target(%dma_start3A_154 : memref<128x128xf32, #tpu.memory_space<vmem>>) offsets(%dma_start3A_157 : memref<128xi32, #tpu.memory_space<vmem>>) semaphore(%arg15 : memref<!tpu.dma_semaphore, #tpu.memory_space<semaphore_mem>>)
    %dma_wait3A_161 = arith.constant 0 : i32
    %dma_wait3A_162 = arith.constant 0 : i32
    %dma_wait3A_163 = arith.constant 0 : i32
    %dma_wait3A_164 = tpu.memref_slice %arg13[%dma_wait3A_162, %dma_wait3A_163] : memref<256x128xf32, #tpu.memory_space<vmem>> -> memref<128x128xf32, #tpu.memory_space<vmem>>
    %dma_wait3A_165 = arith.constant 0 : i32
    %dma_wait3A_166 = tpu.memref_slice %arg11[%dma_wait3A_161, %dma_wait3A_165] : memref<2x128xi32, #tpu.memory_space<vmem>> -> memref<1x128xi32, #tpu.memory_space<vmem>>
    %dma_wait3A_167 = tpu.memref_squeeze %dma_wait3A_166 : memref<1x128xi32, #tpu.memory_space<vmem>> -> memref<128xi32, #tpu.memory_space<vmem>>
    %dma_wait3A_168 = arith.constant 0 : i32
    %dma_wait3A_169 = arith.constant 0 : i32
    %dma_wait3A_170 = tpu.memref_slice %arg4[%dma_wait3A_168, %dma_wait3A_169] : memref<16640x128xf32, #tpu.memory_space<hbm>> -> memref<16640x128xf32, #tpu.memory_space<hbm>>
    tpu.wait_indirect_dma semaphore(%arg15 : memref<!tpu.dma_semaphore, #tpu.memory_space<semaphore_mem>>) src(%dma_wait3A_170 : memref<16640x128xf32, #tpu.memory_space<hbm>>) dst(%dma_wait3A_164 : memref<128x128xf32, #tpu.memory_space<vmem>>)
    %dma_start3A_171 = arith.constant 0 : i32
    %dma_start3A_172 = arith.constant 0 : i32
    %dma_start3A_173 = arith.constant 0 : i32
    %dma_start3A_174 = tpu.memref_slice %arg14[%dma_start3A_172, %dma_start3A_173] : memref<256x64xf32, #tpu.memory_space<vmem>> -> memref<128x64xf32, #tpu.memory_space<vmem>>
    %dma_start3A_175 = arith.constant 0 : i32
    %dma_start3A_176 = tpu.memref_slice %arg9[%dma_start3A_171, %dma_start3A_175] : memref<2x128xi32, #tpu.memory_space<vmem>> -> memref<1x128xi32, #tpu.memory_space<vmem>>
    %dma_start3A_177 = tpu.memref_squeeze %dma_start3A_176 : memref<1x128xi32, #tpu.memory_space<vmem>> -> memref<128xi32, #tpu.memory_space<vmem>>
    %dma_start3A_178 = arith.constant 0 : i32
    %dma_start3A_179 = arith.constant 0 : i32
    %dma_start3A_180 = tpu.memref_slice %arg5[%dma_start3A_178, %dma_start3A_179] : memref<100000x64xf32, #tpu.memory_space<hbm>> -> memref<100000x64xf32, #tpu.memory_space<hbm>>
    tpu.enqueue_indirect_dma source(%dma_start3A_180 : memref<100000x64xf32, #tpu.memory_space<hbm>>) target(%dma_start3A_174 : memref<128x64xf32, #tpu.memory_space<vmem>>) offsets(%dma_start3A_177 : memref<128xi32, #tpu.memory_space<vmem>>) semaphore(%arg15 : memref<!tpu.dma_semaphore, #tpu.memory_space<semaphore_mem>>)
    %dma_wait3A_181 = arith.constant 0 : i32
    %dma_wait3A_182 = arith.constant 0 : i32
    %dma_wait3A_183 = arith.constant 0 : i32
    %dma_wait3A_184 = tpu.memref_slice %arg14[%dma_wait3A_182, %dma_wait3A_183] : memref<256x64xf32, #tpu.memory_space<vmem>> -> memref<128x64xf32, #tpu.memory_space<vmem>>
    %dma_wait3A_185 = arith.constant 0 : i32
    %dma_wait3A_186 = tpu.memref_slice %arg9[%dma_wait3A_181, %dma_wait3A_185] : memref<2x128xi32, #tpu.memory_space<vmem>> -> memref<1x128xi32, #tpu.memory_space<vmem>>
    %dma_wait3A_187 = tpu.memref_squeeze %dma_wait3A_186 : memref<1x128xi32, #tpu.memory_space<vmem>> -> memref<128xi32, #tpu.memory_space<vmem>>
    %dma_wait3A_188 = arith.constant 0 : i32
    %dma_wait3A_189 = arith.constant 0 : i32
    %dma_wait3A_190 = tpu.memref_slice %arg5[%dma_wait3A_188, %dma_wait3A_189] : memref<100000x64xf32, #tpu.memory_space<hbm>> -> memref<100000x64xf32, #tpu.memory_space<hbm>>
    tpu.wait_indirect_dma semaphore(%arg15 : memref<!tpu.dma_semaphore, #tpu.memory_space<semaphore_mem>>) src(%dma_wait3A_190 : memref<100000x64xf32, #tpu.memory_space<hbm>>) dst(%dma_wait3A_184 : memref<128x64xf32, #tpu.memory_space<vmem>>)
    %dma_start3A_191 = arith.constant 1 : i32
    %dma_start3A_192 = arith.constant 1 : i32
    %dma_start3A_193 = arith.constant 0 : i32
    %dma_start3A_194 = tpu.memref_slice %arg10[%dma_start3A_192, %dma_start3A_193] : memref<2x128xi32, #tpu.memory_space<vmem>> -> memref<1x128xi32, #tpu.memory_space<vmem>>
    %dma_start3A_195 = tpu.memref_squeeze %dma_start3A_194 : memref<1x128xi32, #tpu.memory_space<vmem>> -> memref<128xi32, #tpu.memory_space<vmem>>
    %dma_start3A_196 = arith.constant 0 : i32
    %dma_start3A_197 = tpu.memref_slice %arg9[%dma_start3A_191, %dma_start3A_196] : memref<2x128xi32, #tpu.memory_space<vmem>> -> memref<1x128xi32, #tpu.memory_space<vmem>>
    %dma_start3A_198 = tpu.memref_squeeze %dma_start3A_197 : memref<1x128xi32, #tpu.memory_space<vmem>> -> memref<128xi32, #tpu.memory_space<vmem>>
    %dma_start3A_199 = arith.constant 0 : i32
    %dma_start3A_200 = tpu.memref_slice %arg3[%dma_start3A_199] : memref<100096xi32, #tpu.memory_space<hbm>> -> memref<100096xi32, #tpu.memory_space<hbm>>
    tpu.enqueue_indirect_dma source(%dma_start3A_200 : memref<100096xi32, #tpu.memory_space<hbm>>) target(%dma_start3A_195 : memref<128xi32, #tpu.memory_space<vmem>>) offsets(%dma_start3A_198 : memref<128xi32, #tpu.memory_space<vmem>>) semaphore(%arg15 : memref<!tpu.dma_semaphore, #tpu.memory_space<semaphore_mem>>)
    %dma_wait3A_201 = arith.constant 1 : i32
    %dma_wait3A_202 = arith.constant 1 : i32
    %dma_wait3A_203 = arith.constant 0 : i32
    %dma_wait3A_204 = tpu.memref_slice %arg10[%dma_wait3A_202, %dma_wait3A_203] : memref<2x128xi32, #tpu.memory_space<vmem>> -> memref<1x128xi32, #tpu.memory_space<vmem>>
    %dma_wait3A_205 = tpu.memref_squeeze %dma_wait3A_204 : memref<1x128xi32, #tpu.memory_space<vmem>> -> memref<128xi32, #tpu.memory_space<vmem>>
    %dma_wait3A_206 = arith.constant 0 : i32
    %dma_wait3A_207 = tpu.memref_slice %arg9[%dma_wait3A_201, %dma_wait3A_206] : memref<2x128xi32, #tpu.memory_space<vmem>> -> memref<1x128xi32, #tpu.memory_space<vmem>>
    %dma_wait3A_208 = tpu.memref_squeeze %dma_wait3A_207 : memref<1x128xi32, #tpu.memory_space<vmem>> -> memref<128xi32, #tpu.memory_space<vmem>>
    %dma_wait3A_209 = arith.constant 0 : i32
    %dma_wait3A_210 = tpu.memref_slice %arg3[%dma_wait3A_209] : memref<100096xi32, #tpu.memory_space<hbm>> -> memref<100096xi32, #tpu.memory_space<hbm>>
    tpu.wait_indirect_dma semaphore(%arg15 : memref<!tpu.dma_semaphore, #tpu.memory_space<semaphore_mem>>) src(%dma_wait3A_210 : memref<100096xi32, #tpu.memory_space<hbm>>) dst(%dma_wait3A_205 : memref<128xi32, #tpu.memory_space<vmem>>)
    %get3A_211 = arith.constant 1 : i32
    %get3A_212 = arith.index_cast %get3A_211 : i32 to index
    %get3A_213 = arith.constant 0 : index
    %get3A_214 = tpu.vector_load %arg10[%get3A_212, %get3A_213] {strides = array<i32>} : memref<2x128xi32, #tpu.memory_space<vmem>>, vector<1x16xi32>,
    %get3A_215 = vector.shape_cast %get3A_214 : vector<1x16xi32> to vector<16xi32>
    %add3A_216 = arith.constant 8320 : i32
    %add3A_217 = vector.broadcast %add3A_216 : i32 to vector<16xi32>
    %add3A_218 = arith.addi %get3A_215, %add3A_217 : vector<16xi32>
    %swap3A_219 = arith.constant 1 : i32
    %swap3A_220 = arith.index_cast %swap3A_219 : i32 to index
    %swap3A_221 = arith.constant 0 : index
    %swap3A_222 = tpu.vector_load %arg11[%swap3A_220, %swap3A_221] {strides = array<i32>} : memref<2x128xi32, #tpu.memory_space<vmem>>, vector<1x16xi32>,
    %swap3A_223 = vector.shape_cast %swap3A_222 : vector<1x16xi32> to vector<16xi32>
    %swap3A_224 = vector.shape_cast %add3A_218 : vector<16xi32> to vector<1x16xi32>
    tpu.vector_store %arg11[%swap3A_220, %swap3A_221], %swap3A_224 {strides = array<i32>} : memref<2x128xi32, #tpu.memory_space<vmem>>, vector<1x16xi32>,
    %get3A_225 = arith.constant 1 : i32
    %get3A_226 = arith.index_cast %get3A_225 : i32 to index
    %get3A_227 = arith.constant 16 : index
    %get3A_228 = tpu.vector_load %arg10[%get3A_226, %get3A_227] {strides = array<i32>} : memref<2x128xi32, #tpu.memory_space<vmem>>, vector<1x16xi32>,
    %get3A_229 = vector.shape_cast %get3A_228 : vector<1x16xi32> to vector<16xi32>
    %add3A_230 = arith.constant 8320 : i32
    %add3A_231 = vector.broadcast %add3A_230 : i32 to vector<16xi32>
    %add3A_232 = arith.addi %get3A_229, %add3A_231 : vector<16xi32>
    %swap3A_233 = arith.constant 1 : i32
    %swap3A_234 = arith.index_cast %swap3A_233 : i32 to index
    %swap3A_235 = arith.constant 16 : index
    %swap3A_236 = tpu.vector_load %arg11[%swap3A_234, %swap3A_235] {strides = array<i32>} : memref<2x128xi32, #tpu.memory_space<vmem>>, vector<1x16xi32>,
    %swap3A_237 = vector.shape_cast %swap3A_236 : vector<1x16xi32> to vector<16xi32>
    %swap3A_238 = vector.shape_cast %add3A_232 : vector<16xi32> to vector<1x16xi32>
    tpu.vector_store %arg11[%swap3A_234, %swap3A_235], %swap3A_238 {strides = array<i32>} : memref<2x128xi32, #tpu.memory_space<vmem>>, vector<1x16xi32>,
    %get3A_239 = arith.constant 1 : i32
    %get3A_240 = arith.index_cast %get3A_239 : i32 to index
    %get3A_241 = arith.constant 32 : index
    %get3A_242 = tpu.vector_load %arg10[%get3A_240, %get3A_241] {strides = array<i32>} : memref<2x128xi32, #tpu.memory_space<vmem>>, vector<1x16xi32>,
    %get3A_243 = vector.shape_cast %get3A_242 : vector<1x16xi32> to vector<16xi32>
    %add3A_244 = arith.constant 8320 : i32
    %add3A_245 = vector.broadcast %add3A_244 : i32 to vector<16xi32>
    %add3A_246 = arith.addi %get3A_243, %add3A_245 : vector<16xi32>
    %swap3A_247 = arith.constant 1 : i32
    %swap3A_248 = arith.index_cast %swap3A_247 : i32 to index
    %swap3A_249 = arith.constant 32 : index
    %swap3A_250 = tpu.vector_load %arg11[%swap3A_248, %swap3A_249] {strides = array<i32>} : memref<2x128xi32, #tpu.memory_space<vmem>>, vector<1x16xi32>,
    %swap3A_251 = vector.shape_cast %swap3A_250 : vector<1x16xi32> to vector<16xi32>
    %swap3A_252 = vector.shape_cast %add3A_246 : vector<16xi32> to vector<1x16xi32>
    tpu.vector_store %arg11[%swap3A_248, %swap3A_249], %swap3A_252 {strides = array<i32>} : memref<2x128xi32, #tpu.memory_space<vmem>>, vector<1x16xi32>,
    %get3A_253 = arith.constant 1 : i32
    %get3A_254 = arith.index_cast %get3A_253 : i32 to index
    %get3A_255 = arith.constant 48 : index
    %get3A_256 = tpu.vector_load %arg10[%get3A_254, %get3A_255] {strides = array<i32>} : memref<2x128xi32, #tpu.memory_space<vmem>>, vector<1x16xi32>,
    %get3A_257 = vector.shape_cast %get3A_256 : vector<1x16xi32> to vector<16xi32>
    %add3A_258 = arith.constant 8320 : i32
    %add3A_259 = vector.broadcast %add3A_258 : i32 to vector<16xi32>
    %add3A_260 = arith.addi %get3A_257, %add3A_259 : vector<16xi32>
    %swap3A_261 = arith.constant 1 : i32
    %swap3A_262 = arith.index_cast %swap3A_261 : i32 to index
    %swap3A_263 = arith.constant 48 : index
    %swap3A_264 = tpu.vector_load %arg11[%swap3A_262, %swap3A_263] {strides = array<i32>} : memref<2x128xi32, #tpu.memory_space<vmem>>, vector<1x16xi32>,
    %swap3A_265 = vector.shape_cast %swap3A_264 : vector<1x16xi32> to vector<16xi32>
    %swap3A_266 = vector.shape_cast %add3A_260 : vector<16xi32> to vector<1x16xi32>
    tpu.vector_store %arg11[%swap3A_262, %swap3A_263], %swap3A_266 {strides = array<i32>} : memref<2x128xi32, #tpu.memory_space<vmem>>, vector<1x16xi32>,
    %get3A_267 = arith.constant 1 : i32
    %get3A_268 = arith.index_cast %get3A_267 : i32 to index
    %get3A_269 = arith.constant 64 : index
    %get3A_270 = tpu.vector_load %arg10[%get3A_268, %get3A_269] {strides = array<i32>} : memref<2x128xi32, #tpu.memory_space<vmem>>, vector<1x16xi32>,
    %get3A_271 = vector.shape_cast %get3A_270 : vector<1x16xi32> to vector<16xi32>
    %add3A_272 = arith.constant 8320 : i32
    %add3A_273 = vector.broadcast %add3A_272 : i32 to vector<16xi32>
    %add3A_274 = arith.addi %get3A_271, %add3A_273 : vector<16xi32>
    %swap3A_275 = arith.constant 1 : i32
    %swap3A_276 = arith.index_cast %swap3A_275 : i32 to index
    %swap3A_277 = arith.constant 64 : index
    %swap3A_278 = tpu.vector_load %arg11[%swap3A_276, %swap3A_277] {strides = array<i32>} : memref<2x128xi32, #tpu.memory_space<vmem>>, vector<1x16xi32>,
    %swap3A_279 = vector.shape_cast %swap3A_278 : vector<1x16xi32> to vector<16xi32>
    %swap3A_280 = vector.shape_cast %add3A_274 : vector<16xi32> to vector<1x16xi32>
    tpu.vector_store %arg11[%swap3A_276, %swap3A_277], %swap3A_280 {strides = array<i32>} : memref<2x128xi32, #tpu.memory_space<vmem>>, vector<1x16xi32>,
    %get3A_281 = arith.constant 1 : i32
    %get3A_282 = arith.index_cast %get3A_281 : i32 to index
    %get3A_283 = arith.constant 80 : index
    %get3A_284 = tpu.vector_load %arg10[%get3A_282, %get3A_283] {strides = array<i32>} : memref<2x128xi32, #tpu.memory_space<vmem>>, vector<1x16xi32>,
    %get3A_285 = vector.shape_cast %get3A_284 : vector<1x16xi32> to vector<16xi32>
    %add3A_286 = arith.constant 8320 : i32
    %add3A_287 = vector.broadcast %add3A_286 : i32 to vector<16xi32>
    %add3A_288 = arith.addi %get3A_285, %add3A_287 : vector<16xi32>
    %swap3A_289 = arith.constant 1 : i32
    %swap3A_290 = arith.index_cast %swap3A_289 : i32 to index
    %swap3A_291 = arith.constant 80 : index
    %swap3A_292 = tpu.vector_load %arg11[%swap3A_290, %swap3A_291] {strides = array<i32>} : memref<2x128xi32, #tpu.memory_space<vmem>>, vector<1x16xi32>,
    %swap3A_293 = vector.shape_cast %swap3A_292 : vector<1x16xi32> to vector<16xi32>
    %swap3A_294 = vector.shape_cast %add3A_288 : vector<16xi32> to vector<1x16xi32>
    tpu.vector_store %arg11[%swap3A_290, %swap3A_291], %swap3A_294 {strides = array<i32>} : memref<2x128xi32, #tpu.memory_space<vmem>>, vector<1x16xi32>,
    %get3A_295 = arith.constant 1 : i32
    %get3A_296 = arith.index_cast %get3A_295 : i32 to index
    %get3A_297 = arith.constant 96 : index
    %get3A_298 = tpu.vector_load %arg10[%get3A_296, %get3A_297] {strides = array<i32>} : memref<2x128xi32, #tpu.memory_space<vmem>>, vector<1x16xi32>,
    %get3A_299 = vector.shape_cast %get3A_298 : vector<1x16xi32> to vector<16xi32>
    %add3A_300 = arith.constant 8320 : i32
    %add3A_301 = vector.broadcast %add3A_300 : i32 to vector<16xi32>
    %add3A_302 = arith.addi %get3A_299, %add3A_301 : vector<16xi32>
    %swap3A_303 = arith.constant 1 : i32
    %swap3A_304 = arith.index_cast %swap3A_303 : i32 to index
    %swap3A_305 = arith.constant 96 : index
    %swap3A_306 = tpu.vector_load %arg11[%swap3A_304, %swap3A_305] {strides = array<i32>} : memref<2x128xi32, #tpu.memory_space<vmem>>, vector<1x16xi32>,
    %swap3A_307 = vector.shape_cast %swap3A_306 : vector<1x16xi32> to vector<16xi32>
    %swap3A_308 = vector.shape_cast %add3A_302 : vector<16xi32> to vector<1x16xi32>
    tpu.vector_store %arg11[%swap3A_304, %swap3A_305], %swap3A_308 {strides = array<i32>} : memref<2x128xi32, #tpu.memory_space<vmem>>, vector<1x16xi32>,
    %get3A_309 = arith.constant 1 : i32
    %get3A_310 = arith.index_cast %get3A_309 : i32 to index
    %get3A_311 = arith.constant 112 : index
    %get3A_312 = tpu.vector_load %arg10[%get3A_310, %get3A_311] {strides = array<i32>} : memref<2x128xi32, #tpu.memory_space<vmem>>, vector<1x16xi32>,
    %get3A_313 = vector.shape_cast %get3A_312 : vector<1x16xi32> to vector<16xi32>
    %add3A_314 = arith.constant 8320 : i32
    %add3A_315 = vector.broadcast %add3A_314 : i32 to vector<16xi32>
    %add3A_316 = arith.addi %get3A_313, %add3A_315 : vector<16xi32>
    %swap3A_317 = arith.constant 1 : i32
    %swap3A_318 = arith.index_cast %swap3A_317 : i32 to index
    %swap3A_319 = arith.constant 112 : index
    %swap3A_320 = tpu.vector_load %arg11[%swap3A_318, %swap3A_319] {strides = array<i32>} : memref<2x128xi32, #tpu.memory_space<vmem>>, vector<1x16xi32>,
    %swap3A_321 = vector.shape_cast %swap3A_320 : vector<1x16xi32> to vector<16xi32>
    %swap3A_322 = vector.shape_cast %add3A_316 : vector<16xi32> to vector<1x16xi32>
    tpu.vector_store %arg11[%swap3A_318, %swap3A_319], %swap3A_322 {strides = array<i32>} : memref<2x128xi32, #tpu.memory_space<vmem>>, vector<1x16xi32>,
    %dma_start3A_323 = arith.constant 1 : i32
    %dma_start3A_324 = arith.constant 128 : i32
    %dma_start3A_325 = arith.constant 0 : i32
    %dma_start3A_326 = tpu.memref_slice %arg12[%dma_start3A_324, %dma_start3A_325] : memref<256x128xf32, #tpu.memory_space<vmem>> -> memref<128x128xf32, #tpu.memory_space<vmem>>
    %dma_start3A_327 = arith.constant 0 : i32
    %dma_start3A_328 = tpu.memref_slice %arg10[%dma_start3A_323, %dma_start3A_327] : memref<2x128xi32, #tpu.memory_space<vmem>> -> memref<1x128xi32, #tpu.memory_space<vmem>>
    %dma_start3A_329 = tpu.memref_squeeze %dma_start3A_328 : memref<1x128xi32, #tpu.memory_space<vmem>> -> memref<128xi32, #tpu.memory_space<vmem>>
    %dma_start3A_330 = arith.constant 0 : i32
    %dma_start3A_331 = arith.constant 0 : i32
    %dma_start3A_332 = tpu.memref_slice %arg4[%dma_start3A_330, %dma_start3A_331] : memref<16640x128xf32, #tpu.memory_space<hbm>> -> memref<16640x128xf32, #tpu.memory_space<hbm>>
    tpu.enqueue_indirect_dma source(%dma_start3A_332 : memref<16640x128xf32, #tpu.memory_space<hbm>>) target(%dma_start3A_326 : memref<128x128xf32, #tpu.memory_space<vmem>>) offsets(%dma_start3A_329 : memref<128xi32, #tpu.memory_space<vmem>>) semaphore(%arg15 : memref<!tpu.dma_semaphore, #tpu.memory_space<semaphore_mem>>)
    %dma_wait3A_333 = arith.constant 1 : i32
    %dma_wait3A_334 = arith.constant 128 : i32
    %dma_wait3A_335 = arith.constant 0 : i32
    %dma_wait3A_336 = tpu.memref_slice %arg12[%dma_wait3A_334, %dma_wait3A_335] : memref<256x128xf32, #tpu.memory_space<vmem>> -> memref<128x128xf32, #tpu.memory_space<vmem>>
    %dma_wait3A_337 = arith.constant 0 : i32
    %dma_wait3A_338 = tpu.memref_slice %arg10[%dma_wait3A_333, %dma_wait3A_337] : memref<2x128xi32, #tpu.memory_space<vmem>> -> memref<1x128xi32, #tpu.memory_space<vmem>>
    %dma_wait3A_339 = tpu.memref_squeeze %dma_wait3A_338 : memref<1x128xi32, #tpu.memory_space<vmem>> -> memref<128xi32, #tpu.memory_space<vmem>>
    %dma_wait3A_340 = arith.constant 0 : i32
    %dma_wait3A_341 = arith.constant 0 : i32
    %dma_wait3A_342 = tpu.memref_slice %arg4[%dma_wait3A_340, %dma_wait3A_341] : memref<16640x128xf32, #tpu.memory_space<hbm>> -> memref<16640x128xf32, #tpu.memory_space<hbm>>
    tpu.wait_indirect_dma semaphore(%arg15 : memref<!tpu.dma_semaphore, #tpu.memory_space<semaphore_mem>>) src(%dma_wait3A_342 : memref<16640x128xf32, #tpu.memory_space<hbm>>) dst(%dma_wait3A_336 : memref<128x128xf32, #tpu.memory_space<vmem>>)
    %dma_start3A_343 = arith.constant 1 : i32
    %dma_start3A_344 = arith.constant 128 : i32
    %dma_start3A_345 = arith.constant 0 : i32
    %dma_start3A_346 = tpu.memref_slice %arg13[%dma_start3A_344, %dma_start3A_345] : memref<256x128xf32, #tpu.memory_space<vmem>> -> memref<128x128xf32, #tpu.memory_space<vmem>>
    %dma_start3A_347 = arith.constant 0 : i32
    %dma_start3A_348 = tpu.memref_slice %arg11[%dma_start3A_343, %dma_start3A_347] : memref<2x128xi32, #tpu.memory_space<vmem>> -> memref<1x128xi32, #tpu.memory_space<vmem>>
    %dma_start3A_349 = tpu.memref_squeeze %dma_start3A_348 : memref<1x128xi32, #tpu.memory_space<vmem>> -> memref<128xi32, #tpu.memory_space<vmem>>
    %dma_start3A_350 = arith.constant 0 : i32
    %dma_start3A_351 = arith.constant 0 : i32
    %dma_start3A_352 = tpu.memref_slice %arg4[%dma_start3A_350, %dma_start3A_351] : memref<16640x128xf32, #tpu.memory_space<hbm>> -> memref<16640x128xf32, #tpu.memory_space<hbm>>
    tpu.enqueue_indirect_dma source(%dma_start3A_352 : memref<16640x128xf32, #tpu.memory_space<hbm>>) target(%dma_start3A_346 : memref<128x128xf32, #tpu.memory_space<vmem>>) offsets(%dma_start3A_349 : memref<128xi32, #tpu.memory_space<vmem>>) semaphore(%arg15 : memref<!tpu.dma_semaphore, #tpu.memory_space<semaphore_mem>>)
    %dma_wait3A_353 = arith.constant 1 : i32
    %dma_wait3A_354 = arith.constant 128 : i32
    %dma_wait3A_355 = arith.constant 0 : i32
    %dma_wait3A_356 = tpu.memref_slice %arg13[%dma_wait3A_354, %dma_wait3A_355] : memref<256x128xf32, #tpu.memory_space<vmem>> -> memref<128x128xf32, #tpu.memory_space<vmem>>
    %dma_wait3A_357 = arith.constant 0 : i32
    %dma_wait3A_358 = tpu.memref_slice %arg11[%dma_wait3A_353, %dma_wait3A_357] : memref<2x128xi32, #tpu.memory_space<vmem>> -> memref<1x128xi32, #tpu.memory_space<vmem>>
    %dma_wait3A_359 = tpu.memref_squeeze %dma_wait3A_358 : memref<1x128xi32, #tpu.memory_space<vmem>> -> memref<128xi32, #tpu.memory_space<vmem>>
    %dma_wait3A_360 = arith.constant 0 : i32
    %dma_wait3A_361 = arith.constant 0 : i32
    %dma_wait3A_362 = tpu.memref_slice %arg4[%dma_wait3A_360, %dma_wait3A_361] : memref<16640x128xf32, #tpu.memory_space<hbm>> -> memref<16640x128xf32, #tpu.memory_space<hbm>>
    tpu.wait_indirect_dma semaphore(%arg15 : memref<!tpu.dma_semaphore, #tpu.memory_space<semaphore_mem>>) src(%dma_wait3A_362 : memref<16640x128xf32, #tpu.memory_space<hbm>>) dst(%dma_wait3A_356 : memref<128x128xf32, #tpu.memory_space<vmem>>)
    %dma_start3A_363 = arith.constant 1 : i32
    %dma_start3A_364 = arith.constant 128 : i32
    %dma_start3A_365 = arith.constant 0 : i32
    %dma_start3A_366 = tpu.memref_slice %arg14[%dma_start3A_364, %dma_start3A_365] : memref<256x64xf32, #tpu.memory_space<vmem>> -> memref<128x64xf32, #tpu.memory_space<vmem>>
    %dma_start3A_367 = arith.constant 0 : i32
    %dma_start3A_368 = tpu.memref_slice %arg9[%dma_start3A_363, %dma_start3A_367] : memref<2x128xi32, #tpu.memory_space<vmem>> -> memref<1x128xi32, #tpu.memory_space<vmem>>
    %dma_start3A_369 = tpu.memref_squeeze %dma_start3A_368 : memref<1x128xi32, #tpu.memory_space<vmem>> -> memref<128xi32, #tpu.memory_space<vmem>>
    %dma_start3A_370 = arith.constant 0 : i32
    %dma_start3A_371 = arith.constant 0 : i32
    %dma_start3A_372 = tpu.memref_slice %arg5[%dma_start3A_370, %dma_start3A_371] : memref<100000x64xf32, #tpu.memory_space<hbm>> -> memref<100000x64xf32, #tpu.memory_space<hbm>>
    tpu.enqueue_indirect_dma source(%dma_start3A_372 : memref<100000x64xf32, #tpu.memory_space<hbm>>) target(%dma_start3A_366 : memref<128x64xf32, #tpu.memory_space<vmem>>) offsets(%dma_start3A_369 : memref<128xi32, #tpu.memory_space<vmem>>) semaphore(%arg15 : memref<!tpu.dma_semaphore, #tpu.memory_space<semaphore_mem>>)
    %dma_wait3A_373 = arith.constant 1 : i32
    %dma_wait3A_374 = arith.constant 128 : i32
    %dma_wait3A_375 = arith.constant 0 : i32
    %dma_wait3A_376 = tpu.memref_slice %arg14[%dma_wait3A_374, %dma_wait3A_375] : memref<256x64xf32, #tpu.memory_space<vmem>> -> memref<128x64xf32, #tpu.memory_space<vmem>>
    %dma_wait3A_377 = arith.constant 0 : i32
    %dma_wait3A_378 = tpu.memref_slice %arg9[%dma_wait3A_373, %dma_wait3A_377] : memref<2x128xi32, #tpu.memory_space<vmem>> -> memref<1x128xi32, #tpu.memory_space<vmem>>
    %dma_wait3A_379 = tpu.memref_squeeze %dma_wait3A_378 : memref<1x128xi32, #tpu.memory_space<vmem>> -> memref<128xi32, #tpu.memory_space<vmem>>
    %dma_wait3A_380 = arith.constant 0 : i32
    %dma_wait3A_381 = arith.constant 0 : i32
    %dma_wait3A_382 = tpu.memref_slice %arg5[%dma_wait3A_380, %dma_wait3A_381] : memref<100000x64xf32, #tpu.memory_space<hbm>> -> memref<100000x64xf32, #tpu.memory_space<hbm>>
    tpu.wait_indirect_dma semaphore(%arg15 : memref<!tpu.dma_semaphore, #tpu.memory_space<semaphore_mem>>) src(%dma_wait3A_382 : memref<100000x64xf32, #tpu.memory_space<hbm>>) dst(%dma_wait3A_376 : memref<128x64xf32, #tpu.memory_space<vmem>>)
    %mul3A_383 = arith.constant 256 : i32
    %mul3A_384 = arith.muli %add3A, %mul3A_383 : i32
    "tpu.region"() ({
      %run_scoped3A = tpu.sem_alloc : memref<!tpu.dma_semaphore, #tpu.memory_space<semaphore_mem>>
      %dma_start3A_389 = arith.constant 0 : i32
      %dma_start3A_390 = tpu.memref_slice %arg6[%mul3A_384, %dma_start3A_389] : memref<8192x128xf32, #tpu.memory_space<hbm>> -> memref<256x128xf32, #tpu.memory_space<hbm>>
      %dma_start3A_391 = arith.constant 0 : i32
      %dma_start3A_392 = tpu.memref_slice %arg6[%mul3A_384, %dma_start3A_391] : memref<8192x128xf32, #tpu.memory_space<hbm>> -> memref<256x128xf32, #tpu.memory_space<hbm>>
      tpu.enqueue_dma source(%arg12 : memref<256x128xf32, #tpu.memory_space<vmem>>) target(%dma_start3A_392 : memref<256x128xf32, #tpu.memory_space<hbm>>) target_semaphore(%run_scoped3A : memref<!tpu.dma_semaphore, #tpu.memory_space<semaphore_mem>>)
      %dma_wait3A_393 = arith.constant 0 : i32
      %dma_wait3A_394 = tpu.memref_slice %arg6[%mul3A_384, %dma_wait3A_393] : memref<8192x128xf32, #tpu.memory_space<hbm>> -> memref<256x128xf32, #tpu.memory_space<hbm>>
      %dma_wait3A_395 = arith.constant 0 : i32
      %dma_wait3A_396 = tpu.memref_slice %arg6[%mul3A_384, %dma_wait3A_395] : memref<8192x128xf32, #tpu.memory_space<hbm>> -> memref<256x128xf32, #tpu.memory_space<hbm>>
      tpu.wait_dma2 semaphore(%run_scoped3A : memref<!tpu.dma_semaphore, #tpu.memory_space<semaphore_mem>>) src(%arg12 : memref<256x128xf32, #tpu.memory_space<vmem>>) dst(%dma_wait3A_396 : memref<256x128xf32, #tpu.memory_space<hbm>>)
      tpu.yield
    }) : () -> ()
    %mul3A_385 = arith.constant 256 : i32
    %mul3A_386 = arith.muli %add3A, %mul3A_385 : i32
    "tpu.region"() ({
      %run_scoped3A = tpu.sem_alloc : memref<!tpu.dma_semaphore, #tpu.memory_space<semaphore_mem>>
      %dma_start3A_389 = arith.constant 0 : i32
      %dma_start3A_390 = tpu.memref_slice %arg7[%mul3A_386, %dma_start3A_389] : memref<8192x128xf32, #tpu.memory_space<hbm>> -> memref<256x128xf32, #tpu.memory_space<hbm>>
      %dma_start3A_391 = arith.constant 0 : i32
      %dma_start3A_392 = tpu.memref_slice %arg7[%mul3A_386, %dma_start3A_391] : memref<8192x128xf32, #tpu.memory_space<hbm>> -> memref<256x128xf32, #tpu.memory_space<hbm>>
      tpu.enqueue_dma source(%arg13 : memref<256x128xf32, #tpu.memory_space<vmem>>) target(%dma_start3A_392 : memref<256x128xf32, #tpu.memory_space<hbm>>) target_semaphore(%run_scoped3A : memref<!tpu.dma_semaphore, #tpu.memory_space<semaphore_mem>>)
      %dma_wait3A_393 = arith.constant 0 : i32
      %dma_wait3A_394 = tpu.memref_slice %arg7[%mul3A_386, %dma_wait3A_393] : memref<8192x128xf32, #tpu.memory_space<hbm>> -> memref<256x128xf32, #tpu.memory_space<hbm>>
      %dma_wait3A_395 = arith.constant 0 : i32
      %dma_wait3A_396 = tpu.memref_slice %arg7[%mul3A_386, %dma_wait3A_395] : memref<8192x128xf32, #tpu.memory_space<hbm>> -> memref<256x128xf32, #tpu.memory_space<hbm>>
      tpu.wait_dma2 semaphore(%run_scoped3A : memref<!tpu.dma_semaphore, #tpu.memory_space<semaphore_mem>>) src(%arg13 : memref<256x128xf32, #tpu.memory_space<vmem>>) dst(%dma_wait3A_396 : memref<256x128xf32, #tpu.memory_space<hbm>>)
      tpu.yield
    }) : () -> ()
    %mul3A_387 = arith.constant 256 : i32
    %mul3A_388 = arith.muli %add3A, %mul3A_387 : i32
    "tpu.region"() ({
      %run_scoped3A = tpu.sem_alloc : memref<!tpu.dma_semaphore, #tpu.memory_space<semaphore_mem>>
      %dma_start3A_389 = arith.constant 0 : i32
      %dma_start3A_390 = tpu.memref_slice %arg8[%mul3A_388, %dma_start3A_389] : memref<8192x64xf32, #tpu.memory_space<hbm>> -> memref<256x64xf32, #tpu.memory_space<hbm>>
      %dma_start3A_391 = arith.constant 0 : i32
      %dma_start3A_392 = tpu.memref_slice %arg8[%mul3A_388, %dma_start3A_391] : memref<8192x64xf32, #tpu.memory_space<hbm>> -> memref<256x64xf32, #tpu.memory_space<hbm>>
      tpu.enqueue_dma source(%arg14 : memref<256x64xf32, #tpu.memory_space<vmem>>) target(%dma_start3A_392 : memref<256x64xf32, #tpu.memory_space<hbm>>) target_semaphore(%run_scoped3A : memref<!tpu.dma_semaphore, #tpu.memory_space<semaphore_mem>>)
      %dma_wait3A_393 = arith.constant 0 : i32
      %dma_wait3A_394 = tpu.memref_slice %arg8[%mul3A_388, %dma_wait3A_393] : memref<8192x64xf32, #tpu.memory_space<hbm>> -> memref<256x64xf32, #tpu.memory_space<hbm>>
      %dma_wait3A_395 = arith.constant 0 : i32
      %dma_wait3A_396 = tpu.memref_slice %arg8[%mul3A_388, %dma_wait3A_395] : memref<8192x64xf32, #tpu.memory_space<hbm>> -> memref<256x64xf32, #tpu.memory_space<hbm>>
      tpu.wait_dma2 semaphore(%run_scoped3A : memref<!tpu.dma_semaphore, #tpu.memory_space<semaphore_mem>>) src(%arg14 : memref<256x64xf32, #tpu.memory_space<vmem>>) dst(%dma_wait3A_396 : memref<256x64xf32, #tpu.memory_space<hbm>>)
      tpu.yield
    }) : () -> ()
    return
  }
}

#map = affine_map<(d0, d1) -> (0, 0)>
#map1 = affine_map<(d0, d1) -> (0)>
module attributes {stable_mosaic.version = 14 : i64} {
  func.func @k(%arg0: i32, %arg1: i32, %arg2: memref<64x128xi32, #tpu.memory_space<hbm>>, %arg3: memref<64x128xi32, #tpu.memory_space<hbm>>, %arg4: memref<100096xi32, #tpu.memory_space<hbm>>, %arg5: memref<6256xi32, #tpu.memory_space<vmem>>, %arg6: memref<4x128xi32, #tpu.memory_space<vmem>>, %arg7: memref<4x128xi32, #tpu.memory_space<vmem>>) attributes {dimension_semantics = [#tpu.dimension_semantics<core_parallel>, #tpu.dimension_semantics<subcore_parallel>], iteration_bounds = array<i64: 2, 16>, scalar_prefetch = 0 : i64, scratch_operands = 3 : i64, tpu.core_type = #tpu.core_type<sc_vector_subcore>, window_params = [{transform_indices = #map}, {transform_indices = #map}, {transform_indices = #map1}]} {
    %eq3A = arith.constant 0 : i32
    %eq3A_0 = arith.cmpi eq, %arg0, %eq3A : i32
    %convert_element_type3A = arith.extui %eq3A_0 : i1 to i32
    %cond3A = arith.constant 0 : i32
    %cond3A_1 = arith.cmpi ne, %convert_element_type3A, %cond3A : i32
    scf.if %cond3A_1 {
      %scan3A = arith.constant 0 : i32
      %scan3A_2 = arith.constant 0 : i32
      %scan3A_3 = arith.constant 391 : i32
      %scan3A_4 = arith.addi %scan3A_2, %scan3A_3 : i32
      %scan3A_5 = arith.constant 1 : i32
      %scan3A_6 = scf.for %scan3A_20 = %scan3A_2 to %scan3A_4 step %scan3A_5 iter_args(%scan3A_21 = %scan3A) -> (i32)  : i32 {
        %broadcast_in_dim3A = arith.constant -1 : i32
        %broadcast_in_dim3A_22 = vector.broadcast %broadcast_in_dim3A : i32 to vector<16xi32>
        %mul3A_23 = arith.constant 16 : i32
        %mul3A_24 = arith.muli %scan3A_20, %mul3A_23 : i32
        %swap3A = arith.index_cast %mul3A_24 : i32 to index
        %swap3A_25 = tpu.vector_load %arg5[%swap3A] {strides = array<i32>} : memref<6256xi32, #tpu.memory_space<vmem>>, vector<16xi32>,
        %swap3A_26 = vector.shape_cast %swap3A_25 : vector<16xi32> to vector<16xi32>
        %swap3A_27 = vector.shape_cast %broadcast_in_dim3A_22 : vector<16xi32> to vector<16xi32>
        tpu.vector_store %arg5[%swap3A], %swap3A_27 {strides = array<i32>} : memref<6256xi32, #tpu.memory_space<vmem>>, vector<16xi32>,
        %scan3A_28 = arith.constant 0 : i32
        scf.yield %scan3A_28 : i32
      }
      %scan3A_7 = arith.constant 391 : i32
      %mul3A = arith.constant 6256 : i32
      %mul3A_8 = arith.muli %arg1, %mul3A : i32
      "tpu.region"() ({
        %run_scoped3A_20 = tpu.sem_alloc : memref<!tpu.dma_semaphore, #tpu.memory_space<semaphore_mem>>
        %dma_start3A = tpu.memref_slice %arg4[%mul3A_8] : memref<100096xi32, #tpu.memory_space<hbm>> -> memref<6256xi32, #tpu.memory_space<hbm>>
        %dma_start3A_21 = tpu.memref_slice %arg4[%mul3A_8] : memref<100096xi32, #tpu.memory_space<hbm>> -> memref<6256xi32, #tpu.memory_space<hbm>>
        tpu.enqueue_dma source(%arg5 : memref<6256xi32, #tpu.memory_space<vmem>>) target(%dma_start3A_21 : memref<6256xi32, #tpu.memory_space<hbm>>) target_semaphore(%run_scoped3A_20 : memref<!tpu.dma_semaphore, #tpu.memory_space<semaphore_mem>>)
        %dma_wait3A = tpu.memref_slice %arg4[%mul3A_8] : memref<100096xi32, #tpu.memory_space<hbm>> -> memref<6256xi32, #tpu.memory_space<hbm>>
        %dma_wait3A_22 = tpu.memref_slice %arg4[%mul3A_8] : memref<100096xi32, #tpu.memory_space<hbm>> -> memref<6256xi32, #tpu.memory_space<hbm>>
        tpu.wait_dma2 semaphore(%run_scoped3A_20 : memref<!tpu.dma_semaphore, #tpu.memory_space<semaphore_mem>>) src(%arg5 : memref<6256xi32, #tpu.memory_space<vmem>>) dst(%dma_wait3A_22 : memref<6256xi32, #tpu.memory_space<hbm>>)
        tpu.yield
      }) : () -> ()
      %barrier3A = arith.constant 0 : index
      tpu.barrier barrier_id(%barrier3A)
      %mul3A_9 = arith.constant 4 : i32
      %mul3A_10 = arith.muli %arg1, %mul3A_9 : i32
      "tpu.region"() ({
        %run_scoped3A_20 = tpu.sem_alloc : memref<!tpu.dma_semaphore, #tpu.memory_space<semaphore_mem>>
        %dma_start3A = arith.constant 0 : i32
        %dma_start3A_21 = tpu.memref_slice %arg2[%mul3A_10, %dma_start3A] : memref<64x128xi32, #tpu.memory_space<hbm>> -> memref<4x128xi32, #tpu.memory_space<hbm>>
        %dma_start3A_22 = arith.constant 0 : i32
        %dma_start3A_23 = tpu.memref_slice %arg2[%mul3A_10, %dma_start3A_22] : memref<64x128xi32, #tpu.memory_space<hbm>> -> memref<4x128xi32, #tpu.memory_space<hbm>>
        tpu.enqueue_dma source(%dma_start3A_23 : memref<4x128xi32, #tpu.memory_space<hbm>>) target(%arg6 : memref<4x128xi32, #tpu.memory_space<vmem>>) target_semaphore(%run_scoped3A_20 : memref<!tpu.dma_semaphore, #tpu.memory_space<semaphore_mem>>)
        %dma_wait3A = arith.constant 0 : i32
        %dma_wait3A_24 = tpu.memref_slice %arg2[%mul3A_10, %dma_wait3A] : memref<64x128xi32, #tpu.memory_space<hbm>> -> memref<4x128xi32, #tpu.memory_space<hbm>>
        %dma_wait3A_25 = arith.constant 0 : i32
        %dma_wait3A_26 = tpu.memref_slice %arg2[%mul3A_10, %dma_wait3A_25] : memref<64x128xi32, #tpu.memory_space<hbm>> -> memref<4x128xi32, #tpu.memory_space<hbm>>
        tpu.wait_dma2 semaphore(%run_scoped3A_20 : memref<!tpu.dma_semaphore, #tpu.memory_space<semaphore_mem>>) src(%dma_wait3A_26 : memref<4x128xi32, #tpu.memory_space<hbm>>) dst(%arg6 : memref<4x128xi32, #tpu.memory_space<vmem>>)
        tpu.yield
      }) : () -> ()
      %mul3A_11 = arith.constant 4 : i32
      %mul3A_12 = arith.muli %arg1, %mul3A_11 : i32
      "tpu.region"() ({
        %run_scoped3A_20 = tpu.sem_alloc : memref<!tpu.dma_semaphore, #tpu.memory_space<semaphore_mem>>
        %dma_start3A = arith.constant 0 : i32
        %dma_start3A_21 = tpu.memref_slice %arg3[%mul3A_12, %dma_start3A] : memref<64x128xi32, #tpu.memory_space<hbm>> -> memref<4x128xi32, #tpu.memory_space<hbm>>
        %dma_start3A_22 = arith.constant 0 : i32
        %dma_start3A_23 = tpu.memref_slice %arg3[%mul3A_12, %dma_start3A_22] : memref<64x128xi32, #tpu.memory_space<hbm>> -> memref<4x128xi32, #tpu.memory_space<hbm>>
        tpu.enqueue_dma source(%dma_start3A_23 : memref<4x128xi32, #tpu.memory_space<hbm>>) target(%arg7 : memref<4x128xi32, #tpu.memory_space<vmem>>) target_semaphore(%run_scoped3A_20 : memref<!tpu.dma_semaphore, #tpu.memory_space<semaphore_mem>>)
        %dma_wait3A = arith.constant 0 : i32
        %dma_wait3A_24 = tpu.memref_slice %arg3[%mul3A_12, %dma_wait3A] : memref<64x128xi32, #tpu.memory_space<hbm>> -> memref<4x128xi32, #tpu.memory_space<hbm>>
        %dma_wait3A_25 = arith.constant 0 : i32
        %dma_wait3A_26 = tpu.memref_slice %arg3[%mul3A_12, %dma_wait3A_25] : memref<64x128xi32, #tpu.memory_space<hbm>> -> memref<4x128xi32, #tpu.memory_space<hbm>>
        tpu.wait_dma2 semaphore(%run_scoped3A_20 : memref<!tpu.dma_semaphore, #tpu.memory_space<semaphore_mem>>) src(%dma_wait3A_26 : memref<4x128xi32, #tpu.memory_space<hbm>>) dst(%arg7 : memref<4x128xi32, #tpu.memory_space<vmem>>)
        tpu.yield
      }) : () -> ()
      %run_scoped3A = arith.constant 0 : i32
      %run_scoped3A_13 = arith.constant 0 : i32
      "tpu.region"() ({
        %run_scoped3A_20 = tpu.sem_alloc : memref<!tpu.dma_semaphore, #tpu.memory_space<semaphore_mem>>
        %dma_start3A = arith.constant 0 : i32
        %dma_start3A_21 = tpu.memref_slice %arg7[%run_scoped3A, %dma_start3A] : memref<4x128xi32, #tpu.memory_space<vmem>> -> memref<1x128xi32, #tpu.memory_space<vmem>>
        %dma_start3A_22 = tpu.memref_squeeze %dma_start3A_21 : memref<1x128xi32, #tpu.memory_space<vmem>> -> memref<128xi32, #tpu.memory_space<vmem>>
        %dma_start3A_23 = arith.constant 0 : i32
        %dma_start3A_24 = tpu.memref_slice %arg6[%run_scoped3A_13, %dma_start3A_23] : memref<4x128xi32, #tpu.memory_space<vmem>> -> memref<1x128xi32, #tpu.memory_space<vmem>>
        %dma_start3A_25 = tpu.memref_squeeze %dma_start3A_24 : memref<1x128xi32, #tpu.memory_space<vmem>> -> memref<128xi32, #tpu.memory_space<vmem>>
        %dma_start3A_26 = arith.constant 0 : i32
        %dma_start3A_27 = tpu.memref_slice %arg4[%dma_start3A_26] : memref<100096xi32, #tpu.memory_space<hbm>> -> memref<100096xi32, #tpu.memory_space<hbm>>
        tpu.enqueue_indirect_dma source(%dma_start3A_22 : memref<128xi32, #tpu.memory_space<vmem>>) target(%dma_start3A_27 : memref<100096xi32, #tpu.memory_space<hbm>>) offsets(%dma_start3A_25 : memref<128xi32, #tpu.memory_space<vmem>>) semaphore(%run_scoped3A_20 : memref<!tpu.dma_semaphore, #tpu.memory_space<semaphore_mem>>)
        %dma_wait3A = arith.constant 0 : i32
        %dma_wait3A_28 = tpu.memref_slice %arg7[%run_scoped3A, %dma_wait3A] : memref<4x128xi32, #tpu.memory_space<vmem>> -> memref<1x128xi32, #tpu.memory_space<vmem>>
        %dma_wait3A_29 = tpu.memref_squeeze %dma_wait3A_28 : memref<1x128xi32, #tpu.memory_space<vmem>> -> memref<128xi32, #tpu.memory_space<vmem>>
        %dma_wait3A_30 = arith.constant 0 : i32
        %dma_wait3A_31 = tpu.memref_slice %arg6[%run_scoped3A_13, %dma_wait3A_30] : memref<4x128xi32, #tpu.memory_space<vmem>> -> memref<1x128xi32, #tpu.memory_space<vmem>>
        %dma_wait3A_32 = tpu.memref_squeeze %dma_wait3A_31 : memref<1x128xi32, #tpu.memory_space<vmem>> -> memref<128xi32, #tpu.memory_space<vmem>>
        %dma_wait3A_33 = arith.constant 0 : i32
        %dma_wait3A_34 = tpu.memref_slice %arg4[%dma_wait3A_33] : memref<100096xi32, #tpu.memory_space<hbm>> -> memref<100096xi32, #tpu.memory_space<hbm>>
        tpu.wait_indirect_dma semaphore(%run_scoped3A_20 : memref<!tpu.dma_semaphore, #tpu.memory_space<semaphore_mem>>) src(%dma_wait3A_29 : memref<128xi32, #tpu.memory_space<vmem>>) dst(%dma_wait3A_34 : memref<100096xi32, #tpu.memory_space<hbm>>)
        tpu.yield
      }) : () -> ()
      %run_scoped3A_14 = arith.constant 1 : i32
      %run_scoped3A_15 = arith.constant 1 : i32
      "tpu.region"() ({
        %run_scoped3A_20 = tpu.sem_alloc : memref<!tpu.dma_semaphore, #tpu.memory_space<semaphore_mem>>
        %dma_start3A = arith.constant 0 : i32
        %dma_start3A_21 = tpu.memref_slice %arg7[%run_scoped3A_14, %dma_start3A] : memref<4x128xi32, #tpu.memory_space<vmem>> -> memref<1x128xi32, #tpu.memory_space<vmem>>
        %dma_start3A_22 = tpu.memref_squeeze %dma_start3A_21 : memref<1x128xi32, #tpu.memory_space<vmem>> -> memref<128xi32, #tpu.memory_space<vmem>>
        %dma_start3A_23 = arith.constant 0 : i32
        %dma_start3A_24 = tpu.memref_slice %arg6[%run_scoped3A_15, %dma_start3A_23] : memref<4x128xi32, #tpu.memory_space<vmem>> -> memref<1x128xi32, #tpu.memory_space<vmem>>
        %dma_start3A_25 = tpu.memref_squeeze %dma_start3A_24 : memref<1x128xi32, #tpu.memory_space<vmem>> -> memref<128xi32, #tpu.memory_space<vmem>>
        %dma_start3A_26 = arith.constant 0 : i32
        %dma_start3A_27 = tpu.memref_slice %arg4[%dma_start3A_26] : memref<100096xi32, #tpu.memory_space<hbm>> -> memref<100096xi32, #tpu.memory_space<hbm>>
        tpu.enqueue_indirect_dma source(%dma_start3A_22 : memref<128xi32, #tpu.memory_space<vmem>>) target(%dma_start3A_27 : memref<100096xi32, #tpu.memory_space<hbm>>) offsets(%dma_start3A_25 : memref<128xi32, #tpu.memory_space<vmem>>) semaphore(%run_scoped3A_20 : memref<!tpu.dma_semaphore, #tpu.memory_space<semaphore_mem>>)
        %dma_wait3A = arith.constant 0 : i32
        %dma_wait3A_28 = tpu.memref_slice %arg7[%run_scoped3A_14, %dma_wait3A] : memref<4x128xi32, #tpu.memory_space<vmem>> -> memref<1x128xi32, #tpu.memory_space<vmem>>
        %dma_wait3A_29 = tpu.memref_squeeze %dma_wait3A_28 : memref<1x128xi32, #tpu.memory_space<vmem>> -> memref<128xi32, #tpu.memory_space<vmem>>
        %dma_wait3A_30 = arith.constant 0 : i32
        %dma_wait3A_31 = tpu.memref_slice %arg6[%run_scoped3A_15, %dma_wait3A_30] : memref<4x128xi32, #tpu.memory_space<vmem>> -> memref<1x128xi32, #tpu.memory_space<vmem>>
        %dma_wait3A_32 = tpu.memref_squeeze %dma_wait3A_31 : memref<1x128xi32, #tpu.memory_space<vmem>> -> memref<128xi32, #tpu.memory_space<vmem>>
        %dma_wait3A_33 = arith.constant 0 : i32
        %dma_wait3A_34 = tpu.memref_slice %arg4[%dma_wait3A_33] : memref<100096xi32, #tpu.memory_space<hbm>> -> memref<100096xi32, #tpu.memory_space<hbm>>
        tpu.wait_indirect_dma semaphore(%run_scoped3A_20 : memref<!tpu.dma_semaphore, #tpu.memory_space<semaphore_mem>>) src(%dma_wait3A_29 : memref<128xi32, #tpu.memory_space<vmem>>) dst(%dma_wait3A_34 : memref<100096xi32, #tpu.memory_space<hbm>>)
        tpu.yield
      }) : () -> ()
      %run_scoped3A_16 = arith.constant 2 : i32
      %run_scoped3A_17 = arith.constant 2 : i32
      "tpu.region"() ({
        %run_scoped3A_20 = tpu.sem_alloc : memref<!tpu.dma_semaphore, #tpu.memory_space<semaphore_mem>>
        %dma_start3A = arith.constant 0 : i32
        %dma_start3A_21 = tpu.memref_slice %arg7[%run_scoped3A_16, %dma_start3A] : memref<4x128xi32, #tpu.memory_space<vmem>> -> memref<1x128xi32, #tpu.memory_space<vmem>>
        %dma_start3A_22 = tpu.memref_squeeze %dma_start3A_21 : memref<1x128xi32, #tpu.memory_space<vmem>> -> memref<128xi32, #tpu.memory_space<vmem>>
        %dma_start3A_23 = arith.constant 0 : i32
        %dma_start3A_24 = tpu.memref_slice %arg6[%run_scoped3A_17, %dma_start3A_23] : memref<4x128xi32, #tpu.memory_space<vmem>> -> memref<1x128xi32, #tpu.memory_space<vmem>>
        %dma_start3A_25 = tpu.memref_squeeze %dma_start3A_24 : memref<1x128xi32, #tpu.memory_space<vmem>> -> memref<128xi32, #tpu.memory_space<vmem>>
        %dma_start3A_26 = arith.constant 0 : i32
        %dma_start3A_27 = tpu.memref_slice %arg4[%dma_start3A_26] : memref<100096xi32, #tpu.memory_space<hbm>> -> memref<100096xi32, #tpu.memory_space<hbm>>
        tpu.enqueue_indirect_dma source(%dma_start3A_22 : memref<128xi32, #tpu.memory_space<vmem>>) target(%dma_start3A_27 : memref<100096xi32, #tpu.memory_space<hbm>>) offsets(%dma_start3A_25 : memref<128xi32, #tpu.memory_space<vmem>>) semaphore(%run_scoped3A_20 : memref<!tpu.dma_semaphore, #tpu.memory_space<semaphore_mem>>)
        %dma_wait3A = arith.constant 0 : i32
        %dma_wait3A_28 = tpu.memref_slice %arg7[%run_scoped3A_16, %dma_wait3A] : memref<4x128xi32, #tpu.memory_space<vmem>> -> memref<1x128xi32, #tpu.memory_space<vmem>>
        %dma_wait3A_29 = tpu.memref_squeeze %dma_wait3A_28 : memref<1x128xi32, #tpu.memory_space<vmem>> -> memref<128xi32, #tpu.memory_space<vmem>>
        %dma_wait3A_30 = arith.constant 0 : i32
        %dma_wait3A_31 = tpu.memref_slice %arg6[%run_scoped3A_17, %dma_wait3A_30] : memref<4x128xi32, #tpu.memory_space<vmem>> -> memref<1x128xi32, #tpu.memory_space<vmem>>
        %dma_wait3A_32 = tpu.memref_squeeze %dma_wait3A_31 : memref<1x128xi32, #tpu.memory_space<vmem>> -> memref<128xi32, #tpu.memory_space<vmem>>
        %dma_wait3A_33 = arith.constant 0 : i32
        %dma_wait3A_34 = tpu.memref_slice %arg4[%dma_wait3A_33] : memref<100096xi32, #tpu.memory_space<hbm>> -> memref<100096xi32, #tpu.memory_space<hbm>>
        tpu.wait_indirect_dma semaphore(%run_scoped3A_20 : memref<!tpu.dma_semaphore, #tpu.memory_space<semaphore_mem>>) src(%dma_wait3A_29 : memref<128xi32, #tpu.memory_space<vmem>>) dst(%dma_wait3A_34 : memref<100096xi32, #tpu.memory_space<hbm>>)
        tpu.yield
      }) : () -> ()
      %run_scoped3A_18 = arith.constant 3 : i32
      %run_scoped3A_19 = arith.constant 3 : i32
      "tpu.region"() ({
        %run_scoped3A_20 = tpu.sem_alloc : memref<!tpu.dma_semaphore, #tpu.memory_space<semaphore_mem>>
        %dma_start3A = arith.constant 0 : i32
        %dma_start3A_21 = tpu.memref_slice %arg7[%run_scoped3A_18, %dma_start3A] : memref<4x128xi32, #tpu.memory_space<vmem>> -> memref<1x128xi32, #tpu.memory_space<vmem>>
        %dma_start3A_22 = tpu.memref_squeeze %dma_start3A_21 : memref<1x128xi32, #tpu.memory_space<vmem>> -> memref<128xi32, #tpu.memory_space<vmem>>
        %dma_start3A_23 = arith.constant 0 : i32
        %dma_start3A_24 = tpu.memref_slice %arg6[%run_scoped3A_19, %dma_start3A_23] : memref<4x128xi32, #tpu.memory_space<vmem>> -> memref<1x128xi32, #tpu.memory_space<vmem>>
        %dma_start3A_25 = tpu.memref_squeeze %dma_start3A_24 : memref<1x128xi32, #tpu.memory_space<vmem>> -> memref<128xi32, #tpu.memory_space<vmem>>
        %dma_start3A_26 = arith.constant 0 : i32
        %dma_start3A_27 = tpu.memref_slice %arg4[%dma_start3A_26] : memref<100096xi32, #tpu.memory_space<hbm>> -> memref<100096xi32, #tpu.memory_space<hbm>>
        tpu.enqueue_indirect_dma source(%dma_start3A_22 : memref<128xi32, #tpu.memory_space<vmem>>) target(%dma_start3A_27 : memref<100096xi32, #tpu.memory_space<hbm>>) offsets(%dma_start3A_25 : memref<128xi32, #tpu.memory_space<vmem>>) semaphore(%run_scoped3A_20 : memref<!tpu.dma_semaphore, #tpu.memory_space<semaphore_mem>>)
        %dma_wait3A = arith.constant 0 : i32
        %dma_wait3A_28 = tpu.memref_slice %arg7[%run_scoped3A_18, %dma_wait3A] : memref<4x128xi32, #tpu.memory_space<vmem>> -> memref<1x128xi32, #tpu.memory_space<vmem>>
        %dma_wait3A_29 = tpu.memref_squeeze %dma_wait3A_28 : memref<1x128xi32, #tpu.memory_space<vmem>> -> memref<128xi32, #tpu.memory_space<vmem>>
        %dma_wait3A_30 = arith.constant 0 : i32
        %dma_wait3A_31 = tpu.memref_slice %arg6[%run_scoped3A_19, %dma_wait3A_30] : memref<4x128xi32, #tpu.memory_space<vmem>> -> memref<1x128xi32, #tpu.memory_space<vmem>>
        %dma_wait3A_32 = tpu.memref_squeeze %dma_wait3A_31 : memref<1x128xi32, #tpu.memory_space<vmem>> -> memref<128xi32, #tpu.memory_space<vmem>>
        %dma_wait3A_33 = arith.constant 0 : i32
        %dma_wait3A_34 = tpu.memref_slice %arg4[%dma_wait3A_33] : memref<100096xi32, #tpu.memory_space<hbm>> -> memref<100096xi32, #tpu.memory_space<hbm>>
        tpu.wait_indirect_dma semaphore(%run_scoped3A_20 : memref<!tpu.dma_semaphore, #tpu.memory_space<semaphore_mem>>) src(%dma_wait3A_29 : memref<128xi32, #tpu.memory_space<vmem>>) dst(%dma_wait3A_34 : memref<100096xi32, #tpu.memory_space<hbm>>)
        tpu.yield
      }) : () -> ()
    } else {
    }
    return
  }
}

#map = affine_map<(d0, d1) -> (0, 0)>
#map1 = affine_map<(d0, d1) -> (0)>
module attributes {stable_mosaic.version = 14 : i64} {
  func.func @k(%arg0: i32, %arg1: i32, %arg2: memref<9472x128xi32, #tpu.memory_space<hbm>>, %arg3: memref<9472x128xi32, #tpu.memory_space<hbm>>, %arg4: memref<9472x128xf32, #tpu.memory_space<hbm>>, %arg5: memref<100096xi32, #tpu.memory_space<hbm>>, %arg6: memref<100000x64xf32, #tpu.memory_space<hbm>>, %arg7: memref<16640x128xf32, #tpu.memory_space<hbm>>, %arg8: memref<8320x128xf32, #tpu.memory_space<vmem_shared>>, %arg9: memref<8x128xi32, #tpu.memory_space<vmem>>, %arg10: memref<8x128xi32, #tpu.memory_space<vmem>>, %arg11: memref<8x128xf32, #tpu.memory_space<vmem>>, %arg12: memref<8x128xi32, #tpu.memory_space<vmem>>, %arg13: memref<1152xi32, #tpu.memory_space<vmem>>, %arg14: memref<1152xi32, #tpu.memory_space<vmem>>, %arg15: memref<1152xf32, #tpu.memory_space<vmem>>, %arg16: memref<1x128xi32, #tpu.memory_space<vmem>>, %arg17: memref<128x64xf32, #tpu.memory_space<vmem>>, %arg18: memref<128x128xf32, #tpu.memory_space<vmem>>, %arg19: memref<64x128xf32, #tpu.memory_space<vmem>>, %arg20: memref<!tpu.dma_semaphore, #tpu.memory_space<semaphore_mem>>, %arg21: memref<!tpu.dma_semaphore, #tpu.memory_space<semaphore_mem>>) attributes {dimension_semantics = [#tpu.dimension_semantics<core_parallel>, #tpu.dimension_semantics<subcore_parallel>], iteration_bounds = array<i64: 2, 16>, scalar_prefetch = 0 : i64, scratch_operands = 14 : i64, tpu.core_type = #tpu.core_type<sc_vector_subcore>, window_params = [{transform_indices = #map}, {transform_indices = #map}, {transform_indices = #map}, {transform_indices = #map1}, {transform_indices = #map}, {transform_indices = #map}]} {
    %mul3A = arith.constant 16 : i32
    %mul3A_0 = arith.muli %arg0, %mul3A : i32
    %add3A = arith.addi %mul3A_0, %arg1 : i32
    %scan3A = arith.constant 0 : i32
    %scan3A_1 = arith.constant 0 : i32
    %scan3A_2 = arith.constant 512 : i32
    %scan3A_3 = arith.addi %scan3A_1, %scan3A_2 : i32
    %scan3A_4 = arith.constant 1 : i32
    %scan3A_5 = scf.for %scan3A_58 = %scan3A_1 to %scan3A_3 step %scan3A_4 iter_args(%scan3A_59 = %scan3A) -> (i32)  : i32 {
      %jit3A = arith.constant 8 : i32
      %div3A = arith.divsi %scan3A_58, %jit3A : i32
      %sign3A = arith.constant 0 : i32
      %sign3A_60 = arith.cmpi sgt, %scan3A_58, %sign3A : i32
      %sign3A_61 = arith.extui %sign3A_60 : i1 to i32
      %sign3A_62 = arith.constant 0 : i32
      %sign3A_63 = arith.cmpi slt, %scan3A_58, %sign3A_62 : i32
      %sign3A_64 = arith.extui %sign3A_63 : i1 to i32
      %sign3A_65 = arith.subi %sign3A_61, %sign3A_64 : i32
      %sign3A_66 = arith.constant 0 : i32
      %sign3A_67 = arith.cmpi sgt, %jit3A, %sign3A_66 : i32
      %sign3A_68 = arith.extui %sign3A_67 : i1 to i32
      %sign3A_69 = arith.constant 0 : i32
      %sign3A_70 = arith.cmpi slt, %jit3A, %sign3A_69 : i32
      %sign3A_71 = arith.extui %sign3A_70 : i1 to i32
      %sign3A_72 = arith.subi %sign3A_68, %sign3A_71 : i32
      %ne3A = arith.cmpi ne, %sign3A_65, %sign3A_72 : i32
      %rem3A = arith.remsi %scan3A_58, %jit3A : i32
      %ne3A_73 = arith.constant 0 : i32
      %ne3A_74 = arith.cmpi ne, %rem3A, %ne3A_73 : i32
      %and3A = arith.andi %ne3A, %ne3A_74 : i1
      %sub3A = arith.constant 1 : i32
      %sub3A_75 = arith.subi %div3A, %sub3A : i32
      %select_n3A = arith.select %and3A, %sub3A_75, %div3A : i32
      %jit3A_76 = arith.constant 8 : i32
      %eq3A = arith.constant 0 : i32
      %eq3A_77 = arith.cmpi eq, %jit3A_76, %eq3A : i32
      %jit3A_78 = arith.constant 1 : i32
      %select_n3A_79 = arith.select %eq3A_77, %jit3A_78, %jit3A_76 : i32
      %rem3A_80 = arith.remsi %scan3A_58, %select_n3A_79 : i32
      %ne3A_81 = arith.constant 0 : i32
      %ne3A_82 = arith.cmpi ne, %rem3A_80, %ne3A_81 : i32
      %lt3A = arith.constant 0 : i32
      %lt3A_83 = arith.cmpi slt, %rem3A_80, %lt3A : i32
      %lt3A_84 = arith.constant 0 : i32
      %lt3A_85 = arith.cmpi slt, %select_n3A_79, %lt3A_84 : i32
      %ne3A_86 = arith.xori %lt3A_83, %lt3A_85 : i1
      %and3A_87 = arith.andi %ne3A_86, %ne3A_82 : i1
      %add3A_88 = arith.addi %rem3A_80, %select_n3A_79 : i32
      %select_n3A_89 = arith.select %and3A_87, %add3A_88, %rem3A_80 : i32
      %mul3A_90 = arith.constant 16 : i32
      %mul3A_91 = arith.muli %select_n3A_89, %mul3A_90 : i32
      %broadcast_in_dim3A = arith.constant 0.000000e+00 : f32
      %broadcast_in_dim3A_92 = vector.broadcast %broadcast_in_dim3A : f32 to vector<16xf32>
      %swap3A = arith.index_cast %select_n3A : i32 to index
      %swap3A_93 = arith.index_cast %mul3A_91 : i32 to index
      %swap3A_94 = tpu.vector_load %arg19[%swap3A, %swap3A_93] {strides = array<i32>} : memref<64x128xf32, #tpu.memory_space<vmem>>, vector<16xf32>,
      tpu.vector_store %arg19[%swap3A, %swap3A_93], %broadcast_in_dim3A_92 {strides = array<i32>} : memref<64x128xf32, #tpu.memory_space<vmem>>, vector<16xf32>,
      %scan3A_95 = arith.constant 0 : i32
      scf.yield %scan3A_95 : i32
    }
    %scan3A_6 = arith.constant 512 : i32
    %mul3A_7 = arith.constant 520 : i32
    %mul3A_8 = arith.muli %arg1, %mul3A_7 : i32
    %add3A_9 = arith.constant 0 : i32
    %add3A_10 = arith.addi %mul3A_8, %add3A_9 : i32
    "tpu.region"() ({
      %run_scoped3A = tpu.sem_alloc : memref<!tpu.dma_semaphore, #tpu.memory_space<semaphore_mem>>
      %dma_start3A = arith.constant 0 : i32
      %dma_start3A_58 = tpu.memref_slice %arg8[%add3A_10, %dma_start3A] : memref<8320x128xf32, #tpu.memory_space<vmem_shared>> -> memref<64x128xf32, #tpu.memory_space<vmem_shared>>
      %dma_start3A_59 = arith.constant 0 : i32
      %dma_start3A_60 = tpu.memref_slice %arg8[%add3A_10, %dma_start3A_59] : memref<8320x128xf32, #tpu.memory_space<vmem_shared>> -> memref<64x128xf32, #tpu.memory_space<vmem_shared>>
      tpu.enqueue_dma source(%arg19 : memref<64x128xf32, #tpu.memory_space<vmem>>) target(%dma_start3A_60 : memref<64x128xf32, #tpu.memory_space<vmem_shared>>) target_semaphore(%run_scoped3A : memref<!tpu.dma_semaphore, #tpu.memory_space<semaphore_mem>>)
      %dma_wait3A = arith.constant 0 : i32
      %dma_wait3A_61 = tpu.memref_slice %arg8[%add3A_10, %dma_wait3A] : memref<8320x128xf32, #tpu.memory_space<vmem_shared>> -> memref<64x128xf32, #tpu.memory_space<vmem_shared>>
      %dma_wait3A_62 = arith.constant 0 : i32
      %dma_wait3A_63 = tpu.memref_slice %arg8[%add3A_10, %dma_wait3A_62] : memref<8320x128xf32, #tpu.memory_space<vmem_shared>> -> memref<64x128xf32, #tpu.memory_space<vmem_shared>>
      tpu.wait_dma2 semaphore(%run_scoped3A : memref<!tpu.dma_semaphore, #tpu.memory_space<semaphore_mem>>) src(%arg19 : memref<64x128xf32, #tpu.memory_space<vmem>>) dst(%dma_wait3A_63 : memref<64x128xf32, #tpu.memory_space<vmem_shared>>)
      tpu.yield
    }) : () -> ()
    %mul3A_11 = arith.constant 520 : i32
    %mul3A_12 = arith.muli %arg1, %mul3A_11 : i32
    %add3A_13 = arith.constant 64 : i32
    %add3A_14 = arith.addi %mul3A_12, %add3A_13 : i32
    "tpu.region"() ({
      %run_scoped3A = tpu.sem_alloc : memref<!tpu.dma_semaphore, #tpu.memory_space<semaphore_mem>>
      %dma_start3A = arith.constant 0 : i32
      %dma_start3A_58 = tpu.memref_slice %arg8[%add3A_14, %dma_start3A] : memref<8320x128xf32, #tpu.memory_space<vmem_shared>> -> memref<64x128xf32, #tpu.memory_space<vmem_shared>>
      %dma_start3A_59 = arith.constant 0 : i32
      %dma_start3A_60 = tpu.memref_slice %arg8[%add3A_14, %dma_start3A_59] : memref<8320x128xf32, #tpu.memory_space<vmem_shared>> -> memref<64x128xf32, #tpu.memory_space<vmem_shared>>
      tpu.enqueue_dma source(%arg19 : memref<64x128xf32, #tpu.memory_space<vmem>>) target(%dma_start3A_60 : memref<64x128xf32, #tpu.memory_space<vmem_shared>>) target_semaphore(%run_scoped3A : memref<!tpu.dma_semaphore, #tpu.memory_space<semaphore_mem>>)
      %dma_wait3A = arith.constant 0 : i32
      %dma_wait3A_61 = tpu.memref_slice %arg8[%add3A_14, %dma_wait3A] : memref<8320x128xf32, #tpu.memory_space<vmem_shared>> -> memref<64x128xf32, #tpu.memory_space<vmem_shared>>
      %dma_wait3A_62 = arith.constant 0 : i32
      %dma_wait3A_63 = tpu.memref_slice %arg8[%add3A_14, %dma_wait3A_62] : memref<8320x128xf32, #tpu.memory_space<vmem_shared>> -> memref<64x128xf32, #tpu.memory_space<vmem_shared>>
      tpu.wait_dma2 semaphore(%run_scoped3A : memref<!tpu.dma_semaphore, #tpu.memory_space<semaphore_mem>>) src(%arg19 : memref<64x128xf32, #tpu.memory_space<vmem>>) dst(%dma_wait3A_63 : memref<64x128xf32, #tpu.memory_space<vmem_shared>>)
      tpu.yield
    }) : () -> ()
    %mul3A_15 = arith.constant 520 : i32
    %mul3A_16 = arith.muli %arg1, %mul3A_15 : i32
    %add3A_17 = arith.constant 128 : i32
    %add3A_18 = arith.addi %mul3A_16, %add3A_17 : i32
    "tpu.region"() ({
      %run_scoped3A = tpu.sem_alloc : memref<!tpu.dma_semaphore, #tpu.memory_space<semaphore_mem>>
      %dma_start3A = arith.constant 0 : i32
      %dma_start3A_58 = tpu.memref_slice %arg8[%add3A_18, %dma_start3A] : memref<8320x128xf32, #tpu.memory_space<vmem_shared>> -> memref<64x128xf32, #tpu.memory_space<vmem_shared>>
      %dma_start3A_59 = arith.constant 0 : i32
      %dma_start3A_60 = tpu.memref_slice %arg8[%add3A_18, %dma_start3A_59] : memref<8320x128xf32, #tpu.memory_space<vmem_shared>> -> memref<64x128xf32, #tpu.memory_space<vmem_shared>>
      tpu.enqueue_dma source(%arg19 : memref<64x128xf32, #tpu.memory_space<vmem>>) target(%dma_start3A_60 : memref<64x128xf32, #tpu.memory_space<vmem_shared>>) target_semaphore(%run_scoped3A : memref<!tpu.dma_semaphore, #tpu.memory_space<semaphore_mem>>)
      %dma_wait3A = arith.constant 0 : i32
      %dma_wait3A_61 = tpu.memref_slice %arg8[%add3A_18, %dma_wait3A] : memref<8320x128xf32, #tpu.memory_space<vmem_shared>> -> memref<64x128xf32, #tpu.memory_space<vmem_shared>>
      %dma_wait3A_62 = arith.constant 0 : i32
      %dma_wait3A_63 = tpu.memref_slice %arg8[%add3A_18, %dma_wait3A_62] : memref<8320x128xf32, #tpu.memory_space<vmem_shared>> -> memref<64x128xf32, #tpu.memory_space<vmem_shared>>
      tpu.wait_dma2 semaphore(%run_scoped3A : memref<!tpu.dma_semaphore, #tpu.memory_space<semaphore_mem>>) src(%arg19 : memref<64x128xf32, #tpu.memory_space<vmem>>) dst(%dma_wait3A_63 : memref<64x128xf32, #tpu.memory_space<vmem_shared>>)
      tpu.yield
    }) : () -> ()
    %mul3A_19 = arith.constant 520 : i32
    %mul3A_20 = arith.muli %arg1, %mul3A_19 : i32
    %add3A_21 = arith.constant 192 : i32
    %add3A_22 = arith.addi %mul3A_20, %add3A_21 : i32
    "tpu.region"() ({
      %run_scoped3A = tpu.sem_alloc : memref<!tpu.dma_semaphore, #tpu.memory_space<semaphore_mem>>
      %dma_start3A = arith.constant 0 : i32
      %dma_start3A_58 = tpu.memref_slice %arg8[%add3A_22, %dma_start3A] : memref<8320x128xf32, #tpu.memory_space<vmem_shared>> -> memref<64x128xf32, #tpu.memory_space<vmem_shared>>
      %dma_start3A_59 = arith.constant 0 : i32
      %dma_start3A_60 = tpu.memref_slice %arg8[%add3A_22, %dma_start3A_59] : memref<8320x128xf32, #tpu.memory_space<vmem_shared>> -> memref<64x128xf32, #tpu.memory_space<vmem_shared>>
      tpu.enqueue_dma source(%arg19 : memref<64x128xf32, #tpu.memory_space<vmem>>) target(%dma_start3A_60 : memref<64x128xf32, #tpu.memory_space<vmem_shared>>) target_semaphore(%run_scoped3A : memref<!tpu.dma_semaphore, #tpu.memory_space<semaphore_mem>>)
      %dma_wait3A = arith.constant 0 : i32
      %dma_wait3A_61 = tpu.memref_slice %arg8[%add3A_22, %dma_wait3A] : memref<8320x128xf32, #tpu.memory_space<vmem_shared>> -> memref<64x128xf32, #tpu.memory_space<vmem_shared>>
      %dma_wait3A_62 = arith.constant 0 : i32
      %dma_wait3A_63 = tpu.memref_slice %arg8[%add3A_22, %dma_wait3A_62] : memref<8320x128xf32, #tpu.memory_space<vmem_shared>> -> memref<64x128xf32, #tpu.memory_space<vmem_shared>>
      tpu.wait_dma2 semaphore(%run_scoped3A : memref<!tpu.dma_semaphore, #tpu.memory_space<semaphore_mem>>) src(%arg19 : memref<64x128xf32, #tpu.memory_space<vmem>>) dst(%dma_wait3A_63 : memref<64x128xf32, #tpu.memory_space<vmem_shared>>)
      tpu.yield
    }) : () -> ()
    %mul3A_23 = arith.constant 520 : i32
    %mul3A_24 = arith.muli %arg1, %mul3A_23 : i32
    %add3A_25 = arith.constant 256 : i32
    %add3A_26 = arith.addi %mul3A_24, %add3A_25 : i32
    "tpu.region"() ({
      %run_scoped3A = tpu.sem_alloc : memref<!tpu.dma_semaphore, #tpu.memory_space<semaphore_mem>>
      %dma_start3A = arith.constant 0 : i32
      %dma_start3A_58 = tpu.memref_slice %arg8[%add3A_26, %dma_start3A] : memref<8320x128xf32, #tpu.memory_space<vmem_shared>> -> memref<64x128xf32, #tpu.memory_space<vmem_shared>>
      %dma_start3A_59 = arith.constant 0 : i32
      %dma_start3A_60 = tpu.memref_slice %arg8[%add3A_26, %dma_start3A_59] : memref<8320x128xf32, #tpu.memory_space<vmem_shared>> -> memref<64x128xf32, #tpu.memory_space<vmem_shared>>
      tpu.enqueue_dma source(%arg19 : memref<64x128xf32, #tpu.memory_space<vmem>>) target(%dma_start3A_60 : memref<64x128xf32, #tpu.memory_space<vmem_shared>>) target_semaphore(%run_scoped3A : memref<!tpu.dma_semaphore, #tpu.memory_space<semaphore_mem>>)
      %dma_wait3A = arith.constant 0 : i32
      %dma_wait3A_61 = tpu.memref_slice %arg8[%add3A_26, %dma_wait3A] : memref<8320x128xf32, #tpu.memory_space<vmem_shared>> -> memref<64x128xf32, #tpu.memory_space<vmem_shared>>
      %dma_wait3A_62 = arith.constant 0 : i32
      %dma_wait3A_63 = tpu.memref_slice %arg8[%add3A_26, %dma_wait3A_62] : memref<8320x128xf32, #tpu.memory_space<vmem_shared>> -> memref<64x128xf32, #tpu.memory_space<vmem_shared>>
      tpu.wait_dma2 semaphore(%run_scoped3A : memref<!tpu.dma_semaphore, #tpu.memory_space<semaphore_mem>>) src(%arg19 : memref<64x128xf32, #tpu.memory_space<vmem>>) dst(%dma_wait3A_63 : memref<64x128xf32, #tpu.memory_space<vmem_shared>>)
      tpu.yield
    }) : () -> ()
    %mul3A_27 = arith.constant 520 : i32
    %mul3A_28 = arith.muli %arg1, %mul3A_27 : i32
    %add3A_29 = arith.constant 320 : i32
    %add3A_30 = arith.addi %mul3A_28, %add3A_29 : i32
    "tpu.region"() ({
      %run_scoped3A = tpu.sem_alloc : memref<!tpu.dma_semaphore, #tpu.memory_space<semaphore_mem>>
      %dma_start3A = arith.constant 0 : i32
      %dma_start3A_58 = tpu.memref_slice %arg8[%add3A_30, %dma_start3A] : memref<8320x128xf32, #tpu.memory_space<vmem_shared>> -> memref<64x128xf32, #tpu.memory_space<vmem_shared>>
      %dma_start3A_59 = arith.constant 0 : i32
      %dma_start3A_60 = tpu.memref_slice %arg8[%add3A_30, %dma_start3A_59] : memref<8320x128xf32, #tpu.memory_space<vmem_shared>> -> memref<64x128xf32, #tpu.memory_space<vmem_shared>>
      tpu.enqueue_dma source(%arg19 : memref<64x128xf32, #tpu.memory_space<vmem>>) target(%dma_start3A_60 : memref<64x128xf32, #tpu.memory_space<vmem_shared>>) target_semaphore(%run_scoped3A : memref<!tpu.dma_semaphore, #tpu.memory_space<semaphore_mem>>)
      %dma_wait3A = arith.constant 0 : i32
      %dma_wait3A_61 = tpu.memref_slice %arg8[%add3A_30, %dma_wait3A] : memref<8320x128xf32, #tpu.memory_space<vmem_shared>> -> memref<64x128xf32, #tpu.memory_space<vmem_shared>>
      %dma_wait3A_62 = arith.constant 0 : i32
      %dma_wait3A_63 = tpu.memref_slice %arg8[%add3A_30, %dma_wait3A_62] : memref<8320x128xf32, #tpu.memory_space<vmem_shared>> -> memref<64x128xf32, #tpu.memory_space<vmem_shared>>
      tpu.wait_dma2 semaphore(%run_scoped3A : memref<!tpu.dma_semaphore, #tpu.memory_space<semaphore_mem>>) src(%arg19 : memref<64x128xf32, #tpu.memory_space<vmem>>) dst(%dma_wait3A_63 : memref<64x128xf32, #tpu.memory_space<vmem_shared>>)
      tpu.yield
    }) : () -> ()
    %mul3A_31 = arith.constant 520 : i32
    %mul3A_32 = arith.muli %arg1, %mul3A_31 : i32
    %add3A_33 = arith.constant 384 : i32
    %add3A_34 = arith.addi %mul3A_32, %add3A_33 : i32
    "tpu.region"() ({
      %run_scoped3A = tpu.sem_alloc : memref<!tpu.dma_semaphore, #tpu.memory_space<semaphore_mem>>
      %dma_start3A = arith.constant 0 : i32
      %dma_start3A_58 = tpu.memref_slice %arg8[%add3A_34, %dma_start3A] : memref<8320x128xf32, #tpu.memory_space<vmem_shared>> -> memref<64x128xf32, #tpu.memory_space<vmem_shared>>
      %dma_start3A_59 = arith.constant 0 : i32
      %dma_start3A_60 = tpu.memref_slice %arg8[%add3A_34, %dma_start3A_59] : memref<8320x128xf32, #tpu.memory_space<vmem_shared>> -> memref<64x128xf32, #tpu.memory_space<vmem_shared>>
      tpu.enqueue_dma source(%arg19 : memref<64x128xf32, #tpu.memory_space<vmem>>) target(%dma_start3A_60 : memref<64x128xf32, #tpu.memory_space<vmem_shared>>) target_semaphore(%run_scoped3A : memref<!tpu.dma_semaphore, #tpu.memory_space<semaphore_mem>>)
      %dma_wait3A = arith.constant 0 : i32
      %dma_wait3A_61 = tpu.memref_slice %arg8[%add3A_34, %dma_wait3A] : memref<8320x128xf32, #tpu.memory_space<vmem_shared>> -> memref<64x128xf32, #tpu.memory_space<vmem_shared>>
      %dma_wait3A_62 = arith.constant 0 : i32
      %dma_wait3A_63 = tpu.memref_slice %arg8[%add3A_34, %dma_wait3A_62] : memref<8320x128xf32, #tpu.memory_space<vmem_shared>> -> memref<64x128xf32, #tpu.memory_space<vmem_shared>>
      tpu.wait_dma2 semaphore(%run_scoped3A : memref<!tpu.dma_semaphore, #tpu.memory_space<semaphore_mem>>) src(%arg19 : memref<64x128xf32, #tpu.memory_space<vmem>>) dst(%dma_wait3A_63 : memref<64x128xf32, #tpu.memory_space<vmem_shared>>)
      tpu.yield
    }) : () -> ()
    %mul3A_35 = arith.constant 520 : i32
    %mul3A_36 = arith.muli %arg1, %mul3A_35 : i32
    %add3A_37 = arith.constant 448 : i32
    %add3A_38 = arith.addi %mul3A_36, %add3A_37 : i32
    "tpu.region"() ({
      %run_scoped3A = tpu.sem_alloc : memref<!tpu.dma_semaphore, #tpu.memory_space<semaphore_mem>>
      %dma_start3A = arith.constant 0 : i32
      %dma_start3A_58 = tpu.memref_slice %arg8[%add3A_38, %dma_start3A] : memref<8320x128xf32, #tpu.memory_space<vmem_shared>> -> memref<64x128xf32, #tpu.memory_space<vmem_shared>>
      %dma_start3A_59 = arith.constant 0 : i32
      %dma_start3A_60 = tpu.memref_slice %arg8[%add3A_38, %dma_start3A_59] : memref<8320x128xf32, #tpu.memory_space<vmem_shared>> -> memref<64x128xf32, #tpu.memory_space<vmem_shared>>
      tpu.enqueue_dma source(%arg19 : memref<64x128xf32, #tpu.memory_space<vmem>>) target(%dma_start3A_60 : memref<64x128xf32, #tpu.memory_space<vmem_shared>>) target_semaphore(%run_scoped3A : memref<!tpu.dma_semaphore, #tpu.memory_space<semaphore_mem>>)
      %dma_wait3A = arith.constant 0 : i32
      %dma_wait3A_61 = tpu.memref_slice %arg8[%add3A_38, %dma_wait3A] : memref<8320x128xf32, #tpu.memory_space<vmem_shared>> -> memref<64x128xf32, #tpu.memory_space<vmem_shared>>
      %dma_wait3A_62 = arith.constant 0 : i32
      %dma_wait3A_63 = tpu.memref_slice %arg8[%add3A_38, %dma_wait3A_62] : memref<8320x128xf32, #tpu.memory_space<vmem_shared>> -> memref<64x128xf32, #tpu.memory_space<vmem_shared>>
      tpu.wait_dma2 semaphore(%run_scoped3A : memref<!tpu.dma_semaphore, #tpu.memory_space<semaphore_mem>>) src(%arg19 : memref<64x128xf32, #tpu.memory_space<vmem>>) dst(%dma_wait3A_63 : memref<64x128xf32, #tpu.memory_space<vmem_shared>>)
      tpu.yield
    }) : () -> ()
    %mul3A_39 = arith.constant 520 : i32
    %mul3A_40 = arith.muli %arg1, %mul3A_39 : i32
    %add3A_41 = arith.constant 512 : i32
    %add3A_42 = arith.addi %mul3A_40, %add3A_41 : i32
    "tpu.region"() ({
      %run_scoped3A = tpu.sem_alloc : memref<!tpu.dma_semaphore, #tpu.memory_space<semaphore_mem>>
      %dma_start3A = arith.constant 0 : i32
      %dma_start3A_58 = arith.constant 0 : i32
      %dma_start3A_59 = tpu.memref_slice %arg19[%dma_start3A, %dma_start3A_58] : memref<64x128xf32, #tpu.memory_space<vmem>> -> memref<8x128xf32, #tpu.memory_space<vmem>>
      %dma_start3A_60 = arith.constant 0 : i32
      %dma_start3A_61 = tpu.memref_slice %arg8[%add3A_42, %dma_start3A_60] : memref<8320x128xf32, #tpu.memory_space<vmem_shared>> -> memref<8x128xf32, #tpu.memory_space<vmem_shared>>
      %dma_start3A_62 = arith.constant 0 : i32
      %dma_start3A_63 = tpu.memref_slice %arg8[%add3A_42, %dma_start3A_62] : memref<8320x128xf32, #tpu.memory_space<vmem_shared>> -> memref<8x128xf32, #tpu.memory_space<vmem_shared>>
      %dma_start3A_64 = arith.constant 0 : i32
      %dma_start3A_65 = arith.constant 0 : i32
      %dma_start3A_66 = tpu.memref_slice %arg19[%dma_start3A_64, %dma_start3A_65] : memref<64x128xf32, #tpu.memory_space<vmem>> -> memref<8x128xf32, #tpu.memory_space<vmem>>
      tpu.enqueue_dma source(%dma_start3A_66 : memref<8x128xf32, #tpu.memory_space<vmem>>) target(%dma_start3A_63 : memref<8x128xf32, #tpu.memory_space<vmem_shared>>) target_semaphore(%run_scoped3A : memref<!tpu.dma_semaphore, #tpu.memory_space<semaphore_mem>>)
      %dma_wait3A = arith.constant 0 : i32
      %dma_wait3A_67 = arith.constant 0 : i32
      %dma_wait3A_68 = tpu.memref_slice %arg19[%dma_wait3A, %dma_wait3A_67] : memref<64x128xf32, #tpu.memory_space<vmem>> -> memref<8x128xf32, #tpu.memory_space<vmem>>
      %dma_wait3A_69 = arith.constant 0 : i32
      %dma_wait3A_70 = tpu.memref_slice %arg8[%add3A_42, %dma_wait3A_69] : memref<8320x128xf32, #tpu.memory_space<vmem_shared>> -> memref<8x128xf32, #tpu.memory_space<vmem_shared>>
      %dma_wait3A_71 = arith.constant 0 : i32
      %dma_wait3A_72 = tpu.memref_slice %arg8[%add3A_42, %dma_wait3A_71] : memref<8320x128xf32, #tpu.memory_space<vmem_shared>> -> memref<8x128xf32, #tpu.memory_space<vmem_shared>>
      %dma_wait3A_73 = arith.constant 0 : i32
      %dma_wait3A_74 = arith.constant 0 : i32
      %dma_wait3A_75 = tpu.memref_slice %arg19[%dma_wait3A_73, %dma_wait3A_74] : memref<64x128xf32, #tpu.memory_space<vmem>> -> memref<8x128xf32, #tpu.memory_space<vmem>>
      tpu.wait_dma2 semaphore(%run_scoped3A : memref<!tpu.dma_semaphore, #tpu.memory_space<semaphore_mem>>) src(%dma_wait3A_75 : memref<8x128xf32, #tpu.memory_space<vmem>>) dst(%dma_wait3A_72 : memref<8x128xf32, #tpu.memory_space<vmem_shared>>)
      tpu.yield
    }) : () -> ()
    %barrier3A = arith.constant 0 : index
    tpu.barrier barrier_id(%barrier3A)
    %scan3A_43 = arith.constant 0 : i32
    %scan3A_44 = arith.constant 0 : i32
    %scan3A_45 = arith.constant 37 : i32
    %scan3A_46 = arith.addi %scan3A_44, %scan3A_45 : i32
    %scan3A_47 = arith.constant 1 : i32
    %scan3A_48 = scf.for %scan3A_58 = %scan3A_44 to %scan3A_46 step %scan3A_47 iter_args(%scan3A_59 = %scan3A_43) -> (i32)  : i32 {
      %mul3A_60 = arith.constant 37 : i32
      %mul3A_61 = arith.muli %add3A, %mul3A_60 : i32
      %add3A_62 = arith.addi %mul3A_61, %scan3A_58 : i32
      %mul3A_63 = arith.constant 8 : i32
      %mul3A_64 = arith.muli %add3A_62, %mul3A_63 : i32
      "tpu.region"() ({
        %run_scoped3A = tpu.sem_alloc : memref<!tpu.dma_semaphore, #tpu.memory_space<semaphore_mem>>
        %dma_start3A_360 = arith.constant 0 : i32
        %dma_start3A_361 = tpu.memref_slice %arg2[%mul3A_64, %dma_start3A_360] : memref<9472x128xi32, #tpu.memory_space<hbm>> -> memref<8x128xi32, #tpu.memory_space<hbm>>
        %dma_start3A_362 = arith.constant 0 : i32
        %dma_start3A_363 = tpu.memref_slice %arg2[%mul3A_64, %dma_start3A_362] : memref<9472x128xi32, #tpu.memory_space<hbm>> -> memref<8x128xi32, #tpu.memory_space<hbm>>
        tpu.enqueue_dma source(%dma_start3A_363 : memref<8x128xi32, #tpu.memory_space<hbm>>) target(%arg9 : memref<8x128xi32, #tpu.memory_space<vmem>>) target_semaphore(%run_scoped3A : memref<!tpu.dma_semaphore, #tpu.memory_space<semaphore_mem>>)
        %dma_wait3A_364 = arith.constant 0 : i32
        %dma_wait3A_365 = tpu.memref_slice %arg2[%mul3A_64, %dma_wait3A_364] : memref<9472x128xi32, #tpu.memory_space<hbm>> -> memref<8x128xi32, #tpu.memory_space<hbm>>
        %dma_wait3A_366 = arith.constant 0 : i32
        %dma_wait3A_367 = tpu.memref_slice %arg2[%mul3A_64, %dma_wait3A_366] : memref<9472x128xi32, #tpu.memory_space<hbm>> -> memref<8x128xi32, #tpu.memory_space<hbm>>
        tpu.wait_dma2 semaphore(%run_scoped3A : memref<!tpu.dma_semaphore, #tpu.memory_space<semaphore_mem>>) src(%dma_wait3A_367 : memref<8x128xi32, #tpu.memory_space<hbm>>) dst(%arg9 : memref<8x128xi32, #tpu.memory_space<vmem>>)
        tpu.yield
      }) : () -> ()
      "tpu.region"() ({
        %run_scoped3A = tpu.sem_alloc : memref<!tpu.dma_semaphore, #tpu.memory_space<semaphore_mem>>
        %dma_start3A_360 = arith.constant 0 : i32
        %dma_start3A_361 = tpu.memref_slice %arg3[%mul3A_64, %dma_start3A_360] : memref<9472x128xi32, #tpu.memory_space<hbm>> -> memref<8x128xi32, #tpu.memory_space<hbm>>
        %dma_start3A_362 = arith.constant 0 : i32
        %dma_start3A_363 = tpu.memref_slice %arg3[%mul3A_64, %dma_start3A_362] : memref<9472x128xi32, #tpu.memory_space<hbm>> -> memref<8x128xi32, #tpu.memory_space<hbm>>
        tpu.enqueue_dma source(%dma_start3A_363 : memref<8x128xi32, #tpu.memory_space<hbm>>) target(%arg10 : memref<8x128xi32, #tpu.memory_space<vmem>>) target_semaphore(%run_scoped3A : memref<!tpu.dma_semaphore, #tpu.memory_space<semaphore_mem>>)
        %dma_wait3A_364 = arith.constant 0 : i32
        %dma_wait3A_365 = tpu.memref_slice %arg3[%mul3A_64, %dma_wait3A_364] : memref<9472x128xi32, #tpu.memory_space<hbm>> -> memref<8x128xi32, #tpu.memory_space<hbm>>
        %dma_wait3A_366 = arith.constant 0 : i32
        %dma_wait3A_367 = tpu.memref_slice %arg3[%mul3A_64, %dma_wait3A_366] : memref<9472x128xi32, #tpu.memory_space<hbm>> -> memref<8x128xi32, #tpu.memory_space<hbm>>
        tpu.wait_dma2 semaphore(%run_scoped3A : memref<!tpu.dma_semaphore, #tpu.memory_space<semaphore_mem>>) src(%dma_wait3A_367 : memref<8x128xi32, #tpu.memory_space<hbm>>) dst(%arg10 : memref<8x128xi32, #tpu.memory_space<vmem>>)
        tpu.yield
      }) : () -> ()
      "tpu.region"() ({
        %run_scoped3A = tpu.sem_alloc : memref<!tpu.dma_semaphore, #tpu.memory_space<semaphore_mem>>
        %dma_start3A_360 = arith.constant 0 : i32
        %dma_start3A_361 = tpu.memref_slice %arg4[%mul3A_64, %dma_start3A_360] : memref<9472x128xf32, #tpu.memory_space<hbm>> -> memref<8x128xf32, #tpu.memory_space<hbm>>
        %dma_start3A_362 = arith.constant 0 : i32
        %dma_start3A_363 = tpu.memref_slice %arg4[%mul3A_64, %dma_start3A_362] : memref<9472x128xf32, #tpu.memory_space<hbm>> -> memref<8x128xf32, #tpu.memory_space<hbm>>
        tpu.enqueue_dma source(%dma_start3A_363 : memref<8x128xf32, #tpu.memory_space<hbm>>) target(%arg11 : memref<8x128xf32, #tpu.memory_space<vmem>>) target_semaphore(%run_scoped3A : memref<!tpu.dma_semaphore, #tpu.memory_space<semaphore_mem>>)
        %dma_wait3A_364 = arith.constant 0 : i32
        %dma_wait3A_365 = tpu.memref_slice %arg4[%mul3A_64, %dma_wait3A_364] : memref<9472x128xf32, #tpu.memory_space<hbm>> -> memref<8x128xf32, #tpu.memory_space<hbm>>
        %dma_wait3A_366 = arith.constant 0 : i32
        %dma_wait3A_367 = tpu.memref_slice %arg4[%mul3A_64, %dma_wait3A_366] : memref<9472x128xf32, #tpu.memory_space<hbm>> -> memref<8x128xf32, #tpu.memory_space<hbm>>
        tpu.wait_dma2 semaphore(%run_scoped3A : memref<!tpu.dma_semaphore, #tpu.memory_space<semaphore_mem>>) src(%dma_wait3A_367 : memref<8x128xf32, #tpu.memory_space<hbm>>) dst(%arg11 : memref<8x128xf32, #tpu.memory_space<vmem>>)
        tpu.yield
      }) : () -> ()
      %dma_start3A = arith.constant 0 : i32
      %dma_start3A_65 = arith.constant 0 : i32
      %dma_start3A_66 = arith.constant 0 : i32
      %dma_start3A_67 = tpu.memref_slice %arg12[%dma_start3A_65, %dma_start3A_66] : memref<8x128xi32, #tpu.memory_space<vmem>> -> memref<1x128xi32, #tpu.memory_space<vmem>>
      %dma_start3A_68 = tpu.memref_squeeze %dma_start3A_67 : memref<1x128xi32, #tpu.memory_space<vmem>> -> memref<128xi32, #tpu.memory_space<vmem>>
      %dma_start3A_69 = arith.constant 0 : i32
      %dma_start3A_70 = tpu.memref_slice %arg9[%dma_start3A, %dma_start3A_69] : memref<8x128xi32, #tpu.memory_space<vmem>> -> memref<1x128xi32, #tpu.memory_space<vmem>>
      %dma_start3A_71 = tpu.memref_squeeze %dma_start3A_70 : memref<1x128xi32, #tpu.memory_space<vmem>> -> memref<128xi32, #tpu.memory_space<vmem>>
      %dma_start3A_72 = arith.constant 0 : i32
      %dma_start3A_73 = tpu.memref_slice %arg5[%dma_start3A_72] : memref<100096xi32, #tpu.memory_space<hbm>> -> memref<100096xi32, #tpu.memory_space<hbm>>
      tpu.enqueue_indirect_dma source(%dma_start3A_73 : memref<100096xi32, #tpu.memory_space<hbm>>) target(%dma_start3A_68 : memref<128xi32, #tpu.memory_space<vmem>>) offsets(%dma_start3A_71 : memref<128xi32, #tpu.memory_space<vmem>>) semaphore(%arg20 : memref<!tpu.dma_semaphore, #tpu.memory_space<semaphore_mem>>)
      %dma_start3A_74 = arith.constant 1 : i32
      %dma_start3A_75 = arith.constant 1 : i32
      %dma_start3A_76 = arith.constant 0 : i32
      %dma_start3A_77 = tpu.memref_slice %arg12[%dma_start3A_75, %dma_start3A_76] : memref<8x128xi32, #tpu.memory_space<vmem>> -> memref<1x128xi32, #tpu.memory_space<vmem>>
      %dma_start3A_78 = tpu.memref_squeeze %dma_start3A_77 : memref<1x128xi32, #tpu.memory_space<vmem>> -> memref<128xi32, #tpu.memory_space<vmem>>
      %dma_start3A_79 = arith.constant 0 : i32
      %dma_start3A_80 = tpu.memref_slice %arg9[%dma_start3A_74, %dma_start3A_79] : memref<8x128xi32, #tpu.memory_space<vmem>> -> memref<1x128xi32, #tpu.memory_space<vmem>>
      %dma_start3A_81 = tpu.memref_squeeze %dma_start3A_80 : memref<1x128xi32, #tpu.memory_space<vmem>> -> memref<128xi32, #tpu.memory_space<vmem>>
      %dma_start3A_82 = arith.constant 0 : i32
      %dma_start3A_83 = tpu.memref_slice %arg5[%dma_start3A_82] : memref<100096xi32, #tpu.memory_space<hbm>> -> memref<100096xi32, #tpu.memory_space<hbm>>
      tpu.enqueue_indirect_dma source(%dma_start3A_83 : memref<100096xi32, #tpu.memory_space<hbm>>) target(%dma_start3A_78 : memref<128xi32, #tpu.memory_space<vmem>>) offsets(%dma_start3A_81 : memref<128xi32, #tpu.memory_space<vmem>>) semaphore(%arg20 : memref<!tpu.dma_semaphore, #tpu.memory_space<semaphore_mem>>)
      %dma_start3A_84 = arith.constant 2 : i32
      %dma_start3A_85 = arith.constant 2 : i32
      %dma_start3A_86 = arith.constant 0 : i32
      %dma_start3A_87 = tpu.memref_slice %arg12[%dma_start3A_85, %dma_start3A_86] : memref<8x128xi32, #tpu.memory_space<vmem>> -> memref<1x128xi32, #tpu.memory_space<vmem>>
      %dma_start3A_88 = tpu.memref_squeeze %dma_start3A_87 : memref<1x128xi32, #tpu.memory_space<vmem>> -> memref<128xi32, #tpu.memory_space<vmem>>
      %dma_start3A_89 = arith.constant 0 : i32
      %dma_start3A_90 = tpu.memref_slice %arg9[%dma_start3A_84, %dma_start3A_89] : memref<8x128xi32, #tpu.memory_space<vmem>> -> memref<1x128xi32, #tpu.memory_space<vmem>>
      %dma_start3A_91 = tpu.memref_squeeze %dma_start3A_90 : memref<1x128xi32, #tpu.memory_space<vmem>> -> memref<128xi32, #tpu.memory_space<vmem>>
      %dma_start3A_92 = arith.constant 0 : i32
      %dma_start3A_93 = tpu.memref_slice %arg5[%dma_start3A_92] : memref<100096xi32, #tpu.memory_space<hbm>> -> memref<100096xi32, #tpu.memory_space<hbm>>
      tpu.enqueue_indirect_dma source(%dma_start3A_93 : memref<100096xi32, #tpu.memory_space<hbm>>) target(%dma_start3A_88 : memref<128xi32, #tpu.memory_space<vmem>>) offsets(%dma_start3A_91 : memref<128xi32, #tpu.memory_space<vmem>>) semaphore(%arg20 : memref<!tpu.dma_semaphore, #tpu.memory_space<semaphore_mem>>)
      %dma_start3A_94 = arith.constant 3 : i32
      %dma_start3A_95 = arith.constant 3 : i32
      %dma_start3A_96 = arith.constant 0 : i32
      %dma_start3A_97 = tpu.memref_slice %arg12[%dma_start3A_95, %dma_start3A_96] : memref<8x128xi32, #tpu.memory_space<vmem>> -> memref<1x128xi32, #tpu.memory_space<vmem>>
      %dma_start3A_98 = tpu.memref_squeeze %dma_start3A_97 : memref<1x128xi32, #tpu.memory_space<vmem>> -> memref<128xi32, #tpu.memory_space<vmem>>
      %dma_start3A_99 = arith.constant 0 : i32
      %dma_start3A_100 = tpu.memref_slice %arg9[%dma_start3A_94, %dma_start3A_99] : memref<8x128xi32, #tpu.memory_space<vmem>> -> memref<1x128xi32, #tpu.memory_space<vmem>>
      %dma_start3A_101 = tpu.memref_squeeze %dma_start3A_100 : memref<1x128xi32, #tpu.memory_space<vmem>> -> memref<128xi32, #tpu.memory_space<vmem>>
      %dma_start3A_102 = arith.constant 0 : i32
      %dma_start3A_103 = tpu.memref_slice %arg5[%dma_start3A_102] : memref<100096xi32, #tpu.memory_space<hbm>> -> memref<100096xi32, #tpu.memory_space<hbm>>
      tpu.enqueue_indirect_dma source(%dma_start3A_103 : memref<100096xi32, #tpu.memory_space<hbm>>) target(%dma_start3A_98 : memref<128xi32, #tpu.memory_space<vmem>>) offsets(%dma_start3A_101 : memref<128xi32, #tpu.memory_space<vmem>>) semaphore(%arg20 : memref<!tpu.dma_semaphore, #tpu.memory_space<semaphore_mem>>)
      %dma_start3A_104 = arith.constant 4 : i32
      %dma_start3A_105 = arith.constant 4 : i32
      %dma_start3A_106 = arith.constant 0 : i32
      %dma_start3A_107 = tpu.memref_slice %arg12[%dma_start3A_105, %dma_start3A_106] : memref<8x128xi32, #tpu.memory_space<vmem>> -> memref<1x128xi32, #tpu.memory_space<vmem>>
      %dma_start3A_108 = tpu.memref_squeeze %dma_start3A_107 : memref<1x128xi32, #tpu.memory_space<vmem>> -> memref<128xi32, #tpu.memory_space<vmem>>
      %dma_start3A_109 = arith.constant 0 : i32
      %dma_start3A_110 = tpu.memref_slice %arg9[%dma_start3A_104, %dma_start3A_109] : memref<8x128xi32, #tpu.memory_space<vmem>> -> memref<1x128xi32, #tpu.memory_space<vmem>>
      %dma_start3A_111 = tpu.memref_squeeze %dma_start3A_110 : memref<1x128xi32, #tpu.memory_space<vmem>> -> memref<128xi32, #tpu.memory_space<vmem>>
      %dma_start3A_112 = arith.constant 0 : i32
      %dma_start3A_113 = tpu.memref_slice %arg5[%dma_start3A_112] : memref<100096xi32, #tpu.memory_space<hbm>> -> memref<100096xi32, #tpu.memory_space<hbm>>
      tpu.enqueue_indirect_dma source(%dma_start3A_113 : memref<100096xi32, #tpu.memory_space<hbm>>) target(%dma_start3A_108 : memref<128xi32, #tpu.memory_space<vmem>>) offsets(%dma_start3A_111 : memref<128xi32, #tpu.memory_space<vmem>>) semaphore(%arg20 : memref<!tpu.dma_semaphore, #tpu.memory_space<semaphore_mem>>)
      %dma_start3A_114 = arith.constant 5 : i32
      %dma_start3A_115 = arith.constant 5 : i32
      %dma_start3A_116 = arith.constant 0 : i32
      %dma_start3A_117 = tpu.memref_slice %arg12[%dma_start3A_115, %dma_start3A_116] : memref<8x128xi32, #tpu.memory_space<vmem>> -> memref<1x128xi32, #tpu.memory_space<vmem>>
      %dma_start3A_118 = tpu.memref_squeeze %dma_start3A_117 : memref<1x128xi32, #tpu.memory_space<vmem>> -> memref<128xi32, #tpu.memory_space<vmem>>
      %dma_start3A_119 = arith.constant 0 : i32
      %dma_start3A_120 = tpu.memref_slice %arg9[%dma_start3A_114, %dma_start3A_119] : memref<8x128xi32, #tpu.memory_space<vmem>> -> memref<1x128xi32, #tpu.memory_space<vmem>>
      %dma_start3A_121 = tpu.memref_squeeze %dma_start3A_120 : memref<1x128xi32, #tpu.memory_space<vmem>> -> memref<128xi32, #tpu.memory_space<vmem>>
      %dma_start3A_122 = arith.constant 0 : i32
      %dma_start3A_123 = tpu.memref_slice %arg5[%dma_start3A_122] : memref<100096xi32, #tpu.memory_space<hbm>> -> memref<100096xi32, #tpu.memory_space<hbm>>
      tpu.enqueue_indirect_dma source(%dma_start3A_123 : memref<100096xi32, #tpu.memory_space<hbm>>) target(%dma_start3A_118 : memref<128xi32, #tpu.memory_space<vmem>>) offsets(%dma_start3A_121 : memref<128xi32, #tpu.memory_space<vmem>>) semaphore(%arg20 : memref<!tpu.dma_semaphore, #tpu.memory_space<semaphore_mem>>)
      %dma_start3A_124 = arith.constant 6 : i32
      %dma_start3A_125 = arith.constant 6 : i32
      %dma_start3A_126 = arith.constant 0 : i32
      %dma_start3A_127 = tpu.memref_slice %arg12[%dma_start3A_125, %dma_start3A_126] : memref<8x128xi32, #tpu.memory_space<vmem>> -> memref<1x128xi32, #tpu.memory_space<vmem>>
      %dma_start3A_128 = tpu.memref_squeeze %dma_start3A_127 : memref<1x128xi32, #tpu.memory_space<vmem>> -> memref<128xi32, #tpu.memory_space<vmem>>
      %dma_start3A_129 = arith.constant 0 : i32
      %dma_start3A_130 = tpu.memref_slice %arg9[%dma_start3A_124, %dma_start3A_129] : memref<8x128xi32, #tpu.memory_space<vmem>> -> memref<1x128xi32, #tpu.memory_space<vmem>>
      %dma_start3A_131 = tpu.memref_squeeze %dma_start3A_130 : memref<1x128xi32, #tpu.memory_space<vmem>> -> memref<128xi32, #tpu.memory_space<vmem>>
      %dma_start3A_132 = arith.constant 0 : i32
      %dma_start3A_133 = tpu.memref_slice %arg5[%dma_start3A_132] : memref<100096xi32, #tpu.memory_space<hbm>> -> memref<100096xi32, #tpu.memory_space<hbm>>
      tpu.enqueue_indirect_dma source(%dma_start3A_133 : memref<100096xi32, #tpu.memory_space<hbm>>) target(%dma_start3A_128 : memref<128xi32, #tpu.memory_space<vmem>>) offsets(%dma_start3A_131 : memref<128xi32, #tpu.memory_space<vmem>>) semaphore(%arg20 : memref<!tpu.dma_semaphore, #tpu.memory_space<semaphore_mem>>)
      %dma_start3A_134 = arith.constant 7 : i32
      %dma_start3A_135 = arith.constant 7 : i32
      %dma_start3A_136 = arith.constant 0 : i32
      %dma_start3A_137 = tpu.memref_slice %arg12[%dma_start3A_135, %dma_start3A_136] : memref<8x128xi32, #tpu.memory_space<vmem>> -> memref<1x128xi32, #tpu.memory_space<vmem>>
      %dma_start3A_138 = tpu.memref_squeeze %dma_start3A_137 : memref<1x128xi32, #tpu.memory_space<vmem>> -> memref<128xi32, #tpu.memory_space<vmem>>
      %dma_start3A_139 = arith.constant 0 : i32
      %dma_start3A_140 = tpu.memref_slice %arg9[%dma_start3A_134, %dma_start3A_139] : memref<8x128xi32, #tpu.memory_space<vmem>> -> memref<1x128xi32, #tpu.memory_space<vmem>>
      %dma_start3A_141 = tpu.memref_squeeze %dma_start3A_140 : memref<1x128xi32, #tpu.memory_space<vmem>> -> memref<128xi32, #tpu.memory_space<vmem>>
      %dma_start3A_142 = arith.constant 0 : i32
      %dma_start3A_143 = tpu.memref_slice %arg5[%dma_start3A_142] : memref<100096xi32, #tpu.memory_space<hbm>> -> memref<100096xi32, #tpu.memory_space<hbm>>
      tpu.enqueue_indirect_dma source(%dma_start3A_143 : memref<100096xi32, #tpu.memory_space<hbm>>) target(%dma_start3A_138 : memref<128xi32, #tpu.memory_space<vmem>>) offsets(%dma_start3A_141 : memref<128xi32, #tpu.memory_space<vmem>>) semaphore(%arg20 : memref<!tpu.dma_semaphore, #tpu.memory_space<semaphore_mem>>)
      %dma_wait3A = arith.constant 0 : i32
      %dma_wait3A_144 = arith.constant 0 : i32
      %dma_wait3A_145 = arith.constant 0 : i32
      %dma_wait3A_146 = tpu.memref_slice %arg12[%dma_wait3A_144, %dma_wait3A_145] : memref<8x128xi32, #tpu.memory_space<vmem>> -> memref<1x128xi32, #tpu.memory_space<vmem>>
      %dma_wait3A_147 = tpu.memref_squeeze %dma_wait3A_146 : memref<1x128xi32, #tpu.memory_space<vmem>> -> memref<128xi32, #tpu.memory_space<vmem>>
      %dma_wait3A_148 = arith.constant 0 : i32
      %dma_wait3A_149 = tpu.memref_slice %arg9[%dma_wait3A, %dma_wait3A_148] : memref<8x128xi32, #tpu.memory_space<vmem>> -> memref<1x128xi32, #tpu.memory_space<vmem>>
      %dma_wait3A_150 = tpu.memref_squeeze %dma_wait3A_149 : memref<1x128xi32, #tpu.memory_space<vmem>> -> memref<128xi32, #tpu.memory_space<vmem>>
      %dma_wait3A_151 = arith.constant 0 : i32
      %dma_wait3A_152 = tpu.memref_slice %arg5[%dma_wait3A_151] : memref<100096xi32, #tpu.memory_space<hbm>> -> memref<100096xi32, #tpu.memory_space<hbm>>
      tpu.wait_indirect_dma semaphore(%arg20 : memref<!tpu.dma_semaphore, #tpu.memory_space<semaphore_mem>>) src(%dma_wait3A_152 : memref<100096xi32, #tpu.memory_space<hbm>>) dst(%dma_wait3A_147 : memref<128xi32, #tpu.memory_space<vmem>>)
      %dma_wait3A_153 = arith.constant 1 : i32
      %dma_wait3A_154 = arith.constant 1 : i32
      %dma_wait3A_155 = arith.constant 0 : i32
      %dma_wait3A_156 = tpu.memref_slice %arg12[%dma_wait3A_154, %dma_wait3A_155] : memref<8x128xi32, #tpu.memory_space<vmem>> -> memref<1x128xi32, #tpu.memory_space<vmem>>
      %dma_wait3A_157 = tpu.memref_squeeze %dma_wait3A_156 : memref<1x128xi32, #tpu.memory_space<vmem>> -> memref<128xi32, #tpu.memory_space<vmem>>
      %dma_wait3A_158 = arith.constant 0 : i32
      %dma_wait3A_159 = tpu.memref_slice %arg9[%dma_wait3A_153, %dma_wait3A_158] : memref<8x128xi32, #tpu.memory_space<vmem>> -> memref<1x128xi32, #tpu.memory_space<vmem>>
      %dma_wait3A_160 = tpu.memref_squeeze %dma_wait3A_159 : memref<1x128xi32, #tpu.memory_space<vmem>> -> memref<128xi32, #tpu.memory_space<vmem>>
      %dma_wait3A_161 = arith.constant 0 : i32
      %dma_wait3A_162 = tpu.memref_slice %arg5[%dma_wait3A_161] : memref<100096xi32, #tpu.memory_space<hbm>> -> memref<100096xi32, #tpu.memory_space<hbm>>
      tpu.wait_indirect_dma semaphore(%arg20 : memref<!tpu.dma_semaphore, #tpu.memory_space<semaphore_mem>>) src(%dma_wait3A_162 : memref<100096xi32, #tpu.memory_space<hbm>>) dst(%dma_wait3A_157 : memref<128xi32, #tpu.memory_space<vmem>>)
      %dma_wait3A_163 = arith.constant 2 : i32
      %dma_wait3A_164 = arith.constant 2 : i32
      %dma_wait3A_165 = arith.constant 0 : i32
      %dma_wait3A_166 = tpu.memref_slice %arg12[%dma_wait3A_164, %dma_wait3A_165] : memref<8x128xi32, #tpu.memory_space<vmem>> -> memref<1x128xi32, #tpu.memory_space<vmem>>
      %dma_wait3A_167 = tpu.memref_squeeze %dma_wait3A_166 : memref<1x128xi32, #tpu.memory_space<vmem>> -> memref<128xi32, #tpu.memory_space<vmem>>
      %dma_wait3A_168 = arith.constant 0 : i32
      %dma_wait3A_169 = tpu.memref_slice %arg9[%dma_wait3A_163, %dma_wait3A_168] : memref<8x128xi32, #tpu.memory_space<vmem>> -> memref<1x128xi32, #tpu.memory_space<vmem>>
      %dma_wait3A_170 = tpu.memref_squeeze %dma_wait3A_169 : memref<1x128xi32, #tpu.memory_space<vmem>> -> memref<128xi32, #tpu.memory_space<vmem>>
      %dma_wait3A_171 = arith.constant 0 : i32
      %dma_wait3A_172 = tpu.memref_slice %arg5[%dma_wait3A_171] : memref<100096xi32, #tpu.memory_space<hbm>> -> memref<100096xi32, #tpu.memory_space<hbm>>
      tpu.wait_indirect_dma semaphore(%arg20 : memref<!tpu.dma_semaphore, #tpu.memory_space<semaphore_mem>>) src(%dma_wait3A_172 : memref<100096xi32, #tpu.memory_space<hbm>>) dst(%dma_wait3A_167 : memref<128xi32, #tpu.memory_space<vmem>>)
      %dma_wait3A_173 = arith.constant 3 : i32
      %dma_wait3A_174 = arith.constant 3 : i32
      %dma_wait3A_175 = arith.constant 0 : i32
      %dma_wait3A_176 = tpu.memref_slice %arg12[%dma_wait3A_174, %dma_wait3A_175] : memref<8x128xi32, #tpu.memory_space<vmem>> -> memref<1x128xi32, #tpu.memory_space<vmem>>
      %dma_wait3A_177 = tpu.memref_squeeze %dma_wait3A_176 : memref<1x128xi32, #tpu.memory_space<vmem>> -> memref<128xi32, #tpu.memory_space<vmem>>
      %dma_wait3A_178 = arith.constant 0 : i32
      %dma_wait3A_179 = tpu.memref_slice %arg9[%dma_wait3A_173, %dma_wait3A_178] : memref<8x128xi32, #tpu.memory_space<vmem>> -> memref<1x128xi32, #tpu.memory_space<vmem>>
      %dma_wait3A_180 = tpu.memref_squeeze %dma_wait3A_179 : memref<1x128xi32, #tpu.memory_space<vmem>> -> memref<128xi32, #tpu.memory_space<vmem>>
      %dma_wait3A_181 = arith.constant 0 : i32
      %dma_wait3A_182 = tpu.memref_slice %arg5[%dma_wait3A_181] : memref<100096xi32, #tpu.memory_space<hbm>> -> memref<100096xi32, #tpu.memory_space<hbm>>
      tpu.wait_indirect_dma semaphore(%arg20 : memref<!tpu.dma_semaphore, #tpu.memory_space<semaphore_mem>>) src(%dma_wait3A_182 : memref<100096xi32, #tpu.memory_space<hbm>>) dst(%dma_wait3A_177 : memref<128xi32, #tpu.memory_space<vmem>>)
      %dma_wait3A_183 = arith.constant 4 : i32
      %dma_wait3A_184 = arith.constant 4 : i32
      %dma_wait3A_185 = arith.constant 0 : i32
      %dma_wait3A_186 = tpu.memref_slice %arg12[%dma_wait3A_184, %dma_wait3A_185] : memref<8x128xi32, #tpu.memory_space<vmem>> -> memref<1x128xi32, #tpu.memory_space<vmem>>
      %dma_wait3A_187 = tpu.memref_squeeze %dma_wait3A_186 : memref<1x128xi32, #tpu.memory_space<vmem>> -> memref<128xi32, #tpu.memory_space<vmem>>
      %dma_wait3A_188 = arith.constant 0 : i32
      %dma_wait3A_189 = tpu.memref_slice %arg9[%dma_wait3A_183, %dma_wait3A_188] : memref<8x128xi32, #tpu.memory_space<vmem>> -> memref<1x128xi32, #tpu.memory_space<vmem>>
      %dma_wait3A_190 = tpu.memref_squeeze %dma_wait3A_189 : memref<1x128xi32, #tpu.memory_space<vmem>> -> memref<128xi32, #tpu.memory_space<vmem>>
      %dma_wait3A_191 = arith.constant 0 : i32
      %dma_wait3A_192 = tpu.memref_slice %arg5[%dma_wait3A_191] : memref<100096xi32, #tpu.memory_space<hbm>> -> memref<100096xi32, #tpu.memory_space<hbm>>
      tpu.wait_indirect_dma semaphore(%arg20 : memref<!tpu.dma_semaphore, #tpu.memory_space<semaphore_mem>>) src(%dma_wait3A_192 : memref<100096xi32, #tpu.memory_space<hbm>>) dst(%dma_wait3A_187 : memref<128xi32, #tpu.memory_space<vmem>>)
      %dma_wait3A_193 = arith.constant 5 : i32
      %dma_wait3A_194 = arith.constant 5 : i32
      %dma_wait3A_195 = arith.constant 0 : i32
      %dma_wait3A_196 = tpu.memref_slice %arg12[%dma_wait3A_194, %dma_wait3A_195] : memref<8x128xi32, #tpu.memory_space<vmem>> -> memref<1x128xi32, #tpu.memory_space<vmem>>
      %dma_wait3A_197 = tpu.memref_squeeze %dma_wait3A_196 : memref<1x128xi32, #tpu.memory_space<vmem>> -> memref<128xi32, #tpu.memory_space<vmem>>
      %dma_wait3A_198 = arith.constant 0 : i32
      %dma_wait3A_199 = tpu.memref_slice %arg9[%dma_wait3A_193, %dma_wait3A_198] : memref<8x128xi32, #tpu.memory_space<vmem>> -> memref<1x128xi32, #tpu.memory_space<vmem>>
      %dma_wait3A_200 = tpu.memref_squeeze %dma_wait3A_199 : memref<1x128xi32, #tpu.memory_space<vmem>> -> memref<128xi32, #tpu.memory_space<vmem>>
      %dma_wait3A_201 = arith.constant 0 : i32
      %dma_wait3A_202 = tpu.memref_slice %arg5[%dma_wait3A_201] : memref<100096xi32, #tpu.memory_space<hbm>> -> memref<100096xi32, #tpu.memory_space<hbm>>
      tpu.wait_indirect_dma semaphore(%arg20 : memref<!tpu.dma_semaphore, #tpu.memory_space<semaphore_mem>>) src(%dma_wait3A_202 : memref<100096xi32, #tpu.memory_space<hbm>>) dst(%dma_wait3A_197 : memref<128xi32, #tpu.memory_space<vmem>>)
      %dma_wait3A_203 = arith.constant 6 : i32
      %dma_wait3A_204 = arith.constant 6 : i32
      %dma_wait3A_205 = arith.constant 0 : i32
      %dma_wait3A_206 = tpu.memref_slice %arg12[%dma_wait3A_204, %dma_wait3A_205] : memref<8x128xi32, #tpu.memory_space<vmem>> -> memref<1x128xi32, #tpu.memory_space<vmem>>
      %dma_wait3A_207 = tpu.memref_squeeze %dma_wait3A_206 : memref<1x128xi32, #tpu.memory_space<vmem>> -> memref<128xi32, #tpu.memory_space<vmem>>
      %dma_wait3A_208 = arith.constant 0 : i32
      %dma_wait3A_209 = tpu.memref_slice %arg9[%dma_wait3A_203, %dma_wait3A_208] : memref<8x128xi32, #tpu.memory_space<vmem>> -> memref<1x128xi32, #tpu.memory_space<vmem>>
      %dma_wait3A_210 = tpu.memref_squeeze %dma_wait3A_209 : memref<1x128xi32, #tpu.memory_space<vmem>> -> memref<128xi32, #tpu.memory_space<vmem>>
      %dma_wait3A_211 = arith.constant 0 : i32
      %dma_wait3A_212 = tpu.memref_slice %arg5[%dma_wait3A_211] : memref<100096xi32, #tpu.memory_space<hbm>> -> memref<100096xi32, #tpu.memory_space<hbm>>
      tpu.wait_indirect_dma semaphore(%arg20 : memref<!tpu.dma_semaphore, #tpu.memory_space<semaphore_mem>>) src(%dma_wait3A_212 : memref<100096xi32, #tpu.memory_space<hbm>>) dst(%dma_wait3A_207 : memref<128xi32, #tpu.memory_space<vmem>>)
      %dma_wait3A_213 = arith.constant 7 : i32
      %dma_wait3A_214 = arith.constant 7 : i32
      %dma_wait3A_215 = arith.constant 0 : i32
      %dma_wait3A_216 = tpu.memref_slice %arg12[%dma_wait3A_214, %dma_wait3A_215] : memref<8x128xi32, #tpu.memory_space<vmem>> -> memref<1x128xi32, #tpu.memory_space<vmem>>
      %dma_wait3A_217 = tpu.memref_squeeze %dma_wait3A_216 : memref<1x128xi32, #tpu.memory_space<vmem>> -> memref<128xi32, #tpu.memory_space<vmem>>
      %dma_wait3A_218 = arith.constant 0 : i32
      %dma_wait3A_219 = tpu.memref_slice %arg9[%dma_wait3A_213, %dma_wait3A_218] : memref<8x128xi32, #tpu.memory_space<vmem>> -> memref<1x128xi32, #tpu.memory_space<vmem>>
      %dma_wait3A_220 = tpu.memref_squeeze %dma_wait3A_219 : memref<1x128xi32, #tpu.memory_space<vmem>> -> memref<128xi32, #tpu.memory_space<vmem>>
      %dma_wait3A_221 = arith.constant 0 : i32
      %dma_wait3A_222 = tpu.memref_slice %arg5[%dma_wait3A_221] : memref<100096xi32, #tpu.memory_space<hbm>> -> memref<100096xi32, #tpu.memory_space<hbm>>
      tpu.wait_indirect_dma semaphore(%arg20 : memref<!tpu.dma_semaphore, #tpu.memory_space<semaphore_mem>>) src(%dma_wait3A_222 : memref<100096xi32, #tpu.memory_space<hbm>>) dst(%dma_wait3A_217 : memref<128xi32, #tpu.memory_space<vmem>>)
      %scan3A_223 = arith.constant 0 : i32
      %scan3A_224 = arith.constant 0 : i32
      %scan3A_225 = arith.constant 64 : i32
      %scan3A_226 = arith.addi %scan3A_224, %scan3A_225 : i32
      %scan3A_227 = arith.constant 1 : i32
      %scan3A_228 = scf.for %scan3A_360 = %scan3A_224 to %scan3A_226 step %scan3A_227 iter_args(%scan3A_361 = %scan3A_223) -> (i32)  : i32 {
        %jit3A_362 = arith.constant 8 : i32
        %div3A_363 = arith.divsi %scan3A_360, %jit3A_362 : i32
        %sign3A_364 = arith.constant 0 : i32
        %sign3A_365 = arith.cmpi sgt, %scan3A_360, %sign3A_364 : i32
        %sign3A_366 = arith.extui %sign3A_365 : i1 to i32
        %sign3A_367 = arith.constant 0 : i32
        %sign3A_368 = arith.cmpi slt, %scan3A_360, %sign3A_367 : i32
        %sign3A_369 = arith.extui %sign3A_368 : i1 to i32
        %sign3A_370 = arith.subi %sign3A_366, %sign3A_369 : i32
        %sign3A_371 = arith.constant 0 : i32
        %sign3A_372 = arith.cmpi sgt, %jit3A_362, %sign3A_371 : i32
        %sign3A_373 = arith.extui %sign3A_372 : i1 to i32
        %sign3A_374 = arith.constant 0 : i32
        %sign3A_375 = arith.cmpi slt, %jit3A_362, %sign3A_374 : i32
        %sign3A_376 = arith.extui %sign3A_375 : i1 to i32
        %sign3A_377 = arith.subi %sign3A_373, %sign3A_376 : i32
        %ne3A_378 = arith.cmpi ne, %sign3A_370, %sign3A_377 : i32
        %rem3A_379 = arith.remsi %scan3A_360, %jit3A_362 : i32
        %ne3A_380 = arith.constant 0 : i32
        %ne3A_381 = arith.cmpi ne, %rem3A_379, %ne3A_380 : i32
        %and3A_382 = arith.andi %ne3A_378, %ne3A_381 : i1
        %sub3A_383 = arith.constant 1 : i32
        %sub3A_384 = arith.subi %div3A_363, %sub3A_383 : i32
        %select_n3A_385 = arith.select %and3A_382, %sub3A_384, %div3A_363 : i32
        %jit3A_386 = arith.constant 8 : i32
        %eq3A = arith.constant 0 : i32
        %eq3A_387 = arith.cmpi eq, %jit3A_386, %eq3A : i32
        %jit3A_388 = arith.constant 1 : i32
        %select_n3A_389 = arith.select %eq3A_387, %jit3A_388, %jit3A_386 : i32
        %rem3A_390 = arith.remsi %scan3A_360, %select_n3A_389 : i32
        %ne3A_391 = arith.constant 0 : i32
        %ne3A_392 = arith.cmpi ne, %rem3A_390, %ne3A_391 : i32
        %lt3A = arith.constant 0 : i32
        %lt3A_393 = arith.cmpi slt, %rem3A_390, %lt3A : i32
        %lt3A_394 = arith.constant 0 : i32
        %lt3A_395 = arith.cmpi slt, %select_n3A_389, %lt3A_394 : i32
        %ne3A_396 = arith.xori %lt3A_393, %lt3A_395 : i1
        %and3A_397 = arith.andi %ne3A_396, %ne3A_392 : i1
        %add3A_398 = arith.addi %rem3A_390, %select_n3A_389 : i32
        %select_n3A_399 = arith.select %and3A_397, %add3A_398, %rem3A_390 : i32
        %mul3A_400 = arith.constant 16 : i32
        %mul3A_401 = arith.muli %select_n3A_399, %mul3A_400 : i32
        %get3A = arith.index_cast %select_n3A_385 : i32 to index
        %get3A_402 = arith.index_cast %mul3A_401 : i32 to index
        %get3A_403 = tpu.vector_load %arg12[%get3A, %get3A_402] {strides = array<i32>} : memref<8x128xi32, #tpu.memory_space<vmem>>, vector<16xi32>,
        %get3A_404 = arith.index_cast %select_n3A_385 : i32 to index
        %get3A_405 = arith.index_cast %mul3A_401 : i32 to index
        %get3A_406 = tpu.vector_load %arg10[%get3A_404, %get3A_405] {strides = array<i32>} : memref<8x128xi32, #tpu.memory_space<vmem>>, vector<16xi32>,
        %get3A_407 = arith.index_cast %select_n3A_385 : i32 to index
        %get3A_408 = arith.index_cast %mul3A_401 : i32 to index
        %get3A_409 = tpu.vector_load %arg11[%get3A_407, %get3A_408] {strides = array<i32>} : memref<8x128xf32, #tpu.memory_space<vmem>>, vector<16xf32>,
        %ge3A = arith.constant 0 : i32
        %ge3A_410 = vector.broadcast %ge3A : i32 to vector<16xi32>
        %ge3A_411 = arith.cmpi sge, %get3A_403, %ge3A_410 : vector<16xi32>
        %masked_sort3A = arith.constant dense<true> : vector<16xi1>
        %masked_sort3A_412 = arith.constant -2147483648 : i32
        %masked_sort3A_413 = vector.broadcast %masked_sort3A_412 : i32 to vector<16xi32>
        %masked_sort3A_414 = arith.xori %get3A_403, %masked_sort3A_413 : vector<16xi32>
        %masked_sort3A_415, %masked_sort3A_416, %masked_sort3A_417 = tpu.sort %masked_sort3A_414, %get3A_406 masked %masked_sort3A {descending = true} : (vector<16xi32>, vector<16xi32>, vector<16xi1>) -> (vector<16xi1>, vector<16xi32>, vector<16xi32>)
        %masked_sort3A_418 = arith.xori %masked_sort3A_416, %masked_sort3A_413 : vector<16xi32>
        %masked_sort3A_419 = arith.constant dense<true> : vector<16xi1>
        %masked_sort3A_420 = arith.constant -2147483648 : i32
        %masked_sort3A_421 = vector.broadcast %masked_sort3A_420 : i32 to vector<16xi32>
        %masked_sort3A_422 = arith.xori %get3A_403, %masked_sort3A_421 : vector<16xi32>
        %masked_sort3A_423, %masked_sort3A_424, %masked_sort3A_425 = tpu.sort %masked_sort3A_422, %get3A_409 masked %masked_sort3A_419 {descending = true} : (vector<16xi32>, vector<16xf32>, vector<16xi1>) -> (vector<16xi1>, vector<16xi32>, vector<16xf32>)
        %masked_sort3A_426 = arith.xori %masked_sort3A_424, %masked_sort3A_421 : vector<16xi32>
        %swap3A_427 = arith.index_cast %scan3A_361 : i32 to index
        %swap3A_428 = tpu.vector_load %arg13[%swap3A_427] {strides = array<i32>} : memref<1152xi32, #tpu.memory_space<vmem>>, vector<16xi32>,
        tpu.vector_store %arg13[%swap3A_427], %masked_sort3A_418 {strides = array<i32>} : memref<1152xi32, #tpu.memory_space<vmem>>, vector<16xi32>,
        %swap3A_429 = arith.index_cast %scan3A_361 : i32 to index
        %swap3A_430 = tpu.vector_load %arg14[%swap3A_429] {strides = array<i32>} : memref<1152xi32, #tpu.memory_space<vmem>>, vector<16xi32>,
        tpu.vector_store %arg14[%swap3A_429], %masked_sort3A_417 {strides = array<i32>} : memref<1152xi32, #tpu.memory_space<vmem>>, vector<16xi32>,
        %swap3A_431 = arith.index_cast %scan3A_361 : i32 to index
        %swap3A_432 = tpu.vector_load %arg15[%swap3A_431] {strides = array<i32>} : memref<1152xf32, #tpu.memory_space<vmem>>, vector<16xf32>,
        tpu.vector_store %arg15[%swap3A_431], %masked_sort3A_425 {strides = array<i32>} : memref<1152xf32, #tpu.memory_space<vmem>>, vector<16xf32>,
        %all_reduce_population_count3A = tpu.all_reduce %ge3A_411 {dim = 0 : i64, kind = #tpu.reduction_kind<sum>} : vector<16xi1> -> vector<16xi32>
        %slice3A = vector.extract_strided_slice %all_reduce_population_count3A {offsets = [0], sizes = [1], strides = [1]} : vector<16xi32> to vector<1xi32>
        %squeeze3A = vector.extract %slice3A[0] : i32 from vector<1xi32>
        %add3A_433 = arith.addi %scan3A_361, %squeeze3A : i32
        scf.yield %add3A_433 : i32
      }
      %scan3A_229 = arith.constant 64 : i32
      %broadcast_in_dim3A = arith.constant 0.000000e+00 : f32
      %broadcast_in_dim3A_230 = vector.broadcast %broadcast_in_dim3A : f32 to vector<16xf32>
      %broadcast_in_dim3A_231 = arith.constant 8192 : i32
      %broadcast_in_dim3A_232 = vector.broadcast %broadcast_in_dim3A_231 : i32 to vector<16xi32>
      %broadcast_in_dim3A_233 = arith.constant 0 : i32
      %broadcast_in_dim3A_234 = vector.broadcast %broadcast_in_dim3A_233 : i32 to vector<16xi32>
      %add3A_235 = arith.constant 0 : i32
      %add3A_236 = arith.addi %scan3A_228, %add3A_235 : i32
      %swap3A = arith.index_cast %add3A_236 : i32 to index
      %swap3A_237 = tpu.vector_load %arg13[%swap3A] {strides = array<i32>} : memref<1152xi32, #tpu.memory_space<vmem>>, vector<16xi32>,
      tpu.vector_store %arg13[%swap3A], %broadcast_in_dim3A_232 {strides = array<i32>} : memref<1152xi32, #tpu.memory_space<vmem>>, vector<16xi32>,
      %add3A_238 = arith.constant 0 : i32
      %add3A_239 = arith.addi %scan3A_228, %add3A_238 : i32
      %swap3A_240 = arith.index_cast %add3A_239 : i32 to index
      %swap3A_241 = tpu.vector_load %arg14[%swap3A_240] {strides = array<i32>} : memref<1152xi32, #tpu.memory_space<vmem>>, vector<16xi32>,
      tpu.vector_store %arg14[%swap3A_240], %broadcast_in_dim3A_234 {strides = array<i32>} : memref<1152xi32, #tpu.memory_space<vmem>>, vector<16xi32>,
      %add3A_242 = arith.constant 0 : i32
      %add3A_243 = arith.addi %scan3A_228, %add3A_242 : i32
      %swap3A_244 = arith.index_cast %add3A_243 : i32 to index
      %swap3A_245 = tpu.vector_load %arg15[%swap3A_244] {strides = array<i32>} : memref<1152xf32, #tpu.memory_space<vmem>>, vector<16xf32>,
      tpu.vector_store %arg15[%swap3A_244], %broadcast_in_dim3A_230 {strides = array<i32>} : memref<1152xf32, #tpu.memory_space<vmem>>, vector<16xf32>,
      %add3A_246 = arith.constant 16 : i32
      %add3A_247 = arith.addi %scan3A_228, %add3A_246 : i32
      %swap3A_248 = arith.index_cast %add3A_247 : i32 to index
      %swap3A_249 = tpu.vector_load %arg13[%swap3A_248] {strides = array<i32>} : memref<1152xi32, #tpu.memory_space<vmem>>, vector<16xi32>,
      tpu.vector_store %arg13[%swap3A_248], %broadcast_in_dim3A_232 {strides = array<i32>} : memref<1152xi32, #tpu.memory_space<vmem>>, vector<16xi32>,
      %add3A_250 = arith.constant 16 : i32
      %add3A_251 = arith.addi %scan3A_228, %add3A_250 : i32
      %swap3A_252 = arith.index_cast %add3A_251 : i32 to index
      %swap3A_253 = tpu.vector_load %arg14[%swap3A_252] {strides = array<i32>} : memref<1152xi32, #tpu.memory_space<vmem>>, vector<16xi32>,
      tpu.vector_store %arg14[%swap3A_252], %broadcast_in_dim3A_234 {strides = array<i32>} : memref<1152xi32, #tpu.memory_space<vmem>>, vector<16xi32>,
      %add3A_254 = arith.constant 16 : i32
      %add3A_255 = arith.addi %scan3A_228, %add3A_254 : i32
      %swap3A_256 = arith.index_cast %add3A_255 : i32 to index
      %swap3A_257 = tpu.vector_load %arg15[%swap3A_256] {strides = array<i32>} : memref<1152xf32, #tpu.memory_space<vmem>>, vector<16xf32>,
      tpu.vector_store %arg15[%swap3A_256], %broadcast_in_dim3A_230 {strides = array<i32>} : memref<1152xf32, #tpu.memory_space<vmem>>, vector<16xf32>,
      %add3A_258 = arith.constant 32 : i32
      %add3A_259 = arith.addi %scan3A_228, %add3A_258 : i32
      %swap3A_260 = arith.index_cast %add3A_259 : i32 to index
      %swap3A_261 = tpu.vector_load %arg13[%swap3A_260] {strides = array<i32>} : memref<1152xi32, #tpu.memory_space<vmem>>, vector<16xi32>,
      tpu.vector_store %arg13[%swap3A_260], %broadcast_in_dim3A_232 {strides = array<i32>} : memref<1152xi32, #tpu.memory_space<vmem>>, vector<16xi32>,
      %add3A_262 = arith.constant 32 : i32
      %add3A_263 = arith.addi %scan3A_228, %add3A_262 : i32
      %swap3A_264 = arith.index_cast %add3A_263 : i32 to index
      %swap3A_265 = tpu.vector_load %arg14[%swap3A_264] {strides = array<i32>} : memref<1152xi32, #tpu.memory_space<vmem>>, vector<16xi32>,
      tpu.vector_store %arg14[%swap3A_264], %broadcast_in_dim3A_234 {strides = array<i32>} : memref<1152xi32, #tpu.memory_space<vmem>>, vector<16xi32>,
      %add3A_266 = arith.constant 32 : i32
      %add3A_267 = arith.addi %scan3A_228, %add3A_266 : i32
      %swap3A_268 = arith.index_cast %add3A_267 : i32 to index
      %swap3A_269 = tpu.vector_load %arg15[%swap3A_268] {strides = array<i32>} : memref<1152xf32, #tpu.memory_space<vmem>>, vector<16xf32>,
      tpu.vector_store %arg15[%swap3A_268], %broadcast_in_dim3A_230 {strides = array<i32>} : memref<1152xf32, #tpu.memory_space<vmem>>, vector<16xf32>,
      %add3A_270 = arith.constant 48 : i32
      %add3A_271 = arith.addi %scan3A_228, %add3A_270 : i32
      %swap3A_272 = arith.index_cast %add3A_271 : i32 to index
      %swap3A_273 = tpu.vector_load %arg13[%swap3A_272] {strides = array<i32>} : memref<1152xi32, #tpu.memory_space<vmem>>, vector<16xi32>,
      tpu.vector_store %arg13[%swap3A_272], %broadcast_in_dim3A_232 {strides = array<i32>} : memref<1152xi32, #tpu.memory_space<vmem>>, vector<16xi32>,
      %add3A_274 = arith.constant 48 : i32
      %add3A_275 = arith.addi %scan3A_228, %add3A_274 : i32
      %swap3A_276 = arith.index_cast %add3A_275 : i32 to index
      %swap3A_277 = tpu.vector_load %arg14[%swap3A_276] {strides = array<i32>} : memref<1152xi32, #tpu.memory_space<vmem>>, vector<16xi32>,
      tpu.vector_store %arg14[%swap3A_276], %broadcast_in_dim3A_234 {strides = array<i32>} : memref<1152xi32, #tpu.memory_space<vmem>>, vector<16xi32>,
      %add3A_278 = arith.constant 48 : i32
      %add3A_279 = arith.addi %scan3A_228, %add3A_278 : i32
      %swap3A_280 = arith.index_cast %add3A_279 : i32 to index
      %swap3A_281 = tpu.vector_load %arg15[%swap3A_280] {strides = array<i32>} : memref<1152xf32, #tpu.memory_space<vmem>>, vector<16xf32>,
      tpu.vector_store %arg15[%swap3A_280], %broadcast_in_dim3A_230 {strides = array<i32>} : memref<1152xf32, #tpu.memory_space<vmem>>, vector<16xf32>,
      %add3A_282 = arith.constant 64 : i32
      %add3A_283 = arith.addi %scan3A_228, %add3A_282 : i32
      %swap3A_284 = arith.index_cast %add3A_283 : i32 to index
      %swap3A_285 = tpu.vector_load %arg13[%swap3A_284] {strides = array<i32>} : memref<1152xi32, #tpu.memory_space<vmem>>, vector<16xi32>,
      tpu.vector_store %arg13[%swap3A_284], %broadcast_in_dim3A_232 {strides = array<i32>} : memref<1152xi32, #tpu.memory_space<vmem>>, vector<16xi32>,
      %add3A_286 = arith.constant 64 : i32
      %add3A_287 = arith.addi %scan3A_228, %add3A_286 : i32
      %swap3A_288 = arith.index_cast %add3A_287 : i32 to index
      %swap3A_289 = tpu.vector_load %arg14[%swap3A_288] {strides = array<i32>} : memref<1152xi32, #tpu.memory_space<vmem>>, vector<16xi32>,
      tpu.vector_store %arg14[%swap3A_288], %broadcast_in_dim3A_234 {strides = array<i32>} : memref<1152xi32, #tpu.memory_space<vmem>>, vector<16xi32>,
      %add3A_290 = arith.constant 64 : i32
      %add3A_291 = arith.addi %scan3A_228, %add3A_290 : i32
      %swap3A_292 = arith.index_cast %add3A_291 : i32 to index
      %swap3A_293 = tpu.vector_load %arg15[%swap3A_292] {strides = array<i32>} : memref<1152xf32, #tpu.memory_space<vmem>>, vector<16xf32>,
      tpu.vector_store %arg15[%swap3A_292], %broadcast_in_dim3A_230 {strides = array<i32>} : memref<1152xf32, #tpu.memory_space<vmem>>, vector<16xf32>,
      %add3A_294 = arith.constant 80 : i32
      %add3A_295 = arith.addi %scan3A_228, %add3A_294 : i32
      %swap3A_296 = arith.index_cast %add3A_295 : i32 to index
      %swap3A_297 = tpu.vector_load %arg13[%swap3A_296] {strides = array<i32>} : memref<1152xi32, #tpu.memory_space<vmem>>, vector<16xi32>,
      tpu.vector_store %arg13[%swap3A_296], %broadcast_in_dim3A_232 {strides = array<i32>} : memref<1152xi32, #tpu.memory_space<vmem>>, vector<16xi32>,
      %add3A_298 = arith.constant 80 : i32
      %add3A_299 = arith.addi %scan3A_228, %add3A_298 : i32
      %swap3A_300 = arith.index_cast %add3A_299 : i32 to index
      %swap3A_301 = tpu.vector_load %arg14[%swap3A_300] {strides = array<i32>} : memref<1152xi32, #tpu.memory_space<vmem>>, vector<16xi32>,
      tpu.vector_store %arg14[%swap3A_300], %broadcast_in_dim3A_234 {strides = array<i32>} : memref<1152xi32, #tpu.memory_space<vmem>>, vector<16xi32>,
      %add3A_302 = arith.constant 80 : i32
      %add3A_303 = arith.addi %scan3A_228, %add3A_302 : i32
      %swap3A_304 = arith.index_cast %add3A_303 : i32 to index
      %swap3A_305 = tpu.vector_load %arg15[%swap3A_304] {strides = array<i32>} : memref<1152xf32, #tpu.memory_space<vmem>>, vector<16xf32>,
      tpu.vector_store %arg15[%swap3A_304], %broadcast_in_dim3A_230 {strides = array<i32>} : memref<1152xf32, #tpu.memory_space<vmem>>, vector<16xf32>,
      %add3A_306 = arith.constant 96 : i32
      %add3A_307 = arith.addi %scan3A_228, %add3A_306 : i32
      %swap3A_308 = arith.index_cast %add3A_307 : i32 to index
      %swap3A_309 = tpu.vector_load %arg13[%swap3A_308] {strides = array<i32>} : memref<1152xi32, #tpu.memory_space<vmem>>, vector<16xi32>,
      tpu.vector_store %arg13[%swap3A_308], %broadcast_in_dim3A_232 {strides = array<i32>} : memref<1152xi32, #tpu.memory_space<vmem>>, vector<16xi32>,
      %add3A_310 = arith.constant 96 : i32
      %add3A_311 = arith.addi %scan3A_228, %add3A_310 : i32
      %swap3A_312 = arith.index_cast %add3A_311 : i32 to index
      %swap3A_313 = tpu.vector_load %arg14[%swap3A_312] {strides = array<i32>} : memref<1152xi32, #tpu.memory_space<vmem>>, vector<16xi32>,
      tpu.vector_store %arg14[%swap3A_312], %broadcast_in_dim3A_234 {strides = array<i32>} : memref<1152xi32, #tpu.memory_space<vmem>>, vector<16xi32>,
      %add3A_314 = arith.constant 96 : i32
      %add3A_315 = arith.addi %scan3A_228, %add3A_314 : i32
      %swap3A_316 = arith.index_cast %add3A_315 : i32 to index
      %swap3A_317 = tpu.vector_load %arg15[%swap3A_316] {strides = array<i32>} : memref<1152xf32, #tpu.memory_space<vmem>>, vector<16xf32>,
      tpu.vector_store %arg15[%swap3A_316], %broadcast_in_dim3A_230 {strides = array<i32>} : memref<1152xf32, #tpu.memory_space<vmem>>, vector<16xf32>,
      %add3A_318 = arith.constant 112 : i32
      %add3A_319 = arith.addi %scan3A_228, %add3A_318 : i32
      %swap3A_320 = arith.index_cast %add3A_319 : i32 to index
      %swap3A_321 = tpu.vector_load %arg13[%swap3A_320] {strides = array<i32>} : memref<1152xi32, #tpu.memory_space<vmem>>, vector<16xi32>,
      tpu.vector_store %arg13[%swap3A_320], %broadcast_in_dim3A_232 {strides = array<i32>} : memref<1152xi32, #tpu.memory_space<vmem>>, vector<16xi32>,
      %add3A_322 = arith.constant 112 : i32
      %add3A_323 = arith.addi %scan3A_228, %add3A_322 : i32
      %swap3A_324 = arith.index_cast %add3A_323 : i32 to index
      %swap3A_325 = tpu.vector_load %arg14[%swap3A_324] {strides = array<i32>} : memref<1152xi32, #tpu.memory_space<vmem>>, vector<16xi32>,
      tpu.vector_store %arg14[%swap3A_324], %broadcast_in_dim3A_234 {strides = array<i32>} : memref<1152xi32, #tpu.memory_space<vmem>>, vector<16xi32>,
      %add3A_326 = arith.constant 112 : i32
      %add3A_327 = arith.addi %scan3A_228, %add3A_326 : i32
      %swap3A_328 = arith.index_cast %add3A_327 : i32 to index
      %swap3A_329 = tpu.vector_load %arg15[%swap3A_328] {strides = array<i32>} : memref<1152xf32, #tpu.memory_space<vmem>>, vector<16xf32>,
      tpu.vector_store %arg15[%swap3A_328], %broadcast_in_dim3A_230 {strides = array<i32>} : memref<1152xf32, #tpu.memory_space<vmem>>, vector<16xf32>,
      %add3A_330 = arith.constant 127 : i32
      %add3A_331 = arith.addi %scan3A_228, %add3A_330 : i32
      %jit3A = arith.constant 128 : i32
      %div3A = arith.divsi %add3A_331, %jit3A : i32
      %sign3A = arith.constant 0 : i32
      %sign3A_332 = arith.cmpi sgt, %add3A_331, %sign3A : i32
      %sign3A_333 = arith.extui %sign3A_332 : i1 to i32
      %sign3A_334 = arith.constant 0 : i32
      %sign3A_335 = arith.cmpi slt, %add3A_331, %sign3A_334 : i32
      %sign3A_336 = arith.extui %sign3A_335 : i1 to i32
      %sign3A_337 = arith.subi %sign3A_333, %sign3A_336 : i32
      %sign3A_338 = arith.constant 0 : i32
      %sign3A_339 = arith.cmpi sgt, %jit3A, %sign3A_338 : i32
      %sign3A_340 = arith.extui %sign3A_339 : i1 to i32
      %sign3A_341 = arith.constant 0 : i32
      %sign3A_342 = arith.cmpi slt, %jit3A, %sign3A_341 : i32
      %sign3A_343 = arith.extui %sign3A_342 : i1 to i32
      %sign3A_344 = arith.subi %sign3A_340, %sign3A_343 : i32
      %ne3A = arith.cmpi ne, %sign3A_337, %sign3A_344 : i32
      %rem3A = arith.remsi %add3A_331, %jit3A : i32
      %ne3A_345 = arith.constant 0 : i32
      %ne3A_346 = arith.cmpi ne, %rem3A, %ne3A_345 : i32
      %and3A = arith.andi %ne3A, %ne3A_346 : i1
      %sub3A = arith.constant 1 : i32
      %sub3A_347 = arith.subi %div3A, %sub3A : i32
      %select_n3A = arith.select %and3A, %sub3A_347, %div3A : i32
      %while3A = arith.constant 0 : i32
      %while3A_348 = arith.constant 0 : i32
      %while3A_349 = arith.subi %select_n3A, %while3A : i32
      %while3A_350 = arith.addi %while3A, %while3A_349 : i32
      %while3A_351 = arith.constant 1 : i32
      %while3A_352 = arith.divsi %while3A_349, %while3A_351 : i32
      %while3A_353 = arith.muli %while3A_352, %while3A_351 : i32
      %while3A_354 = arith.addi %while3A, %while3A_353 : i32
      %while3A_355 = arith.constant 1 : i32
      %while3A_356 = scf.for %while3A_360 = %while3A to %while3A_354 step %while3A_355 iter_args(%while3A_361 = %while3A_348) -> (i32)  : i32 {
        %mul3A_362 = arith.constant 128 : i32
        %mul3A_363 = arith.muli %while3A_360, %mul3A_362 : i32
        %dma_start3A_364 = tpu.memref_slice %arg14[%mul3A_363] : memref<1152xi32, #tpu.memory_space<vmem>> -> memref<128xi32, #tpu.memory_space<vmem>>
        %dma_start3A_365 = arith.constant 0 : i32
        %dma_start3A_366 = arith.constant 0 : i32
        %dma_start3A_367 = tpu.memref_slice %arg6[%dma_start3A_365, %dma_start3A_366] : memref<100000x64xf32, #tpu.memory_space<hbm>> -> memref<100000x64xf32, #tpu.memory_space<hbm>>
        tpu.enqueue_indirect_dma source(%dma_start3A_367 : memref<100000x64xf32, #tpu.memory_space<hbm>>) target(%arg17 : memref<128x64xf32, #tpu.memory_space<vmem>>) offsets(%dma_start3A_364 : memref<128xi32, #tpu.memory_space<vmem>>) semaphore(%arg21 : memref<!tpu.dma_semaphore, #tpu.memory_space<semaphore_mem>>)
        %dma_wait3A_368 = tpu.memref_slice %arg14[%mul3A_363] : memref<1152xi32, #tpu.memory_space<vmem>> -> memref<128xi32, #tpu.memory_space<vmem>>
        %dma_wait3A_369 = arith.constant 0 : i32
        %dma_wait3A_370 = arith.constant 0 : i32
        %dma_wait3A_371 = tpu.memref_slice %arg6[%dma_wait3A_369, %dma_wait3A_370] : memref<100000x64xf32, #tpu.memory_space<hbm>> -> memref<100000x64xf32, #tpu.memory_space<hbm>>
        tpu.wait_indirect_dma semaphore(%arg21 : memref<!tpu.dma_semaphore, #tpu.memory_space<semaphore_mem>>) src(%dma_wait3A_371 : memref<100000x64xf32, #tpu.memory_space<hbm>>) dst(%arg17 : memref<128x64xf32, #tpu.memory_space<vmem>>)
        %add3A_372 = arith.constant 0 : i32
        %add3A_373 = arith.addi %mul3A_363, %add3A_372 : i32
        %get3A = arith.index_cast %add3A_373 : i32 to index
        %get3A_374 = tpu.vector_load %arg13[%get3A] {strides = array<i32>} : memref<1152xi32, #tpu.memory_space<vmem>>, vector<16xi32>,
        %swap3A_375 = arith.constant 0 : i32
        %swap3A_376 = arith.index_cast %swap3A_375 : i32 to index
        %swap3A_377 = arith.constant 0 : index
        %swap3A_378 = tpu.vector_load %arg16[%swap3A_376, %swap3A_377] {strides = array<i32>} : memref<1x128xi32, #tpu.memory_space<vmem>>, vector<16xi32>,
        tpu.vector_store %arg16[%swap3A_376, %swap3A_377], %get3A_374 {strides = array<i32>} : memref<1x128xi32, #tpu.memory_space<vmem>>, vector<16xi32>,
        %add3A_379 = arith.constant 16 : i32
        %add3A_380 = arith.addi %mul3A_363, %add3A_379 : i32
        %get3A_381 = arith.index_cast %add3A_380 : i32 to index
        %get3A_382 = tpu.vector_load %arg13[%get3A_381] {strides = array<i32>} : memref<1152xi32, #tpu.memory_space<vmem>>, vector<16xi32>,
        %swap3A_383 = arith.constant 0 : i32
        %swap3A_384 = arith.index_cast %swap3A_383 : i32 to index
        %swap3A_385 = arith.constant 16 : index
        %swap3A_386 = tpu.vector_load %arg16[%swap3A_384, %swap3A_385] {strides = array<i32>} : memref<1x128xi32, #tpu.memory_space<vmem>>, vector<16xi32>,
        tpu.vector_store %arg16[%swap3A_384, %swap3A_385], %get3A_382 {strides = array<i32>} : memref<1x128xi32, #tpu.memory_space<vmem>>, vector<16xi32>,
        %add3A_387 = arith.constant 32 : i32
        %add3A_388 = arith.addi %mul3A_363, %add3A_387 : i32
        %get3A_389 = arith.index_cast %add3A_388 : i32 to index
        %get3A_390 = tpu.vector_load %arg13[%get3A_389] {strides = array<i32>} : memref<1152xi32, #tpu.memory_space<vmem>>, vector<16xi32>,
        %swap3A_391 = arith.constant 0 : i32
        %swap3A_392 = arith.index_cast %swap3A_391 : i32 to index
        %swap3A_393 = arith.constant 32 : index
        %swap3A_394 = tpu.vector_load %arg16[%swap3A_392, %swap3A_393] {strides = array<i32>} : memref<1x128xi32, #tpu.memory_space<vmem>>, vector<16xi32>,
        tpu.vector_store %arg16[%swap3A_392, %swap3A_393], %get3A_390 {strides = array<i32>} : memref<1x128xi32, #tpu.memory_space<vmem>>, vector<16xi32>,
        %add3A_395 = arith.constant 48 : i32
        %add3A_396 = arith.addi %mul3A_363, %add3A_395 : i32
        %get3A_397 = arith.index_cast %add3A_396 : i32 to index
        %get3A_398 = tpu.vector_load %arg13[%get3A_397] {strides = array<i32>} : memref<1152xi32, #tpu.memory_space<vmem>>, vector<16xi32>,
        %swap3A_399 = arith.constant 0 : i32
        %swap3A_400 = arith.index_cast %swap3A_399 : i32 to index
        %swap3A_401 = arith.constant 48 : index
        %swap3A_402 = tpu.vector_load %arg16[%swap3A_400, %swap3A_401] {strides = array<i32>} : memref<1x128xi32, #tpu.memory_space<vmem>>, vector<16xi32>,
        tpu.vector_store %arg16[%swap3A_400, %swap3A_401], %get3A_398 {strides = array<i32>} : memref<1x128xi32, #tpu.memory_space<vmem>>, vector<16xi32>,
        %add3A_403 = arith.constant 64 : i32
        %add3A_404 = arith.addi %mul3A_363, %add3A_403 : i32
        %get3A_405 = arith.index_cast %add3A_404 : i32 to index
        %get3A_406 = tpu.vector_load %arg13[%get3A_405] {strides = array<i32>} : memref<1152xi32, #tpu.memory_space<vmem>>, vector<16xi32>,
        %swap3A_407 = arith.constant 0 : i32
        %swap3A_408 = arith.index_cast %swap3A_407 : i32 to index
        %swap3A_409 = arith.constant 64 : index
        %swap3A_410 = tpu.vector_load %arg16[%swap3A_408, %swap3A_409] {strides = array<i32>} : memref<1x128xi32, #tpu.memory_space<vmem>>, vector<16xi32>,
        tpu.vector_store %arg16[%swap3A_408, %swap3A_409], %get3A_406 {strides = array<i32>} : memref<1x128xi32, #tpu.memory_space<vmem>>, vector<16xi32>,
        %add3A_411 = arith.constant 80 : i32
        %add3A_412 = arith.addi %mul3A_363, %add3A_411 : i32
        %get3A_413 = arith.index_cast %add3A_412 : i32 to index
        %get3A_414 = tpu.vector_load %arg13[%get3A_413] {strides = array<i32>} : memref<1152xi32, #tpu.memory_space<vmem>>, vector<16xi32>,
        %swap3A_415 = arith.constant 0 : i32
        %swap3A_416 = arith.index_cast %swap3A_415 : i32 to index
        %swap3A_417 = arith.constant 80 : index
        %swap3A_418 = tpu.vector_load %arg16[%swap3A_416, %swap3A_417] {strides = array<i32>} : memref<1x128xi32, #tpu.memory_space<vmem>>, vector<16xi32>,
        tpu.vector_store %arg16[%swap3A_416, %swap3A_417], %get3A_414 {strides = array<i32>} : memref<1x128xi32, #tpu.memory_space<vmem>>, vector<16xi32>,
        %add3A_419 = arith.constant 96 : i32
        %add3A_420 = arith.addi %mul3A_363, %add3A_419 : i32
        %get3A_421 = arith.index_cast %add3A_420 : i32 to index
        %get3A_422 = tpu.vector_load %arg13[%get3A_421] {strides = array<i32>} : memref<1152xi32, #tpu.memory_space<vmem>>, vector<16xi32>,
        %swap3A_423 = arith.constant 0 : i32
        %swap3A_424 = arith.index_cast %swap3A_423 : i32 to index
        %swap3A_425 = arith.constant 96 : index
        %swap3A_426 = tpu.vector_load %arg16[%swap3A_424, %swap3A_425] {strides = array<i32>} : memref<1x128xi32, #tpu.memory_space<vmem>>, vector<16xi32>,
        tpu.vector_store %arg16[%swap3A_424, %swap3A_425], %get3A_422 {strides = array<i32>} : memref<1x128xi32, #tpu.memory_space<vmem>>, vector<16xi32>,
        %add3A_427 = arith.constant 112 : i32
        %add3A_428 = arith.addi %mul3A_363, %add3A_427 : i32
        %get3A_429 = arith.index_cast %add3A_428 : i32 to index
        %get3A_430 = tpu.vector_load %arg13[%get3A_429] {strides = array<i32>} : memref<1152xi32, #tpu.memory_space<vmem>>, vector<16xi32>,
        %swap3A_431 = arith.constant 0 : i32
        %swap3A_432 = arith.index_cast %swap3A_431 : i32 to index
        %swap3A_433 = arith.constant 112 : index
        %swap3A_434 = tpu.vector_load %arg16[%swap3A_432, %swap3A_433] {strides = array<i32>} : memref<1x128xi32, #tpu.memory_space<vmem>>, vector<16xi32>,
        tpu.vector_store %arg16[%swap3A_432, %swap3A_433], %get3A_430 {strides = array<i32>} : memref<1x128xi32, #tpu.memory_space<vmem>>, vector<16xi32>,
        %scan3A_435 = arith.constant 0 : i32
        %scan3A_436 = arith.constant 0 : i32
        %scan3A_437 = arith.constant 8 : i32
        %scan3A_438 = arith.addi %scan3A_436, %scan3A_437 : i32
        %scan3A_439 = arith.constant 1 : i32
        %scan3A_440 = scf.for %scan3A_443 = %scan3A_436 to %scan3A_438 step %scan3A_439 iter_args(%scan3A_444 = %scan3A_435) -> (i32)  : i32 {
          %mul3A_445 = arith.constant 16 : i32
          %mul3A_446 = arith.muli %scan3A_443, %mul3A_445 : i32
          %add3A_447 = arith.addi %mul3A_363, %mul3A_446 : i32
          %get3A_448 = arith.index_cast %add3A_447 : i32 to index
          %get3A_449 = tpu.vector_load %arg15[%get3A_448] {strides = array<i32>} : memref<1152xf32, #tpu.memory_space<vmem>>, vector<16xf32>,
          %slice3A = vector.extract_strided_slice %get3A_449 {offsets = [0], sizes = [1], strides = [1]} : vector<16xf32> to vector<1xf32>
          %squeeze3A = vector.extract %slice3A[0] : f32 from vector<1xf32>
          %mul3A_450 = arith.constant 16 : i32
          %mul3A_451 = arith.muli %scan3A_443, %mul3A_450 : i32
          %add3A_452 = arith.constant 0 : i32
          %add3A_453 = arith.addi %mul3A_451, %add3A_452 : i32
          %get3A_454 = arith.index_cast %add3A_453 : i32 to index
          %get3A_455 = arith.constant 0 : index
          %get3A_456 = tpu.vector_load %arg17[%get3A_454, %get3A_455] {strides = array<i32>} : memref<128x64xf32, #tpu.memory_space<vmem>>, vector<16xf32>,
          %mul3A_457 = vector.broadcast %squeeze3A : f32 to vector<16xf32>
          %mul3A_458 = arith.mulf %mul3A_457, %get3A_456 : vector<16xf32>
          %swap3A_459 = arith.index_cast %add3A_453 : i32 to index
          %swap3A_460 = arith.constant 0 : index
          %swap3A_461 = tpu.vector_load %arg18[%swap3A_459, %swap3A_460] {strides = array<i32>} : memref<128x128xf32, #tpu.memory_space<vmem>>, vector<16xf32>,
          tpu.vector_store %arg18[%swap3A_459, %swap3A_460], %mul3A_458 {strides = array<i32>} : memref<128x128xf32, #tpu.memory_space<vmem>>, vector<16xf32>,
          %mul3A_462 = arith.mulf %mul3A_458, %get3A_456 : vector<16xf32>
          %swap3A_463 = arith.index_cast %add3A_453 : i32 to index
          %swap3A_464 = arith.constant 64 : index
          %swap3A_465 = tpu.vector_load %arg18[%swap3A_463, %swap3A_464] {strides = array<i32>} : memref<128x128xf32, #tpu.memory_space<vmem>>, vector<16xf32>,
          tpu.vector_store %arg18[%swap3A_463, %swap3A_464], %mul3A_462 {strides = array<i32>} : memref<128x128xf32, #tpu.memory_space<vmem>>, vector<16xf32>,
          %get3A_466 = arith.index_cast %add3A_453 : i32 to index
          %get3A_467 = arith.constant 16 : index
          %get3A_468 = tpu.vector_load %arg17[%get3A_466, %get3A_467] {strides = array<i32>} : memref<128x64xf32, #tpu.memory_space<vmem>>, vector<16xf32>,
          %mul3A_469 = vector.broadcast %squeeze3A : f32 to vector<16xf32>
          %mul3A_470 = arith.mulf %mul3A_469, %get3A_468 : vector<16xf32>
          %swap3A_471 = arith.index_cast %add3A_453 : i32 to index
          %swap3A_472 = arith.constant 16 : index
          %swap3A_473 = tpu.vector_load %arg18[%swap3A_471, %swap3A_472] {strides = array<i32>} : memref<128x128xf32, #tpu.memory_space<vmem>>, vector<16xf32>,
          tpu.vector_store %arg18[%swap3A_471, %swap3A_472], %mul3A_470 {strides = array<i32>} : memref<128x128xf32, #tpu.memory_space<vmem>>, vector<16xf32>,
          %mul3A_474 = arith.mulf %mul3A_470, %get3A_468 : vector<16xf32>
          %swap3A_475 = arith.index_cast %add3A_453 : i32 to index
          %swap3A_476 = arith.constant 80 : index
          %swap3A_477 = tpu.vector_load %arg18[%swap3A_475, %swap3A_476] {strides = array<i32>} : memref<128x128xf32, #tpu.memory_space<vmem>>, vector<16xf32>,
          tpu.vector_store %arg18[%swap3A_475, %swap3A_476], %mul3A_474 {strides = array<i32>} : memref<128x128xf32, #tpu.memory_space<vmem>>, vector<16xf32>,
          %get3A_478 = arith.index_cast %add3A_453 : i32 to index
          %get3A_479 = arith.constant 32 : index
          %get3A_480 = tpu.vector_load %arg17[%get3A_478, %get3A_479] {strides = array<i32>} : memref<128x64xf32, #tpu.memory_space<vmem>>, vector<16xf32>,
          %mul3A_481 = vector.broadcast %squeeze3A : f32 to vector<16xf32>
          %mul3A_482 = arith.mulf %mul3A_481, %get3A_480 : vector<16xf32>
          %swap3A_483 = arith.index_cast %add3A_453 : i32 to index
          %swap3A_484 = arith.constant 32 : index
          %swap3A_485 = tpu.vector_load %arg18[%swap3A_483, %swap3A_484] {strides = array<i32>} : memref<128x128xf32, #tpu.memory_space<vmem>>, vector<16xf32>,
          tpu.vector_store %arg18[%swap3A_483, %swap3A_484], %mul3A_482 {strides = array<i32>} : memref<128x128xf32, #tpu.memory_space<vmem>>, vector<16xf32>,
          %mul3A_486 = arith.mulf %mul3A_482, %get3A_480 : vector<16xf32>
          %swap3A_487 = arith.index_cast %add3A_453 : i32 to index
          %swap3A_488 = arith.constant 96 : index
          %swap3A_489 = tpu.vector_load %arg18[%swap3A_487, %swap3A_488] {strides = array<i32>} : memref<128x128xf32, #tpu.memory_space<vmem>>, vector<16xf32>,
          tpu.vector_store %arg18[%swap3A_487, %swap3A_488], %mul3A_486 {strides = array<i32>} : memref<128x128xf32, #tpu.memory_space<vmem>>, vector<16xf32>,
          %get3A_490 = arith.index_cast %add3A_453 : i32 to index
          %get3A_491 = arith.constant 48 : index
          %get3A_492 = tpu.vector_load %arg17[%get3A_490, %get3A_491] {strides = array<i32>} : memref<128x64xf32, #tpu.memory_space<vmem>>, vector<16xf32>,
          %mul3A_493 = vector.broadcast %squeeze3A : f32 to vector<16xf32>
          %mul3A_494 = arith.mulf %mul3A_493, %get3A_492 : vector<16xf32>
          %swap3A_495 = arith.index_cast %add3A_453 : i32 to index
          %swap3A_496 = arith.constant 48 : index
          %swap3A_497 = tpu.vector_load %arg18[%swap3A_495, %swap3A_496] {strides = array<i32>} : memref<128x128xf32, #tpu.memory_space<vmem>>, vector<16xf32>,
          tpu.vector_store %arg18[%swap3A_495, %swap3A_496], %mul3A_494 {strides = array<i32>} : memref<128x128xf32, #tpu.memory_space<vmem>>, vector<16xf32>,
          %mul3A_498 = arith.mulf %mul3A_494, %get3A_492 : vector<16xf32>
          %swap3A_499 = arith.index_cast %add3A_453 : i32 to index
          %swap3A_500 = arith.constant 112 : index
          %swap3A_501 = tpu.vector_load %arg18[%swap3A_499, %swap3A_500] {strides = array<i32>} : memref<128x128xf32, #tpu.memory_space<vmem>>, vector<16xf32>,
          tpu.vector_store %arg18[%swap3A_499, %swap3A_500], %mul3A_498 {strides = array<i32>} : memref<128x128xf32, #tpu.memory_space<vmem>>, vector<16xf32>,
          %slice3A_502 = vector.extract_strided_slice %get3A_449 {offsets = [1], sizes = [1], strides = [1]} : vector<16xf32> to vector<1xf32>
          %squeeze3A_503 = vector.extract %slice3A_502[0] : f32 from vector<1xf32>
          %mul3A_504 = arith.constant 16 : i32
          %mul3A_505 = arith.muli %scan3A_443, %mul3A_504 : i32
          %add3A_506 = arith.constant 1 : i32
          %add3A_507 = arith.addi %mul3A_505, %add3A_506 : i32
          %get3A_508 = arith.index_cast %add3A_507 : i32 to index
          %get3A_509 = arith.constant 0 : index
          %get3A_510 = tpu.vector_load %arg17[%get3A_508, %get3A_509] {strides = array<i32>} : memref<128x64xf32, #tpu.memory_space<vmem>>, vector<16xf32>,
          %mul3A_511 = vector.broadcast %squeeze3A_503 : f32 to vector<16xf32>
          %mul3A_512 = arith.mulf %mul3A_511, %get3A_510 : vector<16xf32>
          %swap3A_513 = arith.index_cast %add3A_507 : i32 to index
          %swap3A_514 = arith.constant 0 : index
          %swap3A_515 = tpu.vector_load %arg18[%swap3A_513, %swap3A_514] {strides = array<i32>} : memref<128x128xf32, #tpu.memory_space<vmem>>, vector<16xf32>,
          tpu.vector_store %arg18[%swap3A_513, %swap3A_514], %mul3A_512 {strides = array<i32>} : memref<128x128xf32, #tpu.memory_space<vmem>>, vector<16xf32>,
          %mul3A_516 = arith.mulf %mul3A_512, %get3A_510 : vector<16xf32>
          %swap3A_517 = arith.index_cast %add3A_507 : i32 to index
          %swap3A_518 = arith.constant 64 : index
          %swap3A_519 = tpu.vector_load %arg18[%swap3A_517, %swap3A_518] {strides = array<i32>} : memref<128x128xf32, #tpu.memory_space<vmem>>, vector<16xf32>,
          tpu.vector_store %arg18[%swap3A_517, %swap3A_518], %mul3A_516 {strides = array<i32>} : memref<128x128xf32, #tpu.memory_space<vmem>>, vector<16xf32>,
          %get3A_520 = arith.index_cast %add3A_507 : i32 to index
          %get3A_521 = arith.constant 16 : index
          %get3A_522 = tpu.vector_load %arg17[%get3A_520, %get3A_521] {strides = array<i32>} : memref<128x64xf32, #tpu.memory_space<vmem>>, vector<16xf32>,
          %mul3A_523 = vector.broadcast %squeeze3A_503 : f32 to vector<16xf32>
          %mul3A_524 = arith.mulf %mul3A_523, %get3A_522 : vector<16xf32>
          %swap3A_525 = arith.index_cast %add3A_507 : i32 to index
          %swap3A_526 = arith.constant 16 : index
          %swap3A_527 = tpu.vector_load %arg18[%swap3A_525, %swap3A_526] {strides = array<i32>} : memref<128x128xf32, #tpu.memory_space<vmem>>, vector<16xf32>,
          tpu.vector_store %arg18[%swap3A_525, %swap3A_526], %mul3A_524 {strides = array<i32>} : memref<128x128xf32, #tpu.memory_space<vmem>>, vector<16xf32>,
          %mul3A_528 = arith.mulf %mul3A_524, %get3A_522 : vector<16xf32>
          %swap3A_529 = arith.index_cast %add3A_507 : i32 to index
          %swap3A_530 = arith.constant 80 : index
          %swap3A_531 = tpu.vector_load %arg18[%swap3A_529, %swap3A_530] {strides = array<i32>} : memref<128x128xf32, #tpu.memory_space<vmem>>, vector<16xf32>,
          tpu.vector_store %arg18[%swap3A_529, %swap3A_530], %mul3A_528 {strides = array<i32>} : memref<128x128xf32, #tpu.memory_space<vmem>>, vector<16xf32>,
          %get3A_532 = arith.index_cast %add3A_507 : i32 to index
          %get3A_533 = arith.constant 32 : index
          %get3A_534 = tpu.vector_load %arg17[%get3A_532, %get3A_533] {strides = array<i32>} : memref<128x64xf32, #tpu.memory_space<vmem>>, vector<16xf32>,
          %mul3A_535 = vector.broadcast %squeeze3A_503 : f32 to vector<16xf32>
          %mul3A_536 = arith.mulf %mul3A_535, %get3A_534 : vector<16xf32>
          %swap3A_537 = arith.index_cast %add3A_507 : i32 to index
          %swap3A_538 = arith.constant 32 : index
          %swap3A_539 = tpu.vector_load %arg18[%swap3A_537, %swap3A_538] {strides = array<i32>} : memref<128x128xf32, #tpu.memory_space<vmem>>, vector<16xf32>,
          tpu.vector_store %arg18[%swap3A_537, %swap3A_538], %mul3A_536 {strides = array<i32>} : memref<128x128xf32, #tpu.memory_space<vmem>>, vector<16xf32>,
          %mul3A_540 = arith.mulf %mul3A_536, %get3A_534 : vector<16xf32>
          %swap3A_541 = arith.index_cast %add3A_507 : i32 to index
          %swap3A_542 = arith.constant 96 : index
          %swap3A_543 = tpu.vector_load %arg18[%swap3A_541, %swap3A_542] {strides = array<i32>} : memref<128x128xf32, #tpu.memory_space<vmem>>, vector<16xf32>,
          tpu.vector_store %arg18[%swap3A_541, %swap3A_542], %mul3A_540 {strides = array<i32>} : memref<128x128xf32, #tpu.memory_space<vmem>>, vector<16xf32>,
          %get3A_544 = arith.index_cast %add3A_507 : i32 to index
          %get3A_545 = arith.constant 48 : index
          %get3A_546 = tpu.vector_load %arg17[%get3A_544, %get3A_545] {strides = array<i32>} : memref<128x64xf32, #tpu.memory_space<vmem>>, vector<16xf32>,
          %mul3A_547 = vector.broadcast %squeeze3A_503 : f32 to vector<16xf32>
          %mul3A_548 = arith.mulf %mul3A_547, %get3A_546 : vector<16xf32>
          %swap3A_549 = arith.index_cast %add3A_507 : i32 to index
          %swap3A_550 = arith.constant 48 : index
          %swap3A_551 = tpu.vector_load %arg18[%swap3A_549, %swap3A_550] {strides = array<i32>} : memref<128x128xf32, #tpu.memory_space<vmem>>, vector<16xf32>,
          tpu.vector_store %arg18[%swap3A_549, %swap3A_550], %mul3A_548 {strides = array<i32>} : memref<128x128xf32, #tpu.memory_space<vmem>>, vector<16xf32>,
          %mul3A_552 = arith.mulf %mul3A_548, %get3A_546 : vector<16xf32>
          %swap3A_553 = arith.index_cast %add3A_507 : i32 to index
          %swap3A_554 = arith.constant 112 : index
          %swap3A_555 = tpu.vector_load %arg18[%swap3A_553, %swap3A_554] {strides = array<i32>} : memref<128x128xf32, #tpu.memory_space<vmem>>, vector<16xf32>,
          tpu.vector_store %arg18[%swap3A_553, %swap3A_554], %mul3A_552 {strides = array<i32>} : memref<128x128xf32, #tpu.memory_space<vmem>>, vector<16xf32>,
          %slice3A_556 = vector.extract_strided_slice %get3A_449 {offsets = [2], sizes = [1], strides = [1]} : vector<16xf32> to vector<1xf32>
          %squeeze3A_557 = vector.extract %slice3A_556[0] : f32 from vector<1xf32>
          %mul3A_558 = arith.constant 16 : i32
          %mul3A_559 = arith.muli %scan3A_443, %mul3A_558 : i32
          %add3A_560 = arith.constant 2 : i32
          %add3A_561 = arith.addi %mul3A_559, %add3A_560 : i32
          %get3A_562 = arith.index_cast %add3A_561 : i32 to index
          %get3A_563 = arith.constant 0 : index
          %get3A_564 = tpu.vector_load %arg17[%get3A_562, %get3A_563] {strides = array<i32>} : memref<128x64xf32, #tpu.memory_space<vmem>>, vector<16xf32>,
          %mul3A_565 = vector.broadcast %squeeze3A_557 : f32 to vector<16xf32>
          %mul3A_566 = arith.mulf %mul3A_565, %get3A_564 : vector<16xf32>
          %swap3A_567 = arith.index_cast %add3A_561 : i32 to index
          %swap3A_568 = arith.constant 0 : index
          %swap3A_569 = tpu.vector_load %arg18[%swap3A_567, %swap3A_568] {strides = array<i32>} : memref<128x128xf32, #tpu.memory_space<vmem>>, vector<16xf32>,
          tpu.vector_store %arg18[%swap3A_567, %swap3A_568], %mul3A_566 {strides = array<i32>} : memref<128x128xf32, #tpu.memory_space<vmem>>, vector<16xf32>,
          %mul3A_570 = arith.mulf %mul3A_566, %get3A_564 : vector<16xf32>
          %swap3A_571 = arith.index_cast %add3A_561 : i32 to index
          %swap3A_572 = arith.constant 64 : index
          %swap3A_573 = tpu.vector_load %arg18[%swap3A_571, %swap3A_572] {strides = array<i32>} : memref<128x128xf32, #tpu.memory_space<vmem>>, vector<16xf32>,
          tpu.vector_store %arg18[%swap3A_571, %swap3A_572], %mul3A_570 {strides = array<i32>} : memref<128x128xf32, #tpu.memory_space<vmem>>, vector<16xf32>,
          %get3A_574 = arith.index_cast %add3A_561 : i32 to index
          %get3A_575 = arith.constant 16 : index
          %get3A_576 = tpu.vector_load %arg17[%get3A_574, %get3A_575] {strides = array<i32>} : memref<128x64xf32, #tpu.memory_space<vmem>>, vector<16xf32>,
          %mul3A_577 = vector.broadcast %squeeze3A_557 : f32 to vector<16xf32>
          %mul3A_578 = arith.mulf %mul3A_577, %get3A_576 : vector<16xf32>
          %swap3A_579 = arith.index_cast %add3A_561 : i32 to index
          %swap3A_580 = arith.constant 16 : index
          %swap3A_581 = tpu.vector_load %arg18[%swap3A_579, %swap3A_580] {strides = array<i32>} : memref<128x128xf32, #tpu.memory_space<vmem>>, vector<16xf32>,
          tpu.vector_store %arg18[%swap3A_579, %swap3A_580], %mul3A_578 {strides = array<i32>} : memref<128x128xf32, #tpu.memory_space<vmem>>, vector<16xf32>,
          %mul3A_582 = arith.mulf %mul3A_578, %get3A_576 : vector<16xf32>
          %swap3A_583 = arith.index_cast %add3A_561 : i32 to index
          %swap3A_584 = arith.constant 80 : index
          %swap3A_585 = tpu.vector_load %arg18[%swap3A_583, %swap3A_584] {strides = array<i32>} : memref<128x128xf32, #tpu.memory_space<vmem>>, vector<16xf32>,
          tpu.vector_store %arg18[%swap3A_583, %swap3A_584], %mul3A_582 {strides = array<i32>} : memref<128x128xf32, #tpu.memory_space<vmem>>, vector<16xf32>,
          %get3A_586 = arith.index_cast %add3A_561 : i32 to index
          %get3A_587 = arith.constant 32 : index
          %get3A_588 = tpu.vector_load %arg17[%get3A_586, %get3A_587] {strides = array<i32>} : memref<128x64xf32, #tpu.memory_space<vmem>>, vector<16xf32>,
          %mul3A_589 = vector.broadcast %squeeze3A_557 : f32 to vector<16xf32>
          %mul3A_590 = arith.mulf %mul3A_589, %get3A_588 : vector<16xf32>
          %swap3A_591 = arith.index_cast %add3A_561 : i32 to index
          %swap3A_592 = arith.constant 32 : index
          %swap3A_593 = tpu.vector_load %arg18[%swap3A_591, %swap3A_592] {strides = array<i32>} : memref<128x128xf32, #tpu.memory_space<vmem>>, vector<16xf32>,
          tpu.vector_store %arg18[%swap3A_591, %swap3A_592], %mul3A_590 {strides = array<i32>} : memref<128x128xf32, #tpu.memory_space<vmem>>, vector<16xf32>,
          %mul3A_594 = arith.mulf %mul3A_590, %get3A_588 : vector<16xf32>
          %swap3A_595 = arith.index_cast %add3A_561 : i32 to index
          %swap3A_596 = arith.constant 96 : index
          %swap3A_597 = tpu.vector_load %arg18[%swap3A_595, %swap3A_596] {strides = array<i32>} : memref<128x128xf32, #tpu.memory_space<vmem>>, vector<16xf32>,
          tpu.vector_store %arg18[%swap3A_595, %swap3A_596], %mul3A_594 {strides = array<i32>} : memref<128x128xf32, #tpu.memory_space<vmem>>, vector<16xf32>,
          %get3A_598 = arith.index_cast %add3A_561 : i32 to index
          %get3A_599 = arith.constant 48 : index
          %get3A_600 = tpu.vector_load %arg17[%get3A_598, %get3A_599] {strides = array<i32>} : memref<128x64xf32, #tpu.memory_space<vmem>>, vector<16xf32>,
          %mul3A_601 = vector.broadcast %squeeze3A_557 : f32 to vector<16xf32>
          %mul3A_602 = arith.mulf %mul3A_601, %get3A_600 : vector<16xf32>
          %swap3A_603 = arith.index_cast %add3A_561 : i32 to index
          %swap3A_604 = arith.constant 48 : index
          %swap3A_605 = tpu.vector_load %arg18[%swap3A_603, %swap3A_604] {strides = array<i32>} : memref<128x128xf32, #tpu.memory_space<vmem>>, vector<16xf32>,
          tpu.vector_store %arg18[%swap3A_603, %swap3A_604], %mul3A_602 {strides = array<i32>} : memref<128x128xf32, #tpu.memory_space<vmem>>, vector<16xf32>,
          %mul3A_606 = arith.mulf %mul3A_602, %get3A_600 : vector<16xf32>
          %swap3A_607 = arith.index_cast %add3A_561 : i32 to index
          %swap3A_608 = arith.constant 112 : index
          %swap3A_609 = tpu.vector_load %arg18[%swap3A_607, %swap3A_608] {strides = array<i32>} : memref<128x128xf32, #tpu.memory_space<vmem>>, vector<16xf32>,
          tpu.vector_store %arg18[%swap3A_607, %swap3A_608], %mul3A_606 {strides = array<i32>} : memref<128x128xf32, #tpu.memory_space<vmem>>, vector<16xf32>,
          %slice3A_610 = vector.extract_strided_slice %get3A_449 {offsets = [3], sizes = [1], strides = [1]} : vector<16xf32> to vector<1xf32>
          %squeeze3A_611 = vector.extract %slice3A_610[0] : f32 from vector<1xf32>
          %mul3A_612 = arith.constant 16 : i32
          %mul3A_613 = arith.muli %scan3A_443, %mul3A_612 : i32
          %add3A_614 = arith.constant 3 : i32
          %add3A_615 = arith.addi %mul3A_613, %add3A_614 : i32
          %get3A_616 = arith.index_cast %add3A_615 : i32 to index
          %get3A_617 = arith.constant 0 : index
          %get3A_618 = tpu.vector_load %arg17[%get3A_616, %get3A_617] {strides = array<i32>} : memref<128x64xf32, #tpu.memory_space<vmem>>, vector<16xf32>,
          %mul3A_619 = vector.broadcast %squeeze3A_611 : f32 to vector<16xf32>
          %mul3A_620 = arith.mulf %mul3A_619, %get3A_618 : vector<16xf32>
          %swap3A_621 = arith.index_cast %add3A_615 : i32 to index
          %swap3A_622 = arith.constant 0 : index
          %swap3A_623 = tpu.vector_load %arg18[%swap3A_621, %swap3A_622] {strides = array<i32>} : memref<128x128xf32, #tpu.memory_space<vmem>>, vector<16xf32>,
          tpu.vector_store %arg18[%swap3A_621, %swap3A_622], %mul3A_620 {strides = array<i32>} : memref<128x128xf32, #tpu.memory_space<vmem>>, vector<16xf32>,
          %mul3A_624 = arith.mulf %mul3A_620, %get3A_618 : vector<16xf32>
          %swap3A_625 = arith.index_cast %add3A_615 : i32 to index
          %swap3A_626 = arith.constant 64 : index
          %swap3A_627 = tpu.vector_load %arg18[%swap3A_625, %swap3A_626] {strides = array<i32>} : memref<128x128xf32, #tpu.memory_space<vmem>>, vector<16xf32>,
          tpu.vector_store %arg18[%swap3A_625, %swap3A_626], %mul3A_624 {strides = array<i32>} : memref<128x128xf32, #tpu.memory_space<vmem>>, vector<16xf32>,
          %get3A_628 = arith.index_cast %add3A_615 : i32 to index
          %get3A_629 = arith.constant 16 : index
          %get3A_630 = tpu.vector_load %arg17[%get3A_628, %get3A_629] {strides = array<i32>} : memref<128x64xf32, #tpu.memory_space<vmem>>, vector<16xf32>,
          %mul3A_631 = vector.broadcast %squeeze3A_611 : f32 to vector<16xf32>
          %mul3A_632 = arith.mulf %mul3A_631, %get3A_630 : vector<16xf32>
          %swap3A_633 = arith.index_cast %add3A_615 : i32 to index
          %swap3A_634 = arith.constant 16 : index
          %swap3A_635 = tpu.vector_load %arg18[%swap3A_633, %swap3A_634] {strides = array<i32>} : memref<128x128xf32, #tpu.memory_space<vmem>>, vector<16xf32>,
          tpu.vector_store %arg18[%swap3A_633, %swap3A_634], %mul3A_632 {strides = array<i32>} : memref<128x128xf32, #tpu.memory_space<vmem>>, vector<16xf32>,
          %mul3A_636 = arith.mulf %mul3A_632, %get3A_630 : vector<16xf32>
          %swap3A_637 = arith.index_cast %add3A_615 : i32 to index
          %swap3A_638 = arith.constant 80 : index
          %swap3A_639 = tpu.vector_load %arg18[%swap3A_637, %swap3A_638] {strides = array<i32>} : memref<128x128xf32, #tpu.memory_space<vmem>>, vector<16xf32>,
          tpu.vector_store %arg18[%swap3A_637, %swap3A_638], %mul3A_636 {strides = array<i32>} : memref<128x128xf32, #tpu.memory_space<vmem>>, vector<16xf32>,
          %get3A_640 = arith.index_cast %add3A_615 : i32 to index
          %get3A_641 = arith.constant 32 : index
          %get3A_642 = tpu.vector_load %arg17[%get3A_640, %get3A_641] {strides = array<i32>} : memref<128x64xf32, #tpu.memory_space<vmem>>, vector<16xf32>,
          %mul3A_643 = vector.broadcast %squeeze3A_611 : f32 to vector<16xf32>
          %mul3A_644 = arith.mulf %mul3A_643, %get3A_642 : vector<16xf32>
          %swap3A_645 = arith.index_cast %add3A_615 : i32 to index
          %swap3A_646 = arith.constant 32 : index
          %swap3A_647 = tpu.vector_load %arg18[%swap3A_645, %swap3A_646] {strides = array<i32>} : memref<128x128xf32, #tpu.memory_space<vmem>>, vector<16xf32>,
          tpu.vector_store %arg18[%swap3A_645, %swap3A_646], %mul3A_644 {strides = array<i32>} : memref<128x128xf32, #tpu.memory_space<vmem>>, vector<16xf32>,
          %mul3A_648 = arith.mulf %mul3A_644, %get3A_642 : vector<16xf32>
          %swap3A_649 = arith.index_cast %add3A_615 : i32 to index
          %swap3A_650 = arith.constant 96 : index
          %swap3A_651 = tpu.vector_load %arg18[%swap3A_649, %swap3A_650] {strides = array<i32>} : memref<128x128xf32, #tpu.memory_space<vmem>>, vector<16xf32>,
          tpu.vector_store %arg18[%swap3A_649, %swap3A_650], %mul3A_648 {strides = array<i32>} : memref<128x128xf32, #tpu.memory_space<vmem>>, vector<16xf32>,
          %get3A_652 = arith.index_cast %add3A_615 : i32 to index
          %get3A_653 = arith.constant 48 : index
          %get3A_654 = tpu.vector_load %arg17[%get3A_652, %get3A_653] {strides = array<i32>} : memref<128x64xf32, #tpu.memory_space<vmem>>, vector<16xf32>,
          %mul3A_655 = vector.broadcast %squeeze3A_611 : f32 to vector<16xf32>
          %mul3A_656 = arith.mulf %mul3A_655, %get3A_654 : vector<16xf32>
          %swap3A_657 = arith.index_cast %add3A_615 : i32 to index
          %swap3A_658 = arith.constant 48 : index
          %swap3A_659 = tpu.vector_load %arg18[%swap3A_657, %swap3A_658] {strides = array<i32>} : memref<128x128xf32, #tpu.memory_space<vmem>>, vector<16xf32>,
          tpu.vector_store %arg18[%swap3A_657, %swap3A_658], %mul3A_656 {strides = array<i32>} : memref<128x128xf32, #tpu.memory_space<vmem>>, vector<16xf32>,
          %mul3A_660 = arith.mulf %mul3A_656, %get3A_654 : vector<16xf32>
          %swap3A_661 = arith.index_cast %add3A_615 : i32 to index
          %swap3A_662 = arith.constant 112 : index
          %swap3A_663 = tpu.vector_load %arg18[%swap3A_661, %swap3A_662] {strides = array<i32>} : memref<128x128xf32, #tpu.memory_space<vmem>>, vector<16xf32>,
          tpu.vector_store %arg18[%swap3A_661, %swap3A_662], %mul3A_660 {strides = array<i32>} : memref<128x128xf32, #tpu.memory_space<vmem>>, vector<16xf32>,
          %slice3A_664 = vector.extract_strided_slice %get3A_449 {offsets = [4], sizes = [1], strides = [1]} : vector<16xf32> to vector<1xf32>
          %squeeze3A_665 = vector.extract %slice3A_664[0] : f32 from vector<1xf32>
          %mul3A_666 = arith.constant 16 : i32
          %mul3A_667 = arith.muli %scan3A_443, %mul3A_666 : i32
          %add3A_668 = arith.constant 4 : i32
          %add3A_669 = arith.addi %mul3A_667, %add3A_668 : i32
          %get3A_670 = arith.index_cast %add3A_669 : i32 to index
          %get3A_671 = arith.constant 0 : index
          %get3A_672 = tpu.vector_load %arg17[%get3A_670, %get3A_671] {strides = array<i32>} : memref<128x64xf32, #tpu.memory_space<vmem>>, vector<16xf32>,
          %mul3A_673 = vector.broadcast %squeeze3A_665 : f32 to vector<16xf32>
          %mul3A_674 = arith.mulf %mul3A_673, %get3A_672 : vector<16xf32>
          %swap3A_675 = arith.index_cast %add3A_669 : i32 to index
          %swap3A_676 = arith.constant 0 : index
          %swap3A_677 = tpu.vector_load %arg18[%swap3A_675, %swap3A_676] {strides = array<i32>} : memref<128x128xf32, #tpu.memory_space<vmem>>, vector<16xf32>,
          tpu.vector_store %arg18[%swap3A_675, %swap3A_676], %mul3A_674 {strides = array<i32>} : memref<128x128xf32, #tpu.memory_space<vmem>>, vector<16xf32>,
          %mul3A_678 = arith.mulf %mul3A_674, %get3A_672 : vector<16xf32>
          %swap3A_679 = arith.index_cast %add3A_669 : i32 to index
          %swap3A_680 = arith.constant 64 : index
          %swap3A_681 = tpu.vector_load %arg18[%swap3A_679, %swap3A_680] {strides = array<i32>} : memref<128x128xf32, #tpu.memory_space<vmem>>, vector<16xf32>,
          tpu.vector_store %arg18[%swap3A_679, %swap3A_680], %mul3A_678 {strides = array<i32>} : memref<128x128xf32, #tpu.memory_space<vmem>>, vector<16xf32>,
          %get3A_682 = arith.index_cast %add3A_669 : i32 to index
          %get3A_683 = arith.constant 16 : index
          %get3A_684 = tpu.vector_load %arg17[%get3A_682, %get3A_683] {strides = array<i32>} : memref<128x64xf32, #tpu.memory_space<vmem>>, vector<16xf32>,
          %mul3A_685 = vector.broadcast %squeeze3A_665 : f32 to vector<16xf32>
          %mul3A_686 = arith.mulf %mul3A_685, %get3A_684 : vector<16xf32>
          %swap3A_687 = arith.index_cast %add3A_669 : i32 to index
          %swap3A_688 = arith.constant 16 : index
          %swap3A_689 = tpu.vector_load %arg18[%swap3A_687, %swap3A_688] {strides = array<i32>} : memref<128x128xf32, #tpu.memory_space<vmem>>, vector<16xf32>,
          tpu.vector_store %arg18[%swap3A_687, %swap3A_688], %mul3A_686 {strides = array<i32>} : memref<128x128xf32, #tpu.memory_space<vmem>>, vector<16xf32>,
          %mul3A_690 = arith.mulf %mul3A_686, %get3A_684 : vector<16xf32>
          %swap3A_691 = arith.index_cast %add3A_669 : i32 to index
          %swap3A_692 = arith.constant 80 : index
          %swap3A_693 = tpu.vector_load %arg18[%swap3A_691, %swap3A_692] {strides = array<i32>} : memref<128x128xf32, #tpu.memory_space<vmem>>, vector<16xf32>,
          tpu.vector_store %arg18[%swap3A_691, %swap3A_692], %mul3A_690 {strides = array<i32>} : memref<128x128xf32, #tpu.memory_space<vmem>>, vector<16xf32>,
          %get3A_694 = arith.index_cast %add3A_669 : i32 to index
          %get3A_695 = arith.constant 32 : index
          %get3A_696 = tpu.vector_load %arg17[%get3A_694, %get3A_695] {strides = array<i32>} : memref<128x64xf32, #tpu.memory_space<vmem>>, vector<16xf32>,
          %mul3A_697 = vector.broadcast %squeeze3A_665 : f32 to vector<16xf32>
          %mul3A_698 = arith.mulf %mul3A_697, %get3A_696 : vector<16xf32>
          %swap3A_699 = arith.index_cast %add3A_669 : i32 to index
          %swap3A_700 = arith.constant 32 : index
          %swap3A_701 = tpu.vector_load %arg18[%swap3A_699, %swap3A_700] {strides = array<i32>} : memref<128x128xf32, #tpu.memory_space<vmem>>, vector<16xf32>,
          tpu.vector_store %arg18[%swap3A_699, %swap3A_700], %mul3A_698 {strides = array<i32>} : memref<128x128xf32, #tpu.memory_space<vmem>>, vector<16xf32>,
          %mul3A_702 = arith.mulf %mul3A_698, %get3A_696 : vector<16xf32>
          %swap3A_703 = arith.index_cast %add3A_669 : i32 to index
          %swap3A_704 = arith.constant 96 : index
          %swap3A_705 = tpu.vector_load %arg18[%swap3A_703, %swap3A_704] {strides = array<i32>} : memref<128x128xf32, #tpu.memory_space<vmem>>, vector<16xf32>,
          tpu.vector_store %arg18[%swap3A_703, %swap3A_704], %mul3A_702 {strides = array<i32>} : memref<128x128xf32, #tpu.memory_space<vmem>>, vector<16xf32>,
          %get3A_706 = arith.index_cast %add3A_669 : i32 to index
          %get3A_707 = arith.constant 48 : index
          %get3A_708 = tpu.vector_load %arg17[%get3A_706, %get3A_707] {strides = array<i32>} : memref<128x64xf32, #tpu.memory_space<vmem>>, vector<16xf32>,
          %mul3A_709 = vector.broadcast %squeeze3A_665 : f32 to vector<16xf32>
          %mul3A_710 = arith.mulf %mul3A_709, %get3A_708 : vector<16xf32>
          %swap3A_711 = arith.index_cast %add3A_669 : i32 to index
          %swap3A_712 = arith.constant 48 : index
          %swap3A_713 = tpu.vector_load %arg18[%swap3A_711, %swap3A_712] {strides = array<i32>} : memref<128x128xf32, #tpu.memory_space<vmem>>, vector<16xf32>,
          tpu.vector_store %arg18[%swap3A_711, %swap3A_712], %mul3A_710 {strides = array<i32>} : memref<128x128xf32, #tpu.memory_space<vmem>>, vector<16xf32>,
          %mul3A_714 = arith.mulf %mul3A_710, %get3A_708 : vector<16xf32>
          %swap3A_715 = arith.index_cast %add3A_669 : i32 to index
          %swap3A_716 = arith.constant 112 : index
          %swap3A_717 = tpu.vector_load %arg18[%swap3A_715, %swap3A_716] {strides = array<i32>} : memref<128x128xf32, #tpu.memory_space<vmem>>, vector<16xf32>,
          tpu.vector_store %arg18[%swap3A_715, %swap3A_716], %mul3A_714 {strides = array<i32>} : memref<128x128xf32, #tpu.memory_space<vmem>>, vector<16xf32>,
          %slice3A_718 = vector.extract_strided_slice %get3A_449 {offsets = [5], sizes = [1], strides = [1]} : vector<16xf32> to vector<1xf32>
          %squeeze3A_719 = vector.extract %slice3A_718[0] : f32 from vector<1xf32>
          %mul3A_720 = arith.constant 16 : i32
          %mul3A_721 = arith.muli %scan3A_443, %mul3A_720 : i32
          %add3A_722 = arith.constant 5 : i32
          %add3A_723 = arith.addi %mul3A_721, %add3A_722 : i32
          %get3A_724 = arith.index_cast %add3A_723 : i32 to index
          %get3A_725 = arith.constant 0 : index
          %get3A_726 = tpu.vector_load %arg17[%get3A_724, %get3A_725] {strides = array<i32>} : memref<128x64xf32, #tpu.memory_space<vmem>>, vector<16xf32>,
          %mul3A_727 = vector.broadcast %squeeze3A_719 : f32 to vector<16xf32>
          %mul3A_728 = arith.mulf %mul3A_727, %get3A_726 : vector<16xf32>
          %swap3A_729 = arith.index_cast %add3A_723 : i32 to index
          %swap3A_730 = arith.constant 0 : index
          %swap3A_731 = tpu.vector_load %arg18[%swap3A_729, %swap3A_730] {strides = array<i32>} : memref<128x128xf32, #tpu.memory_space<vmem>>, vector<16xf32>,
          tpu.vector_store %arg18[%swap3A_729, %swap3A_730], %mul3A_728 {strides = array<i32>} : memref<128x128xf32, #tpu.memory_space<vmem>>, vector<16xf32>,
          %mul3A_732 = arith.mulf %mul3A_728, %get3A_726 : vector<16xf32>
          %swap3A_733 = arith.index_cast %add3A_723 : i32 to index
          %swap3A_734 = arith.constant 64 : index
          %swap3A_735 = tpu.vector_load %arg18[%swap3A_733, %swap3A_734] {strides = array<i32>} : memref<128x128xf32, #tpu.memory_space<vmem>>, vector<16xf32>,
          tpu.vector_store %arg18[%swap3A_733, %swap3A_734], %mul3A_732 {strides = array<i32>} : memref<128x128xf32, #tpu.memory_space<vmem>>, vector<16xf32>,
          %get3A_736 = arith.index_cast %add3A_723 : i32 to index
          %get3A_737 = arith.constant 16 : index
          %get3A_738 = tpu.vector_load %arg17[%get3A_736, %get3A_737] {strides = array<i32>} : memref<128x64xf32, #tpu.memory_space<vmem>>, vector<16xf32>,
          %mul3A_739 = vector.broadcast %squeeze3A_719 : f32 to vector<16xf32>
          %mul3A_740 = arith.mulf %mul3A_739, %get3A_738 : vector<16xf32>
          %swap3A_741 = arith.index_cast %add3A_723 : i32 to index
          %swap3A_742 = arith.constant 16 : index
          %swap3A_743 = tpu.vector_load %arg18[%swap3A_741, %swap3A_742] {strides = array<i32>} : memref<128x128xf32, #tpu.memory_space<vmem>>, vector<16xf32>,
          tpu.vector_store %arg18[%swap3A_741, %swap3A_742], %mul3A_740 {strides = array<i32>} : memref<128x128xf32, #tpu.memory_space<vmem>>, vector<16xf32>,
          %mul3A_744 = arith.mulf %mul3A_740, %get3A_738 : vector<16xf32>
          %swap3A_745 = arith.index_cast %add3A_723 : i32 to index
          %swap3A_746 = arith.constant 80 : index
          %swap3A_747 = tpu.vector_load %arg18[%swap3A_745, %swap3A_746] {strides = array<i32>} : memref<128x128xf32, #tpu.memory_space<vmem>>, vector<16xf32>,
          tpu.vector_store %arg18[%swap3A_745, %swap3A_746], %mul3A_744 {strides = array<i32>} : memref<128x128xf32, #tpu.memory_space<vmem>>, vector<16xf32>,
          %get3A_748 = arith.index_cast %add3A_723 : i32 to index
          %get3A_749 = arith.constant 32 : index
          %get3A_750 = tpu.vector_load %arg17[%get3A_748, %get3A_749] {strides = array<i32>} : memref<128x64xf32, #tpu.memory_space<vmem>>, vector<16xf32>,
          %mul3A_751 = vector.broadcast %squeeze3A_719 : f32 to vector<16xf32>
          %mul3A_752 = arith.mulf %mul3A_751, %get3A_750 : vector<16xf32>
          %swap3A_753 = arith.index_cast %add3A_723 : i32 to index
          %swap3A_754 = arith.constant 32 : index
          %swap3A_755 = tpu.vector_load %arg18[%swap3A_753, %swap3A_754] {strides = array<i32>} : memref<128x128xf32, #tpu.memory_space<vmem>>, vector<16xf32>,
          tpu.vector_store %arg18[%swap3A_753, %swap3A_754], %mul3A_752 {strides = array<i32>} : memref<128x128xf32, #tpu.memory_space<vmem>>, vector<16xf32>,
          %mul3A_756 = arith.mulf %mul3A_752, %get3A_750 : vector<16xf32>
          %swap3A_757 = arith.index_cast %add3A_723 : i32 to index
          %swap3A_758 = arith.constant 96 : index
          %swap3A_759 = tpu.vector_load %arg18[%swap3A_757, %swap3A_758] {strides = array<i32>} : memref<128x128xf32, #tpu.memory_space<vmem>>, vector<16xf32>,
          tpu.vector_store %arg18[%swap3A_757, %swap3A_758], %mul3A_756 {strides = array<i32>} : memref<128x128xf32, #tpu.memory_space<vmem>>, vector<16xf32>,
          %get3A_760 = arith.index_cast %add3A_723 : i32 to index
          %get3A_761 = arith.constant 48 : index
          %get3A_762 = tpu.vector_load %arg17[%get3A_760, %get3A_761] {strides = array<i32>} : memref<128x64xf32, #tpu.memory_space<vmem>>, vector<16xf32>,
          %mul3A_763 = vector.broadcast %squeeze3A_719 : f32 to vector<16xf32>
          %mul3A_764 = arith.mulf %mul3A_763, %get3A_762 : vector<16xf32>
          %swap3A_765 = arith.index_cast %add3A_723 : i32 to index
          %swap3A_766 = arith.constant 48 : index
          %swap3A_767 = tpu.vector_load %arg18[%swap3A_765, %swap3A_766] {strides = array<i32>} : memref<128x128xf32, #tpu.memory_space<vmem>>, vector<16xf32>,
          tpu.vector_store %arg18[%swap3A_765, %swap3A_766], %mul3A_764 {strides = array<i32>} : memref<128x128xf32, #tpu.memory_space<vmem>>, vector<16xf32>,
          %mul3A_768 = arith.mulf %mul3A_764, %get3A_762 : vector<16xf32>
          %swap3A_769 = arith.index_cast %add3A_723 : i32 to index
          %swap3A_770 = arith.constant 112 : index
          %swap3A_771 = tpu.vector_load %arg18[%swap3A_769, %swap3A_770] {strides = array<i32>} : memref<128x128xf32, #tpu.memory_space<vmem>>, vector<16xf32>,
          tpu.vector_store %arg18[%swap3A_769, %swap3A_770], %mul3A_768 {strides = array<i32>} : memref<128x128xf32, #tpu.memory_space<vmem>>, vector<16xf32>,
          %slice3A_772 = vector.extract_strided_slice %get3A_449 {offsets = [6], sizes = [1], strides = [1]} : vector<16xf32> to vector<1xf32>
          %squeeze3A_773 = vector.extract %slice3A_772[0] : f32 from vector<1xf32>
          %mul3A_774 = arith.constant 16 : i32
          %mul3A_775 = arith.muli %scan3A_443, %mul3A_774 : i32
          %add3A_776 = arith.constant 6 : i32
          %add3A_777 = arith.addi %mul3A_775, %add3A_776 : i32
          %get3A_778 = arith.index_cast %add3A_777 : i32 to index
          %get3A_779 = arith.constant 0 : index
          %get3A_780 = tpu.vector_load %arg17[%get3A_778, %get3A_779] {strides = array<i32>} : memref<128x64xf32, #tpu.memory_space<vmem>>, vector<16xf32>,
          %mul3A_781 = vector.broadcast %squeeze3A_773 : f32 to vector<16xf32>
          %mul3A_782 = arith.mulf %mul3A_781, %get3A_780 : vector<16xf32>
          %swap3A_783 = arith.index_cast %add3A_777 : i32 to index
          %swap3A_784 = arith.constant 0 : index
          %swap3A_785 = tpu.vector_load %arg18[%swap3A_783, %swap3A_784] {strides = array<i32>} : memref<128x128xf32, #tpu.memory_space<vmem>>, vector<16xf32>,
          tpu.vector_store %arg18[%swap3A_783, %swap3A_784], %mul3A_782 {strides = array<i32>} : memref<128x128xf32, #tpu.memory_space<vmem>>, vector<16xf32>,
          %mul3A_786 = arith.mulf %mul3A_782, %get3A_780 : vector<16xf32>
          %swap3A_787 = arith.index_cast %add3A_777 : i32 to index
          %swap3A_788 = arith.constant 64 : index
          %swap3A_789 = tpu.vector_load %arg18[%swap3A_787, %swap3A_788] {strides = array<i32>} : memref<128x128xf32, #tpu.memory_space<vmem>>, vector<16xf32>,
          tpu.vector_store %arg18[%swap3A_787, %swap3A_788], %mul3A_786 {strides = array<i32>} : memref<128x128xf32, #tpu.memory_space<vmem>>, vector<16xf32>,
          %get3A_790 = arith.index_cast %add3A_777 : i32 to index
          %get3A_791 = arith.constant 16 : index
          %get3A_792 = tpu.vector_load %arg17[%get3A_790, %get3A_791] {strides = array<i32>} : memref<128x64xf32, #tpu.memory_space<vmem>>, vector<16xf32>,
          %mul3A_793 = vector.broadcast %squeeze3A_773 : f32 to vector<16xf32>
          %mul3A_794 = arith.mulf %mul3A_793, %get3A_792 : vector<16xf32>
          %swap3A_795 = arith.index_cast %add3A_777 : i32 to index
          %swap3A_796 = arith.constant 16 : index
          %swap3A_797 = tpu.vector_load %arg18[%swap3A_795, %swap3A_796] {strides = array<i32>} : memref<128x128xf32, #tpu.memory_space<vmem>>, vector<16xf32>,
          tpu.vector_store %arg18[%swap3A_795, %swap3A_796], %mul3A_794 {strides = array<i32>} : memref<128x128xf32, #tpu.memory_space<vmem>>, vector<16xf32>,
          %mul3A_798 = arith.mulf %mul3A_794, %get3A_792 : vector<16xf32>
          %swap3A_799 = arith.index_cast %add3A_777 : i32 to index
          %swap3A_800 = arith.constant 80 : index
          %swap3A_801 = tpu.vector_load %arg18[%swap3A_799, %swap3A_800] {strides = array<i32>} : memref<128x128xf32, #tpu.memory_space<vmem>>, vector<16xf32>,
          tpu.vector_store %arg18[%swap3A_799, %swap3A_800], %mul3A_798 {strides = array<i32>} : memref<128x128xf32, #tpu.memory_space<vmem>>, vector<16xf32>,
          %get3A_802 = arith.index_cast %add3A_777 : i32 to index
          %get3A_803 = arith.constant 32 : index
          %get3A_804 = tpu.vector_load %arg17[%get3A_802, %get3A_803] {strides = array<i32>} : memref<128x64xf32, #tpu.memory_space<vmem>>, vector<16xf32>,
          %mul3A_805 = vector.broadcast %squeeze3A_773 : f32 to vector<16xf32>
          %mul3A_806 = arith.mulf %mul3A_805, %get3A_804 : vector<16xf32>
          %swap3A_807 = arith.index_cast %add3A_777 : i32 to index
          %swap3A_808 = arith.constant 32 : index
          %swap3A_809 = tpu.vector_load %arg18[%swap3A_807, %swap3A_808] {strides = array<i32>} : memref<128x128xf32, #tpu.memory_space<vmem>>, vector<16xf32>,
          tpu.vector_store %arg18[%swap3A_807, %swap3A_808], %mul3A_806 {strides = array<i32>} : memref<128x128xf32, #tpu.memory_space<vmem>>, vector<16xf32>,
          %mul3A_810 = arith.mulf %mul3A_806, %get3A_804 : vector<16xf32>
          %swap3A_811 = arith.index_cast %add3A_777 : i32 to index
          %swap3A_812 = arith.constant 96 : index
          %swap3A_813 = tpu.vector_load %arg18[%swap3A_811, %swap3A_812] {strides = array<i32>} : memref<128x128xf32, #tpu.memory_space<vmem>>, vector<16xf32>,
          tpu.vector_store %arg18[%swap3A_811, %swap3A_812], %mul3A_810 {strides = array<i32>} : memref<128x128xf32, #tpu.memory_space<vmem>>, vector<16xf32>,
          %get3A_814 = arith.index_cast %add3A_777 : i32 to index
          %get3A_815 = arith.constant 48 : index
          %get3A_816 = tpu.vector_load %arg17[%get3A_814, %get3A_815] {strides = array<i32>} : memref<128x64xf32, #tpu.memory_space<vmem>>, vector<16xf32>,
          %mul3A_817 = vector.broadcast %squeeze3A_773 : f32 to vector<16xf32>
          %mul3A_818 = arith.mulf %mul3A_817, %get3A_816 : vector<16xf32>
          %swap3A_819 = arith.index_cast %add3A_777 : i32 to index
          %swap3A_820 = arith.constant 48 : index
          %swap3A_821 = tpu.vector_load %arg18[%swap3A_819, %swap3A_820] {strides = array<i32>} : memref<128x128xf32, #tpu.memory_space<vmem>>, vector<16xf32>,
          tpu.vector_store %arg18[%swap3A_819, %swap3A_820], %mul3A_818 {strides = array<i32>} : memref<128x128xf32, #tpu.memory_space<vmem>>, vector<16xf32>,
          %mul3A_822 = arith.mulf %mul3A_818, %get3A_816 : vector<16xf32>
          %swap3A_823 = arith.index_cast %add3A_777 : i32 to index
          %swap3A_824 = arith.constant 112 : index
          %swap3A_825 = tpu.vector_load %arg18[%swap3A_823, %swap3A_824] {strides = array<i32>} : memref<128x128xf32, #tpu.memory_space<vmem>>, vector<16xf32>,
          tpu.vector_store %arg18[%swap3A_823, %swap3A_824], %mul3A_822 {strides = array<i32>} : memref<128x128xf32, #tpu.memory_space<vmem>>, vector<16xf32>,
          %slice3A_826 = vector.extract_strided_slice %get3A_449 {offsets = [7], sizes = [1], strides = [1]} : vector<16xf32> to vector<1xf32>
          %squeeze3A_827 = vector.extract %slice3A_826[0] : f32 from vector<1xf32>
          %mul3A_828 = arith.constant 16 : i32
          %mul3A_829 = arith.muli %scan3A_443, %mul3A_828 : i32
          %add3A_830 = arith.constant 7 : i32
          %add3A_831 = arith.addi %mul3A_829, %add3A_830 : i32
          %get3A_832 = arith.index_cast %add3A_831 : i32 to index
          %get3A_833 = arith.constant 0 : index
          %get3A_834 = tpu.vector_load %arg17[%get3A_832, %get3A_833] {strides = array<i32>} : memref<128x64xf32, #tpu.memory_space<vmem>>, vector<16xf32>,
          %mul3A_835 = vector.broadcast %squeeze3A_827 : f32 to vector<16xf32>
          %mul3A_836 = arith.mulf %mul3A_835, %get3A_834 : vector<16xf32>
          %swap3A_837 = arith.index_cast %add3A_831 : i32 to index
          %swap3A_838 = arith.constant 0 : index
          %swap3A_839 = tpu.vector_load %arg18[%swap3A_837, %swap3A_838] {strides = array<i32>} : memref<128x128xf32, #tpu.memory_space<vmem>>, vector<16xf32>,
          tpu.vector_store %arg18[%swap3A_837, %swap3A_838], %mul3A_836 {strides = array<i32>} : memref<128x128xf32, #tpu.memory_space<vmem>>, vector<16xf32>,
          %mul3A_840 = arith.mulf %mul3A_836, %get3A_834 : vector<16xf32>
          %swap3A_841 = arith.index_cast %add3A_831 : i32 to index
          %swap3A_842 = arith.constant 64 : index
          %swap3A_843 = tpu.vector_load %arg18[%swap3A_841, %swap3A_842] {strides = array<i32>} : memref<128x128xf32, #tpu.memory_space<vmem>>, vector<16xf32>,
          tpu.vector_store %arg18[%swap3A_841, %swap3A_842], %mul3A_840 {strides = array<i32>} : memref<128x128xf32, #tpu.memory_space<vmem>>, vector<16xf32>,
          %get3A_844 = arith.index_cast %add3A_831 : i32 to index
          %get3A_845 = arith.constant 16 : index
          %get3A_846 = tpu.vector_load %arg17[%get3A_844, %get3A_845] {strides = array<i32>} : memref<128x64xf32, #tpu.memory_space<vmem>>, vector<16xf32>,
          %mul3A_847 = vector.broadcast %squeeze3A_827 : f32 to vector<16xf32>
          %mul3A_848 = arith.mulf %mul3A_847, %get3A_846 : vector<16xf32>
          %swap3A_849 = arith.index_cast %add3A_831 : i32 to index
          %swap3A_850 = arith.constant 16 : index
          %swap3A_851 = tpu.vector_load %arg18[%swap3A_849, %swap3A_850] {strides = array<i32>} : memref<128x128xf32, #tpu.memory_space<vmem>>, vector<16xf32>,
          tpu.vector_store %arg18[%swap3A_849, %swap3A_850], %mul3A_848 {strides = array<i32>} : memref<128x128xf32, #tpu.memory_space<vmem>>, vector<16xf32>,
          %mul3A_852 = arith.mulf %mul3A_848, %get3A_846 : vector<16xf32>
          %swap3A_853 = arith.index_cast %add3A_831 : i32 to index
          %swap3A_854 = arith.constant 80 : index
          %swap3A_855 = tpu.vector_load %arg18[%swap3A_853, %swap3A_854] {strides = array<i32>} : memref<128x128xf32, #tpu.memory_space<vmem>>, vector<16xf32>,
          tpu.vector_store %arg18[%swap3A_853, %swap3A_854], %mul3A_852 {strides = array<i32>} : memref<128x128xf32, #tpu.memory_space<vmem>>, vector<16xf32>,
          %get3A_856 = arith.index_cast %add3A_831 : i32 to index
          %get3A_857 = arith.constant 32 : index
          %get3A_858 = tpu.vector_load %arg17[%get3A_856, %get3A_857] {strides = array<i32>} : memref<128x64xf32, #tpu.memory_space<vmem>>, vector<16xf32>,
          %mul3A_859 = vector.broadcast %squeeze3A_827 : f32 to vector<16xf32>
          %mul3A_860 = arith.mulf %mul3A_859, %get3A_858 : vector<16xf32>
          %swap3A_861 = arith.index_cast %add3A_831 : i32 to index
          %swap3A_862 = arith.constant 32 : index
          %swap3A_863 = tpu.vector_load %arg18[%swap3A_861, %swap3A_862] {strides = array<i32>} : memref<128x128xf32, #tpu.memory_space<vmem>>, vector<16xf32>,
          tpu.vector_store %arg18[%swap3A_861, %swap3A_862], %mul3A_860 {strides = array<i32>} : memref<128x128xf32, #tpu.memory_space<vmem>>, vector<16xf32>,
          %mul3A_864 = arith.mulf %mul3A_860, %get3A_858 : vector<16xf32>
          %swap3A_865 = arith.index_cast %add3A_831 : i32 to index
          %swap3A_866 = arith.constant 96 : index
          %swap3A_867 = tpu.vector_load %arg18[%swap3A_865, %swap3A_866] {strides = array<i32>} : memref<128x128xf32, #tpu.memory_space<vmem>>, vector<16xf32>,
          tpu.vector_store %arg18[%swap3A_865, %swap3A_866], %mul3A_864 {strides = array<i32>} : memref<128x128xf32, #tpu.memory_space<vmem>>, vector<16xf32>,
          %get3A_868 = arith.index_cast %add3A_831 : i32 to index
          %get3A_869 = arith.constant 48 : index
          %get3A_870 = tpu.vector_load %arg17[%get3A_868, %get3A_869] {strides = array<i32>} : memref<128x64xf32, #tpu.memory_space<vmem>>, vector<16xf32>,
          %mul3A_871 = vector.broadcast %squeeze3A_827 : f32 to vector<16xf32>
          %mul3A_872 = arith.mulf %mul3A_871, %get3A_870 : vector<16xf32>
          %swap3A_873 = arith.index_cast %add3A_831 : i32 to index
          %swap3A_874 = arith.constant 48 : index
          %swap3A_875 = tpu.vector_load %arg18[%swap3A_873, %swap3A_874] {strides = array<i32>} : memref<128x128xf32, #tpu.memory_space<vmem>>, vector<16xf32>,
          tpu.vector_store %arg18[%swap3A_873, %swap3A_874], %mul3A_872 {strides = array<i32>} : memref<128x128xf32, #tpu.memory_space<vmem>>, vector<16xf32>,
          %mul3A_876 = arith.mulf %mul3A_872, %get3A_870 : vector<16xf32>
          %swap3A_877 = arith.index_cast %add3A_831 : i32 to index
          %swap3A_878 = arith.constant 112 : index
          %swap3A_879 = tpu.vector_load %arg18[%swap3A_877, %swap3A_878] {strides = array<i32>} : memref<128x128xf32, #tpu.memory_space<vmem>>, vector<16xf32>,
          tpu.vector_store %arg18[%swap3A_877, %swap3A_878], %mul3A_876 {strides = array<i32>} : memref<128x128xf32, #tpu.memory_space<vmem>>, vector<16xf32>,
          %slice3A_880 = vector.extract_strided_slice %get3A_449 {offsets = [8], sizes = [1], strides = [1]} : vector<16xf32> to vector<1xf32>
          %squeeze3A_881 = vector.extract %slice3A_880[0] : f32 from vector<1xf32>
          %mul3A_882 = arith.constant 16 : i32
          %mul3A_883 = arith.muli %scan3A_443, %mul3A_882 : i32
          %add3A_884 = arith.constant 8 : i32
          %add3A_885 = arith.addi %mul3A_883, %add3A_884 : i32
          %get3A_886 = arith.index_cast %add3A_885 : i32 to index
          %get3A_887 = arith.constant 0 : index
          %get3A_888 = tpu.vector_load %arg17[%get3A_886, %get3A_887] {strides = array<i32>} : memref<128x64xf32, #tpu.memory_space<vmem>>, vector<16xf32>,
          %mul3A_889 = vector.broadcast %squeeze3A_881 : f32 to vector<16xf32>
          %mul3A_890 = arith.mulf %mul3A_889, %get3A_888 : vector<16xf32>
          %swap3A_891 = arith.index_cast %add3A_885 : i32 to index
          %swap3A_892 = arith.constant 0 : index
          %swap3A_893 = tpu.vector_load %arg18[%swap3A_891, %swap3A_892] {strides = array<i32>} : memref<128x128xf32, #tpu.memory_space<vmem>>, vector<16xf32>,
          tpu.vector_store %arg18[%swap3A_891, %swap3A_892], %mul3A_890 {strides = array<i32>} : memref<128x128xf32, #tpu.memory_space<vmem>>, vector<16xf32>,
          %mul3A_894 = arith.mulf %mul3A_890, %get3A_888 : vector<16xf32>
          %swap3A_895 = arith.index_cast %add3A_885 : i32 to index
          %swap3A_896 = arith.constant 64 : index
          %swap3A_897 = tpu.vector_load %arg18[%swap3A_895, %swap3A_896] {strides = array<i32>} : memref<128x128xf32, #tpu.memory_space<vmem>>, vector<16xf32>,
          tpu.vector_store %arg18[%swap3A_895, %swap3A_896], %mul3A_894 {strides = array<i32>} : memref<128x128xf32, #tpu.memory_space<vmem>>, vector<16xf32>,
          %get3A_898 = arith.index_cast %add3A_885 : i32 to index
          %get3A_899 = arith.constant 16 : index
          %get3A_900 = tpu.vector_load %arg17[%get3A_898, %get3A_899] {strides = array<i32>} : memref<128x64xf32, #tpu.memory_space<vmem>>, vector<16xf32>,
          %mul3A_901 = vector.broadcast %squeeze3A_881 : f32 to vector<16xf32>
          %mul3A_902 = arith.mulf %mul3A_901, %get3A_900 : vector<16xf32>
          %swap3A_903 = arith.index_cast %add3A_885 : i32 to index
          %swap3A_904 = arith.constant 16 : index
          %swap3A_905 = tpu.vector_load %arg18[%swap3A_903, %swap3A_904] {strides = array<i32>} : memref<128x128xf32, #tpu.memory_space<vmem>>, vector<16xf32>,
          tpu.vector_store %arg18[%swap3A_903, %swap3A_904], %mul3A_902 {strides = array<i32>} : memref<128x128xf32, #tpu.memory_space<vmem>>, vector<16xf32>,
          %mul3A_906 = arith.mulf %mul3A_902, %get3A_900 : vector<16xf32>
          %swap3A_907 = arith.index_cast %add3A_885 : i32 to index
          %swap3A_908 = arith.constant 80 : index
          %swap3A_909 = tpu.vector_load %arg18[%swap3A_907, %swap3A_908] {strides = array<i32>} : memref<128x128xf32, #tpu.memory_space<vmem>>, vector<16xf32>,
          tpu.vector_store %arg18[%swap3A_907, %swap3A_908], %mul3A_906 {strides = array<i32>} : memref<128x128xf32, #tpu.memory_space<vmem>>, vector<16xf32>,
          %get3A_910 = arith.index_cast %add3A_885 : i32 to index
          %get3A_911 = arith.constant 32 : index
          %get3A_912 = tpu.vector_load %arg17[%get3A_910, %get3A_911] {strides = array<i32>} : memref<128x64xf32, #tpu.memory_space<vmem>>, vector<16xf32>,
          %mul3A_913 = vector.broadcast %squeeze3A_881 : f32 to vector<16xf32>
          %mul3A_914 = arith.mulf %mul3A_913, %get3A_912 : vector<16xf32>
          %swap3A_915 = arith.index_cast %add3A_885 : i32 to index
          %swap3A_916 = arith.constant 32 : index
          %swap3A_917 = tpu.vector_load %arg18[%swap3A_915, %swap3A_916] {strides = array<i32>} : memref<128x128xf32, #tpu.memory_space<vmem>>, vector<16xf32>,
          tpu.vector_store %arg18[%swap3A_915, %swap3A_916], %mul3A_914 {strides = array<i32>} : memref<128x128xf32, #tpu.memory_space<vmem>>, vector<16xf32>,
          %mul3A_918 = arith.mulf %mul3A_914, %get3A_912 : vector<16xf32>
          %swap3A_919 = arith.index_cast %add3A_885 : i32 to index
          %swap3A_920 = arith.constant 96 : index
          %swap3A_921 = tpu.vector_load %arg18[%swap3A_919, %swap3A_920] {strides = array<i32>} : memref<128x128xf32, #tpu.memory_space<vmem>>, vector<16xf32>,
          tpu.vector_store %arg18[%swap3A_919, %swap3A_920], %mul3A_918 {strides = array<i32>} : memref<128x128xf32, #tpu.memory_space<vmem>>, vector<16xf32>,
          %get3A_922 = arith.index_cast %add3A_885 : i32 to index
          %get3A_923 = arith.constant 48 : index
          %get3A_924 = tpu.vector_load %arg17[%get3A_922, %get3A_923] {strides = array<i32>} : memref<128x64xf32, #tpu.memory_space<vmem>>, vector<16xf32>,
          %mul3A_925 = vector.broadcast %squeeze3A_881 : f32 to vector<16xf32>
          %mul3A_926 = arith.mulf %mul3A_925, %get3A_924 : vector<16xf32>
          %swap3A_927 = arith.index_cast %add3A_885 : i32 to index
          %swap3A_928 = arith.constant 48 : index
          %swap3A_929 = tpu.vector_load %arg18[%swap3A_927, %swap3A_928] {strides = array<i32>} : memref<128x128xf32, #tpu.memory_space<vmem>>, vector<16xf32>,
          tpu.vector_store %arg18[%swap3A_927, %swap3A_928], %mul3A_926 {strides = array<i32>} : memref<128x128xf32, #tpu.memory_space<vmem>>, vector<16xf32>,
          %mul3A_930 = arith.mulf %mul3A_926, %get3A_924 : vector<16xf32>
          %swap3A_931 = arith.index_cast %add3A_885 : i32 to index
          %swap3A_932 = arith.constant 112 : index
          %swap3A_933 = tpu.vector_load %arg18[%swap3A_931, %swap3A_932] {strides = array<i32>} : memref<128x128xf32, #tpu.memory_space<vmem>>, vector<16xf32>,
          tpu.vector_store %arg18[%swap3A_931, %swap3A_932], %mul3A_930 {strides = array<i32>} : memref<128x128xf32, #tpu.memory_space<vmem>>, vector<16xf32>,
          %slice3A_934 = vector.extract_strided_slice %get3A_449 {offsets = [9], sizes = [1], strides = [1]} : vector<16xf32> to vector<1xf32>
          %squeeze3A_935 = vector.extract %slice3A_934[0] : f32 from vector<1xf32>
          %mul3A_936 = arith.constant 16 : i32
          %mul3A_937 = arith.muli %scan3A_443, %mul3A_936 : i32
          %add3A_938 = arith.constant 9 : i32
          %add3A_939 = arith.addi %mul3A_937, %add3A_938 : i32
          %get3A_940 = arith.index_cast %add3A_939 : i32 to index
          %get3A_941 = arith.constant 0 : index
          %get3A_942 = tpu.vector_load %arg17[%get3A_940, %get3A_941] {strides = array<i32>} : memref<128x64xf32, #tpu.memory_space<vmem>>, vector<16xf32>,
          %mul3A_943 = vector.broadcast %squeeze3A_935 : f32 to vector<16xf32>
          %mul3A_944 = arith.mulf %mul3A_943, %get3A_942 : vector<16xf32>
          %swap3A_945 = arith.index_cast %add3A_939 : i32 to index
          %swap3A_946 = arith.constant 0 : index
          %swap3A_947 = tpu.vector_load %arg18[%swap3A_945, %swap3A_946] {strides = array<i32>} : memref<128x128xf32, #tpu.memory_space<vmem>>, vector<16xf32>,
          tpu.vector_store %arg18[%swap3A_945, %swap3A_946], %mul3A_944 {strides = array<i32>} : memref<128x128xf32, #tpu.memory_space<vmem>>, vector<16xf32>,
          %mul3A_948 = arith.mulf %mul3A_944, %get3A_942 : vector<16xf32>
          %swap3A_949 = arith.index_cast %add3A_939 : i32 to index
          %swap3A_950 = arith.constant 64 : index
          %swap3A_951 = tpu.vector_load %arg18[%swap3A_949, %swap3A_950] {strides = array<i32>} : memref<128x128xf32, #tpu.memory_space<vmem>>, vector<16xf32>,
          tpu.vector_store %arg18[%swap3A_949, %swap3A_950], %mul3A_948 {strides = array<i32>} : memref<128x128xf32, #tpu.memory_space<vmem>>, vector<16xf32>,
          %get3A_952 = arith.index_cast %add3A_939 : i32 to index
          %get3A_953 = arith.constant 16 : index
          %get3A_954 = tpu.vector_load %arg17[%get3A_952, %get3A_953] {strides = array<i32>} : memref<128x64xf32, #tpu.memory_space<vmem>>, vector<16xf32>,
          %mul3A_955 = vector.broadcast %squeeze3A_935 : f32 to vector<16xf32>
          %mul3A_956 = arith.mulf %mul3A_955, %get3A_954 : vector<16xf32>
          %swap3A_957 = arith.index_cast %add3A_939 : i32 to index
          %swap3A_958 = arith.constant 16 : index
          %swap3A_959 = tpu.vector_load %arg18[%swap3A_957, %swap3A_958] {strides = array<i32>} : memref<128x128xf32, #tpu.memory_space<vmem>>, vector<16xf32>,
          tpu.vector_store %arg18[%swap3A_957, %swap3A_958], %mul3A_956 {strides = array<i32>} : memref<128x128xf32, #tpu.memory_space<vmem>>, vector<16xf32>,
          %mul3A_960 = arith.mulf %mul3A_956, %get3A_954 : vector<16xf32>
          %swap3A_961 = arith.index_cast %add3A_939 : i32 to index
          %swap3A_962 = arith.constant 80 : index
          %swap3A_963 = tpu.vector_load %arg18[%swap3A_961, %swap3A_962] {strides = array<i32>} : memref<128x128xf32, #tpu.memory_space<vmem>>, vector<16xf32>,
          tpu.vector_store %arg18[%swap3A_961, %swap3A_962], %mul3A_960 {strides = array<i32>} : memref<128x128xf32, #tpu.memory_space<vmem>>, vector<16xf32>,
          %get3A_964 = arith.index_cast %add3A_939 : i32 to index
          %get3A_965 = arith.constant 32 : index
          %get3A_966 = tpu.vector_load %arg17[%get3A_964, %get3A_965] {strides = array<i32>} : memref<128x64xf32, #tpu.memory_space<vmem>>, vector<16xf32>,
          %mul3A_967 = vector.broadcast %squeeze3A_935 : f32 to vector<16xf32>
          %mul3A_968 = arith.mulf %mul3A_967, %get3A_966 : vector<16xf32>
          %swap3A_969 = arith.index_cast %add3A_939 : i32 to index
          %swap3A_970 = arith.constant 32 : index
          %swap3A_971 = tpu.vector_load %arg18[%swap3A_969, %swap3A_970] {strides = array<i32>} : memref<128x128xf32, #tpu.memory_space<vmem>>, vector<16xf32>,
          tpu.vector_store %arg18[%swap3A_969, %swap3A_970], %mul3A_968 {strides = array<i32>} : memref<128x128xf32, #tpu.memory_space<vmem>>, vector<16xf32>,
          %mul3A_972 = arith.mulf %mul3A_968, %get3A_966 : vector<16xf32>
          %swap3A_973 = arith.index_cast %add3A_939 : i32 to index
          %swap3A_974 = arith.constant 96 : index
          %swap3A_975 = tpu.vector_load %arg18[%swap3A_973, %swap3A_974] {strides = array<i32>} : memref<128x128xf32, #tpu.memory_space<vmem>>, vector<16xf32>,
          tpu.vector_store %arg18[%swap3A_973, %swap3A_974], %mul3A_972 {strides = array<i32>} : memref<128x128xf32, #tpu.memory_space<vmem>>, vector<16xf32>,
          %get3A_976 = arith.index_cast %add3A_939 : i32 to index
          %get3A_977 = arith.constant 48 : index
          %get3A_978 = tpu.vector_load %arg17[%get3A_976, %get3A_977] {strides = array<i32>} : memref<128x64xf32, #tpu.memory_space<vmem>>, vector<16xf32>,
          %mul3A_979 = vector.broadcast %squeeze3A_935 : f32 to vector<16xf32>
          %mul3A_980 = arith.mulf %mul3A_979, %get3A_978 : vector<16xf32>
          %swap3A_981 = arith.index_cast %add3A_939 : i32 to index
          %swap3A_982 = arith.constant 48 : index
          %swap3A_983 = tpu.vector_load %arg18[%swap3A_981, %swap3A_982] {strides = array<i32>} : memref<128x128xf32, #tpu.memory_space<vmem>>, vector<16xf32>,
          tpu.vector_store %arg18[%swap3A_981, %swap3A_982], %mul3A_980 {strides = array<i32>} : memref<128x128xf32, #tpu.memory_space<vmem>>, vector<16xf32>,
          %mul3A_984 = arith.mulf %mul3A_980, %get3A_978 : vector<16xf32>
          %swap3A_985 = arith.index_cast %add3A_939 : i32 to index
          %swap3A_986 = arith.constant 112 : index
          %swap3A_987 = tpu.vector_load %arg18[%swap3A_985, %swap3A_986] {strides = array<i32>} : memref<128x128xf32, #tpu.memory_space<vmem>>, vector<16xf32>,
          tpu.vector_store %arg18[%swap3A_985, %swap3A_986], %mul3A_984 {strides = array<i32>} : memref<128x128xf32, #tpu.memory_space<vmem>>, vector<16xf32>,
          %slice3A_988 = vector.extract_strided_slice %get3A_449 {offsets = [10], sizes = [1], strides = [1]} : vector<16xf32> to vector<1xf32>
          %squeeze3A_989 = vector.extract %slice3A_988[0] : f32 from vector<1xf32>
          %mul3A_990 = arith.constant 16 : i32
          %mul3A_991 = arith.muli %scan3A_443, %mul3A_990 : i32
          %add3A_992 = arith.constant 10 : i32
          %add3A_993 = arith.addi %mul3A_991, %add3A_992 : i32
          %get3A_994 = arith.index_cast %add3A_993 : i32 to index
          %get3A_995 = arith.constant 0 : index
          %get3A_996 = tpu.vector_load %arg17[%get3A_994, %get3A_995] {strides = array<i32>} : memref<128x64xf32, #tpu.memory_space<vmem>>, vector<16xf32>,
          %mul3A_997 = vector.broadcast %squeeze3A_989 : f32 to vector<16xf32>
          %mul3A_998 = arith.mulf %mul3A_997, %get3A_996 : vector<16xf32>
          %swap3A_999 = arith.index_cast %add3A_993 : i32 to index
          %swap3A_1000 = arith.constant 0 : index
          %swap3A_1001 = tpu.vector_load %arg18[%swap3A_999, %swap3A_1000] {strides = array<i32>} : memref<128x128xf32, #tpu.memory_space<vmem>>, vector<16xf32>,
          tpu.vector_store %arg18[%swap3A_999, %swap3A_1000], %mul3A_998 {strides = array<i32>} : memref<128x128xf32, #tpu.memory_space<vmem>>, vector<16xf32>,
          %mul3A_1002 = arith.mulf %mul3A_998, %get3A_996 : vector<16xf32>
          %swap3A_1003 = arith.index_cast %add3A_993 : i32 to index
          %swap3A_1004 = arith.constant 64 : index
          %swap3A_1005 = tpu.vector_load %arg18[%swap3A_1003, %swap3A_1004] {strides = array<i32>} : memref<128x128xf32, #tpu.memory_space<vmem>>, vector<16xf32>,
          tpu.vector_store %arg18[%swap3A_1003, %swap3A_1004], %mul3A_1002 {strides = array<i32>} : memref<128x128xf32, #tpu.memory_space<vmem>>, vector<16xf32>,
          %get3A_1006 = arith.index_cast %add3A_993 : i32 to index
          %get3A_1007 = arith.constant 16 : index
          %get3A_1008 = tpu.vector_load %arg17[%get3A_1006, %get3A_1007] {strides = array<i32>} : memref<128x64xf32, #tpu.memory_space<vmem>>, vector<16xf32>,
          %mul3A_1009 = vector.broadcast %squeeze3A_989 : f32 to vector<16xf32>
          %mul3A_1010 = arith.mulf %mul3A_1009, %get3A_1008 : vector<16xf32>
          %swap3A_1011 = arith.index_cast %add3A_993 : i32 to index
          %swap3A_1012 = arith.constant 16 : index
          %swap3A_1013 = tpu.vector_load %arg18[%swap3A_1011, %swap3A_1012] {strides = array<i32>} : memref<128x128xf32, #tpu.memory_space<vmem>>, vector<16xf32>,
          tpu.vector_store %arg18[%swap3A_1011, %swap3A_1012], %mul3A_1010 {strides = array<i32>} : memref<128x128xf32, #tpu.memory_space<vmem>>, vector<16xf32>,
          %mul3A_1014 = arith.mulf %mul3A_1010, %get3A_1008 : vector<16xf32>
          %swap3A_1015 = arith.index_cast %add3A_993 : i32 to index
          %swap3A_1016 = arith.constant 80 : index
          %swap3A_1017 = tpu.vector_load %arg18[%swap3A_1015, %swap3A_1016] {strides = array<i32>} : memref<128x128xf32, #tpu.memory_space<vmem>>, vector<16xf32>,
          tpu.vector_store %arg18[%swap3A_1015, %swap3A_1016], %mul3A_1014 {strides = array<i32>} : memref<128x128xf32, #tpu.memory_space<vmem>>, vector<16xf32>,
          %get3A_1018 = arith.index_cast %add3A_993 : i32 to index
          %get3A_1019 = arith.constant 32 : index
          %get3A_1020 = tpu.vector_load %arg17[%get3A_1018, %get3A_1019] {strides = array<i32>} : memref<128x64xf32, #tpu.memory_space<vmem>>, vector<16xf32>,
          %mul3A_1021 = vector.broadcast %squeeze3A_989 : f32 to vector<16xf32>
          %mul3A_1022 = arith.mulf %mul3A_1021, %get3A_1020 : vector<16xf32>
          %swap3A_1023 = arith.index_cast %add3A_993 : i32 to index
          %swap3A_1024 = arith.constant 32 : index
          %swap3A_1025 = tpu.vector_load %arg18[%swap3A_1023, %swap3A_1024] {strides = array<i32>} : memref<128x128xf32, #tpu.memory_space<vmem>>, vector<16xf32>,
          tpu.vector_store %arg18[%swap3A_1023, %swap3A_1024], %mul3A_1022 {strides = array<i32>} : memref<128x128xf32, #tpu.memory_space<vmem>>, vector<16xf32>,
          %mul3A_1026 = arith.mulf %mul3A_1022, %get3A_1020 : vector<16xf32>
          %swap3A_1027 = arith.index_cast %add3A_993 : i32 to index
          %swap3A_1028 = arith.constant 96 : index
          %swap3A_1029 = tpu.vector_load %arg18[%swap3A_1027, %swap3A_1028] {strides = array<i32>} : memref<128x128xf32, #tpu.memory_space<vmem>>, vector<16xf32>,
          tpu.vector_store %arg18[%swap3A_1027, %swap3A_1028], %mul3A_1026 {strides = array<i32>} : memref<128x128xf32, #tpu.memory_space<vmem>>, vector<16xf32>,
          %get3A_1030 = arith.index_cast %add3A_993 : i32 to index
          %get3A_1031 = arith.constant 48 : index
          %get3A_1032 = tpu.vector_load %arg17[%get3A_1030, %get3A_1031] {strides = array<i32>} : memref<128x64xf32, #tpu.memory_space<vmem>>, vector<16xf32>,
          %mul3A_1033 = vector.broadcast %squeeze3A_989 : f32 to vector<16xf32>
          %mul3A_1034 = arith.mulf %mul3A_1033, %get3A_1032 : vector<16xf32>
          %swap3A_1035 = arith.index_cast %add3A_993 : i32 to index
          %swap3A_1036 = arith.constant 48 : index
          %swap3A_1037 = tpu.vector_load %arg18[%swap3A_1035, %swap3A_1036] {strides = array<i32>} : memref<128x128xf32, #tpu.memory_space<vmem>>, vector<16xf32>,
          tpu.vector_store %arg18[%swap3A_1035, %swap3A_1036], %mul3A_1034 {strides = array<i32>} : memref<128x128xf32, #tpu.memory_space<vmem>>, vector<16xf32>,
          %mul3A_1038 = arith.mulf %mul3A_1034, %get3A_1032 : vector<16xf32>
          %swap3A_1039 = arith.index_cast %add3A_993 : i32 to index
          %swap3A_1040 = arith.constant 112 : index
          %swap3A_1041 = tpu.vector_load %arg18[%swap3A_1039, %swap3A_1040] {strides = array<i32>} : memref<128x128xf32, #tpu.memory_space<vmem>>, vector<16xf32>,
          tpu.vector_store %arg18[%swap3A_1039, %swap3A_1040], %mul3A_1038 {strides = array<i32>} : memref<128x128xf32, #tpu.memory_space<vmem>>, vector<16xf32>,
          %slice3A_1042 = vector.extract_strided_slice %get3A_449 {offsets = [11], sizes = [1], strides = [1]} : vector<16xf32> to vector<1xf32>
          %squeeze3A_1043 = vector.extract %slice3A_1042[0] : f32 from vector<1xf32>
          %mul3A_1044 = arith.constant 16 : i32
          %mul3A_1045 = arith.muli %scan3A_443, %mul3A_1044 : i32
          %add3A_1046 = arith.constant 11 : i32
          %add3A_1047 = arith.addi %mul3A_1045, %add3A_1046 : i32
          %get3A_1048 = arith.index_cast %add3A_1047 : i32 to index
          %get3A_1049 = arith.constant 0 : index
          %get3A_1050 = tpu.vector_load %arg17[%get3A_1048, %get3A_1049] {strides = array<i32>} : memref<128x64xf32, #tpu.memory_space<vmem>>, vector<16xf32>,
          %mul3A_1051 = vector.broadcast %squeeze3A_1043 : f32 to vector<16xf32>
          %mul3A_1052 = arith.mulf %mul3A_1051, %get3A_1050 : vector<16xf32>
          %swap3A_1053 = arith.index_cast %add3A_1047 : i32 to index
          %swap3A_1054 = arith.constant 0 : index
          %swap3A_1055 = tpu.vector_load %arg18[%swap3A_1053, %swap3A_1054] {strides = array<i32>} : memref<128x128xf32, #tpu.memory_space<vmem>>, vector<16xf32>,
          tpu.vector_store %arg18[%swap3A_1053, %swap3A_1054], %mul3A_1052 {strides = array<i32>} : memref<128x128xf32, #tpu.memory_space<vmem>>, vector<16xf32>,
          %mul3A_1056 = arith.mulf %mul3A_1052, %get3A_1050 : vector<16xf32>
          %swap3A_1057 = arith.index_cast %add3A_1047 : i32 to index
          %swap3A_1058 = arith.constant 64 : index
          %swap3A_1059 = tpu.vector_load %arg18[%swap3A_1057, %swap3A_1058] {strides = array<i32>} : memref<128x128xf32, #tpu.memory_space<vmem>>, vector<16xf32>,
          tpu.vector_store %arg18[%swap3A_1057, %swap3A_1058], %mul3A_1056 {strides = array<i32>} : memref<128x128xf32, #tpu.memory_space<vmem>>, vector<16xf32>,
          %get3A_1060 = arith.index_cast %add3A_1047 : i32 to index
          %get3A_1061 = arith.constant 16 : index
          %get3A_1062 = tpu.vector_load %arg17[%get3A_1060, %get3A_1061] {strides = array<i32>} : memref<128x64xf32, #tpu.memory_space<vmem>>, vector<16xf32>,
          %mul3A_1063 = vector.broadcast %squeeze3A_1043 : f32 to vector<16xf32>
          %mul3A_1064 = arith.mulf %mul3A_1063, %get3A_1062 : vector<16xf32>
          %swap3A_1065 = arith.index_cast %add3A_1047 : i32 to index
          %swap3A_1066 = arith.constant 16 : index
          %swap3A_1067 = tpu.vector_load %arg18[%swap3A_1065, %swap3A_1066] {strides = array<i32>} : memref<128x128xf32, #tpu.memory_space<vmem>>, vector<16xf32>,
          tpu.vector_store %arg18[%swap3A_1065, %swap3A_1066], %mul3A_1064 {strides = array<i32>} : memref<128x128xf32, #tpu.memory_space<vmem>>, vector<16xf32>,
          %mul3A_1068 = arith.mulf %mul3A_1064, %get3A_1062 : vector<16xf32>
          %swap3A_1069 = arith.index_cast %add3A_1047 : i32 to index
          %swap3A_1070 = arith.constant 80 : index
          %swap3A_1071 = tpu.vector_load %arg18[%swap3A_1069, %swap3A_1070] {strides = array<i32>} : memref<128x128xf32, #tpu.memory_space<vmem>>, vector<16xf32>,
          tpu.vector_store %arg18[%swap3A_1069, %swap3A_1070], %mul3A_1068 {strides = array<i32>} : memref<128x128xf32, #tpu.memory_space<vmem>>, vector<16xf32>,
          %get3A_1072 = arith.index_cast %add3A_1047 : i32 to index
          %get3A_1073 = arith.constant 32 : index
          %get3A_1074 = tpu.vector_load %arg17[%get3A_1072, %get3A_1073] {strides = array<i32>} : memref<128x64xf32, #tpu.memory_space<vmem>>, vector<16xf32>,
          %mul3A_1075 = vector.broadcast %squeeze3A_1043 : f32 to vector<16xf32>
          %mul3A_1076 = arith.mulf %mul3A_1075, %get3A_1074 : vector<16xf32>
          %swap3A_1077 = arith.index_cast %add3A_1047 : i32 to index
          %swap3A_1078 = arith.constant 32 : index
          %swap3A_1079 = tpu.vector_load %arg18[%swap3A_1077, %swap3A_1078] {strides = array<i32>} : memref<128x128xf32, #tpu.memory_space<vmem>>, vector<16xf32>,
          tpu.vector_store %arg18[%swap3A_1077, %swap3A_1078], %mul3A_1076 {strides = array<i32>} : memref<128x128xf32, #tpu.memory_space<vmem>>, vector<16xf32>,
          %mul3A_1080 = arith.mulf %mul3A_1076, %get3A_1074 : vector<16xf32>
          %swap3A_1081 = arith.index_cast %add3A_1047 : i32 to index
          %swap3A_1082 = arith.constant 96 : index
          %swap3A_1083 = tpu.vector_load %arg18[%swap3A_1081, %swap3A_1082] {strides = array<i32>} : memref<128x128xf32, #tpu.memory_space<vmem>>, vector<16xf32>,
          tpu.vector_store %arg18[%swap3A_1081, %swap3A_1082], %mul3A_1080 {strides = array<i32>} : memref<128x128xf32, #tpu.memory_space<vmem>>, vector<16xf32>,
          %get3A_1084 = arith.index_cast %add3A_1047 : i32 to index
          %get3A_1085 = arith.constant 48 : index
          %get3A_1086 = tpu.vector_load %arg17[%get3A_1084, %get3A_1085] {strides = array<i32>} : memref<128x64xf32, #tpu.memory_space<vmem>>, vector<16xf32>,
          %mul3A_1087 = vector.broadcast %squeeze3A_1043 : f32 to vector<16xf32>
          %mul3A_1088 = arith.mulf %mul3A_1087, %get3A_1086 : vector<16xf32>
          %swap3A_1089 = arith.index_cast %add3A_1047 : i32 to index
          %swap3A_1090 = arith.constant 48 : index
          %swap3A_1091 = tpu.vector_load %arg18[%swap3A_1089, %swap3A_1090] {strides = array<i32>} : memref<128x128xf32, #tpu.memory_space<vmem>>, vector<16xf32>,
          tpu.vector_store %arg18[%swap3A_1089, %swap3A_1090], %mul3A_1088 {strides = array<i32>} : memref<128x128xf32, #tpu.memory_space<vmem>>, vector<16xf32>,
          %mul3A_1092 = arith.mulf %mul3A_1088, %get3A_1086 : vector<16xf32>
          %swap3A_1093 = arith.index_cast %add3A_1047 : i32 to index
          %swap3A_1094 = arith.constant 112 : index
          %swap3A_1095 = tpu.vector_load %arg18[%swap3A_1093, %swap3A_1094] {strides = array<i32>} : memref<128x128xf32, #tpu.memory_space<vmem>>, vector<16xf32>,
          tpu.vector_store %arg18[%swap3A_1093, %swap3A_1094], %mul3A_1092 {strides = array<i32>} : memref<128x128xf32, #tpu.memory_space<vmem>>, vector<16xf32>,
          %slice3A_1096 = vector.extract_strided_slice %get3A_449 {offsets = [12], sizes = [1], strides = [1]} : vector<16xf32> to vector<1xf32>
          %squeeze3A_1097 = vector.extract %slice3A_1096[0] : f32 from vector<1xf32>
          %mul3A_1098 = arith.constant 16 : i32
          %mul3A_1099 = arith.muli %scan3A_443, %mul3A_1098 : i32
          %add3A_1100 = arith.constant 12 : i32
          %add3A_1101 = arith.addi %mul3A_1099, %add3A_1100 : i32
          %get3A_1102 = arith.index_cast %add3A_1101 : i32 to index
          %get3A_1103 = arith.constant 0 : index
          %get3A_1104 = tpu.vector_load %arg17[%get3A_1102, %get3A_1103] {strides = array<i32>} : memref<128x64xf32, #tpu.memory_space<vmem>>, vector<16xf32>,
          %mul3A_1105 = vector.broadcast %squeeze3A_1097 : f32 to vector<16xf32>
          %mul3A_1106 = arith.mulf %mul3A_1105, %get3A_1104 : vector<16xf32>
          %swap3A_1107 = arith.index_cast %add3A_1101 : i32 to index
          %swap3A_1108 = arith.constant 0 : index
          %swap3A_1109 = tpu.vector_load %arg18[%swap3A_1107, %swap3A_1108] {strides = array<i32>} : memref<128x128xf32, #tpu.memory_space<vmem>>, vector<16xf32>,
          tpu.vector_store %arg18[%swap3A_1107, %swap3A_1108], %mul3A_1106 {strides = array<i32>} : memref<128x128xf32, #tpu.memory_space<vmem>>, vector<16xf32>,
          %mul3A_1110 = arith.mulf %mul3A_1106, %get3A_1104 : vector<16xf32>
          %swap3A_1111 = arith.index_cast %add3A_1101 : i32 to index
          %swap3A_1112 = arith.constant 64 : index
          %swap3A_1113 = tpu.vector_load %arg18[%swap3A_1111, %swap3A_1112] {strides = array<i32>} : memref<128x128xf32, #tpu.memory_space<vmem>>, vector<16xf32>,
          tpu.vector_store %arg18[%swap3A_1111, %swap3A_1112], %mul3A_1110 {strides = array<i32>} : memref<128x128xf32, #tpu.memory_space<vmem>>, vector<16xf32>,
          %get3A_1114 = arith.index_cast %add3A_1101 : i32 to index
          %get3A_1115 = arith.constant 16 : index
          %get3A_1116 = tpu.vector_load %arg17[%get3A_1114, %get3A_1115] {strides = array<i32>} : memref<128x64xf32, #tpu.memory_space<vmem>>, vector<16xf32>,
          %mul3A_1117 = vector.broadcast %squeeze3A_1097 : f32 to vector<16xf32>
          %mul3A_1118 = arith.mulf %mul3A_1117, %get3A_1116 : vector<16xf32>
          %swap3A_1119 = arith.index_cast %add3A_1101 : i32 to index
          %swap3A_1120 = arith.constant 16 : index
          %swap3A_1121 = tpu.vector_load %arg18[%swap3A_1119, %swap3A_1120] {strides = array<i32>} : memref<128x128xf32, #tpu.memory_space<vmem>>, vector<16xf32>,
          tpu.vector_store %arg18[%swap3A_1119, %swap3A_1120], %mul3A_1118 {strides = array<i32>} : memref<128x128xf32, #tpu.memory_space<vmem>>, vector<16xf32>,
          %mul3A_1122 = arith.mulf %mul3A_1118, %get3A_1116 : vector<16xf32>
          %swap3A_1123 = arith.index_cast %add3A_1101 : i32 to index
          %swap3A_1124 = arith.constant 80 : index
          %swap3A_1125 = tpu.vector_load %arg18[%swap3A_1123, %swap3A_1124] {strides = array<i32>} : memref<128x128xf32, #tpu.memory_space<vmem>>, vector<16xf32>,
          tpu.vector_store %arg18[%swap3A_1123, %swap3A_1124], %mul3A_1122 {strides = array<i32>} : memref<128x128xf32, #tpu.memory_space<vmem>>, vector<16xf32>,
          %get3A_1126 = arith.index_cast %add3A_1101 : i32 to index
          %get3A_1127 = arith.constant 32 : index
          %get3A_1128 = tpu.vector_load %arg17[%get3A_1126, %get3A_1127] {strides = array<i32>} : memref<128x64xf32, #tpu.memory_space<vmem>>, vector<16xf32>,
          %mul3A_1129 = vector.broadcast %squeeze3A_1097 : f32 to vector<16xf32>
          %mul3A_1130 = arith.mulf %mul3A_1129, %get3A_1128 : vector<16xf32>
          %swap3A_1131 = arith.index_cast %add3A_1101 : i32 to index
          %swap3A_1132 = arith.constant 32 : index
          %swap3A_1133 = tpu.vector_load %arg18[%swap3A_1131, %swap3A_1132] {strides = array<i32>} : memref<128x128xf32, #tpu.memory_space<vmem>>, vector<16xf32>,
          tpu.vector_store %arg18[%swap3A_1131, %swap3A_1132], %mul3A_1130 {strides = array<i32>} : memref<128x128xf32, #tpu.memory_space<vmem>>, vector<16xf32>,
          %mul3A_1134 = arith.mulf %mul3A_1130, %get3A_1128 : vector<16xf32>
          %swap3A_1135 = arith.index_cast %add3A_1101 : i32 to index
          %swap3A_1136 = arith.constant 96 : index
          %swap3A_1137 = tpu.vector_load %arg18[%swap3A_1135, %swap3A_1136] {strides = array<i32>} : memref<128x128xf32, #tpu.memory_space<vmem>>, vector<16xf32>,
          tpu.vector_store %arg18[%swap3A_1135, %swap3A_1136], %mul3A_1134 {strides = array<i32>} : memref<128x128xf32, #tpu.memory_space<vmem>>, vector<16xf32>,
          %get3A_1138 = arith.index_cast %add3A_1101 : i32 to index
          %get3A_1139 = arith.constant 48 : index
          %get3A_1140 = tpu.vector_load %arg17[%get3A_1138, %get3A_1139] {strides = array<i32>} : memref<128x64xf32, #tpu.memory_space<vmem>>, vector<16xf32>,
          %mul3A_1141 = vector.broadcast %squeeze3A_1097 : f32 to vector<16xf32>
          %mul3A_1142 = arith.mulf %mul3A_1141, %get3A_1140 : vector<16xf32>
          %swap3A_1143 = arith.index_cast %add3A_1101 : i32 to index
          %swap3A_1144 = arith.constant 48 : index
          %swap3A_1145 = tpu.vector_load %arg18[%swap3A_1143, %swap3A_1144] {strides = array<i32>} : memref<128x128xf32, #tpu.memory_space<vmem>>, vector<16xf32>,
          tpu.vector_store %arg18[%swap3A_1143, %swap3A_1144], %mul3A_1142 {strides = array<i32>} : memref<128x128xf32, #tpu.memory_space<vmem>>, vector<16xf32>,
          %mul3A_1146 = arith.mulf %mul3A_1142, %get3A_1140 : vector<16xf32>
          %swap3A_1147 = arith.index_cast %add3A_1101 : i32 to index
          %swap3A_1148 = arith.constant 112 : index
          %swap3A_1149 = tpu.vector_load %arg18[%swap3A_1147, %swap3A_1148] {strides = array<i32>} : memref<128x128xf32, #tpu.memory_space<vmem>>, vector<16xf32>,
          tpu.vector_store %arg18[%swap3A_1147, %swap3A_1148], %mul3A_1146 {strides = array<i32>} : memref<128x128xf32, #tpu.memory_space<vmem>>, vector<16xf32>,
          %slice3A_1150 = vector.extract_strided_slice %get3A_449 {offsets = [13], sizes = [1], strides = [1]} : vector<16xf32> to vector<1xf32>
          %squeeze3A_1151 = vector.extract %slice3A_1150[0] : f32 from vector<1xf32>
          %mul3A_1152 = arith.constant 16 : i32
          %mul3A_1153 = arith.muli %scan3A_443, %mul3A_1152 : i32
          %add3A_1154 = arith.constant 13 : i32
          %add3A_1155 = arith.addi %mul3A_1153, %add3A_1154 : i32
          %get3A_1156 = arith.index_cast %add3A_1155 : i32 to index
          %get3A_1157 = arith.constant 0 : index
          %get3A_1158 = tpu.vector_load %arg17[%get3A_1156, %get3A_1157] {strides = array<i32>} : memref<128x64xf32, #tpu.memory_space<vmem>>, vector<16xf32>,
          %mul3A_1159 = vector.broadcast %squeeze3A_1151 : f32 to vector<16xf32>
          %mul3A_1160 = arith.mulf %mul3A_1159, %get3A_1158 : vector<16xf32>
          %swap3A_1161 = arith.index_cast %add3A_1155 : i32 to index
          %swap3A_1162 = arith.constant 0 : index
          %swap3A_1163 = tpu.vector_load %arg18[%swap3A_1161, %swap3A_1162] {strides = array<i32>} : memref<128x128xf32, #tpu.memory_space<vmem>>, vector<16xf32>,
          tpu.vector_store %arg18[%swap3A_1161, %swap3A_1162], %mul3A_1160 {strides = array<i32>} : memref<128x128xf32, #tpu.memory_space<vmem>>, vector<16xf32>,
          %mul3A_1164 = arith.mulf %mul3A_1160, %get3A_1158 : vector<16xf32>
          %swap3A_1165 = arith.index_cast %add3A_1155 : i32 to index
          %swap3A_1166 = arith.constant 64 : index
          %swap3A_1167 = tpu.vector_load %arg18[%swap3A_1165, %swap3A_1166] {strides = array<i32>} : memref<128x128xf32, #tpu.memory_space<vmem>>, vector<16xf32>,
          tpu.vector_store %arg18[%swap3A_1165, %swap3A_1166], %mul3A_1164 {strides = array<i32>} : memref<128x128xf32, #tpu.memory_space<vmem>>, vector<16xf32>,
          %get3A_1168 = arith.index_cast %add3A_1155 : i32 to index
          %get3A_1169 = arith.constant 16 : index
          %get3A_1170 = tpu.vector_load %arg17[%get3A_1168, %get3A_1169] {strides = array<i32>} : memref<128x64xf32, #tpu.memory_space<vmem>>, vector<16xf32>,
          %mul3A_1171 = vector.broadcast %squeeze3A_1151 : f32 to vector<16xf32>
          %mul3A_1172 = arith.mulf %mul3A_1171, %get3A_1170 : vector<16xf32>
          %swap3A_1173 = arith.index_cast %add3A_1155 : i32 to index
          %swap3A_1174 = arith.constant 16 : index
          %swap3A_1175 = tpu.vector_load %arg18[%swap3A_1173, %swap3A_1174] {strides = array<i32>} : memref<128x128xf32, #tpu.memory_space<vmem>>, vector<16xf32>,
          tpu.vector_store %arg18[%swap3A_1173, %swap3A_1174], %mul3A_1172 {strides = array<i32>} : memref<128x128xf32, #tpu.memory_space<vmem>>, vector<16xf32>,
          %mul3A_1176 = arith.mulf %mul3A_1172, %get3A_1170 : vector<16xf32>
          %swap3A_1177 = arith.index_cast %add3A_1155 : i32 to index
          %swap3A_1178 = arith.constant 80 : index
          %swap3A_1179 = tpu.vector_load %arg18[%swap3A_1177, %swap3A_1178] {strides = array<i32>} : memref<128x128xf32, #tpu.memory_space<vmem>>, vector<16xf32>,
          tpu.vector_store %arg18[%swap3A_1177, %swap3A_1178], %mul3A_1176 {strides = array<i32>} : memref<128x128xf32, #tpu.memory_space<vmem>>, vector<16xf32>,
          %get3A_1180 = arith.index_cast %add3A_1155 : i32 to index
          %get3A_1181 = arith.constant 32 : index
          %get3A_1182 = tpu.vector_load %arg17[%get3A_1180, %get3A_1181] {strides = array<i32>} : memref<128x64xf32, #tpu.memory_space<vmem>>, vector<16xf32>,
          %mul3A_1183 = vector.broadcast %squeeze3A_1151 : f32 to vector<16xf32>
          %mul3A_1184 = arith.mulf %mul3A_1183, %get3A_1182 : vector<16xf32>
          %swap3A_1185 = arith.index_cast %add3A_1155 : i32 to index
          %swap3A_1186 = arith.constant 32 : index
          %swap3A_1187 = tpu.vector_load %arg18[%swap3A_1185, %swap3A_1186] {strides = array<i32>} : memref<128x128xf32, #tpu.memory_space<vmem>>, vector<16xf32>,
          tpu.vector_store %arg18[%swap3A_1185, %swap3A_1186], %mul3A_1184 {strides = array<i32>} : memref<128x128xf32, #tpu.memory_space<vmem>>, vector<16xf32>,
          %mul3A_1188 = arith.mulf %mul3A_1184, %get3A_1182 : vector<16xf32>
          %swap3A_1189 = arith.index_cast %add3A_1155 : i32 to index
          %swap3A_1190 = arith.constant 96 : index
          %swap3A_1191 = tpu.vector_load %arg18[%swap3A_1189, %swap3A_1190] {strides = array<i32>} : memref<128x128xf32, #tpu.memory_space<vmem>>, vector<16xf32>,
          tpu.vector_store %arg18[%swap3A_1189, %swap3A_1190], %mul3A_1188 {strides = array<i32>} : memref<128x128xf32, #tpu.memory_space<vmem>>, vector<16xf32>,
          %get3A_1192 = arith.index_cast %add3A_1155 : i32 to index
          %get3A_1193 = arith.constant 48 : index
          %get3A_1194 = tpu.vector_load %arg17[%get3A_1192, %get3A_1193] {strides = array<i32>} : memref<128x64xf32, #tpu.memory_space<vmem>>, vector<16xf32>,
          %mul3A_1195 = vector.broadcast %squeeze3A_1151 : f32 to vector<16xf32>
          %mul3A_1196 = arith.mulf %mul3A_1195, %get3A_1194 : vector<16xf32>
          %swap3A_1197 = arith.index_cast %add3A_1155 : i32 to index
          %swap3A_1198 = arith.constant 48 : index
          %swap3A_1199 = tpu.vector_load %arg18[%swap3A_1197, %swap3A_1198] {strides = array<i32>} : memref<128x128xf32, #tpu.memory_space<vmem>>, vector<16xf32>,
          tpu.vector_store %arg18[%swap3A_1197, %swap3A_1198], %mul3A_1196 {strides = array<i32>} : memref<128x128xf32, #tpu.memory_space<vmem>>, vector<16xf32>,
          %mul3A_1200 = arith.mulf %mul3A_1196, %get3A_1194 : vector<16xf32>
          %swap3A_1201 = arith.index_cast %add3A_1155 : i32 to index
          %swap3A_1202 = arith.constant 112 : index
          %swap3A_1203 = tpu.vector_load %arg18[%swap3A_1201, %swap3A_1202] {strides = array<i32>} : memref<128x128xf32, #tpu.memory_space<vmem>>, vector<16xf32>,
          tpu.vector_store %arg18[%swap3A_1201, %swap3A_1202], %mul3A_1200 {strides = array<i32>} : memref<128x128xf32, #tpu.memory_space<vmem>>, vector<16xf32>,
          %slice3A_1204 = vector.extract_strided_slice %get3A_449 {offsets = [14], sizes = [1], strides = [1]} : vector<16xf32> to vector<1xf32>
          %squeeze3A_1205 = vector.extract %slice3A_1204[0] : f32 from vector<1xf32>
          %mul3A_1206 = arith.constant 16 : i32
          %mul3A_1207 = arith.muli %scan3A_443, %mul3A_1206 : i32
          %add3A_1208 = arith.constant 14 : i32
          %add3A_1209 = arith.addi %mul3A_1207, %add3A_1208 : i32
          %get3A_1210 = arith.index_cast %add3A_1209 : i32 to index
          %get3A_1211 = arith.constant 0 : index
          %get3A_1212 = tpu.vector_load %arg17[%get3A_1210, %get3A_1211] {strides = array<i32>} : memref<128x64xf32, #tpu.memory_space<vmem>>, vector<16xf32>,
          %mul3A_1213 = vector.broadcast %squeeze3A_1205 : f32 to vector<16xf32>
          %mul3A_1214 = arith.mulf %mul3A_1213, %get3A_1212 : vector<16xf32>
          %swap3A_1215 = arith.index_cast %add3A_1209 : i32 to index
          %swap3A_1216 = arith.constant 0 : index
          %swap3A_1217 = tpu.vector_load %arg18[%swap3A_1215, %swap3A_1216] {strides = array<i32>} : memref<128x128xf32, #tpu.memory_space<vmem>>, vector<16xf32>,
          tpu.vector_store %arg18[%swap3A_1215, %swap3A_1216], %mul3A_1214 {strides = array<i32>} : memref<128x128xf32, #tpu.memory_space<vmem>>, vector<16xf32>,
          %mul3A_1218 = arith.mulf %mul3A_1214, %get3A_1212 : vector<16xf32>
          %swap3A_1219 = arith.index_cast %add3A_1209 : i32 to index
          %swap3A_1220 = arith.constant 64 : index
          %swap3A_1221 = tpu.vector_load %arg18[%swap3A_1219, %swap3A_1220] {strides = array<i32>} : memref<128x128xf32, #tpu.memory_space<vmem>>, vector<16xf32>,
          tpu.vector_store %arg18[%swap3A_1219, %swap3A_1220], %mul3A_1218 {strides = array<i32>} : memref<128x128xf32, #tpu.memory_space<vmem>>, vector<16xf32>,
          %get3A_1222 = arith.index_cast %add3A_1209 : i32 to index
          %get3A_1223 = arith.constant 16 : index
          %get3A_1224 = tpu.vector_load %arg17[%get3A_1222, %get3A_1223] {strides = array<i32>} : memref<128x64xf32, #tpu.memory_space<vmem>>, vector<16xf32>,
          %mul3A_1225 = vector.broadcast %squeeze3A_1205 : f32 to vector<16xf32>
          %mul3A_1226 = arith.mulf %mul3A_1225, %get3A_1224 : vector<16xf32>
          %swap3A_1227 = arith.index_cast %add3A_1209 : i32 to index
          %swap3A_1228 = arith.constant 16 : index
          %swap3A_1229 = tpu.vector_load %arg18[%swap3A_1227, %swap3A_1228] {strides = array<i32>} : memref<128x128xf32, #tpu.memory_space<vmem>>, vector<16xf32>,
          tpu.vector_store %arg18[%swap3A_1227, %swap3A_1228], %mul3A_1226 {strides = array<i32>} : memref<128x128xf32, #tpu.memory_space<vmem>>, vector<16xf32>,
          %mul3A_1230 = arith.mulf %mul3A_1226, %get3A_1224 : vector<16xf32>
          %swap3A_1231 = arith.index_cast %add3A_1209 : i32 to index
          %swap3A_1232 = arith.constant 80 : index
          %swap3A_1233 = tpu.vector_load %arg18[%swap3A_1231, %swap3A_1232] {strides = array<i32>} : memref<128x128xf32, #tpu.memory_space<vmem>>, vector<16xf32>,
          tpu.vector_store %arg18[%swap3A_1231, %swap3A_1232], %mul3A_1230 {strides = array<i32>} : memref<128x128xf32, #tpu.memory_space<vmem>>, vector<16xf32>,
          %get3A_1234 = arith.index_cast %add3A_1209 : i32 to index
          %get3A_1235 = arith.constant 32 : index
          %get3A_1236 = tpu.vector_load %arg17[%get3A_1234, %get3A_1235] {strides = array<i32>} : memref<128x64xf32, #tpu.memory_space<vmem>>, vector<16xf32>,
          %mul3A_1237 = vector.broadcast %squeeze3A_1205 : f32 to vector<16xf32>
          %mul3A_1238 = arith.mulf %mul3A_1237, %get3A_1236 : vector<16xf32>
          %swap3A_1239 = arith.index_cast %add3A_1209 : i32 to index
          %swap3A_1240 = arith.constant 32 : index
          %swap3A_1241 = tpu.vector_load %arg18[%swap3A_1239, %swap3A_1240] {strides = array<i32>} : memref<128x128xf32, #tpu.memory_space<vmem>>, vector<16xf32>,
          tpu.vector_store %arg18[%swap3A_1239, %swap3A_1240], %mul3A_1238 {strides = array<i32>} : memref<128x128xf32, #tpu.memory_space<vmem>>, vector<16xf32>,
          %mul3A_1242 = arith.mulf %mul3A_1238, %get3A_1236 : vector<16xf32>
          %swap3A_1243 = arith.index_cast %add3A_1209 : i32 to index
          %swap3A_1244 = arith.constant 96 : index
          %swap3A_1245 = tpu.vector_load %arg18[%swap3A_1243, %swap3A_1244] {strides = array<i32>} : memref<128x128xf32, #tpu.memory_space<vmem>>, vector<16xf32>,
          tpu.vector_store %arg18[%swap3A_1243, %swap3A_1244], %mul3A_1242 {strides = array<i32>} : memref<128x128xf32, #tpu.memory_space<vmem>>, vector<16xf32>,
          %get3A_1246 = arith.index_cast %add3A_1209 : i32 to index
          %get3A_1247 = arith.constant 48 : index
          %get3A_1248 = tpu.vector_load %arg17[%get3A_1246, %get3A_1247] {strides = array<i32>} : memref<128x64xf32, #tpu.memory_space<vmem>>, vector<16xf32>,
          %mul3A_1249 = vector.broadcast %squeeze3A_1205 : f32 to vector<16xf32>
          %mul3A_1250 = arith.mulf %mul3A_1249, %get3A_1248 : vector<16xf32>
          %swap3A_1251 = arith.index_cast %add3A_1209 : i32 to index
          %swap3A_1252 = arith.constant 48 : index
          %swap3A_1253 = tpu.vector_load %arg18[%swap3A_1251, %swap3A_1252] {strides = array<i32>} : memref<128x128xf32, #tpu.memory_space<vmem>>, vector<16xf32>,
          tpu.vector_store %arg18[%swap3A_1251, %swap3A_1252], %mul3A_1250 {strides = array<i32>} : memref<128x128xf32, #tpu.memory_space<vmem>>, vector<16xf32>,
          %mul3A_1254 = arith.mulf %mul3A_1250, %get3A_1248 : vector<16xf32>
          %swap3A_1255 = arith.index_cast %add3A_1209 : i32 to index
          %swap3A_1256 = arith.constant 112 : index
          %swap3A_1257 = tpu.vector_load %arg18[%swap3A_1255, %swap3A_1256] {strides = array<i32>} : memref<128x128xf32, #tpu.memory_space<vmem>>, vector<16xf32>,
          tpu.vector_store %arg18[%swap3A_1255, %swap3A_1256], %mul3A_1254 {strides = array<i32>} : memref<128x128xf32, #tpu.memory_space<vmem>>, vector<16xf32>,
          %slice3A_1258 = vector.extract_strided_slice %get3A_449 {offsets = [15], sizes = [1], strides = [1]} : vector<16xf32> to vector<1xf32>
          %squeeze3A_1259 = vector.extract %slice3A_1258[0] : f32 from vector<1xf32>
          %mul3A_1260 = arith.constant 16 : i32
          %mul3A_1261 = arith.muli %scan3A_443, %mul3A_1260 : i32
          %add3A_1262 = arith.constant 15 : i32
          %add3A_1263 = arith.addi %mul3A_1261, %add3A_1262 : i32
          %get3A_1264 = arith.index_cast %add3A_1263 : i32 to index
          %get3A_1265 = arith.constant 0 : index
          %get3A_1266 = tpu.vector_load %arg17[%get3A_1264, %get3A_1265] {strides = array<i32>} : memref<128x64xf32, #tpu.memory_space<vmem>>, vector<16xf32>,
          %mul3A_1267 = vector.broadcast %squeeze3A_1259 : f32 to vector<16xf32>
          %mul3A_1268 = arith.mulf %mul3A_1267, %get3A_1266 : vector<16xf32>
          %swap3A_1269 = arith.index_cast %add3A_1263 : i32 to index
          %swap3A_1270 = arith.constant 0 : index
          %swap3A_1271 = tpu.vector_load %arg18[%swap3A_1269, %swap3A_1270] {strides = array<i32>} : memref<128x128xf32, #tpu.memory_space<vmem>>, vector<16xf32>,
          tpu.vector_store %arg18[%swap3A_1269, %swap3A_1270], %mul3A_1268 {strides = array<i32>} : memref<128x128xf32, #tpu.memory_space<vmem>>, vector<16xf32>,
          %mul3A_1272 = arith.mulf %mul3A_1268, %get3A_1266 : vector<16xf32>
          %swap3A_1273 = arith.index_cast %add3A_1263 : i32 to index
          %swap3A_1274 = arith.constant 64 : index
          %swap3A_1275 = tpu.vector_load %arg18[%swap3A_1273, %swap3A_1274] {strides = array<i32>} : memref<128x128xf32, #tpu.memory_space<vmem>>, vector<16xf32>,
          tpu.vector_store %arg18[%swap3A_1273, %swap3A_1274], %mul3A_1272 {strides = array<i32>} : memref<128x128xf32, #tpu.memory_space<vmem>>, vector<16xf32>,
          %get3A_1276 = arith.index_cast %add3A_1263 : i32 to index
          %get3A_1277 = arith.constant 16 : index
          %get3A_1278 = tpu.vector_load %arg17[%get3A_1276, %get3A_1277] {strides = array<i32>} : memref<128x64xf32, #tpu.memory_space<vmem>>, vector<16xf32>,
          %mul3A_1279 = vector.broadcast %squeeze3A_1259 : f32 to vector<16xf32>
          %mul3A_1280 = arith.mulf %mul3A_1279, %get3A_1278 : vector<16xf32>
          %swap3A_1281 = arith.index_cast %add3A_1263 : i32 to index
          %swap3A_1282 = arith.constant 16 : index
          %swap3A_1283 = tpu.vector_load %arg18[%swap3A_1281, %swap3A_1282] {strides = array<i32>} : memref<128x128xf32, #tpu.memory_space<vmem>>, vector<16xf32>,
          tpu.vector_store %arg18[%swap3A_1281, %swap3A_1282], %mul3A_1280 {strides = array<i32>} : memref<128x128xf32, #tpu.memory_space<vmem>>, vector<16xf32>,
          %mul3A_1284 = arith.mulf %mul3A_1280, %get3A_1278 : vector<16xf32>
          %swap3A_1285 = arith.index_cast %add3A_1263 : i32 to index
          %swap3A_1286 = arith.constant 80 : index
          %swap3A_1287 = tpu.vector_load %arg18[%swap3A_1285, %swap3A_1286] {strides = array<i32>} : memref<128x128xf32, #tpu.memory_space<vmem>>, vector<16xf32>,
          tpu.vector_store %arg18[%swap3A_1285, %swap3A_1286], %mul3A_1284 {strides = array<i32>} : memref<128x128xf32, #tpu.memory_space<vmem>>, vector<16xf32>,
          %get3A_1288 = arith.index_cast %add3A_1263 : i32 to index
          %get3A_1289 = arith.constant 32 : index
          %get3A_1290 = tpu.vector_load %arg17[%get3A_1288, %get3A_1289] {strides = array<i32>} : memref<128x64xf32, #tpu.memory_space<vmem>>, vector<16xf32>,
          %mul3A_1291 = vector.broadcast %squeeze3A_1259 : f32 to vector<16xf32>
          %mul3A_1292 = arith.mulf %mul3A_1291, %get3A_1290 : vector<16xf32>
          %swap3A_1293 = arith.index_cast %add3A_1263 : i32 to index
          %swap3A_1294 = arith.constant 32 : index
          %swap3A_1295 = tpu.vector_load %arg18[%swap3A_1293, %swap3A_1294] {strides = array<i32>} : memref<128x128xf32, #tpu.memory_space<vmem>>, vector<16xf32>,
          tpu.vector_store %arg18[%swap3A_1293, %swap3A_1294], %mul3A_1292 {strides = array<i32>} : memref<128x128xf32, #tpu.memory_space<vmem>>, vector<16xf32>,
          %mul3A_1296 = arith.mulf %mul3A_1292, %get3A_1290 : vector<16xf32>
          %swap3A_1297 = arith.index_cast %add3A_1263 : i32 to index
          %swap3A_1298 = arith.constant 96 : index
          %swap3A_1299 = tpu.vector_load %arg18[%swap3A_1297, %swap3A_1298] {strides = array<i32>} : memref<128x128xf32, #tpu.memory_space<vmem>>, vector<16xf32>,
          tpu.vector_store %arg18[%swap3A_1297, %swap3A_1298], %mul3A_1296 {strides = array<i32>} : memref<128x128xf32, #tpu.memory_space<vmem>>, vector<16xf32>,
          %get3A_1300 = arith.index_cast %add3A_1263 : i32 to index
          %get3A_1301 = arith.constant 48 : index
          %get3A_1302 = tpu.vector_load %arg17[%get3A_1300, %get3A_1301] {strides = array<i32>} : memref<128x64xf32, #tpu.memory_space<vmem>>, vector<16xf32>,
          %mul3A_1303 = vector.broadcast %squeeze3A_1259 : f32 to vector<16xf32>
          %mul3A_1304 = arith.mulf %mul3A_1303, %get3A_1302 : vector<16xf32>
          %swap3A_1305 = arith.index_cast %add3A_1263 : i32 to index
          %swap3A_1306 = arith.constant 48 : index
          %swap3A_1307 = tpu.vector_load %arg18[%swap3A_1305, %swap3A_1306] {strides = array<i32>} : memref<128x128xf32, #tpu.memory_space<vmem>>, vector<16xf32>,
          tpu.vector_store %arg18[%swap3A_1305, %swap3A_1306], %mul3A_1304 {strides = array<i32>} : memref<128x128xf32, #tpu.memory_space<vmem>>, vector<16xf32>,
          %mul3A_1308 = arith.mulf %mul3A_1304, %get3A_1302 : vector<16xf32>
          %swap3A_1309 = arith.index_cast %add3A_1263 : i32 to index
          %swap3A_1310 = arith.constant 112 : index
          %swap3A_1311 = tpu.vector_load %arg18[%swap3A_1309, %swap3A_1310] {strides = array<i32>} : memref<128x128xf32, #tpu.memory_space<vmem>>, vector<16xf32>,
          tpu.vector_store %arg18[%swap3A_1309, %swap3A_1310], %mul3A_1308 {strides = array<i32>} : memref<128x128xf32, #tpu.memory_space<vmem>>, vector<16xf32>,
          %scan3A_1312 = arith.constant 0 : i32
          scf.yield %scan3A_1312 : i32
        }
        %scan3A_441 = arith.constant 8 : i32
        %run_scoped3A = arith.constant 0 : i32
        "tpu.region"() ({
          %run_scoped3A_443 = tpu.sem_alloc : memref<!tpu.dma_semaphore, #tpu.memory_space<semaphore_mem>>
          %dma_start3A_444 = arith.constant 0 : i32
          %dma_start3A_445 = tpu.memref_slice %arg16[%run_scoped3A, %dma_start3A_444] : memref<1x128xi32, #tpu.memory_space<vmem>> -> memref<1x128xi32, #tpu.memory_space<vmem>>
          %dma_start3A_446 = tpu.memref_squeeze %dma_start3A_445 : memref<1x128xi32, #tpu.memory_space<vmem>> -> memref<128xi32, #tpu.memory_space<vmem>>
          %dma_start3A_447 = arith.constant 0 : i32
          %dma_start3A_448 = arith.constant 0 : i32
          %dma_start3A_449 = tpu.memref_slice %arg8[%dma_start3A_447, %dma_start3A_448] : memref<8320x128xf32, #tpu.memory_space<vmem_shared>> -> memref<8320x128xf32, #tpu.memory_space<vmem_shared>>
          tpu.enqueue_indirect_dma source(%arg18 : memref<128x128xf32, #tpu.memory_space<vmem>>) target(%dma_start3A_449 : memref<8320x128xf32, #tpu.memory_space<vmem_shared>>) offsets(%dma_start3A_446 : memref<128xi32, #tpu.memory_space<vmem>>) semaphore(%run_scoped3A_443 : memref<!tpu.dma_semaphore, #tpu.memory_space<semaphore_mem>>) {add = true}
          %dma_wait3A_450 = arith.constant 0 : i32
          %dma_wait3A_451 = tpu.memref_slice %arg16[%run_scoped3A, %dma_wait3A_450] : memref<1x128xi32, #tpu.memory_space<vmem>> -> memref<1x128xi32, #tpu.memory_space<vmem>>
          %dma_wait3A_452 = tpu.memref_squeeze %dma_wait3A_451 : memref<1x128xi32, #tpu.memory_space<vmem>> -> memref<128xi32, #tpu.memory_space<vmem>>
          %dma_wait3A_453 = arith.constant 0 : i32
          %dma_wait3A_454 = arith.constant 0 : i32
          %dma_wait3A_455 = tpu.memref_slice %arg8[%dma_wait3A_453, %dma_wait3A_454] : memref<8320x128xf32, #tpu.memory_space<vmem_shared>> -> memref<8320x128xf32, #tpu.memory_space<vmem_shared>>
          tpu.wait_indirect_dma semaphore(%run_scoped3A_443 : memref<!tpu.dma_semaphore, #tpu.memory_space<semaphore_mem>>) src(%arg18 : memref<128x128xf32, #tpu.memory_space<vmem>>) dst(%dma_wait3A_455 : memref<8320x128xf32, #tpu.memory_space<vmem_shared>>)
          tpu.yield
        }) : () -> ()
        %while3A_442 = arith.constant 0 : i32
        scf.yield %while3A_442 : i32
      }
      %while3A_357 = arith.constant 1 : i32
      %while3A_358 = scf.for %while3A_360 = %while3A_354 to %while3A_350 step %while3A_357 iter_args(%while3A_361 = %while3A_356) -> (i32)  : i32 {
        %mul3A_362 = arith.constant 128 : i32
        %mul3A_363 = arith.muli %while3A_360, %mul3A_362 : i32
        %dma_start3A_364 = tpu.memref_slice %arg14[%mul3A_363] : memref<1152xi32, #tpu.memory_space<vmem>> -> memref<128xi32, #tpu.memory_space<vmem>>
        %dma_start3A_365 = arith.constant 0 : i32
        %dma_start3A_366 = arith.constant 0 : i32
        %dma_start3A_367 = tpu.memref_slice %arg6[%dma_start3A_365, %dma_start3A_366] : memref<100000x64xf32, #tpu.memory_space<hbm>> -> memref<100000x64xf32, #tpu.memory_space<hbm>>
        tpu.enqueue_indirect_dma source(%dma_start3A_367 : memref<100000x64xf32, #tpu.memory_space<hbm>>) target(%arg17 : memref<128x64xf32, #tpu.memory_space<vmem>>) offsets(%dma_start3A_364 : memref<128xi32, #tpu.memory_space<vmem>>) semaphore(%arg21 : memref<!tpu.dma_semaphore, #tpu.memory_space<semaphore_mem>>)
        %dma_wait3A_368 = tpu.memref_slice %arg14[%mul3A_363] : memref<1152xi32, #tpu.memory_space<vmem>> -> memref<128xi32, #tpu.memory_space<vmem>>
        %dma_wait3A_369 = arith.constant 0 : i32
        %dma_wait3A_370 = arith.constant 0 : i32
        %dma_wait3A_371 = tpu.memref_slice %arg6[%dma_wait3A_369, %dma_wait3A_370] : memref<100000x64xf32, #tpu.memory_space<hbm>> -> memref<100000x64xf32, #tpu.memory_space<hbm>>
        tpu.wait_indirect_dma semaphore(%arg21 : memref<!tpu.dma_semaphore, #tpu.memory_space<semaphore_mem>>) src(%dma_wait3A_371 : memref<100000x64xf32, #tpu.memory_space<hbm>>) dst(%arg17 : memref<128x64xf32, #tpu.memory_space<vmem>>)
        %add3A_372 = arith.constant 0 : i32
        %add3A_373 = arith.addi %mul3A_363, %add3A_372 : i32
        %get3A = arith.index_cast %add3A_373 : i32 to index
        %get3A_374 = tpu.vector_load %arg13[%get3A] {strides = array<i32>} : memref<1152xi32, #tpu.memory_space<vmem>>, vector<16xi32>,
        %swap3A_375 = arith.constant 0 : i32
        %swap3A_376 = arith.index_cast %swap3A_375 : i32 to index
        %swap3A_377 = arith.constant 0 : index
        %swap3A_378 = tpu.vector_load %arg16[%swap3A_376, %swap3A_377] {strides = array<i32>} : memref<1x128xi32, #tpu.memory_space<vmem>>, vector<16xi32>,
        tpu.vector_store %arg16[%swap3A_376, %swap3A_377], %get3A_374 {strides = array<i32>} : memref<1x128xi32, #tpu.memory_space<vmem>>, vector<16xi32>,
        %add3A_379 = arith.constant 16 : i32
        %add3A_380 = arith.addi %mul3A_363, %add3A_379 : i32
        %get3A_381 = arith.index_cast %add3A_380 : i32 to index
        %get3A_382 = tpu.vector_load %arg13[%get3A_381] {strides = array<i32>} : memref<1152xi32, #tpu.memory_space<vmem>>, vector<16xi32>,
        %swap3A_383 = arith.constant 0 : i32
        %swap3A_384 = arith.index_cast %swap3A_383 : i32 to index
        %swap3A_385 = arith.constant 16 : index
        %swap3A_386 = tpu.vector_load %arg16[%swap3A_384, %swap3A_385] {strides = array<i32>} : memref<1x128xi32, #tpu.memory_space<vmem>>, vector<16xi32>,
        tpu.vector_store %arg16[%swap3A_384, %swap3A_385], %get3A_382 {strides = array<i32>} : memref<1x128xi32, #tpu.memory_space<vmem>>, vector<16xi32>,
        %add3A_387 = arith.constant 32 : i32
        %add3A_388 = arith.addi %mul3A_363, %add3A_387 : i32
        %get3A_389 = arith.index_cast %add3A_388 : i32 to index
        %get3A_390 = tpu.vector_load %arg13[%get3A_389] {strides = array<i32>} : memref<1152xi32, #tpu.memory_space<vmem>>, vector<16xi32>,
        %swap3A_391 = arith.constant 0 : i32
        %swap3A_392 = arith.index_cast %swap3A_391 : i32 to index
        %swap3A_393 = arith.constant 32 : index
        %swap3A_394 = tpu.vector_load %arg16[%swap3A_392, %swap3A_393] {strides = array<i32>} : memref<1x128xi32, #tpu.memory_space<vmem>>, vector<16xi32>,
        tpu.vector_store %arg16[%swap3A_392, %swap3A_393], %get3A_390 {strides = array<i32>} : memref<1x128xi32, #tpu.memory_space<vmem>>, vector<16xi32>,
        %add3A_395 = arith.constant 48 : i32
        %add3A_396 = arith.addi %mul3A_363, %add3A_395 : i32
        %get3A_397 = arith.index_cast %add3A_396 : i32 to index
        %get3A_398 = tpu.vector_load %arg13[%get3A_397] {strides = array<i32>} : memref<1152xi32, #tpu.memory_space<vmem>>, vector<16xi32>,
        %swap3A_399 = arith.constant 0 : i32
        %swap3A_400 = arith.index_cast %swap3A_399 : i32 to index
        %swap3A_401 = arith.constant 48 : index
        %swap3A_402 = tpu.vector_load %arg16[%swap3A_400, %swap3A_401] {strides = array<i32>} : memref<1x128xi32, #tpu.memory_space<vmem>>, vector<16xi32>,
        tpu.vector_store %arg16[%swap3A_400, %swap3A_401], %get3A_398 {strides = array<i32>} : memref<1x128xi32, #tpu.memory_space<vmem>>, vector<16xi32>,
        %add3A_403 = arith.constant 64 : i32
        %add3A_404 = arith.addi %mul3A_363, %add3A_403 : i32
        %get3A_405 = arith.index_cast %add3A_404 : i32 to index
        %get3A_406 = tpu.vector_load %arg13[%get3A_405] {strides = array<i32>} : memref<1152xi32, #tpu.memory_space<vmem>>, vector<16xi32>,
        %swap3A_407 = arith.constant 0 : i32
        %swap3A_408 = arith.index_cast %swap3A_407 : i32 to index
        %swap3A_409 = arith.constant 64 : index
        %swap3A_410 = tpu.vector_load %arg16[%swap3A_408, %swap3A_409] {strides = array<i32>} : memref<1x128xi32, #tpu.memory_space<vmem>>, vector<16xi32>,
        tpu.vector_store %arg16[%swap3A_408, %swap3A_409], %get3A_406 {strides = array<i32>} : memref<1x128xi32, #tpu.memory_space<vmem>>, vector<16xi32>,
        %add3A_411 = arith.constant 80 : i32
        %add3A_412 = arith.addi %mul3A_363, %add3A_411 : i32
        %get3A_413 = arith.index_cast %add3A_412 : i32 to index
        %get3A_414 = tpu.vector_load %arg13[%get3A_413] {strides = array<i32>} : memref<1152xi32, #tpu.memory_space<vmem>>, vector<16xi32>,
        %swap3A_415 = arith.constant 0 : i32
        %swap3A_416 = arith.index_cast %swap3A_415 : i32 to index
        %swap3A_417 = arith.constant 80 : index
        %swap3A_418 = tpu.vector_load %arg16[%swap3A_416, %swap3A_417] {strides = array<i32>} : memref<1x128xi32, #tpu.memory_space<vmem>>, vector<16xi32>,
        tpu.vector_store %arg16[%swap3A_416, %swap3A_417], %get3A_414 {strides = array<i32>} : memref<1x128xi32, #tpu.memory_space<vmem>>, vector<16xi32>,
        %add3A_419 = arith.constant 96 : i32
        %add3A_420 = arith.addi %mul3A_363, %add3A_419 : i32
        %get3A_421 = arith.index_cast %add3A_420 : i32 to index
        %get3A_422 = tpu.vector_load %arg13[%get3A_421] {strides = array<i32>} : memref<1152xi32, #tpu.memory_space<vmem>>, vector<16xi32>,
        %swap3A_423 = arith.constant 0 : i32
        %swap3A_424 = arith.index_cast %swap3A_423 : i32 to index
        %swap3A_425 = arith.constant 96 : index
        %swap3A_426 = tpu.vector_load %arg16[%swap3A_424, %swap3A_425] {strides = array<i32>} : memref<1x128xi32, #tpu.memory_space<vmem>>, vector<16xi32>,
        tpu.vector_store %arg16[%swap3A_424, %swap3A_425], %get3A_422 {strides = array<i32>} : memref<1x128xi32, #tpu.memory_space<vmem>>, vector<16xi32>,
        %add3A_427 = arith.constant 112 : i32
        %add3A_428 = arith.addi %mul3A_363, %add3A_427 : i32
        %get3A_429 = arith.index_cast %add3A_428 : i32 to index
        %get3A_430 = tpu.vector_load %arg13[%get3A_429] {strides = array<i32>} : memref<1152xi32, #tpu.memory_space<vmem>>, vector<16xi32>,
        %swap3A_431 = arith.constant 0 : i32
        %swap3A_432 = arith.index_cast %swap3A_431 : i32 to index
        %swap3A_433 = arith.constant 112 : index
        %swap3A_434 = tpu.vector_load %arg16[%swap3A_432, %swap3A_433] {strides = array<i32>} : memref<1x128xi32, #tpu.memory_space<vmem>>, vector<16xi32>,
        tpu.vector_store %arg16[%swap3A_432, %swap3A_433], %get3A_430 {strides = array<i32>} : memref<1x128xi32, #tpu.memory_space<vmem>>, vector<16xi32>,
        %scan3A_435 = arith.constant 0 : i32
        %scan3A_436 = arith.constant 0 : i32
        %scan3A_437 = arith.constant 8 : i32
        %scan3A_438 = arith.addi %scan3A_436, %scan3A_437 : i32
        %scan3A_439 = arith.constant 1 : i32
        %scan3A_440 = scf.for %scan3A_443 = %scan3A_436 to %scan3A_438 step %scan3A_439 iter_args(%scan3A_444 = %scan3A_435) -> (i32)  : i32 {
          %mul3A_445 = arith.constant 16 : i32
          %mul3A_446 = arith.muli %scan3A_443, %mul3A_445 : i32
          %add3A_447 = arith.addi %mul3A_363, %mul3A_446 : i32
          %get3A_448 = arith.index_cast %add3A_447 : i32 to index
          %get3A_449 = tpu.vector_load %arg15[%get3A_448] {strides = array<i32>} : memref<1152xf32, #tpu.memory_space<vmem>>, vector<16xf32>,
          %slice3A = vector.extract_strided_slice %get3A_449 {offsets = [0], sizes = [1], strides = [1]} : vector<16xf32> to vector<1xf32>
          %squeeze3A = vector.extract %slice3A[0] : f32 from vector<1xf32>
          %mul3A_450 = arith.constant 16 : i32
          %mul3A_451 = arith.muli %scan3A_443, %mul3A_450 : i32
          %add3A_452 = arith.constant 0 : i32
          %add3A_453 = arith.addi %mul3A_451, %add3A_452 : i32
          %get3A_454 = arith.index_cast %add3A_453 : i32 to index
          %get3A_455 = arith.constant 0 : index
          %get3A_456 = tpu.vector_load %arg17[%get3A_454, %get3A_455] {strides = array<i32>} : memref<128x64xf32, #tpu.memory_space<vmem>>, vector<16xf32>,
          %mul3A_457 = vector.broadcast %squeeze3A : f32 to vector<16xf32>
          %mul3A_458 = arith.mulf %mul3A_457, %get3A_456 : vector<16xf32>
          %swap3A_459 = arith.index_cast %add3A_453 : i32 to index
          %swap3A_460 = arith.constant 0 : index
          %swap3A_461 = tpu.vector_load %arg18[%swap3A_459, %swap3A_460] {strides = array<i32>} : memref<128x128xf32, #tpu.memory_space<vmem>>, vector<16xf32>,
          tpu.vector_store %arg18[%swap3A_459, %swap3A_460], %mul3A_458 {strides = array<i32>} : memref<128x128xf32, #tpu.memory_space<vmem>>, vector<16xf32>,
          %mul3A_462 = arith.mulf %mul3A_458, %get3A_456 : vector<16xf32>
          %swap3A_463 = arith.index_cast %add3A_453 : i32 to index
          %swap3A_464 = arith.constant 64 : index
          %swap3A_465 = tpu.vector_load %arg18[%swap3A_463, %swap3A_464] {strides = array<i32>} : memref<128x128xf32, #tpu.memory_space<vmem>>, vector<16xf32>,
          tpu.vector_store %arg18[%swap3A_463, %swap3A_464], %mul3A_462 {strides = array<i32>} : memref<128x128xf32, #tpu.memory_space<vmem>>, vector<16xf32>,
          %get3A_466 = arith.index_cast %add3A_453 : i32 to index
          %get3A_467 = arith.constant 16 : index
          %get3A_468 = tpu.vector_load %arg17[%get3A_466, %get3A_467] {strides = array<i32>} : memref<128x64xf32, #tpu.memory_space<vmem>>, vector<16xf32>,
          %mul3A_469 = vector.broadcast %squeeze3A : f32 to vector<16xf32>
          %mul3A_470 = arith.mulf %mul3A_469, %get3A_468 : vector<16xf32>
          %swap3A_471 = arith.index_cast %add3A_453 : i32 to index
          %swap3A_472 = arith.constant 16 : index
          %swap3A_473 = tpu.vector_load %arg18[%swap3A_471, %swap3A_472] {strides = array<i32>} : memref<128x128xf32, #tpu.memory_space<vmem>>, vector<16xf32>,
          tpu.vector_store %arg18[%swap3A_471, %swap3A_472], %mul3A_470 {strides = array<i32>} : memref<128x128xf32, #tpu.memory_space<vmem>>, vector<16xf32>,
          %mul3A_474 = arith.mulf %mul3A_470, %get3A_468 : vector<16xf32>
          %swap3A_475 = arith.index_cast %add3A_453 : i32 to index
          %swap3A_476 = arith.constant 80 : index
          %swap3A_477 = tpu.vector_load %arg18[%swap3A_475, %swap3A_476] {strides = array<i32>} : memref<128x128xf32, #tpu.memory_space<vmem>>, vector<16xf32>,
          tpu.vector_store %arg18[%swap3A_475, %swap3A_476], %mul3A_474 {strides = array<i32>} : memref<128x128xf32, #tpu.memory_space<vmem>>, vector<16xf32>,
          %get3A_478 = arith.index_cast %add3A_453 : i32 to index
          %get3A_479 = arith.constant 32 : index
          %get3A_480 = tpu.vector_load %arg17[%get3A_478, %get3A_479] {strides = array<i32>} : memref<128x64xf32, #tpu.memory_space<vmem>>, vector<16xf32>,
          %mul3A_481 = vector.broadcast %squeeze3A : f32 to vector<16xf32>
          %mul3A_482 = arith.mulf %mul3A_481, %get3A_480 : vector<16xf32>
          %swap3A_483 = arith.index_cast %add3A_453 : i32 to index
          %swap3A_484 = arith.constant 32 : index
          %swap3A_485 = tpu.vector_load %arg18[%swap3A_483, %swap3A_484] {strides = array<i32>} : memref<128x128xf32, #tpu.memory_space<vmem>>, vector<16xf32>,
          tpu.vector_store %arg18[%swap3A_483, %swap3A_484], %mul3A_482 {strides = array<i32>} : memref<128x128xf32, #tpu.memory_space<vmem>>, vector<16xf32>,
          %mul3A_486 = arith.mulf %mul3A_482, %get3A_480 : vector<16xf32>
          %swap3A_487 = arith.index_cast %add3A_453 : i32 to index
          %swap3A_488 = arith.constant 96 : index
          %swap3A_489 = tpu.vector_load %arg18[%swap3A_487, %swap3A_488] {strides = array<i32>} : memref<128x128xf32, #tpu.memory_space<vmem>>, vector<16xf32>,
          tpu.vector_store %arg18[%swap3A_487, %swap3A_488], %mul3A_486 {strides = array<i32>} : memref<128x128xf32, #tpu.memory_space<vmem>>, vector<16xf32>,
          %get3A_490 = arith.index_cast %add3A_453 : i32 to index
          %get3A_491 = arith.constant 48 : index
          %get3A_492 = tpu.vector_load %arg17[%get3A_490, %get3A_491] {strides = array<i32>} : memref<128x64xf32, #tpu.memory_space<vmem>>, vector<16xf32>,
          %mul3A_493 = vector.broadcast %squeeze3A : f32 to vector<16xf32>
          %mul3A_494 = arith.mulf %mul3A_493, %get3A_492 : vector<16xf32>
          %swap3A_495 = arith.index_cast %add3A_453 : i32 to index
          %swap3A_496 = arith.constant 48 : index
          %swap3A_497 = tpu.vector_load %arg18[%swap3A_495, %swap3A_496] {strides = array<i32>} : memref<128x128xf32, #tpu.memory_space<vmem>>, vector<16xf32>,
          tpu.vector_store %arg18[%swap3A_495, %swap3A_496], %mul3A_494 {strides = array<i32>} : memref<128x128xf32, #tpu.memory_space<vmem>>, vector<16xf32>,
          %mul3A_498 = arith.mulf %mul3A_494, %get3A_492 : vector<16xf32>
          %swap3A_499 = arith.index_cast %add3A_453 : i32 to index
          %swap3A_500 = arith.constant 112 : index
          %swap3A_501 = tpu.vector_load %arg18[%swap3A_499, %swap3A_500] {strides = array<i32>} : memref<128x128xf32, #tpu.memory_space<vmem>>, vector<16xf32>,
          tpu.vector_store %arg18[%swap3A_499, %swap3A_500], %mul3A_498 {strides = array<i32>} : memref<128x128xf32, #tpu.memory_space<vmem>>, vector<16xf32>,
          %slice3A_502 = vector.extract_strided_slice %get3A_449 {offsets = [1], sizes = [1], strides = [1]} : vector<16xf32> to vector<1xf32>
          %squeeze3A_503 = vector.extract %slice3A_502[0] : f32 from vector<1xf32>
          %mul3A_504 = arith.constant 16 : i32
          %mul3A_505 = arith.muli %scan3A_443, %mul3A_504 : i32
          %add3A_506 = arith.constant 1 : i32
          %add3A_507 = arith.addi %mul3A_505, %add3A_506 : i32
          %get3A_508 = arith.index_cast %add3A_507 : i32 to index
          %get3A_509 = arith.constant 0 : index
          %get3A_510 = tpu.vector_load %arg17[%get3A_508, %get3A_509] {strides = array<i32>} : memref<128x64xf32, #tpu.memory_space<vmem>>, vector<16xf32>,
          %mul3A_511 = vector.broadcast %squeeze3A_503 : f32 to vector<16xf32>
          %mul3A_512 = arith.mulf %mul3A_511, %get3A_510 : vector<16xf32>
          %swap3A_513 = arith.index_cast %add3A_507 : i32 to index
          %swap3A_514 = arith.constant 0 : index
          %swap3A_515 = tpu.vector_load %arg18[%swap3A_513, %swap3A_514] {strides = array<i32>} : memref<128x128xf32, #tpu.memory_space<vmem>>, vector<16xf32>,
          tpu.vector_store %arg18[%swap3A_513, %swap3A_514], %mul3A_512 {strides = array<i32>} : memref<128x128xf32, #tpu.memory_space<vmem>>, vector<16xf32>,
          %mul3A_516 = arith.mulf %mul3A_512, %get3A_510 : vector<16xf32>
          %swap3A_517 = arith.index_cast %add3A_507 : i32 to index
          %swap3A_518 = arith.constant 64 : index
          %swap3A_519 = tpu.vector_load %arg18[%swap3A_517, %swap3A_518] {strides = array<i32>} : memref<128x128xf32, #tpu.memory_space<vmem>>, vector<16xf32>,
          tpu.vector_store %arg18[%swap3A_517, %swap3A_518], %mul3A_516 {strides = array<i32>} : memref<128x128xf32, #tpu.memory_space<vmem>>, vector<16xf32>,
          %get3A_520 = arith.index_cast %add3A_507 : i32 to index
          %get3A_521 = arith.constant 16 : index
          %get3A_522 = tpu.vector_load %arg17[%get3A_520, %get3A_521] {strides = array<i32>} : memref<128x64xf32, #tpu.memory_space<vmem>>, vector<16xf32>,
          %mul3A_523 = vector.broadcast %squeeze3A_503 : f32 to vector<16xf32>
          %mul3A_524 = arith.mulf %mul3A_523, %get3A_522 : vector<16xf32>
          %swap3A_525 = arith.index_cast %add3A_507 : i32 to index
          %swap3A_526 = arith.constant 16 : index
          %swap3A_527 = tpu.vector_load %arg18[%swap3A_525, %swap3A_526] {strides = array<i32>} : memref<128x128xf32, #tpu.memory_space<vmem>>, vector<16xf32>,
          tpu.vector_store %arg18[%swap3A_525, %swap3A_526], %mul3A_524 {strides = array<i32>} : memref<128x128xf32, #tpu.memory_space<vmem>>, vector<16xf32>,
          %mul3A_528 = arith.mulf %mul3A_524, %get3A_522 : vector<16xf32>
          %swap3A_529 = arith.index_cast %add3A_507 : i32 to index
          %swap3A_530 = arith.constant 80 : index
          %swap3A_531 = tpu.vector_load %arg18[%swap3A_529, %swap3A_530] {strides = array<i32>} : memref<128x128xf32, #tpu.memory_space<vmem>>, vector<16xf32>,
          tpu.vector_store %arg18[%swap3A_529, %swap3A_530], %mul3A_528 {strides = array<i32>} : memref<128x128xf32, #tpu.memory_space<vmem>>, vector<16xf32>,
          %get3A_532 = arith.index_cast %add3A_507 : i32 to index
          %get3A_533 = arith.constant 32 : index
          %get3A_534 = tpu.vector_load %arg17[%get3A_532, %get3A_533] {strides = array<i32>} : memref<128x64xf32, #tpu.memory_space<vmem>>, vector<16xf32>,
          %mul3A_535 = vector.broadcast %squeeze3A_503 : f32 to vector<16xf32>
          %mul3A_536 = arith.mulf %mul3A_535, %get3A_534 : vector<16xf32>
          %swap3A_537 = arith.index_cast %add3A_507 : i32 to index
          %swap3A_538 = arith.constant 32 : index
          %swap3A_539 = tpu.vector_load %arg18[%swap3A_537, %swap3A_538] {strides = array<i32>} : memref<128x128xf32, #tpu.memory_space<vmem>>, vector<16xf32>,
          tpu.vector_store %arg18[%swap3A_537, %swap3A_538], %mul3A_536 {strides = array<i32>} : memref<128x128xf32, #tpu.memory_space<vmem>>, vector<16xf32>,
          %mul3A_540 = arith.mulf %mul3A_536, %get3A_534 : vector<16xf32>
          %swap3A_541 = arith.index_cast %add3A_507 : i32 to index
          %swap3A_542 = arith.constant 96 : index
          %swap3A_543 = tpu.vector_load %arg18[%swap3A_541, %swap3A_542] {strides = array<i32>} : memref<128x128xf32, #tpu.memory_space<vmem>>, vector<16xf32>,
          tpu.vector_store %arg18[%swap3A_541, %swap3A_542], %mul3A_540 {strides = array<i32>} : memref<128x128xf32, #tpu.memory_space<vmem>>, vector<16xf32>,
          %get3A_544 = arith.index_cast %add3A_507 : i32 to index
          %get3A_545 = arith.constant 48 : index
          %get3A_546 = tpu.vector_load %arg17[%get3A_544, %get3A_545] {strides = array<i32>} : memref<128x64xf32, #tpu.memory_space<vmem>>, vector<16xf32>,
          %mul3A_547 = vector.broadcast %squeeze3A_503 : f32 to vector<16xf32>
          %mul3A_548 = arith.mulf %mul3A_547, %get3A_546 : vector<16xf32>
          %swap3A_549 = arith.index_cast %add3A_507 : i32 to index
          %swap3A_550 = arith.constant 48 : index
          %swap3A_551 = tpu.vector_load %arg18[%swap3A_549, %swap3A_550] {strides = array<i32>} : memref<128x128xf32, #tpu.memory_space<vmem>>, vector<16xf32>,
          tpu.vector_store %arg18[%swap3A_549, %swap3A_550], %mul3A_548 {strides = array<i32>} : memref<128x128xf32, #tpu.memory_space<vmem>>, vector<16xf32>,
          %mul3A_552 = arith.mulf %mul3A_548, %get3A_546 : vector<16xf32>
          %swap3A_553 = arith.index_cast %add3A_507 : i32 to index
          %swap3A_554 = arith.constant 112 : index
          %swap3A_555 = tpu.vector_load %arg18[%swap3A_553, %swap3A_554] {strides = array<i32>} : memref<128x128xf32, #tpu.memory_space<vmem>>, vector<16xf32>,
          tpu.vector_store %arg18[%swap3A_553, %swap3A_554], %mul3A_552 {strides = array<i32>} : memref<128x128xf32, #tpu.memory_space<vmem>>, vector<16xf32>,
          %slice3A_556 = vector.extract_strided_slice %get3A_449 {offsets = [2], sizes = [1], strides = [1]} : vector<16xf32> to vector<1xf32>
          %squeeze3A_557 = vector.extract %slice3A_556[0] : f32 from vector<1xf32>
          %mul3A_558 = arith.constant 16 : i32
          %mul3A_559 = arith.muli %scan3A_443, %mul3A_558 : i32
          %add3A_560 = arith.constant 2 : i32
          %add3A_561 = arith.addi %mul3A_559, %add3A_560 : i32
          %get3A_562 = arith.index_cast %add3A_561 : i32 to index
          %get3A_563 = arith.constant 0 : index
          %get3A_564 = tpu.vector_load %arg17[%get3A_562, %get3A_563] {strides = array<i32>} : memref<128x64xf32, #tpu.memory_space<vmem>>, vector<16xf32>,
          %mul3A_565 = vector.broadcast %squeeze3A_557 : f32 to vector<16xf32>
          %mul3A_566 = arith.mulf %mul3A_565, %get3A_564 : vector<16xf32>
          %swap3A_567 = arith.index_cast %add3A_561 : i32 to index
          %swap3A_568 = arith.constant 0 : index
          %swap3A_569 = tpu.vector_load %arg18[%swap3A_567, %swap3A_568] {strides = array<i32>} : memref<128x128xf32, #tpu.memory_space<vmem>>, vector<16xf32>,
          tpu.vector_store %arg18[%swap3A_567, %swap3A_568], %mul3A_566 {strides = array<i32>} : memref<128x128xf32, #tpu.memory_space<vmem>>, vector<16xf32>,
          %mul3A_570 = arith.mulf %mul3A_566, %get3A_564 : vector<16xf32>
          %swap3A_571 = arith.index_cast %add3A_561 : i32 to index
          %swap3A_572 = arith.constant 64 : index
          %swap3A_573 = tpu.vector_load %arg18[%swap3A_571, %swap3A_572] {strides = array<i32>} : memref<128x128xf32, #tpu.memory_space<vmem>>, vector<16xf32>,
          tpu.vector_store %arg18[%swap3A_571, %swap3A_572], %mul3A_570 {strides = array<i32>} : memref<128x128xf32, #tpu.memory_space<vmem>>, vector<16xf32>,
          %get3A_574 = arith.index_cast %add3A_561 : i32 to index
          %get3A_575 = arith.constant 16 : index
          %get3A_576 = tpu.vector_load %arg17[%get3A_574, %get3A_575] {strides = array<i32>} : memref<128x64xf32, #tpu.memory_space<vmem>>, vector<16xf32>,
          %mul3A_577 = vector.broadcast %squeeze3A_557 : f32 to vector<16xf32>
          %mul3A_578 = arith.mulf %mul3A_577, %get3A_576 : vector<16xf32>
          %swap3A_579 = arith.index_cast %add3A_561 : i32 to index
          %swap3A_580 = arith.constant 16 : index
          %swap3A_581 = tpu.vector_load %arg18[%swap3A_579, %swap3A_580] {strides = array<i32>} : memref<128x128xf32, #tpu.memory_space<vmem>>, vector<16xf32>,
          tpu.vector_store %arg18[%swap3A_579, %swap3A_580], %mul3A_578 {strides = array<i32>} : memref<128x128xf32, #tpu.memory_space<vmem>>, vector<16xf32>,
          %mul3A_582 = arith.mulf %mul3A_578, %get3A_576 : vector<16xf32>
          %swap3A_583 = arith.index_cast %add3A_561 : i32 to index
          %swap3A_584 = arith.constant 80 : index
          %swap3A_585 = tpu.vector_load %arg18[%swap3A_583, %swap3A_584] {strides = array<i32>} : memref<128x128xf32, #tpu.memory_space<vmem>>, vector<16xf32>,
          tpu.vector_store %arg18[%swap3A_583, %swap3A_584], %mul3A_582 {strides = array<i32>} : memref<128x128xf32, #tpu.memory_space<vmem>>, vector<16xf32>,
          %get3A_586 = arith.index_cast %add3A_561 : i32 to index
          %get3A_587 = arith.constant 32 : index
          %get3A_588 = tpu.vector_load %arg17[%get3A_586, %get3A_587] {strides = array<i32>} : memref<128x64xf32, #tpu.memory_space<vmem>>, vector<16xf32>,
          %mul3A_589 = vector.broadcast %squeeze3A_557 : f32 to vector<16xf32>
          %mul3A_590 = arith.mulf %mul3A_589, %get3A_588 : vector<16xf32>
          %swap3A_591 = arith.index_cast %add3A_561 : i32 to index
          %swap3A_592 = arith.constant 32 : index
          %swap3A_593 = tpu.vector_load %arg18[%swap3A_591, %swap3A_592] {strides = array<i32>} : memref<128x128xf32, #tpu.memory_space<vmem>>, vector<16xf32>,
          tpu.vector_store %arg18[%swap3A_591, %swap3A_592], %mul3A_590 {strides = array<i32>} : memref<128x128xf32, #tpu.memory_space<vmem>>, vector<16xf32>,
          %mul3A_594 = arith.mulf %mul3A_590, %get3A_588 : vector<16xf32>
          %swap3A_595 = arith.index_cast %add3A_561 : i32 to index
          %swap3A_596 = arith.constant 96 : index
          %swap3A_597 = tpu.vector_load %arg18[%swap3A_595, %swap3A_596] {strides = array<i32>} : memref<128x128xf32, #tpu.memory_space<vmem>>, vector<16xf32>,
          tpu.vector_store %arg18[%swap3A_595, %swap3A_596], %mul3A_594 {strides = array<i32>} : memref<128x128xf32, #tpu.memory_space<vmem>>, vector<16xf32>,
          %get3A_598 = arith.index_cast %add3A_561 : i32 to index
          %get3A_599 = arith.constant 48 : index
          %get3A_600 = tpu.vector_load %arg17[%get3A_598, %get3A_599] {strides = array<i32>} : memref<128x64xf32, #tpu.memory_space<vmem>>, vector<16xf32>,
          %mul3A_601 = vector.broadcast %squeeze3A_557 : f32 to vector<16xf32>
          %mul3A_602 = arith.mulf %mul3A_601, %get3A_600 : vector<16xf32>
          %swap3A_603 = arith.index_cast %add3A_561 : i32 to index
          %swap3A_604 = arith.constant 48 : index
          %swap3A_605 = tpu.vector_load %arg18[%swap3A_603, %swap3A_604] {strides = array<i32>} : memref<128x128xf32, #tpu.memory_space<vmem>>, vector<16xf32>,
          tpu.vector_store %arg18[%swap3A_603, %swap3A_604], %mul3A_602 {strides = array<i32>} : memref<128x128xf32, #tpu.memory_space<vmem>>, vector<16xf32>,
          %mul3A_606 = arith.mulf %mul3A_602, %get3A_600 : vector<16xf32>
          %swap3A_607 = arith.index_cast %add3A_561 : i32 to index
          %swap3A_608 = arith.constant 112 : index
          %swap3A_609 = tpu.vector_load %arg18[%swap3A_607, %swap3A_608] {strides = array<i32>} : memref<128x128xf32, #tpu.memory_space<vmem>>, vector<16xf32>,
          tpu.vector_store %arg18[%swap3A_607, %swap3A_608], %mul3A_606 {strides = array<i32>} : memref<128x128xf32, #tpu.memory_space<vmem>>, vector<16xf32>,
          %slice3A_610 = vector.extract_strided_slice %get3A_449 {offsets = [3], sizes = [1], strides = [1]} : vector<16xf32> to vector<1xf32>
          %squeeze3A_611 = vector.extract %slice3A_610[0] : f32 from vector<1xf32>
          %mul3A_612 = arith.constant 16 : i32
          %mul3A_613 = arith.muli %scan3A_443, %mul3A_612 : i32
          %add3A_614 = arith.constant 3 : i32
          %add3A_615 = arith.addi %mul3A_613, %add3A_614 : i32
          %get3A_616 = arith.index_cast %add3A_615 : i32 to index
          %get3A_617 = arith.constant 0 : index
          %get3A_618 = tpu.vector_load %arg17[%get3A_616, %get3A_617] {strides = array<i32>} : memref<128x64xf32, #tpu.memory_space<vmem>>, vector<16xf32>,
          %mul3A_619 = vector.broadcast %squeeze3A_611 : f32 to vector<16xf32>
          %mul3A_620 = arith.mulf %mul3A_619, %get3A_618 : vector<16xf32>
          %swap3A_621 = arith.index_cast %add3A_615 : i32 to index
          %swap3A_622 = arith.constant 0 : index
          %swap3A_623 = tpu.vector_load %arg18[%swap3A_621, %swap3A_622] {strides = array<i32>} : memref<128x128xf32, #tpu.memory_space<vmem>>, vector<16xf32>,
          tpu.vector_store %arg18[%swap3A_621, %swap3A_622], %mul3A_620 {strides = array<i32>} : memref<128x128xf32, #tpu.memory_space<vmem>>, vector<16xf32>,
          %mul3A_624 = arith.mulf %mul3A_620, %get3A_618 : vector<16xf32>
          %swap3A_625 = arith.index_cast %add3A_615 : i32 to index
          %swap3A_626 = arith.constant 64 : index
          %swap3A_627 = tpu.vector_load %arg18[%swap3A_625, %swap3A_626] {strides = array<i32>} : memref<128x128xf32, #tpu.memory_space<vmem>>, vector<16xf32>,
          tpu.vector_store %arg18[%swap3A_625, %swap3A_626], %mul3A_624 {strides = array<i32>} : memref<128x128xf32, #tpu.memory_space<vmem>>, vector<16xf32>,
          %get3A_628 = arith.index_cast %add3A_615 : i32 to index
          %get3A_629 = arith.constant 16 : index
          %get3A_630 = tpu.vector_load %arg17[%get3A_628, %get3A_629] {strides = array<i32>} : memref<128x64xf32, #tpu.memory_space<vmem>>, vector<16xf32>,
          %mul3A_631 = vector.broadcast %squeeze3A_611 : f32 to vector<16xf32>
          %mul3A_632 = arith.mulf %mul3A_631, %get3A_630 : vector<16xf32>
          %swap3A_633 = arith.index_cast %add3A_615 : i32 to index
          %swap3A_634 = arith.constant 16 : index
          %swap3A_635 = tpu.vector_load %arg18[%swap3A_633, %swap3A_634] {strides = array<i32>} : memref<128x128xf32, #tpu.memory_space<vmem>>, vector<16xf32>,
          tpu.vector_store %arg18[%swap3A_633, %swap3A_634], %mul3A_632 {strides = array<i32>} : memref<128x128xf32, #tpu.memory_space<vmem>>, vector<16xf32>,
          %mul3A_636 = arith.mulf %mul3A_632, %get3A_630 : vector<16xf32>
          %swap3A_637 = arith.index_cast %add3A_615 : i32 to index
          %swap3A_638 = arith.constant 80 : index
          %swap3A_639 = tpu.vector_load %arg18[%swap3A_637, %swap3A_638] {strides = array<i32>} : memref<128x128xf32, #tpu.memory_space<vmem>>, vector<16xf32>,
          tpu.vector_store %arg18[%swap3A_637, %swap3A_638], %mul3A_636 {strides = array<i32>} : memref<128x128xf32, #tpu.memory_space<vmem>>, vector<16xf32>,
          %get3A_640 = arith.index_cast %add3A_615 : i32 to index
          %get3A_641 = arith.constant 32 : index
          %get3A_642 = tpu.vector_load %arg17[%get3A_640, %get3A_641] {strides = array<i32>} : memref<128x64xf32, #tpu.memory_space<vmem>>, vector<16xf32>,
          %mul3A_643 = vector.broadcast %squeeze3A_611 : f32 to vector<16xf32>
          %mul3A_644 = arith.mulf %mul3A_643, %get3A_642 : vector<16xf32>
          %swap3A_645 = arith.index_cast %add3A_615 : i32 to index
          %swap3A_646 = arith.constant 32 : index
          %swap3A_647 = tpu.vector_load %arg18[%swap3A_645, %swap3A_646] {strides = array<i32>} : memref<128x128xf32, #tpu.memory_space<vmem>>, vector<16xf32>,
          tpu.vector_store %arg18[%swap3A_645, %swap3A_646], %mul3A_644 {strides = array<i32>} : memref<128x128xf32, #tpu.memory_space<vmem>>, vector<16xf32>,
          %mul3A_648 = arith.mulf %mul3A_644, %get3A_642 : vector<16xf32>
          %swap3A_649 = arith.index_cast %add3A_615 : i32 to index
          %swap3A_650 = arith.constant 96 : index
          %swap3A_651 = tpu.vector_load %arg18[%swap3A_649, %swap3A_650] {strides = array<i32>} : memref<128x128xf32, #tpu.memory_space<vmem>>, vector<16xf32>,
          tpu.vector_store %arg18[%swap3A_649, %swap3A_650], %mul3A_648 {strides = array<i32>} : memref<128x128xf32, #tpu.memory_space<vmem>>, vector<16xf32>,
          %get3A_652 = arith.index_cast %add3A_615 : i32 to index
          %get3A_653 = arith.constant 48 : index
          %get3A_654 = tpu.vector_load %arg17[%get3A_652, %get3A_653] {strides = array<i32>} : memref<128x64xf32, #tpu.memory_space<vmem>>, vector<16xf32>,
          %mul3A_655 = vector.broadcast %squeeze3A_611 : f32 to vector<16xf32>
          %mul3A_656 = arith.mulf %mul3A_655, %get3A_654 : vector<16xf32>
          %swap3A_657 = arith.index_cast %add3A_615 : i32 to index
          %swap3A_658 = arith.constant 48 : index
          %swap3A_659 = tpu.vector_load %arg18[%swap3A_657, %swap3A_658] {strides = array<i32>} : memref<128x128xf32, #tpu.memory_space<vmem>>, vector<16xf32>,
          tpu.vector_store %arg18[%swap3A_657, %swap3A_658], %mul3A_656 {strides = array<i32>} : memref<128x128xf32, #tpu.memory_space<vmem>>, vector<16xf32>,
          %mul3A_660 = arith.mulf %mul3A_656, %get3A_654 : vector<16xf32>
          %swap3A_661 = arith.index_cast %add3A_615 : i32 to index
          %swap3A_662 = arith.constant 112 : index
          %swap3A_663 = tpu.vector_load %arg18[%swap3A_661, %swap3A_662] {strides = array<i32>} : memref<128x128xf32, #tpu.memory_space<vmem>>, vector<16xf32>,
          tpu.vector_store %arg18[%swap3A_661, %swap3A_662], %mul3A_660 {strides = array<i32>} : memref<128x128xf32, #tpu.memory_space<vmem>>, vector<16xf32>,
          %slice3A_664 = vector.extract_strided_slice %get3A_449 {offsets = [4], sizes = [1], strides = [1]} : vector<16xf32> to vector<1xf32>
          %squeeze3A_665 = vector.extract %slice3A_664[0] : f32 from vector<1xf32>
          %mul3A_666 = arith.constant 16 : i32
          %mul3A_667 = arith.muli %scan3A_443, %mul3A_666 : i32
          %add3A_668 = arith.constant 4 : i32
          %add3A_669 = arith.addi %mul3A_667, %add3A_668 : i32
          %get3A_670 = arith.index_cast %add3A_669 : i32 to index
          %get3A_671 = arith.constant 0 : index
          %get3A_672 = tpu.vector_load %arg17[%get3A_670, %get3A_671] {strides = array<i32>} : memref<128x64xf32, #tpu.memory_space<vmem>>, vector<16xf32>,
          %mul3A_673 = vector.broadcast %squeeze3A_665 : f32 to vector<16xf32>
          %mul3A_674 = arith.mulf %mul3A_673, %get3A_672 : vector<16xf32>
          %swap3A_675 = arith.index_cast %add3A_669 : i32 to index
          %swap3A_676 = arith.constant 0 : index
          %swap3A_677 = tpu.vector_load %arg18[%swap3A_675, %swap3A_676] {strides = array<i32>} : memref<128x128xf32, #tpu.memory_space<vmem>>, vector<16xf32>,
          tpu.vector_store %arg18[%swap3A_675, %swap3A_676], %mul3A_674 {strides = array<i32>} : memref<128x128xf32, #tpu.memory_space<vmem>>, vector<16xf32>,
          %mul3A_678 = arith.mulf %mul3A_674, %get3A_672 : vector<16xf32>
          %swap3A_679 = arith.index_cast %add3A_669 : i32 to index
          %swap3A_680 = arith.constant 64 : index
          %swap3A_681 = tpu.vector_load %arg18[%swap3A_679, %swap3A_680] {strides = array<i32>} : memref<128x128xf32, #tpu.memory_space<vmem>>, vector<16xf32>,
          tpu.vector_store %arg18[%swap3A_679, %swap3A_680], %mul3A_678 {strides = array<i32>} : memref<128x128xf32, #tpu.memory_space<vmem>>, vector<16xf32>,
          %get3A_682 = arith.index_cast %add3A_669 : i32 to index
          %get3A_683 = arith.constant 16 : index
          %get3A_684 = tpu.vector_load %arg17[%get3A_682, %get3A_683] {strides = array<i32>} : memref<128x64xf32, #tpu.memory_space<vmem>>, vector<16xf32>,
          %mul3A_685 = vector.broadcast %squeeze3A_665 : f32 to vector<16xf32>
          %mul3A_686 = arith.mulf %mul3A_685, %get3A_684 : vector<16xf32>
          %swap3A_687 = arith.index_cast %add3A_669 : i32 to index
          %swap3A_688 = arith.constant 16 : index
          %swap3A_689 = tpu.vector_load %arg18[%swap3A_687, %swap3A_688] {strides = array<i32>} : memref<128x128xf32, #tpu.memory_space<vmem>>, vector<16xf32>,
          tpu.vector_store %arg18[%swap3A_687, %swap3A_688], %mul3A_686 {strides = array<i32>} : memref<128x128xf32, #tpu.memory_space<vmem>>, vector<16xf32>,
          %mul3A_690 = arith.mulf %mul3A_686, %get3A_684 : vector<16xf32>
          %swap3A_691 = arith.index_cast %add3A_669 : i32 to index
          %swap3A_692 = arith.constant 80 : index
          %swap3A_693 = tpu.vector_load %arg18[%swap3A_691, %swap3A_692] {strides = array<i32>} : memref<128x128xf32, #tpu.memory_space<vmem>>, vector<16xf32>,
          tpu.vector_store %arg18[%swap3A_691, %swap3A_692], %mul3A_690 {strides = array<i32>} : memref<128x128xf32, #tpu.memory_space<vmem>>, vector<16xf32>,
          %get3A_694 = arith.index_cast %add3A_669 : i32 to index
          %get3A_695 = arith.constant 32 : index
          %get3A_696 = tpu.vector_load %arg17[%get3A_694, %get3A_695] {strides = array<i32>} : memref<128x64xf32, #tpu.memory_space<vmem>>, vector<16xf32>,
          %mul3A_697 = vector.broadcast %squeeze3A_665 : f32 to vector<16xf32>
          %mul3A_698 = arith.mulf %mul3A_697, %get3A_696 : vector<16xf32>
          %swap3A_699 = arith.index_cast %add3A_669 : i32 to index
          %swap3A_700 = arith.constant 32 : index
          %swap3A_701 = tpu.vector_load %arg18[%swap3A_699, %swap3A_700] {strides = array<i32>} : memref<128x128xf32, #tpu.memory_space<vmem>>, vector<16xf32>,
          tpu.vector_store %arg18[%swap3A_699, %swap3A_700], %mul3A_698 {strides = array<i32>} : memref<128x128xf32, #tpu.memory_space<vmem>>, vector<16xf32>,
          %mul3A_702 = arith.mulf %mul3A_698, %get3A_696 : vector<16xf32>
          %swap3A_703 = arith.index_cast %add3A_669 : i32 to index
          %swap3A_704 = arith.constant 96 : index
          %swap3A_705 = tpu.vector_load %arg18[%swap3A_703, %swap3A_704] {strides = array<i32>} : memref<128x128xf32, #tpu.memory_space<vmem>>, vector<16xf32>,
          tpu.vector_store %arg18[%swap3A_703, %swap3A_704], %mul3A_702 {strides = array<i32>} : memref<128x128xf32, #tpu.memory_space<vmem>>, vector<16xf32>,
          %get3A_706 = arith.index_cast %add3A_669 : i32 to index
          %get3A_707 = arith.constant 48 : index
          %get3A_708 = tpu.vector_load %arg17[%get3A_706, %get3A_707] {strides = array<i32>} : memref<128x64xf32, #tpu.memory_space<vmem>>, vector<16xf32>,
          %mul3A_709 = vector.broadcast %squeeze3A_665 : f32 to vector<16xf32>
          %mul3A_710 = arith.mulf %mul3A_709, %get3A_708 : vector<16xf32>
          %swap3A_711 = arith.index_cast %add3A_669 : i32 to index
          %swap3A_712 = arith.constant 48 : index
          %swap3A_713 = tpu.vector_load %arg18[%swap3A_711, %swap3A_712] {strides = array<i32>} : memref<128x128xf32, #tpu.memory_space<vmem>>, vector<16xf32>,
          tpu.vector_store %arg18[%swap3A_711, %swap3A_712], %mul3A_710 {strides = array<i32>} : memref<128x128xf32, #tpu.memory_space<vmem>>, vector<16xf32>,
          %mul3A_714 = arith.mulf %mul3A_710, %get3A_708 : vector<16xf32>
          %swap3A_715 = arith.index_cast %add3A_669 : i32 to index
          %swap3A_716 = arith.constant 112 : index
          %swap3A_717 = tpu.vector_load %arg18[%swap3A_715, %swap3A_716] {strides = array<i32>} : memref<128x128xf32, #tpu.memory_space<vmem>>, vector<16xf32>,
          tpu.vector_store %arg18[%swap3A_715, %swap3A_716], %mul3A_714 {strides = array<i32>} : memref<128x128xf32, #tpu.memory_space<vmem>>, vector<16xf32>,
          %slice3A_718 = vector.extract_strided_slice %get3A_449 {offsets = [5], sizes = [1], strides = [1]} : vector<16xf32> to vector<1xf32>
          %squeeze3A_719 = vector.extract %slice3A_718[0] : f32 from vector<1xf32>
          %mul3A_720 = arith.constant 16 : i32
          %mul3A_721 = arith.muli %scan3A_443, %mul3A_720 : i32
          %add3A_722 = arith.constant 5 : i32
          %add3A_723 = arith.addi %mul3A_721, %add3A_722 : i32
          %get3A_724 = arith.index_cast %add3A_723 : i32 to index
          %get3A_725 = arith.constant 0 : index
          %get3A_726 = tpu.vector_load %arg17[%get3A_724, %get3A_725] {strides = array<i32>} : memref<128x64xf32, #tpu.memory_space<vmem>>, vector<16xf32>,
          %mul3A_727 = vector.broadcast %squeeze3A_719 : f32 to vector<16xf32>
          %mul3A_728 = arith.mulf %mul3A_727, %get3A_726 : vector<16xf32>
          %swap3A_729 = arith.index_cast %add3A_723 : i32 to index
          %swap3A_730 = arith.constant 0 : index
          %swap3A_731 = tpu.vector_load %arg18[%swap3A_729, %swap3A_730] {strides = array<i32>} : memref<128x128xf32, #tpu.memory_space<vmem>>, vector<16xf32>,
          tpu.vector_store %arg18[%swap3A_729, %swap3A_730], %mul3A_728 {strides = array<i32>} : memref<128x128xf32, #tpu.memory_space<vmem>>, vector<16xf32>,
          %mul3A_732 = arith.mulf %mul3A_728, %get3A_726 : vector<16xf32>
          %swap3A_733 = arith.index_cast %add3A_723 : i32 to index
          %swap3A_734 = arith.constant 64 : index
          %swap3A_735 = tpu.vector_load %arg18[%swap3A_733, %swap3A_734] {strides = array<i32>} : memref<128x128xf32, #tpu.memory_space<vmem>>, vector<16xf32>,
          tpu.vector_store %arg18[%swap3A_733, %swap3A_734], %mul3A_732 {strides = array<i32>} : memref<128x128xf32, #tpu.memory_space<vmem>>, vector<16xf32>,
          %get3A_736 = arith.index_cast %add3A_723 : i32 to index
          %get3A_737 = arith.constant 16 : index
          %get3A_738 = tpu.vector_load %arg17[%get3A_736, %get3A_737] {strides = array<i32>} : memref<128x64xf32, #tpu.memory_space<vmem>>, vector<16xf32>,
          %mul3A_739 = vector.broadcast %squeeze3A_719 : f32 to vector<16xf32>
          %mul3A_740 = arith.mulf %mul3A_739, %get3A_738 : vector<16xf32>
          %swap3A_741 = arith.index_cast %add3A_723 : i32 to index
          %swap3A_742 = arith.constant 16 : index
          %swap3A_743 = tpu.vector_load %arg18[%swap3A_741, %swap3A_742] {strides = array<i32>} : memref<128x128xf32, #tpu.memory_space<vmem>>, vector<16xf32>,
          tpu.vector_store %arg18[%swap3A_741, %swap3A_742], %mul3A_740 {strides = array<i32>} : memref<128x128xf32, #tpu.memory_space<vmem>>, vector<16xf32>,
          %mul3A_744 = arith.mulf %mul3A_740, %get3A_738 : vector<16xf32>
          %swap3A_745 = arith.index_cast %add3A_723 : i32 to index
          %swap3A_746 = arith.constant 80 : index
          %swap3A_747 = tpu.vector_load %arg18[%swap3A_745, %swap3A_746] {strides = array<i32>} : memref<128x128xf32, #tpu.memory_space<vmem>>, vector<16xf32>,
          tpu.vector_store %arg18[%swap3A_745, %swap3A_746], %mul3A_744 {strides = array<i32>} : memref<128x128xf32, #tpu.memory_space<vmem>>, vector<16xf32>,
          %get3A_748 = arith.index_cast %add3A_723 : i32 to index
          %get3A_749 = arith.constant 32 : index
          %get3A_750 = tpu.vector_load %arg17[%get3A_748, %get3A_749] {strides = array<i32>} : memref<128x64xf32, #tpu.memory_space<vmem>>, vector<16xf32>,
          %mul3A_751 = vector.broadcast %squeeze3A_719 : f32 to vector<16xf32>
          %mul3A_752 = arith.mulf %mul3A_751, %get3A_750 : vector<16xf32>
          %swap3A_753 = arith.index_cast %add3A_723 : i32 to index
          %swap3A_754 = arith.constant 32 : index
          %swap3A_755 = tpu.vector_load %arg18[%swap3A_753, %swap3A_754] {strides = array<i32>} : memref<128x128xf32, #tpu.memory_space<vmem>>, vector<16xf32>,
          tpu.vector_store %arg18[%swap3A_753, %swap3A_754], %mul3A_752 {strides = array<i32>} : memref<128x128xf32, #tpu.memory_space<vmem>>, vector<16xf32>,
          %mul3A_756 = arith.mulf %mul3A_752, %get3A_750 : vector<16xf32>
          %swap3A_757 = arith.index_cast %add3A_723 : i32 to index
          %swap3A_758 = arith.constant 96 : index
          %swap3A_759 = tpu.vector_load %arg18[%swap3A_757, %swap3A_758] {strides = array<i32>} : memref<128x128xf32, #tpu.memory_space<vmem>>, vector<16xf32>,
          tpu.vector_store %arg18[%swap3A_757, %swap3A_758], %mul3A_756 {strides = array<i32>} : memref<128x128xf32, #tpu.memory_space<vmem>>, vector<16xf32>,
          %get3A_760 = arith.index_cast %add3A_723 : i32 to index
          %get3A_761 = arith.constant 48 : index
          %get3A_762 = tpu.vector_load %arg17[%get3A_760, %get3A_761] {strides = array<i32>} : memref<128x64xf32, #tpu.memory_space<vmem>>, vector<16xf32>,
          %mul3A_763 = vector.broadcast %squeeze3A_719 : f32 to vector<16xf32>
          %mul3A_764 = arith.mulf %mul3A_763, %get3A_762 : vector<16xf32>
          %swap3A_765 = arith.index_cast %add3A_723 : i32 to index
          %swap3A_766 = arith.constant 48 : index
          %swap3A_767 = tpu.vector_load %arg18[%swap3A_765, %swap3A_766] {strides = array<i32>} : memref<128x128xf32, #tpu.memory_space<vmem>>, vector<16xf32>,
          tpu.vector_store %arg18[%swap3A_765, %swap3A_766], %mul3A_764 {strides = array<i32>} : memref<128x128xf32, #tpu.memory_space<vmem>>, vector<16xf32>,
          %mul3A_768 = arith.mulf %mul3A_764, %get3A_762 : vector<16xf32>
          %swap3A_769 = arith.index_cast %add3A_723 : i32 to index
          %swap3A_770 = arith.constant 112 : index
          %swap3A_771 = tpu.vector_load %arg18[%swap3A_769, %swap3A_770] {strides = array<i32>} : memref<128x128xf32, #tpu.memory_space<vmem>>, vector<16xf32>,
          tpu.vector_store %arg18[%swap3A_769, %swap3A_770], %mul3A_768 {strides = array<i32>} : memref<128x128xf32, #tpu.memory_space<vmem>>, vector<16xf32>,
          %slice3A_772 = vector.extract_strided_slice %get3A_449 {offsets = [6], sizes = [1], strides = [1]} : vector<16xf32> to vector<1xf32>
          %squeeze3A_773 = vector.extract %slice3A_772[0] : f32 from vector<1xf32>
          %mul3A_774 = arith.constant 16 : i32
          %mul3A_775 = arith.muli %scan3A_443, %mul3A_774 : i32
          %add3A_776 = arith.constant 6 : i32
          %add3A_777 = arith.addi %mul3A_775, %add3A_776 : i32
          %get3A_778 = arith.index_cast %add3A_777 : i32 to index
          %get3A_779 = arith.constant 0 : index
          %get3A_780 = tpu.vector_load %arg17[%get3A_778, %get3A_779] {strides = array<i32>} : memref<128x64xf32, #tpu.memory_space<vmem>>, vector<16xf32>,
          %mul3A_781 = vector.broadcast %squeeze3A_773 : f32 to vector<16xf32>
          %mul3A_782 = arith.mulf %mul3A_781, %get3A_780 : vector<16xf32>
          %swap3A_783 = arith.index_cast %add3A_777 : i32 to index
          %swap3A_784 = arith.constant 0 : index
          %swap3A_785 = tpu.vector_load %arg18[%swap3A_783, %swap3A_784] {strides = array<i32>} : memref<128x128xf32, #tpu.memory_space<vmem>>, vector<16xf32>,
          tpu.vector_store %arg18[%swap3A_783, %swap3A_784], %mul3A_782 {strides = array<i32>} : memref<128x128xf32, #tpu.memory_space<vmem>>, vector<16xf32>,
          %mul3A_786 = arith.mulf %mul3A_782, %get3A_780 : vector<16xf32>
          %swap3A_787 = arith.index_cast %add3A_777 : i32 to index
          %swap3A_788 = arith.constant 64 : index
          %swap3A_789 = tpu.vector_load %arg18[%swap3A_787, %swap3A_788] {strides = array<i32>} : memref<128x128xf32, #tpu.memory_space<vmem>>, vector<16xf32>,
          tpu.vector_store %arg18[%swap3A_787, %swap3A_788], %mul3A_786 {strides = array<i32>} : memref<128x128xf32, #tpu.memory_space<vmem>>, vector<16xf32>,
          %get3A_790 = arith.index_cast %add3A_777 : i32 to index
          %get3A_791 = arith.constant 16 : index
          %get3A_792 = tpu.vector_load %arg17[%get3A_790, %get3A_791] {strides = array<i32>} : memref<128x64xf32, #tpu.memory_space<vmem>>, vector<16xf32>,
          %mul3A_793 = vector.broadcast %squeeze3A_773 : f32 to vector<16xf32>
          %mul3A_794 = arith.mulf %mul3A_793, %get3A_792 : vector<16xf32>
          %swap3A_795 = arith.index_cast %add3A_777 : i32 to index
          %swap3A_796 = arith.constant 16 : index
          %swap3A_797 = tpu.vector_load %arg18[%swap3A_795, %swap3A_796] {strides = array<i32>} : memref<128x128xf32, #tpu.memory_space<vmem>>, vector<16xf32>,
          tpu.vector_store %arg18[%swap3A_795, %swap3A_796], %mul3A_794 {strides = array<i32>} : memref<128x128xf32, #tpu.memory_space<vmem>>, vector<16xf32>,
          %mul3A_798 = arith.mulf %mul3A_794, %get3A_792 : vector<16xf32>
          %swap3A_799 = arith.index_cast %add3A_777 : i32 to index
          %swap3A_800 = arith.constant 80 : index
          %swap3A_801 = tpu.vector_load %arg18[%swap3A_799, %swap3A_800] {strides = array<i32>} : memref<128x128xf32, #tpu.memory_space<vmem>>, vector<16xf32>,
          tpu.vector_store %arg18[%swap3A_799, %swap3A_800], %mul3A_798 {strides = array<i32>} : memref<128x128xf32, #tpu.memory_space<vmem>>, vector<16xf32>,
          %get3A_802 = arith.index_cast %add3A_777 : i32 to index
          %get3A_803 = arith.constant 32 : index
          %get3A_804 = tpu.vector_load %arg17[%get3A_802, %get3A_803] {strides = array<i32>} : memref<128x64xf32, #tpu.memory_space<vmem>>, vector<16xf32>,
          %mul3A_805 = vector.broadcast %squeeze3A_773 : f32 to vector<16xf32>
          %mul3A_806 = arith.mulf %mul3A_805, %get3A_804 : vector<16xf32>
          %swap3A_807 = arith.index_cast %add3A_777 : i32 to index
          %swap3A_808 = arith.constant 32 : index
          %swap3A_809 = tpu.vector_load %arg18[%swap3A_807, %swap3A_808] {strides = array<i32>} : memref<128x128xf32, #tpu.memory_space<vmem>>, vector<16xf32>,
          tpu.vector_store %arg18[%swap3A_807, %swap3A_808], %mul3A_806 {strides = array<i32>} : memref<128x128xf32, #tpu.memory_space<vmem>>, vector<16xf32>,
          %mul3A_810 = arith.mulf %mul3A_806, %get3A_804 : vector<16xf32>
          %swap3A_811 = arith.index_cast %add3A_777 : i32 to index
          %swap3A_812 = arith.constant 96 : index
          %swap3A_813 = tpu.vector_load %arg18[%swap3A_811, %swap3A_812] {strides = array<i32>} : memref<128x128xf32, #tpu.memory_space<vmem>>, vector<16xf32>,
          tpu.vector_store %arg18[%swap3A_811, %swap3A_812], %mul3A_810 {strides = array<i32>} : memref<128x128xf32, #tpu.memory_space<vmem>>, vector<16xf32>,
          %get3A_814 = arith.index_cast %add3A_777 : i32 to index
          %get3A_815 = arith.constant 48 : index
          %get3A_816 = tpu.vector_load %arg17[%get3A_814, %get3A_815] {strides = array<i32>} : memref<128x64xf32, #tpu.memory_space<vmem>>, vector<16xf32>,
          %mul3A_817 = vector.broadcast %squeeze3A_773 : f32 to vector<16xf32>
          %mul3A_818 = arith.mulf %mul3A_817, %get3A_816 : vector<16xf32>
          %swap3A_819 = arith.index_cast %add3A_777 : i32 to index
          %swap3A_820 = arith.constant 48 : index
          %swap3A_821 = tpu.vector_load %arg18[%swap3A_819, %swap3A_820] {strides = array<i32>} : memref<128x128xf32, #tpu.memory_space<vmem>>, vector<16xf32>,
          tpu.vector_store %arg18[%swap3A_819, %swap3A_820], %mul3A_818 {strides = array<i32>} : memref<128x128xf32, #tpu.memory_space<vmem>>, vector<16xf32>,
          %mul3A_822 = arith.mulf %mul3A_818, %get3A_816 : vector<16xf32>
          %swap3A_823 = arith.index_cast %add3A_777 : i32 to index
          %swap3A_824 = arith.constant 112 : index
          %swap3A_825 = tpu.vector_load %arg18[%swap3A_823, %swap3A_824] {strides = array<i32>} : memref<128x128xf32, #tpu.memory_space<vmem>>, vector<16xf32>,
          tpu.vector_store %arg18[%swap3A_823, %swap3A_824], %mul3A_822 {strides = array<i32>} : memref<128x128xf32, #tpu.memory_space<vmem>>, vector<16xf32>,
          %slice3A_826 = vector.extract_strided_slice %get3A_449 {offsets = [7], sizes = [1], strides = [1]} : vector<16xf32> to vector<1xf32>
          %squeeze3A_827 = vector.extract %slice3A_826[0] : f32 from vector<1xf32>
          %mul3A_828 = arith.constant 16 : i32
          %mul3A_829 = arith.muli %scan3A_443, %mul3A_828 : i32
          %add3A_830 = arith.constant 7 : i32
          %add3A_831 = arith.addi %mul3A_829, %add3A_830 : i32
          %get3A_832 = arith.index_cast %add3A_831 : i32 to index
          %get3A_833 = arith.constant 0 : index
          %get3A_834 = tpu.vector_load %arg17[%get3A_832, %get3A_833] {strides = array<i32>} : memref<128x64xf32, #tpu.memory_space<vmem>>, vector<16xf32>,
          %mul3A_835 = vector.broadcast %squeeze3A_827 : f32 to vector<16xf32>
          %mul3A_836 = arith.mulf %mul3A_835, %get3A_834 : vector<16xf32>
          %swap3A_837 = arith.index_cast %add3A_831 : i32 to index
          %swap3A_838 = arith.constant 0 : index
          %swap3A_839 = tpu.vector_load %arg18[%swap3A_837, %swap3A_838] {strides = array<i32>} : memref<128x128xf32, #tpu.memory_space<vmem>>, vector<16xf32>,
          tpu.vector_store %arg18[%swap3A_837, %swap3A_838], %mul3A_836 {strides = array<i32>} : memref<128x128xf32, #tpu.memory_space<vmem>>, vector<16xf32>,
          %mul3A_840 = arith.mulf %mul3A_836, %get3A_834 : vector<16xf32>
          %swap3A_841 = arith.index_cast %add3A_831 : i32 to index
          %swap3A_842 = arith.constant 64 : index
          %swap3A_843 = tpu.vector_load %arg18[%swap3A_841, %swap3A_842] {strides = array<i32>} : memref<128x128xf32, #tpu.memory_space<vmem>>, vector<16xf32>,
          tpu.vector_store %arg18[%swap3A_841, %swap3A_842], %mul3A_840 {strides = array<i32>} : memref<128x128xf32, #tpu.memory_space<vmem>>, vector<16xf32>,
          %get3A_844 = arith.index_cast %add3A_831 : i32 to index
          %get3A_845 = arith.constant 16 : index
          %get3A_846 = tpu.vector_load %arg17[%get3A_844, %get3A_845] {strides = array<i32>} : memref<128x64xf32, #tpu.memory_space<vmem>>, vector<16xf32>,
          %mul3A_847 = vector.broadcast %squeeze3A_827 : f32 to vector<16xf32>
          %mul3A_848 = arith.mulf %mul3A_847, %get3A_846 : vector<16xf32>
          %swap3A_849 = arith.index_cast %add3A_831 : i32 to index
          %swap3A_850 = arith.constant 16 : index
          %swap3A_851 = tpu.vector_load %arg18[%swap3A_849, %swap3A_850] {strides = array<i32>} : memref<128x128xf32, #tpu.memory_space<vmem>>, vector<16xf32>,
          tpu.vector_store %arg18[%swap3A_849, %swap3A_850], %mul3A_848 {strides = array<i32>} : memref<128x128xf32, #tpu.memory_space<vmem>>, vector<16xf32>,
          %mul3A_852 = arith.mulf %mul3A_848, %get3A_846 : vector<16xf32>
          %swap3A_853 = arith.index_cast %add3A_831 : i32 to index
          %swap3A_854 = arith.constant 80 : index
          %swap3A_855 = tpu.vector_load %arg18[%swap3A_853, %swap3A_854] {strides = array<i32>} : memref<128x128xf32, #tpu.memory_space<vmem>>, vector<16xf32>,
          tpu.vector_store %arg18[%swap3A_853, %swap3A_854], %mul3A_852 {strides = array<i32>} : memref<128x128xf32, #tpu.memory_space<vmem>>, vector<16xf32>,
          %get3A_856 = arith.index_cast %add3A_831 : i32 to index
          %get3A_857 = arith.constant 32 : index
          %get3A_858 = tpu.vector_load %arg17[%get3A_856, %get3A_857] {strides = array<i32>} : memref<128x64xf32, #tpu.memory_space<vmem>>, vector<16xf32>,
          %mul3A_859 = vector.broadcast %squeeze3A_827 : f32 to vector<16xf32>
          %mul3A_860 = arith.mulf %mul3A_859, %get3A_858 : vector<16xf32>
          %swap3A_861 = arith.index_cast %add3A_831 : i32 to index
          %swap3A_862 = arith.constant 32 : index
          %swap3A_863 = tpu.vector_load %arg18[%swap3A_861, %swap3A_862] {strides = array<i32>} : memref<128x128xf32, #tpu.memory_space<vmem>>, vector<16xf32>,
          tpu.vector_store %arg18[%swap3A_861, %swap3A_862], %mul3A_860 {strides = array<i32>} : memref<128x128xf32, #tpu.memory_space<vmem>>, vector<16xf32>,
          %mul3A_864 = arith.mulf %mul3A_860, %get3A_858 : vector<16xf32>
          %swap3A_865 = arith.index_cast %add3A_831 : i32 to index
          %swap3A_866 = arith.constant 96 : index
          %swap3A_867 = tpu.vector_load %arg18[%swap3A_865, %swap3A_866] {strides = array<i32>} : memref<128x128xf32, #tpu.memory_space<vmem>>, vector<16xf32>,
          tpu.vector_store %arg18[%swap3A_865, %swap3A_866], %mul3A_864 {strides = array<i32>} : memref<128x128xf32, #tpu.memory_space<vmem>>, vector<16xf32>,
          %get3A_868 = arith.index_cast %add3A_831 : i32 to index
          %get3A_869 = arith.constant 48 : index
          %get3A_870 = tpu.vector_load %arg17[%get3A_868, %get3A_869] {strides = array<i32>} : memref<128x64xf32, #tpu.memory_space<vmem>>, vector<16xf32>,
          %mul3A_871 = vector.broadcast %squeeze3A_827 : f32 to vector<16xf32>
          %mul3A_872 = arith.mulf %mul3A_871, %get3A_870 : vector<16xf32>
          %swap3A_873 = arith.index_cast %add3A_831 : i32 to index
          %swap3A_874 = arith.constant 48 : index
          %swap3A_875 = tpu.vector_load %arg18[%swap3A_873, %swap3A_874] {strides = array<i32>} : memref<128x128xf32, #tpu.memory_space<vmem>>, vector<16xf32>,
          tpu.vector_store %arg18[%swap3A_873, %swap3A_874], %mul3A_872 {strides = array<i32>} : memref<128x128xf32, #tpu.memory_space<vmem>>, vector<16xf32>,
          %mul3A_876 = arith.mulf %mul3A_872, %get3A_870 : vector<16xf32>
          %swap3A_877 = arith.index_cast %add3A_831 : i32 to index
          %swap3A_878 = arith.constant 112 : index
          %swap3A_879 = tpu.vector_load %arg18[%swap3A_877, %swap3A_878] {strides = array<i32>} : memref<128x128xf32, #tpu.memory_space<vmem>>, vector<16xf32>,
          tpu.vector_store %arg18[%swap3A_877, %swap3A_878], %mul3A_876 {strides = array<i32>} : memref<128x128xf32, #tpu.memory_space<vmem>>, vector<16xf32>,
          %slice3A_880 = vector.extract_strided_slice %get3A_449 {offsets = [8], sizes = [1], strides = [1]} : vector<16xf32> to vector<1xf32>
          %squeeze3A_881 = vector.extract %slice3A_880[0] : f32 from vector<1xf32>
          %mul3A_882 = arith.constant 16 : i32
          %mul3A_883 = arith.muli %scan3A_443, %mul3A_882 : i32
          %add3A_884 = arith.constant 8 : i32
          %add3A_885 = arith.addi %mul3A_883, %add3A_884 : i32
          %get3A_886 = arith.index_cast %add3A_885 : i32 to index
          %get3A_887 = arith.constant 0 : index
          %get3A_888 = tpu.vector_load %arg17[%get3A_886, %get3A_887] {strides = array<i32>} : memref<128x64xf32, #tpu.memory_space<vmem>>, vector<16xf32>,
          %mul3A_889 = vector.broadcast %squeeze3A_881 : f32 to vector<16xf32>
          %mul3A_890 = arith.mulf %mul3A_889, %get3A_888 : vector<16xf32>
          %swap3A_891 = arith.index_cast %add3A_885 : i32 to index
          %swap3A_892 = arith.constant 0 : index
          %swap3A_893 = tpu.vector_load %arg18[%swap3A_891, %swap3A_892] {strides = array<i32>} : memref<128x128xf32, #tpu.memory_space<vmem>>, vector<16xf32>,
          tpu.vector_store %arg18[%swap3A_891, %swap3A_892], %mul3A_890 {strides = array<i32>} : memref<128x128xf32, #tpu.memory_space<vmem>>, vector<16xf32>,
          %mul3A_894 = arith.mulf %mul3A_890, %get3A_888 : vector<16xf32>
          %swap3A_895 = arith.index_cast %add3A_885 : i32 to index
          %swap3A_896 = arith.constant 64 : index
          %swap3A_897 = tpu.vector_load %arg18[%swap3A_895, %swap3A_896] {strides = array<i32>} : memref<128x128xf32, #tpu.memory_space<vmem>>, vector<16xf32>,
          tpu.vector_store %arg18[%swap3A_895, %swap3A_896], %mul3A_894 {strides = array<i32>} : memref<128x128xf32, #tpu.memory_space<vmem>>, vector<16xf32>,
          %get3A_898 = arith.index_cast %add3A_885 : i32 to index
          %get3A_899 = arith.constant 16 : index
          %get3A_900 = tpu.vector_load %arg17[%get3A_898, %get3A_899] {strides = array<i32>} : memref<128x64xf32, #tpu.memory_space<vmem>>, vector<16xf32>,
          %mul3A_901 = vector.broadcast %squeeze3A_881 : f32 to vector<16xf32>
          %mul3A_902 = arith.mulf %mul3A_901, %get3A_900 : vector<16xf32>
          %swap3A_903 = arith.index_cast %add3A_885 : i32 to index
          %swap3A_904 = arith.constant 16 : index
          %swap3A_905 = tpu.vector_load %arg18[%swap3A_903, %swap3A_904] {strides = array<i32>} : memref<128x128xf32, #tpu.memory_space<vmem>>, vector<16xf32>,
          tpu.vector_store %arg18[%swap3A_903, %swap3A_904], %mul3A_902 {strides = array<i32>} : memref<128x128xf32, #tpu.memory_space<vmem>>, vector<16xf32>,
          %mul3A_906 = arith.mulf %mul3A_902, %get3A_900 : vector<16xf32>
          %swap3A_907 = arith.index_cast %add3A_885 : i32 to index
          %swap3A_908 = arith.constant 80 : index
          %swap3A_909 = tpu.vector_load %arg18[%swap3A_907, %swap3A_908] {strides = array<i32>} : memref<128x128xf32, #tpu.memory_space<vmem>>, vector<16xf32>,
          tpu.vector_store %arg18[%swap3A_907, %swap3A_908], %mul3A_906 {strides = array<i32>} : memref<128x128xf32, #tpu.memory_space<vmem>>, vector<16xf32>,
          %get3A_910 = arith.index_cast %add3A_885 : i32 to index
          %get3A_911 = arith.constant 32 : index
          %get3A_912 = tpu.vector_load %arg17[%get3A_910, %get3A_911] {strides = array<i32>} : memref<128x64xf32, #tpu.memory_space<vmem>>, vector<16xf32>,
          %mul3A_913 = vector.broadcast %squeeze3A_881 : f32 to vector<16xf32>
          %mul3A_914 = arith.mulf %mul3A_913, %get3A_912 : vector<16xf32>
          %swap3A_915 = arith.index_cast %add3A_885 : i32 to index
          %swap3A_916 = arith.constant 32 : index
          %swap3A_917 = tpu.vector_load %arg18[%swap3A_915, %swap3A_916] {strides = array<i32>} : memref<128x128xf32, #tpu.memory_space<vmem>>, vector<16xf32>,
          tpu.vector_store %arg18[%swap3A_915, %swap3A_916], %mul3A_914 {strides = array<i32>} : memref<128x128xf32, #tpu.memory_space<vmem>>, vector<16xf32>,
          %mul3A_918 = arith.mulf %mul3A_914, %get3A_912 : vector<16xf32>
          %swap3A_919 = arith.index_cast %add3A_885 : i32 to index
          %swap3A_920 = arith.constant 96 : index
          %swap3A_921 = tpu.vector_load %arg18[%swap3A_919, %swap3A_920] {strides = array<i32>} : memref<128x128xf32, #tpu.memory_space<vmem>>, vector<16xf32>,
          tpu.vector_store %arg18[%swap3A_919, %swap3A_920], %mul3A_918 {strides = array<i32>} : memref<128x128xf32, #tpu.memory_space<vmem>>, vector<16xf32>,
          %get3A_922 = arith.index_cast %add3A_885 : i32 to index
          %get3A_923 = arith.constant 48 : index
          %get3A_924 = tpu.vector_load %arg17[%get3A_922, %get3A_923] {strides = array<i32>} : memref<128x64xf32, #tpu.memory_space<vmem>>, vector<16xf32>,
          %mul3A_925 = vector.broadcast %squeeze3A_881 : f32 to vector<16xf32>
          %mul3A_926 = arith.mulf %mul3A_925, %get3A_924 : vector<16xf32>
          %swap3A_927 = arith.index_cast %add3A_885 : i32 to index
          %swap3A_928 = arith.constant 48 : index
          %swap3A_929 = tpu.vector_load %arg18[%swap3A_927, %swap3A_928] {strides = array<i32>} : memref<128x128xf32, #tpu.memory_space<vmem>>, vector<16xf32>,
          tpu.vector_store %arg18[%swap3A_927, %swap3A_928], %mul3A_926 {strides = array<i32>} : memref<128x128xf32, #tpu.memory_space<vmem>>, vector<16xf32>,
          %mul3A_930 = arith.mulf %mul3A_926, %get3A_924 : vector<16xf32>
          %swap3A_931 = arith.index_cast %add3A_885 : i32 to index
          %swap3A_932 = arith.constant 112 : index
          %swap3A_933 = tpu.vector_load %arg18[%swap3A_931, %swap3A_932] {strides = array<i32>} : memref<128x128xf32, #tpu.memory_space<vmem>>, vector<16xf32>,
          tpu.vector_store %arg18[%swap3A_931, %swap3A_932], %mul3A_930 {strides = array<i32>} : memref<128x128xf32, #tpu.memory_space<vmem>>, vector<16xf32>,
          %slice3A_934 = vector.extract_strided_slice %get3A_449 {offsets = [9], sizes = [1], strides = [1]} : vector<16xf32> to vector<1xf32>
          %squeeze3A_935 = vector.extract %slice3A_934[0] : f32 from vector<1xf32>
          %mul3A_936 = arith.constant 16 : i32
          %mul3A_937 = arith.muli %scan3A_443, %mul3A_936 : i32
          %add3A_938 = arith.constant 9 : i32
          %add3A_939 = arith.addi %mul3A_937, %add3A_938 : i32
          %get3A_940 = arith.index_cast %add3A_939 : i32 to index
          %get3A_941 = arith.constant 0 : index
          %get3A_942 = tpu.vector_load %arg17[%get3A_940, %get3A_941] {strides = array<i32>} : memref<128x64xf32, #tpu.memory_space<vmem>>, vector<16xf32>,
          %mul3A_943 = vector.broadcast %squeeze3A_935 : f32 to vector<16xf32>
          %mul3A_944 = arith.mulf %mul3A_943, %get3A_942 : vector<16xf32>
          %swap3A_945 = arith.index_cast %add3A_939 : i32 to index
          %swap3A_946 = arith.constant 0 : index
          %swap3A_947 = tpu.vector_load %arg18[%swap3A_945, %swap3A_946] {strides = array<i32>} : memref<128x128xf32, #tpu.memory_space<vmem>>, vector<16xf32>,
          tpu.vector_store %arg18[%swap3A_945, %swap3A_946], %mul3A_944 {strides = array<i32>} : memref<128x128xf32, #tpu.memory_space<vmem>>, vector<16xf32>,
          %mul3A_948 = arith.mulf %mul3A_944, %get3A_942 : vector<16xf32>
          %swap3A_949 = arith.index_cast %add3A_939 : i32 to index
          %swap3A_950 = arith.constant 64 : index
          %swap3A_951 = tpu.vector_load %arg18[%swap3A_949, %swap3A_950] {strides = array<i32>} : memref<128x128xf32, #tpu.memory_space<vmem>>, vector<16xf32>,
          tpu.vector_store %arg18[%swap3A_949, %swap3A_950], %mul3A_948 {strides = array<i32>} : memref<128x128xf32, #tpu.memory_space<vmem>>, vector<16xf32>,
          %get3A_952 = arith.index_cast %add3A_939 : i32 to index
          %get3A_953 = arith.constant 16 : index
          %get3A_954 = tpu.vector_load %arg17[%get3A_952, %get3A_953] {strides = array<i32>} : memref<128x64xf32, #tpu.memory_space<vmem>>, vector<16xf32>,
          %mul3A_955 = vector.broadcast %squeeze3A_935 : f32 to vector<16xf32>
          %mul3A_956 = arith.mulf %mul3A_955, %get3A_954 : vector<16xf32>
          %swap3A_957 = arith.index_cast %add3A_939 : i32 to index
          %swap3A_958 = arith.constant 16 : index
          %swap3A_959 = tpu.vector_load %arg18[%swap3A_957, %swap3A_958] {strides = array<i32>} : memref<128x128xf32, #tpu.memory_space<vmem>>, vector<16xf32>,
          tpu.vector_store %arg18[%swap3A_957, %swap3A_958], %mul3A_956 {strides = array<i32>} : memref<128x128xf32, #tpu.memory_space<vmem>>, vector<16xf32>,
          %mul3A_960 = arith.mulf %mul3A_956, %get3A_954 : vector<16xf32>
          %swap3A_961 = arith.index_cast %add3A_939 : i32 to index
          %swap3A_962 = arith.constant 80 : index
          %swap3A_963 = tpu.vector_load %arg18[%swap3A_961, %swap3A_962] {strides = array<i32>} : memref<128x128xf32, #tpu.memory_space<vmem>>, vector<16xf32>,
          tpu.vector_store %arg18[%swap3A_961, %swap3A_962], %mul3A_960 {strides = array<i32>} : memref<128x128xf32, #tpu.memory_space<vmem>>, vector<16xf32>,
          %get3A_964 = arith.index_cast %add3A_939 : i32 to index
          %get3A_965 = arith.constant 32 : index
          %get3A_966 = tpu.vector_load %arg17[%get3A_964, %get3A_965] {strides = array<i32>} : memref<128x64xf32, #tpu.memory_space<vmem>>, vector<16xf32>,
          %mul3A_967 = vector.broadcast %squeeze3A_935 : f32 to vector<16xf32>
          %mul3A_968 = arith.mulf %mul3A_967, %get3A_966 : vector<16xf32>
          %swap3A_969 = arith.index_cast %add3A_939 : i32 to index
          %swap3A_970 = arith.constant 32 : index
          %swap3A_971 = tpu.vector_load %arg18[%swap3A_969, %swap3A_970] {strides = array<i32>} : memref<128x128xf32, #tpu.memory_space<vmem>>, vector<16xf32>,
          tpu.vector_store %arg18[%swap3A_969, %swap3A_970], %mul3A_968 {strides = array<i32>} : memref<128x128xf32, #tpu.memory_space<vmem>>, vector<16xf32>,
          %mul3A_972 = arith.mulf %mul3A_968, %get3A_966 : vector<16xf32>
          %swap3A_973 = arith.index_cast %add3A_939 : i32 to index
          %swap3A_974 = arith.constant 96 : index
          %swap3A_975 = tpu.vector_load %arg18[%swap3A_973, %swap3A_974] {strides = array<i32>} : memref<128x128xf32, #tpu.memory_space<vmem>>, vector<16xf32>,
          tpu.vector_store %arg18[%swap3A_973, %swap3A_974], %mul3A_972 {strides = array<i32>} : memref<128x128xf32, #tpu.memory_space<vmem>>, vector<16xf32>,
          %get3A_976 = arith.index_cast %add3A_939 : i32 to index
          %get3A_977 = arith.constant 48 : index
          %get3A_978 = tpu.vector_load %arg17[%get3A_976, %get3A_977] {strides = array<i32>} : memref<128x64xf32, #tpu.memory_space<vmem>>, vector<16xf32>,
          %mul3A_979 = vector.broadcast %squeeze3A_935 : f32 to vector<16xf32>
          %mul3A_980 = arith.mulf %mul3A_979, %get3A_978 : vector<16xf32>
          %swap3A_981 = arith.index_cast %add3A_939 : i32 to index
          %swap3A_982 = arith.constant 48 : index
          %swap3A_983 = tpu.vector_load %arg18[%swap3A_981, %swap3A_982] {strides = array<i32>} : memref<128x128xf32, #tpu.memory_space<vmem>>, vector<16xf32>,
          tpu.vector_store %arg18[%swap3A_981, %swap3A_982], %mul3A_980 {strides = array<i32>} : memref<128x128xf32, #tpu.memory_space<vmem>>, vector<16xf32>,
          %mul3A_984 = arith.mulf %mul3A_980, %get3A_978 : vector<16xf32>
          %swap3A_985 = arith.index_cast %add3A_939 : i32 to index
          %swap3A_986 = arith.constant 112 : index
          %swap3A_987 = tpu.vector_load %arg18[%swap3A_985, %swap3A_986] {strides = array<i32>} : memref<128x128xf32, #tpu.memory_space<vmem>>, vector<16xf32>,
          tpu.vector_store %arg18[%swap3A_985, %swap3A_986], %mul3A_984 {strides = array<i32>} : memref<128x128xf32, #tpu.memory_space<vmem>>, vector<16xf32>,
          %slice3A_988 = vector.extract_strided_slice %get3A_449 {offsets = [10], sizes = [1], strides = [1]} : vector<16xf32> to vector<1xf32>
          %squeeze3A_989 = vector.extract %slice3A_988[0] : f32 from vector<1xf32>
          %mul3A_990 = arith.constant 16 : i32
          %mul3A_991 = arith.muli %scan3A_443, %mul3A_990 : i32
          %add3A_992 = arith.constant 10 : i32
          %add3A_993 = arith.addi %mul3A_991, %add3A_992 : i32
          %get3A_994 = arith.index_cast %add3A_993 : i32 to index
          %get3A_995 = arith.constant 0 : index
          %get3A_996 = tpu.vector_load %arg17[%get3A_994, %get3A_995] {strides = array<i32>} : memref<128x64xf32, #tpu.memory_space<vmem>>, vector<16xf32>,
          %mul3A_997 = vector.broadcast %squeeze3A_989 : f32 to vector<16xf32>
          %mul3A_998 = arith.mulf %mul3A_997, %get3A_996 : vector<16xf32>
          %swap3A_999 = arith.index_cast %add3A_993 : i32 to index
          %swap3A_1000 = arith.constant 0 : index
          %swap3A_1001 = tpu.vector_load %arg18[%swap3A_999, %swap3A_1000] {strides = array<i32>} : memref<128x128xf32, #tpu.memory_space<vmem>>, vector<16xf32>,
          tpu.vector_store %arg18[%swap3A_999, %swap3A_1000], %mul3A_998 {strides = array<i32>} : memref<128x128xf32, #tpu.memory_space<vmem>>, vector<16xf32>,
          %mul3A_1002 = arith.mulf %mul3A_998, %get3A_996 : vector<16xf32>
          %swap3A_1003 = arith.index_cast %add3A_993 : i32 to index
          %swap3A_1004 = arith.constant 64 : index
          %swap3A_1005 = tpu.vector_load %arg18[%swap3A_1003, %swap3A_1004] {strides = array<i32>} : memref<128x128xf32, #tpu.memory_space<vmem>>, vector<16xf32>,
          tpu.vector_store %arg18[%swap3A_1003, %swap3A_1004], %mul3A_1002 {strides = array<i32>} : memref<128x128xf32, #tpu.memory_space<vmem>>, vector<16xf32>,
          %get3A_1006 = arith.index_cast %add3A_993 : i32 to index
          %get3A_1007 = arith.constant 16 : index
          %get3A_1008 = tpu.vector_load %arg17[%get3A_1006, %get3A_1007] {strides = array<i32>} : memref<128x64xf32, #tpu.memory_space<vmem>>, vector<16xf32>,
          %mul3A_1009 = vector.broadcast %squeeze3A_989 : f32 to vector<16xf32>
          %mul3A_1010 = arith.mulf %mul3A_1009, %get3A_1008 : vector<16xf32>
          %swap3A_1011 = arith.index_cast %add3A_993 : i32 to index
          %swap3A_1012 = arith.constant 16 : index
          %swap3A_1013 = tpu.vector_load %arg18[%swap3A_1011, %swap3A_1012] {strides = array<i32>} : memref<128x128xf32, #tpu.memory_space<vmem>>, vector<16xf32>,
          tpu.vector_store %arg18[%swap3A_1011, %swap3A_1012], %mul3A_1010 {strides = array<i32>} : memref<128x128xf32, #tpu.memory_space<vmem>>, vector<16xf32>,
          %mul3A_1014 = arith.mulf %mul3A_1010, %get3A_1008 : vector<16xf32>
          %swap3A_1015 = arith.index_cast %add3A_993 : i32 to index
          %swap3A_1016 = arith.constant 80 : index
          %swap3A_1017 = tpu.vector_load %arg18[%swap3A_1015, %swap3A_1016] {strides = array<i32>} : memref<128x128xf32, #tpu.memory_space<vmem>>, vector<16xf32>,
          tpu.vector_store %arg18[%swap3A_1015, %swap3A_1016], %mul3A_1014 {strides = array<i32>} : memref<128x128xf32, #tpu.memory_space<vmem>>, vector<16xf32>,
          %get3A_1018 = arith.index_cast %add3A_993 : i32 to index
          %get3A_1019 = arith.constant 32 : index
          %get3A_1020 = tpu.vector_load %arg17[%get3A_1018, %get3A_1019] {strides = array<i32>} : memref<128x64xf32, #tpu.memory_space<vmem>>, vector<16xf32>,
          %mul3A_1021 = vector.broadcast %squeeze3A_989 : f32 to vector<16xf32>
          %mul3A_1022 = arith.mulf %mul3A_1021, %get3A_1020 : vector<16xf32>
          %swap3A_1023 = arith.index_cast %add3A_993 : i32 to index
          %swap3A_1024 = arith.constant 32 : index
          %swap3A_1025 = tpu.vector_load %arg18[%swap3A_1023, %swap3A_1024] {strides = array<i32>} : memref<128x128xf32, #tpu.memory_space<vmem>>, vector<16xf32>,
          tpu.vector_store %arg18[%swap3A_1023, %swap3A_1024], %mul3A_1022 {strides = array<i32>} : memref<128x128xf32, #tpu.memory_space<vmem>>, vector<16xf32>,
          %mul3A_1026 = arith.mulf %mul3A_1022, %get3A_1020 : vector<16xf32>
          %swap3A_1027 = arith.index_cast %add3A_993 : i32 to index
          %swap3A_1028 = arith.constant 96 : index
          %swap3A_1029 = tpu.vector_load %arg18[%swap3A_1027, %swap3A_1028] {strides = array<i32>} : memref<128x128xf32, #tpu.memory_space<vmem>>, vector<16xf32>,
          tpu.vector_store %arg18[%swap3A_1027, %swap3A_1028], %mul3A_1026 {strides = array<i32>} : memref<128x128xf32, #tpu.memory_space<vmem>>, vector<16xf32>,
          %get3A_1030 = arith.index_cast %add3A_993 : i32 to index
          %get3A_1031 = arith.constant 48 : index
          %get3A_1032 = tpu.vector_load %arg17[%get3A_1030, %get3A_1031] {strides = array<i32>} : memref<128x64xf32, #tpu.memory_space<vmem>>, vector<16xf32>,
          %mul3A_1033 = vector.broadcast %squeeze3A_989 : f32 to vector<16xf32>
          %mul3A_1034 = arith.mulf %mul3A_1033, %get3A_1032 : vector<16xf32>
          %swap3A_1035 = arith.index_cast %add3A_993 : i32 to index
          %swap3A_1036 = arith.constant 48 : index
          %swap3A_1037 = tpu.vector_load %arg18[%swap3A_1035, %swap3A_1036] {strides = array<i32>} : memref<128x128xf32, #tpu.memory_space<vmem>>, vector<16xf32>,
          tpu.vector_store %arg18[%swap3A_1035, %swap3A_1036], %mul3A_1034 {strides = array<i32>} : memref<128x128xf32, #tpu.memory_space<vmem>>, vector<16xf32>,
          %mul3A_1038 = arith.mulf %mul3A_1034, %get3A_1032 : vector<16xf32>
          %swap3A_1039 = arith.index_cast %add3A_993 : i32 to index
          %swap3A_1040 = arith.constant 112 : index
          %swap3A_1041 = tpu.vector_load %arg18[%swap3A_1039, %swap3A_1040] {strides = array<i32>} : memref<128x128xf32, #tpu.memory_space<vmem>>, vector<16xf32>,
          tpu.vector_store %arg18[%swap3A_1039, %swap3A_1040], %mul3A_1038 {strides = array<i32>} : memref<128x128xf32, #tpu.memory_space<vmem>>, vector<16xf32>,
          %slice3A_1042 = vector.extract_strided_slice %get3A_449 {offsets = [11], sizes = [1], strides = [1]} : vector<16xf32> to vector<1xf32>
          %squeeze3A_1043 = vector.extract %slice3A_1042[0] : f32 from vector<1xf32>
          %mul3A_1044 = arith.constant 16 : i32
          %mul3A_1045 = arith.muli %scan3A_443, %mul3A_1044 : i32
          %add3A_1046 = arith.constant 11 : i32
          %add3A_1047 = arith.addi %mul3A_1045, %add3A_1046 : i32
          %get3A_1048 = arith.index_cast %add3A_1047 : i32 to index
          %get3A_1049 = arith.constant 0 : index
          %get3A_1050 = tpu.vector_load %arg17[%get3A_1048, %get3A_1049] {strides = array<i32>} : memref<128x64xf32, #tpu.memory_space<vmem>>, vector<16xf32>,
          %mul3A_1051 = vector.broadcast %squeeze3A_1043 : f32 to vector<16xf32>
          %mul3A_1052 = arith.mulf %mul3A_1051, %get3A_1050 : vector<16xf32>
          %swap3A_1053 = arith.index_cast %add3A_1047 : i32 to index
          %swap3A_1054 = arith.constant 0 : index
          %swap3A_1055 = tpu.vector_load %arg18[%swap3A_1053, %swap3A_1054] {strides = array<i32>} : memref<128x128xf32, #tpu.memory_space<vmem>>, vector<16xf32>,
          tpu.vector_store %arg18[%swap3A_1053, %swap3A_1054], %mul3A_1052 {strides = array<i32>} : memref<128x128xf32, #tpu.memory_space<vmem>>, vector<16xf32>,
          %mul3A_1056 = arith.mulf %mul3A_1052, %get3A_1050 : vector<16xf32>
          %swap3A_1057 = arith.index_cast %add3A_1047 : i32 to index
          %swap3A_1058 = arith.constant 64 : index
          %swap3A_1059 = tpu.vector_load %arg18[%swap3A_1057, %swap3A_1058] {strides = array<i32>} : memref<128x128xf32, #tpu.memory_space<vmem>>, vector<16xf32>,
          tpu.vector_store %arg18[%swap3A_1057, %swap3A_1058], %mul3A_1056 {strides = array<i32>} : memref<128x128xf32, #tpu.memory_space<vmem>>, vector<16xf32>,
          %get3A_1060 = arith.index_cast %add3A_1047 : i32 to index
          %get3A_1061 = arith.constant 16 : index
          %get3A_1062 = tpu.vector_load %arg17[%get3A_1060, %get3A_1061] {strides = array<i32>} : memref<128x64xf32, #tpu.memory_space<vmem>>, vector<16xf32>,
          %mul3A_1063 = vector.broadcast %squeeze3A_1043 : f32 to vector<16xf32>
          %mul3A_1064 = arith.mulf %mul3A_1063, %get3A_1062 : vector<16xf32>
          %swap3A_1065 = arith.index_cast %add3A_1047 : i32 to index
          %swap3A_1066 = arith.constant 16 : index
          %swap3A_1067 = tpu.vector_load %arg18[%swap3A_1065, %swap3A_1066] {strides = array<i32>} : memref<128x128xf32, #tpu.memory_space<vmem>>, vector<16xf32>,
          tpu.vector_store %arg18[%swap3A_1065, %swap3A_1066], %mul3A_1064 {strides = array<i32>} : memref<128x128xf32, #tpu.memory_space<vmem>>, vector<16xf32>,
          %mul3A_1068 = arith.mulf %mul3A_1064, %get3A_1062 : vector<16xf32>
          %swap3A_1069 = arith.index_cast %add3A_1047 : i32 to index
          %swap3A_1070 = arith.constant 80 : index
          %swap3A_1071 = tpu.vector_load %arg18[%swap3A_1069, %swap3A_1070] {strides = array<i32>} : memref<128x128xf32, #tpu.memory_space<vmem>>, vector<16xf32>,
          tpu.vector_store %arg18[%swap3A_1069, %swap3A_1070], %mul3A_1068 {strides = array<i32>} : memref<128x128xf32, #tpu.memory_space<vmem>>, vector<16xf32>,
          %get3A_1072 = arith.index_cast %add3A_1047 : i32 to index
          %get3A_1073 = arith.constant 32 : index
          %get3A_1074 = tpu.vector_load %arg17[%get3A_1072, %get3A_1073] {strides = array<i32>} : memref<128x64xf32, #tpu.memory_space<vmem>>, vector<16xf32>,
          %mul3A_1075 = vector.broadcast %squeeze3A_1043 : f32 to vector<16xf32>
          %mul3A_1076 = arith.mulf %mul3A_1075, %get3A_1074 : vector<16xf32>
          %swap3A_1077 = arith.index_cast %add3A_1047 : i32 to index
          %swap3A_1078 = arith.constant 32 : index
          %swap3A_1079 = tpu.vector_load %arg18[%swap3A_1077, %swap3A_1078] {strides = array<i32>} : memref<128x128xf32, #tpu.memory_space<vmem>>, vector<16xf32>,
          tpu.vector_store %arg18[%swap3A_1077, %swap3A_1078], %mul3A_1076 {strides = array<i32>} : memref<128x128xf32, #tpu.memory_space<vmem>>, vector<16xf32>,
          %mul3A_1080 = arith.mulf %mul3A_1076, %get3A_1074 : vector<16xf32>
          %swap3A_1081 = arith.index_cast %add3A_1047 : i32 to index
          %swap3A_1082 = arith.constant 96 : index
          %swap3A_1083 = tpu.vector_load %arg18[%swap3A_1081, %swap3A_1082] {strides = array<i32>} : memref<128x128xf32, #tpu.memory_space<vmem>>, vector<16xf32>,
          tpu.vector_store %arg18[%swap3A_1081, %swap3A_1082], %mul3A_1080 {strides = array<i32>} : memref<128x128xf32, #tpu.memory_space<vmem>>, vector<16xf32>,
          %get3A_1084 = arith.index_cast %add3A_1047 : i32 to index
          %get3A_1085 = arith.constant 48 : index
          %get3A_1086 = tpu.vector_load %arg17[%get3A_1084, %get3A_1085] {strides = array<i32>} : memref<128x64xf32, #tpu.memory_space<vmem>>, vector<16xf32>,
          %mul3A_1087 = vector.broadcast %squeeze3A_1043 : f32 to vector<16xf32>
          %mul3A_1088 = arith.mulf %mul3A_1087, %get3A_1086 : vector<16xf32>
          %swap3A_1089 = arith.index_cast %add3A_1047 : i32 to index
          %swap3A_1090 = arith.constant 48 : index
          %swap3A_1091 = tpu.vector_load %arg18[%swap3A_1089, %swap3A_1090] {strides = array<i32>} : memref<128x128xf32, #tpu.memory_space<vmem>>, vector<16xf32>,
          tpu.vector_store %arg18[%swap3A_1089, %swap3A_1090], %mul3A_1088 {strides = array<i32>} : memref<128x128xf32, #tpu.memory_space<vmem>>, vector<16xf32>,
          %mul3A_1092 = arith.mulf %mul3A_1088, %get3A_1086 : vector<16xf32>
          %swap3A_1093 = arith.index_cast %add3A_1047 : i32 to index
          %swap3A_1094 = arith.constant 112 : index
          %swap3A_1095 = tpu.vector_load %arg18[%swap3A_1093, %swap3A_1094] {strides = array<i32>} : memref<128x128xf32, #tpu.memory_space<vmem>>, vector<16xf32>,
          tpu.vector_store %arg18[%swap3A_1093, %swap3A_1094], %mul3A_1092 {strides = array<i32>} : memref<128x128xf32, #tpu.memory_space<vmem>>, vector<16xf32>,
          %slice3A_1096 = vector.extract_strided_slice %get3A_449 {offsets = [12], sizes = [1], strides = [1]} : vector<16xf32> to vector<1xf32>
          %squeeze3A_1097 = vector.extract %slice3A_1096[0] : f32 from vector<1xf32>
          %mul3A_1098 = arith.constant 16 : i32
          %mul3A_1099 = arith.muli %scan3A_443, %mul3A_1098 : i32
          %add3A_1100 = arith.constant 12 : i32
          %add3A_1101 = arith.addi %mul3A_1099, %add3A_1100 : i32
          %get3A_1102 = arith.index_cast %add3A_1101 : i32 to index
          %get3A_1103 = arith.constant 0 : index
          %get3A_1104 = tpu.vector_load %arg17[%get3A_1102, %get3A_1103] {strides = array<i32>} : memref<128x64xf32, #tpu.memory_space<vmem>>, vector<16xf32>,
          %mul3A_1105 = vector.broadcast %squeeze3A_1097 : f32 to vector<16xf32>
          %mul3A_1106 = arith.mulf %mul3A_1105, %get3A_1104 : vector<16xf32>
          %swap3A_1107 = arith.index_cast %add3A_1101 : i32 to index
          %swap3A_1108 = arith.constant 0 : index
          %swap3A_1109 = tpu.vector_load %arg18[%swap3A_1107, %swap3A_1108] {strides = array<i32>} : memref<128x128xf32, #tpu.memory_space<vmem>>, vector<16xf32>,
          tpu.vector_store %arg18[%swap3A_1107, %swap3A_1108], %mul3A_1106 {strides = array<i32>} : memref<128x128xf32, #tpu.memory_space<vmem>>, vector<16xf32>,
          %mul3A_1110 = arith.mulf %mul3A_1106, %get3A_1104 : vector<16xf32>
          %swap3A_1111 = arith.index_cast %add3A_1101 : i32 to index
          %swap3A_1112 = arith.constant 64 : index
          %swap3A_1113 = tpu.vector_load %arg18[%swap3A_1111, %swap3A_1112] {strides = array<i32>} : memref<128x128xf32, #tpu.memory_space<vmem>>, vector<16xf32>,
          tpu.vector_store %arg18[%swap3A_1111, %swap3A_1112], %mul3A_1110 {strides = array<i32>} : memref<128x128xf32, #tpu.memory_space<vmem>>, vector<16xf32>,
          %get3A_1114 = arith.index_cast %add3A_1101 : i32 to index
          %get3A_1115 = arith.constant 16 : index
          %get3A_1116 = tpu.vector_load %arg17[%get3A_1114, %get3A_1115] {strides = array<i32>} : memref<128x64xf32, #tpu.memory_space<vmem>>, vector<16xf32>,
          %mul3A_1117 = vector.broadcast %squeeze3A_1097 : f32 to vector<16xf32>
          %mul3A_1118 = arith.mulf %mul3A_1117, %get3A_1116 : vector<16xf32>
          %swap3A_1119 = arith.index_cast %add3A_1101 : i32 to index
          %swap3A_1120 = arith.constant 16 : index
          %swap3A_1121 = tpu.vector_load %arg18[%swap3A_1119, %swap3A_1120] {strides = array<i32>} : memref<128x128xf32, #tpu.memory_space<vmem>>, vector<16xf32>,
          tpu.vector_store %arg18[%swap3A_1119, %swap3A_1120], %mul3A_1118 {strides = array<i32>} : memref<128x128xf32, #tpu.memory_space<vmem>>, vector<16xf32>,
          %mul3A_1122 = arith.mulf %mul3A_1118, %get3A_1116 : vector<16xf32>
          %swap3A_1123 = arith.index_cast %add3A_1101 : i32 to index
          %swap3A_1124 = arith.constant 80 : index
          %swap3A_1125 = tpu.vector_load %arg18[%swap3A_1123, %swap3A_1124] {strides = array<i32>} : memref<128x128xf32, #tpu.memory_space<vmem>>, vector<16xf32>,
          tpu.vector_store %arg18[%swap3A_1123, %swap3A_1124], %mul3A_1122 {strides = array<i32>} : memref<128x128xf32, #tpu.memory_space<vmem>>, vector<16xf32>,
          %get3A_1126 = arith.index_cast %add3A_1101 : i32 to index
          %get3A_1127 = arith.constant 32 : index
          %get3A_1128 = tpu.vector_load %arg17[%get3A_1126, %get3A_1127] {strides = array<i32>} : memref<128x64xf32, #tpu.memory_space<vmem>>, vector<16xf32>,
          %mul3A_1129 = vector.broadcast %squeeze3A_1097 : f32 to vector<16xf32>
          %mul3A_1130 = arith.mulf %mul3A_1129, %get3A_1128 : vector<16xf32>
          %swap3A_1131 = arith.index_cast %add3A_1101 : i32 to index
          %swap3A_1132 = arith.constant 32 : index
          %swap3A_1133 = tpu.vector_load %arg18[%swap3A_1131, %swap3A_1132] {strides = array<i32>} : memref<128x128xf32, #tpu.memory_space<vmem>>, vector<16xf32>,
          tpu.vector_store %arg18[%swap3A_1131, %swap3A_1132], %mul3A_1130 {strides = array<i32>} : memref<128x128xf32, #tpu.memory_space<vmem>>, vector<16xf32>,
          %mul3A_1134 = arith.mulf %mul3A_1130, %get3A_1128 : vector<16xf32>
          %swap3A_1135 = arith.index_cast %add3A_1101 : i32 to index
          %swap3A_1136 = arith.constant 96 : index
          %swap3A_1137 = tpu.vector_load %arg18[%swap3A_1135, %swap3A_1136] {strides = array<i32>} : memref<128x128xf32, #tpu.memory_space<vmem>>, vector<16xf32>,
          tpu.vector_store %arg18[%swap3A_1135, %swap3A_1136], %mul3A_1134 {strides = array<i32>} : memref<128x128xf32, #tpu.memory_space<vmem>>, vector<16xf32>,
          %get3A_1138 = arith.index_cast %add3A_1101 : i32 to index
          %get3A_1139 = arith.constant 48 : index
          %get3A_1140 = tpu.vector_load %arg17[%get3A_1138, %get3A_1139] {strides = array<i32>} : memref<128x64xf32, #tpu.memory_space<vmem>>, vector<16xf32>,
          %mul3A_1141 = vector.broadcast %squeeze3A_1097 : f32 to vector<16xf32>
          %mul3A_1142 = arith.mulf %mul3A_1141, %get3A_1140 : vector<16xf32>
          %swap3A_1143 = arith.index_cast %add3A_1101 : i32 to index
          %swap3A_1144 = arith.constant 48 : index
          %swap3A_1145 = tpu.vector_load %arg18[%swap3A_1143, %swap3A_1144] {strides = array<i32>} : memref<128x128xf32, #tpu.memory_space<vmem>>, vector<16xf32>,
          tpu.vector_store %arg18[%swap3A_1143, %swap3A_1144], %mul3A_1142 {strides = array<i32>} : memref<128x128xf32, #tpu.memory_space<vmem>>, vector<16xf32>,
          %mul3A_1146 = arith.mulf %mul3A_1142, %get3A_1140 : vector<16xf32>
          %swap3A_1147 = arith.index_cast %add3A_1101 : i32 to index
          %swap3A_1148 = arith.constant 112 : index
          %swap3A_1149 = tpu.vector_load %arg18[%swap3A_1147, %swap3A_1148] {strides = array<i32>} : memref<128x128xf32, #tpu.memory_space<vmem>>, vector<16xf32>,
          tpu.vector_store %arg18[%swap3A_1147, %swap3A_1148], %mul3A_1146 {strides = array<i32>} : memref<128x128xf32, #tpu.memory_space<vmem>>, vector<16xf32>,
          %slice3A_1150 = vector.extract_strided_slice %get3A_449 {offsets = [13], sizes = [1], strides = [1]} : vector<16xf32> to vector<1xf32>
          %squeeze3A_1151 = vector.extract %slice3A_1150[0] : f32 from vector<1xf32>
          %mul3A_1152 = arith.constant 16 : i32
          %mul3A_1153 = arith.muli %scan3A_443, %mul3A_1152 : i32
          %add3A_1154 = arith.constant 13 : i32
          %add3A_1155 = arith.addi %mul3A_1153, %add3A_1154 : i32
          %get3A_1156 = arith.index_cast %add3A_1155 : i32 to index
          %get3A_1157 = arith.constant 0 : index
          %get3A_1158 = tpu.vector_load %arg17[%get3A_1156, %get3A_1157] {strides = array<i32>} : memref<128x64xf32, #tpu.memory_space<vmem>>, vector<16xf32>,
          %mul3A_1159 = vector.broadcast %squeeze3A_1151 : f32 to vector<16xf32>
          %mul3A_1160 = arith.mulf %mul3A_1159, %get3A_1158 : vector<16xf32>
          %swap3A_1161 = arith.index_cast %add3A_1155 : i32 to index
          %swap3A_1162 = arith.constant 0 : index
          %swap3A_1163 = tpu.vector_load %arg18[%swap3A_1161, %swap3A_1162] {strides = array<i32>} : memref<128x128xf32, #tpu.memory_space<vmem>>, vector<16xf32>,
          tpu.vector_store %arg18[%swap3A_1161, %swap3A_1162], %mul3A_1160 {strides = array<i32>} : memref<128x128xf32, #tpu.memory_space<vmem>>, vector<16xf32>,
          %mul3A_1164 = arith.mulf %mul3A_1160, %get3A_1158 : vector<16xf32>
          %swap3A_1165 = arith.index_cast %add3A_1155 : i32 to index
          %swap3A_1166 = arith.constant 64 : index
          %swap3A_1167 = tpu.vector_load %arg18[%swap3A_1165, %swap3A_1166] {strides = array<i32>} : memref<128x128xf32, #tpu.memory_space<vmem>>, vector<16xf32>,
          tpu.vector_store %arg18[%swap3A_1165, %swap3A_1166], %mul3A_1164 {strides = array<i32>} : memref<128x128xf32, #tpu.memory_space<vmem>>, vector<16xf32>,
          %get3A_1168 = arith.index_cast %add3A_1155 : i32 to index
          %get3A_1169 = arith.constant 16 : index
          %get3A_1170 = tpu.vector_load %arg17[%get3A_1168, %get3A_1169] {strides = array<i32>} : memref<128x64xf32, #tpu.memory_space<vmem>>, vector<16xf32>,
          %mul3A_1171 = vector.broadcast %squeeze3A_1151 : f32 to vector<16xf32>
          %mul3A_1172 = arith.mulf %mul3A_1171, %get3A_1170 : vector<16xf32>
          %swap3A_1173 = arith.index_cast %add3A_1155 : i32 to index
          %swap3A_1174 = arith.constant 16 : index
          %swap3A_1175 = tpu.vector_load %arg18[%swap3A_1173, %swap3A_1174] {strides = array<i32>} : memref<128x128xf32, #tpu.memory_space<vmem>>, vector<16xf32>,
          tpu.vector_store %arg18[%swap3A_1173, %swap3A_1174], %mul3A_1172 {strides = array<i32>} : memref<128x128xf32, #tpu.memory_space<vmem>>, vector<16xf32>,
          %mul3A_1176 = arith.mulf %mul3A_1172, %get3A_1170 : vector<16xf32>
          %swap3A_1177 = arith.index_cast %add3A_1155 : i32 to index
          %swap3A_1178 = arith.constant 80 : index
          %swap3A_1179 = tpu.vector_load %arg18[%swap3A_1177, %swap3A_1178] {strides = array<i32>} : memref<128x128xf32, #tpu.memory_space<vmem>>, vector<16xf32>,
          tpu.vector_store %arg18[%swap3A_1177, %swap3A_1178], %mul3A_1176 {strides = array<i32>} : memref<128x128xf32, #tpu.memory_space<vmem>>, vector<16xf32>,
          %get3A_1180 = arith.index_cast %add3A_1155 : i32 to index
          %get3A_1181 = arith.constant 32 : index
          %get3A_1182 = tpu.vector_load %arg17[%get3A_1180, %get3A_1181] {strides = array<i32>} : memref<128x64xf32, #tpu.memory_space<vmem>>, vector<16xf32>,
          %mul3A_1183 = vector.broadcast %squeeze3A_1151 : f32 to vector<16xf32>
          %mul3A_1184 = arith.mulf %mul3A_1183, %get3A_1182 : vector<16xf32>
          %swap3A_1185 = arith.index_cast %add3A_1155 : i32 to index
          %swap3A_1186 = arith.constant 32 : index
          %swap3A_1187 = tpu.vector_load %arg18[%swap3A_1185, %swap3A_1186] {strides = array<i32>} : memref<128x128xf32, #tpu.memory_space<vmem>>, vector<16xf32>,
          tpu.vector_store %arg18[%swap3A_1185, %swap3A_1186], %mul3A_1184 {strides = array<i32>} : memref<128x128xf32, #tpu.memory_space<vmem>>, vector<16xf32>,
          %mul3A_1188 = arith.mulf %mul3A_1184, %get3A_1182 : vector<16xf32>
          %swap3A_1189 = arith.index_cast %add3A_1155 : i32 to index
          %swap3A_1190 = arith.constant 96 : index
          %swap3A_1191 = tpu.vector_load %arg18[%swap3A_1189, %swap3A_1190] {strides = array<i32>} : memref<128x128xf32, #tpu.memory_space<vmem>>, vector<16xf32>,
          tpu.vector_store %arg18[%swap3A_1189, %swap3A_1190], %mul3A_1188 {strides = array<i32>} : memref<128x128xf32, #tpu.memory_space<vmem>>, vector<16xf32>,
          %get3A_1192 = arith.index_cast %add3A_1155 : i32 to index
          %get3A_1193 = arith.constant 48 : index
          %get3A_1194 = tpu.vector_load %arg17[%get3A_1192, %get3A_1193] {strides = array<i32>} : memref<128x64xf32, #tpu.memory_space<vmem>>, vector<16xf32>,
          %mul3A_1195 = vector.broadcast %squeeze3A_1151 : f32 to vector<16xf32>
          %mul3A_1196 = arith.mulf %mul3A_1195, %get3A_1194 : vector<16xf32>
          %swap3A_1197 = arith.index_cast %add3A_1155 : i32 to index
          %swap3A_1198 = arith.constant 48 : index
          %swap3A_1199 = tpu.vector_load %arg18[%swap3A_1197, %swap3A_1198] {strides = array<i32>} : memref<128x128xf32, #tpu.memory_space<vmem>>, vector<16xf32>,
          tpu.vector_store %arg18[%swap3A_1197, %swap3A_1198], %mul3A_1196 {strides = array<i32>} : memref<128x128xf32, #tpu.memory_space<vmem>>, vector<16xf32>,
          %mul3A_1200 = arith.mulf %mul3A_1196, %get3A_1194 : vector<16xf32>
          %swap3A_1201 = arith.index_cast %add3A_1155 : i32 to index
          %swap3A_1202 = arith.constant 112 : index
          %swap3A_1203 = tpu.vector_load %arg18[%swap3A_1201, %swap3A_1202] {strides = array<i32>} : memref<128x128xf32, #tpu.memory_space<vmem>>, vector<16xf32>,
          tpu.vector_store %arg18[%swap3A_1201, %swap3A_1202], %mul3A_1200 {strides = array<i32>} : memref<128x128xf32, #tpu.memory_space<vmem>>, vector<16xf32>,
          %slice3A_1204 = vector.extract_strided_slice %get3A_449 {offsets = [14], sizes = [1], strides = [1]} : vector<16xf32> to vector<1xf32>
          %squeeze3A_1205 = vector.extract %slice3A_1204[0] : f32 from vector<1xf32>
          %mul3A_1206 = arith.constant 16 : i32
          %mul3A_1207 = arith.muli %scan3A_443, %mul3A_1206 : i32
          %add3A_1208 = arith.constant 14 : i32
          %add3A_1209 = arith.addi %mul3A_1207, %add3A_1208 : i32
          %get3A_1210 = arith.index_cast %add3A_1209 : i32 to index
          %get3A_1211 = arith.constant 0 : index
          %get3A_1212 = tpu.vector_load %arg17[%get3A_1210, %get3A_1211] {strides = array<i32>} : memref<128x64xf32, #tpu.memory_space<vmem>>, vector<16xf32>,
          %mul3A_1213 = vector.broadcast %squeeze3A_1205 : f32 to vector<16xf32>
          %mul3A_1214 = arith.mulf %mul3A_1213, %get3A_1212 : vector<16xf32>
          %swap3A_1215 = arith.index_cast %add3A_1209 : i32 to index
          %swap3A_1216 = arith.constant 0 : index
          %swap3A_1217 = tpu.vector_load %arg18[%swap3A_1215, %swap3A_1216] {strides = array<i32>} : memref<128x128xf32, #tpu.memory_space<vmem>>, vector<16xf32>,
          tpu.vector_store %arg18[%swap3A_1215, %swap3A_1216], %mul3A_1214 {strides = array<i32>} : memref<128x128xf32, #tpu.memory_space<vmem>>, vector<16xf32>,
          %mul3A_1218 = arith.mulf %mul3A_1214, %get3A_1212 : vector<16xf32>
          %swap3A_1219 = arith.index_cast %add3A_1209 : i32 to index
          %swap3A_1220 = arith.constant 64 : index
          %swap3A_1221 = tpu.vector_load %arg18[%swap3A_1219, %swap3A_1220] {strides = array<i32>} : memref<128x128xf32, #tpu.memory_space<vmem>>, vector<16xf32>,
          tpu.vector_store %arg18[%swap3A_1219, %swap3A_1220], %mul3A_1218 {strides = array<i32>} : memref<128x128xf32, #tpu.memory_space<vmem>>, vector<16xf32>,
          %get3A_1222 = arith.index_cast %add3A_1209 : i32 to index
          %get3A_1223 = arith.constant 16 : index
          %get3A_1224 = tpu.vector_load %arg17[%get3A_1222, %get3A_1223] {strides = array<i32>} : memref<128x64xf32, #tpu.memory_space<vmem>>, vector<16xf32>,
          %mul3A_1225 = vector.broadcast %squeeze3A_1205 : f32 to vector<16xf32>
          %mul3A_1226 = arith.mulf %mul3A_1225, %get3A_1224 : vector<16xf32>
          %swap3A_1227 = arith.index_cast %add3A_1209 : i32 to index
          %swap3A_1228 = arith.constant 16 : index
          %swap3A_1229 = tpu.vector_load %arg18[%swap3A_1227, %swap3A_1228] {strides = array<i32>} : memref<128x128xf32, #tpu.memory_space<vmem>>, vector<16xf32>,
          tpu.vector_store %arg18[%swap3A_1227, %swap3A_1228], %mul3A_1226 {strides = array<i32>} : memref<128x128xf32, #tpu.memory_space<vmem>>, vector<16xf32>,
          %mul3A_1230 = arith.mulf %mul3A_1226, %get3A_1224 : vector<16xf32>
          %swap3A_1231 = arith.index_cast %add3A_1209 : i32 to index
          %swap3A_1232 = arith.constant 80 : index
          %swap3A_1233 = tpu.vector_load %arg18[%swap3A_1231, %swap3A_1232] {strides = array<i32>} : memref<128x128xf32, #tpu.memory_space<vmem>>, vector<16xf32>,
          tpu.vector_store %arg18[%swap3A_1231, %swap3A_1232], %mul3A_1230 {strides = array<i32>} : memref<128x128xf32, #tpu.memory_space<vmem>>, vector<16xf32>,
          %get3A_1234 = arith.index_cast %add3A_1209 : i32 to index
          %get3A_1235 = arith.constant 32 : index
          %get3A_1236 = tpu.vector_load %arg17[%get3A_1234, %get3A_1235] {strides = array<i32>} : memref<128x64xf32, #tpu.memory_space<vmem>>, vector<16xf32>,
          %mul3A_1237 = vector.broadcast %squeeze3A_1205 : f32 to vector<16xf32>
          %mul3A_1238 = arith.mulf %mul3A_1237, %get3A_1236 : vector<16xf32>
          %swap3A_1239 = arith.index_cast %add3A_1209 : i32 to index
          %swap3A_1240 = arith.constant 32 : index
          %swap3A_1241 = tpu.vector_load %arg18[%swap3A_1239, %swap3A_1240] {strides = array<i32>} : memref<128x128xf32, #tpu.memory_space<vmem>>, vector<16xf32>,
          tpu.vector_store %arg18[%swap3A_1239, %swap3A_1240], %mul3A_1238 {strides = array<i32>} : memref<128x128xf32, #tpu.memory_space<vmem>>, vector<16xf32>,
          %mul3A_1242 = arith.mulf %mul3A_1238, %get3A_1236 : vector<16xf32>
          %swap3A_1243 = arith.index_cast %add3A_1209 : i32 to index
          %swap3A_1244 = arith.constant 96 : index
          %swap3A_1245 = tpu.vector_load %arg18[%swap3A_1243, %swap3A_1244] {strides = array<i32>} : memref<128x128xf32, #tpu.memory_space<vmem>>, vector<16xf32>,
          tpu.vector_store %arg18[%swap3A_1243, %swap3A_1244], %mul3A_1242 {strides = array<i32>} : memref<128x128xf32, #tpu.memory_space<vmem>>, vector<16xf32>,
          %get3A_1246 = arith.index_cast %add3A_1209 : i32 to index
          %get3A_1247 = arith.constant 48 : index
          %get3A_1248 = tpu.vector_load %arg17[%get3A_1246, %get3A_1247] {strides = array<i32>} : memref<128x64xf32, #tpu.memory_space<vmem>>, vector<16xf32>,
          %mul3A_1249 = vector.broadcast %squeeze3A_1205 : f32 to vector<16xf32>
          %mul3A_1250 = arith.mulf %mul3A_1249, %get3A_1248 : vector<16xf32>
          %swap3A_1251 = arith.index_cast %add3A_1209 : i32 to index
          %swap3A_1252 = arith.constant 48 : index
          %swap3A_1253 = tpu.vector_load %arg18[%swap3A_1251, %swap3A_1252] {strides = array<i32>} : memref<128x128xf32, #tpu.memory_space<vmem>>, vector<16xf32>,
          tpu.vector_store %arg18[%swap3A_1251, %swap3A_1252], %mul3A_1250 {strides = array<i32>} : memref<128x128xf32, #tpu.memory_space<vmem>>, vector<16xf32>,
          %mul3A_1254 = arith.mulf %mul3A_1250, %get3A_1248 : vector<16xf32>
          %swap3A_1255 = arith.index_cast %add3A_1209 : i32 to index
          %swap3A_1256 = arith.constant 112 : index
          %swap3A_1257 = tpu.vector_load %arg18[%swap3A_1255, %swap3A_1256] {strides = array<i32>} : memref<128x128xf32, #tpu.memory_space<vmem>>, vector<16xf32>,
          tpu.vector_store %arg18[%swap3A_1255, %swap3A_1256], %mul3A_1254 {strides = array<i32>} : memref<128x128xf32, #tpu.memory_space<vmem>>, vector<16xf32>,
          %slice3A_1258 = vector.extract_strided_slice %get3A_449 {offsets = [15], sizes = [1], strides = [1]} : vector<16xf32> to vector<1xf32>
          %squeeze3A_1259 = vector.extract %slice3A_1258[0] : f32 from vector<1xf32>
          %mul3A_1260 = arith.constant 16 : i32
          %mul3A_1261 = arith.muli %scan3A_443, %mul3A_1260 : i32
          %add3A_1262 = arith.constant 15 : i32
          %add3A_1263 = arith.addi %mul3A_1261, %add3A_1262 : i32
          %get3A_1264 = arith.index_cast %add3A_1263 : i32 to index
          %get3A_1265 = arith.constant 0 : index
          %get3A_1266 = tpu.vector_load %arg17[%get3A_1264, %get3A_1265] {strides = array<i32>} : memref<128x64xf32, #tpu.memory_space<vmem>>, vector<16xf32>,
          %mul3A_1267 = vector.broadcast %squeeze3A_1259 : f32 to vector<16xf32>
          %mul3A_1268 = arith.mulf %mul3A_1267, %get3A_1266 : vector<16xf32>
          %swap3A_1269 = arith.index_cast %add3A_1263 : i32 to index
          %swap3A_1270 = arith.constant 0 : index
          %swap3A_1271 = tpu.vector_load %arg18[%swap3A_1269, %swap3A_1270] {strides = array<i32>} : memref<128x128xf32, #tpu.memory_space<vmem>>, vector<16xf32>,
          tpu.vector_store %arg18[%swap3A_1269, %swap3A_1270], %mul3A_1268 {strides = array<i32>} : memref<128x128xf32, #tpu.memory_space<vmem>>, vector<16xf32>,
          %mul3A_1272 = arith.mulf %mul3A_1268, %get3A_1266 : vector<16xf32>
          %swap3A_1273 = arith.index_cast %add3A_1263 : i32 to index
          %swap3A_1274 = arith.constant 64 : index
          %swap3A_1275 = tpu.vector_load %arg18[%swap3A_1273, %swap3A_1274] {strides = array<i32>} : memref<128x128xf32, #tpu.memory_space<vmem>>, vector<16xf32>,
          tpu.vector_store %arg18[%swap3A_1273, %swap3A_1274], %mul3A_1272 {strides = array<i32>} : memref<128x128xf32, #tpu.memory_space<vmem>>, vector<16xf32>,
          %get3A_1276 = arith.index_cast %add3A_1263 : i32 to index
          %get3A_1277 = arith.constant 16 : index
          %get3A_1278 = tpu.vector_load %arg17[%get3A_1276, %get3A_1277] {strides = array<i32>} : memref<128x64xf32, #tpu.memory_space<vmem>>, vector<16xf32>,
          %mul3A_1279 = vector.broadcast %squeeze3A_1259 : f32 to vector<16xf32>
          %mul3A_1280 = arith.mulf %mul3A_1279, %get3A_1278 : vector<16xf32>
          %swap3A_1281 = arith.index_cast %add3A_1263 : i32 to index
          %swap3A_1282 = arith.constant 16 : index
          %swap3A_1283 = tpu.vector_load %arg18[%swap3A_1281, %swap3A_1282] {strides = array<i32>} : memref<128x128xf32, #tpu.memory_space<vmem>>, vector<16xf32>,
          tpu.vector_store %arg18[%swap3A_1281, %swap3A_1282], %mul3A_1280 {strides = array<i32>} : memref<128x128xf32, #tpu.memory_space<vmem>>, vector<16xf32>,
          %mul3A_1284 = arith.mulf %mul3A_1280, %get3A_1278 : vector<16xf32>
          %swap3A_1285 = arith.index_cast %add3A_1263 : i32 to index
          %swap3A_1286 = arith.constant 80 : index
          %swap3A_1287 = tpu.vector_load %arg18[%swap3A_1285, %swap3A_1286] {strides = array<i32>} : memref<128x128xf32, #tpu.memory_space<vmem>>, vector<16xf32>,
          tpu.vector_store %arg18[%swap3A_1285, %swap3A_1286], %mul3A_1284 {strides = array<i32>} : memref<128x128xf32, #tpu.memory_space<vmem>>, vector<16xf32>,
          %get3A_1288 = arith.index_cast %add3A_1263 : i32 to index
          %get3A_1289 = arith.constant 32 : index
          %get3A_1290 = tpu.vector_load %arg17[%get3A_1288, %get3A_1289] {strides = array<i32>} : memref<128x64xf32, #tpu.memory_space<vmem>>, vector<16xf32>,
          %mul3A_1291 = vector.broadcast %squeeze3A_1259 : f32 to vector<16xf32>
          %mul3A_1292 = arith.mulf %mul3A_1291, %get3A_1290 : vector<16xf32>
          %swap3A_1293 = arith.index_cast %add3A_1263 : i32 to index
          %swap3A_1294 = arith.constant 32 : index
          %swap3A_1295 = tpu.vector_load %arg18[%swap3A_1293, %swap3A_1294] {strides = array<i32>} : memref<128x128xf32, #tpu.memory_space<vmem>>, vector<16xf32>,
          tpu.vector_store %arg18[%swap3A_1293, %swap3A_1294], %mul3A_1292 {strides = array<i32>} : memref<128x128xf32, #tpu.memory_space<vmem>>, vector<16xf32>,
          %mul3A_1296 = arith.mulf %mul3A_1292, %get3A_1290 : vector<16xf32>
          %swap3A_1297 = arith.index_cast %add3A_1263 : i32 to index
          %swap3A_1298 = arith.constant 96 : index
          %swap3A_1299 = tpu.vector_load %arg18[%swap3A_1297, %swap3A_1298] {strides = array<i32>} : memref<128x128xf32, #tpu.memory_space<vmem>>, vector<16xf32>,
          tpu.vector_store %arg18[%swap3A_1297, %swap3A_1298], %mul3A_1296 {strides = array<i32>} : memref<128x128xf32, #tpu.memory_space<vmem>>, vector<16xf32>,
          %get3A_1300 = arith.index_cast %add3A_1263 : i32 to index
          %get3A_1301 = arith.constant 48 : index
          %get3A_1302 = tpu.vector_load %arg17[%get3A_1300, %get3A_1301] {strides = array<i32>} : memref<128x64xf32, #tpu.memory_space<vmem>>, vector<16xf32>,
          %mul3A_1303 = vector.broadcast %squeeze3A_1259 : f32 to vector<16xf32>
          %mul3A_1304 = arith.mulf %mul3A_1303, %get3A_1302 : vector<16xf32>
          %swap3A_1305 = arith.index_cast %add3A_1263 : i32 to index
          %swap3A_1306 = arith.constant 48 : index
          %swap3A_1307 = tpu.vector_load %arg18[%swap3A_1305, %swap3A_1306] {strides = array<i32>} : memref<128x128xf32, #tpu.memory_space<vmem>>, vector<16xf32>,
          tpu.vector_store %arg18[%swap3A_1305, %swap3A_1306], %mul3A_1304 {strides = array<i32>} : memref<128x128xf32, #tpu.memory_space<vmem>>, vector<16xf32>,
          %mul3A_1308 = arith.mulf %mul3A_1304, %get3A_1302 : vector<16xf32>
          %swap3A_1309 = arith.index_cast %add3A_1263 : i32 to index
          %swap3A_1310 = arith.constant 112 : index
          %swap3A_1311 = tpu.vector_load %arg18[%swap3A_1309, %swap3A_1310] {strides = array<i32>} : memref<128x128xf32, #tpu.memory_space<vmem>>, vector<16xf32>,
          tpu.vector_store %arg18[%swap3A_1309, %swap3A_1310], %mul3A_1308 {strides = array<i32>} : memref<128x128xf32, #tpu.memory_space<vmem>>, vector<16xf32>,
          %scan3A_1312 = arith.constant 0 : i32
          scf.yield %scan3A_1312 : i32
        }
        %scan3A_441 = arith.constant 8 : i32
        %run_scoped3A = arith.constant 0 : i32
        "tpu.region"() ({
          %run_scoped3A_443 = tpu.sem_alloc : memref<!tpu.dma_semaphore, #tpu.memory_space<semaphore_mem>>
          %dma_start3A_444 = arith.constant 0 : i32
          %dma_start3A_445 = tpu.memref_slice %arg16[%run_scoped3A, %dma_start3A_444] : memref<1x128xi32, #tpu.memory_space<vmem>> -> memref<1x128xi32, #tpu.memory_space<vmem>>
          %dma_start3A_446 = tpu.memref_squeeze %dma_start3A_445 : memref<1x128xi32, #tpu.memory_space<vmem>> -> memref<128xi32, #tpu.memory_space<vmem>>
          %dma_start3A_447 = arith.constant 0 : i32
          %dma_start3A_448 = arith.constant 0 : i32
          %dma_start3A_449 = tpu.memref_slice %arg8[%dma_start3A_447, %dma_start3A_448] : memref<8320x128xf32, #tpu.memory_space<vmem_shared>> -> memref<8320x128xf32, #tpu.memory_space<vmem_shared>>
          tpu.enqueue_indirect_dma source(%arg18 : memref<128x128xf32, #tpu.memory_space<vmem>>) target(%dma_start3A_449 : memref<8320x128xf32, #tpu.memory_space<vmem_shared>>) offsets(%dma_start3A_446 : memref<128xi32, #tpu.memory_space<vmem>>) semaphore(%run_scoped3A_443 : memref<!tpu.dma_semaphore, #tpu.memory_space<semaphore_mem>>) {add = true}
          %dma_wait3A_450 = arith.constant 0 : i32
          %dma_wait3A_451 = tpu.memref_slice %arg16[%run_scoped3A, %dma_wait3A_450] : memref<1x128xi32, #tpu.memory_space<vmem>> -> memref<1x128xi32, #tpu.memory_space<vmem>>
          %dma_wait3A_452 = tpu.memref_squeeze %dma_wait3A_451 : memref<1x128xi32, #tpu.memory_space<vmem>> -> memref<128xi32, #tpu.memory_space<vmem>>
          %dma_wait3A_453 = arith.constant 0 : i32
          %dma_wait3A_454 = arith.constant 0 : i32
          %dma_wait3A_455 = tpu.memref_slice %arg8[%dma_wait3A_453, %dma_wait3A_454] : memref<8320x128xf32, #tpu.memory_space<vmem_shared>> -> memref<8320x128xf32, #tpu.memory_space<vmem_shared>>
          tpu.wait_indirect_dma semaphore(%run_scoped3A_443 : memref<!tpu.dma_semaphore, #tpu.memory_space<semaphore_mem>>) src(%arg18 : memref<128x128xf32, #tpu.memory_space<vmem>>) dst(%dma_wait3A_455 : memref<8320x128xf32, #tpu.memory_space<vmem_shared>>)
          tpu.yield
        }) : () -> ()
        %while3A_442 = arith.constant 0 : i32
        scf.yield %while3A_442 : i32
      }
      %scan3A_359 = arith.constant 0 : i32
      scf.yield %scan3A_359 : i32
    }
    %scan3A_49 = arith.constant 37 : i32
    %barrier3A_50 = arith.constant 0 : index
    tpu.barrier barrier_id(%barrier3A_50)
    %mul3A_51 = arith.constant 520 : i32
    %mul3A_52 = arith.muli %arg1, %mul3A_51 : i32
    %mul3A_53 = arith.constant 8320 : i32
    %mul3A_54 = arith.muli %arg0, %mul3A_53 : i32
    %mul3A_55 = arith.constant 520 : i32
    %mul3A_56 = arith.muli %arg1, %mul3A_55 : i32
    %add3A_57 = arith.addi %mul3A_54, %mul3A_56 : i32
    "tpu.region"() ({
      %run_scoped3A = tpu.sem_alloc : memref<!tpu.dma_semaphore, #tpu.memory_space<semaphore_mem>>
      %dma_start3A = arith.constant 0 : i32
      %dma_start3A_58 = tpu.memref_slice %arg7[%add3A_57, %dma_start3A] : memref<16640x128xf32, #tpu.memory_space<hbm>> -> memref<520x128xf32, #tpu.memory_space<hbm>>
      %dma_start3A_59 = arith.constant 0 : i32
      %dma_start3A_60 = tpu.memref_slice %arg8[%mul3A_52, %dma_start3A_59] : memref<8320x128xf32, #tpu.memory_space<vmem_shared>> -> memref<520x128xf32, #tpu.memory_space<vmem_shared>>
      tpu.enqueue_dma source(%dma_start3A_60 : memref<520x128xf32, #tpu.memory_space<vmem_shared>>) target(%dma_start3A_58 : memref<520x128xf32, #tpu.memory_space<hbm>>) target_semaphore(%run_scoped3A : memref<!tpu.dma_semaphore, #tpu.memory_space<semaphore_mem>>)
      %dma_wait3A = arith.constant 0 : i32
      %dma_wait3A_61 = tpu.memref_slice %arg7[%add3A_57, %dma_wait3A] : memref<16640x128xf32, #tpu.memory_space<hbm>> -> memref<520x128xf32, #tpu.memory_space<hbm>>
      %dma_wait3A_62 = arith.constant 0 : i32
      %dma_wait3A_63 = tpu.memref_slice %arg8[%mul3A_52, %dma_wait3A_62] : memref<8320x128xf32, #tpu.memory_space<vmem_shared>> -> memref<520x128xf32, #tpu.memory_space<vmem_shared>>
      tpu.wait_dma2 semaphore(%run_scoped3A : memref<!tpu.dma_semaphore, #tpu.memory_space<semaphore_mem>>) src(%dma_wait3A_63 : memref<520x128xf32, #tpu.memory_space<vmem_shared>>) dst(%dma_wait3A_61 : memref<520x128xf32, #tpu.memory_space<hbm>>)
      tpu.yield
    }) : () -> ()
    return
  }
}

module attributes {stable_mosaic.version = 14 : i64} {
  func.func @body(%arg0: memref<8192x128xf32, #tpu.memory_space<vmem>>, %arg1: memref<8192x128xf32, #tpu.memory_space<vmem>>, %arg2: memref<8192x64xf32, #tpu.memory_space<vmem>>, %arg3: memref<64x64xf32, #tpu.memory_space<vmem>>, %arg4: memref<1x64xf32, #tpu.memory_space<vmem>>, %arg5: memref<64x64xf32, #tpu.memory_space<vmem>>, %arg6: memref<1x64xf32, #tpu.memory_space<vmem>>, %arg7: memref<64x256xf32, #tpu.memory_space<vmem>>, %arg8: memref<1x64xf32, #tpu.memory_space<vmem>>, %arg9: memref<32x64xf32, #tpu.memory_space<vmem>>, %arg10: memref<1x32xf32, #tpu.memory_space<vmem>>, %arg11: memref<128x32xf32, #tpu.memory_space<vmem>>, %arg12: memref<1x128xf32, #tpu.memory_space<vmem>>, %arg13: memref<4096x128xf32, #tpu.memory_space<vmem>>) attributes {dimension_semantics = [], scalar_prefetch = 0 : i64, scratch_operands = 0 : i64, tpu.core_type = #tpu.core_type<tc>} {
    %get3A = arith.constant 0 : index
    %get3A_0 = arith.constant 0 : index
    %get3A_1 = vector.load %arg0[%get3A, %get3A_0] : memref<8192x128xf32, #tpu.memory_space<vmem>>, vector<8192x128xf32>
    %get3A_2 = arith.constant 0 : index
    %get3A_3 = arith.constant 0 : index
    %get3A_4 = vector.load %arg1[%get3A_2, %get3A_3] : memref<8192x128xf32, #tpu.memory_space<vmem>>, vector<8192x128xf32>
    %add3A = arith.addf %get3A_1, %get3A_4 : vector<8192x128xf32>
    %slice3A = vector.extract_strided_slice %add3A {offsets = [0, 0], sizes = [8192, 64], strides = [1, 1]} : vector<8192x128xf32> to vector<8192x64xf32>
    %slice3A_5 = vector.extract_strided_slice %add3A {offsets = [0, 64], sizes = [8192, 64], strides = [1, 1]} : vector<8192x128xf32> to vector<8192x64xf32>
    %get3A_6 = arith.constant 0 : index
    %get3A_7 = arith.constant 0 : index
    %get3A_8 = vector.load %arg2[%get3A_6, %get3A_7] : memref<8192x64xf32, #tpu.memory_space<vmem>>, vector<8192x64xf32>
    %add3A_9 = arith.addf %slice3A, %get3A_8 : vector<8192x64xf32>
    %get3A_10 = arith.constant 0 : index
    %get3A_11 = arith.constant 0 : index
    %get3A_12 = vector.load %arg3[%get3A_10, %get3A_11] : memref<64x64xf32, #tpu.memory_space<vmem>>, vector<64x64xf32>
    %transpose3A = tpu.transpose %get3A_12, [1, 0] : vector<64x64xf32> -> vector<64x64xf32>
    %dot_general3A = arith.constant dense<0.000000e+00> : vector<8192x64xf32>
    %dot_general3A_13 = tpu.matmul %add3A_9, %transpose3A, %dot_general3A {dimension_numbers = #tpu.dot_dimension_numbers<[1], [0], [0], [1], [0, 0, 1, 1], [], []>, precision = #tpu.contract_precision<fp32>, transpose_lhs_hint = false} : vector<8192x64xf32>, vector<64x64xf32>, vector<8192x64xf32> -> vector<8192x64xf32>
    %get3A_14 = arith.constant 0 : index
    %get3A_15 = arith.constant 0 : index
    %get3A_16 = vector.load %arg4[%get3A_14, %get3A_15] : memref<1x64xf32, #tpu.memory_space<vmem>>, vector<1x64xf32>
    %add3A_17 = vector.broadcast %get3A_16 : vector<1x64xf32> to vector<8192x64xf32>
    %add3A_18 = arith.addf %dot_general3A_13, %add3A_17 : vector<8192x64xf32>
    %get3A_19 = arith.constant 0 : index
    %get3A_20 = arith.constant 0 : index
    %get3A_21 = vector.load %arg5[%get3A_19, %get3A_20] : memref<64x64xf32, #tpu.memory_space<vmem>>, vector<64x64xf32>
    %transpose3A_22 = tpu.transpose %get3A_21, [1, 0] : vector<64x64xf32> -> vector<64x64xf32>
    %dot_general3A_23 = arith.constant dense<0.000000e+00> : vector<8192x64xf32>
    %dot_general3A_24 = tpu.matmul %slice3A_5, %transpose3A_22, %dot_general3A_23 {dimension_numbers = #tpu.dot_dimension_numbers<[1], [0], [0], [1], [0, 0, 1, 1], [], []>, precision = #tpu.contract_precision<fp32>, transpose_lhs_hint = false} : vector<8192x64xf32>, vector<64x64xf32>, vector<8192x64xf32> -> vector<8192x64xf32>
    %get3A_25 = arith.constant 0 : index
    %get3A_26 = arith.constant 0 : index
    %get3A_27 = vector.load %arg6[%get3A_25, %get3A_26] : memref<1x64xf32, #tpu.memory_space<vmem>>, vector<1x64xf32>
    %add3A_28 = vector.broadcast %get3A_27 : vector<1x64xf32> to vector<8192x64xf32>
    %add3A_29 = arith.addf %dot_general3A_24, %add3A_28 : vector<8192x64xf32>
    %add3A_30 = arith.addf %add3A_18, %add3A_29 : vector<8192x64xf32>
    %ge3A = arith.constant 0.000000e+00 : f32
    %ge3A_31 = vector.broadcast %ge3A : f32 to vector<8192x64xf32>
    %ge3A_32 = arith.cmpf oge, %add3A_30, %ge3A_31 : vector<8192x64xf32>
    %mul3A = arith.constant 0.00999999977 : f32
    %mul3A_33 = vector.broadcast %mul3A : f32 to vector<8192x64xf32>
    %mul3A_34 = arith.mulf %mul3A_33, %add3A_30 : vector<8192x64xf32>
    %select_n3A = arith.select %ge3A_32, %add3A_30, %mul3A_34 : vector<8192x64xi1>, vector<8192x64xf32>
    %slice3A_35 = vector.extract_strided_slice %get3A_8 {offsets = [0, 0], sizes = [4096, 64], strides = [1, 1]} : vector<8192x64xf32> to vector<4096x64xf32>
    %slice3A_36 = vector.extract_strided_slice %select_n3A {offsets = [0, 0], sizes = [4096, 64], strides = [1, 1]} : vector<8192x64xf32> to vector<4096x64xf32>
    %slice3A_37 = vector.extract_strided_slice %get3A_8 {offsets = [4096, 0], sizes = [4096, 64], strides = [1, 1]} : vector<8192x64xf32> to vector<4096x64xf32>
    %slice3A_38 = vector.extract_strided_slice %select_n3A {offsets = [4096, 0], sizes = [4096, 64], strides = [1, 1]} : vector<8192x64xf32> to vector<4096x64xf32>
    %concatenate3A = tpu.concatenate %slice3A_35, %slice3A_36, %slice3A_37, %slice3A_38 in 1 : vector<4096x64xf32>, vector<4096x64xf32>, vector<4096x64xf32>, vector<4096x64xf32> -> vector<4096x256xf32>
    %get3A_39 = arith.constant 0 : index
    %get3A_40 = arith.constant 0 : index
    %get3A_41 = vector.load %arg7[%get3A_39, %get3A_40] : memref<64x256xf32, #tpu.memory_space<vmem>>, vector<64x256xf32>
    %transpose3A_42 = tpu.transpose %get3A_41, [1, 0] : vector<64x256xf32> -> vector<256x64xf32>
    %dot_general3A_43 = arith.constant dense<0.000000e+00> : vector<4096x64xf32>
    %dot_general3A_44 = tpu.matmul %concatenate3A, %transpose3A_42, %dot_general3A_43 {dimension_numbers = #tpu.dot_dimension_numbers<[1], [0], [0], [1], [0, 0, 1, 1], [], []>, precision = #tpu.contract_precision<fp32>, transpose_lhs_hint = false} : vector<4096x256xf32>, vector<256x64xf32>, vector<4096x64xf32> -> vector<4096x64xf32>
    %get3A_45 = arith.constant 0 : index
    %get3A_46 = arith.constant 0 : index
    %get3A_47 = vector.load %arg8[%get3A_45, %get3A_46] : memref<1x64xf32, #tpu.memory_space<vmem>>, vector<1x64xf32>
    %add3A_48 = vector.broadcast %get3A_47 : vector<1x64xf32> to vector<4096x64xf32>
    %add3A_49 = arith.addf %dot_general3A_44, %add3A_48 : vector<4096x64xf32>
    %max3A = arith.constant 0.000000e+00 : f32
    %max3A_50 = vector.broadcast %max3A : f32 to vector<4096x64xf32>
    %max3A_51 = arith.maximumf %add3A_49, %max3A_50 : vector<4096x64xf32>
    %get3A_52 = arith.constant 0 : index
    %get3A_53 = arith.constant 0 : index
    %get3A_54 = vector.load %arg9[%get3A_52, %get3A_53] : memref<32x64xf32, #tpu.memory_space<vmem>>, vector<32x64xf32>
    %transpose3A_55 = tpu.transpose %get3A_54, [1, 0] : vector<32x64xf32> -> vector<64x32xf32>
    %dot_general3A_56 = arith.constant dense<0.000000e+00> : vector<4096x32xf32>
    %dot_general3A_57 = tpu.matmul %max3A_51, %transpose3A_55, %dot_general3A_56 {dimension_numbers = #tpu.dot_dimension_numbers<[1], [0], [0], [1], [0, 0, 1, 1], [], []>, precision = #tpu.contract_precision<fp32>, transpose_lhs_hint = false} : vector<4096x64xf32>, vector<64x32xf32>, vector<4096x32xf32> -> vector<4096x32xf32>
    %get3A_58 = arith.constant 0 : index
    %get3A_59 = arith.constant 0 : index
    %get3A_60 = vector.load %arg10[%get3A_58, %get3A_59] : memref<1x32xf32, #tpu.memory_space<vmem>>, vector<1x32xf32>
    %add3A_61 = vector.broadcast %get3A_60 : vector<1x32xf32> to vector<4096x32xf32>
    %add3A_62 = arith.addf %dot_general3A_57, %add3A_61 : vector<4096x32xf32>
    %max3A_63 = arith.constant 0.000000e+00 : f32
    %max3A_64 = vector.broadcast %max3A_63 : f32 to vector<4096x32xf32>
    %max3A_65 = arith.maximumf %add3A_62, %max3A_64 : vector<4096x32xf32>
    %get3A_66 = arith.constant 0 : index
    %get3A_67 = arith.constant 0 : index
    %get3A_68 = vector.load %arg11[%get3A_66, %get3A_67] : memref<128x32xf32, #tpu.memory_space<vmem>>, vector<128x32xf32>
    %transpose3A_69 = tpu.transpose %get3A_68, [1, 0] : vector<128x32xf32> -> vector<32x128xf32>
    %dot_general3A_70 = arith.constant dense<0.000000e+00> : vector<4096x128xf32>
    %dot_general3A_71 = tpu.matmul %max3A_65, %transpose3A_69, %dot_general3A_70 {dimension_numbers = #tpu.dot_dimension_numbers<[1], [0], [0], [1], [0, 0, 1, 1], [], []>, precision = #tpu.contract_precision<fp32>, transpose_lhs_hint = false} : vector<4096x32xf32>, vector<32x128xf32>, vector<4096x128xf32> -> vector<4096x128xf32>
    %get3A_72 = arith.constant 0 : index
    %get3A_73 = arith.constant 0 : index
    %get3A_74 = vector.load %arg12[%get3A_72, %get3A_73] : memref<1x128xf32, #tpu.memory_space<vmem>>, vector<1x128xf32>
    %add3A_75 = vector.broadcast %get3A_74 : vector<1x128xf32> to vector<4096x128xf32>
    %add3A_76 = arith.addf %dot_general3A_71, %add3A_75 : vector<4096x128xf32>
    %swap3A = arith.constant 0 : index
    %swap3A_77 = arith.constant 0 : index
    %swap3A_78 = vector.load %arg13[%swap3A, %swap3A_77] : memref<4096x128xf32, #tpu.memory_space<vmem>>, vector<4096x128xf32>
    tpu.vector_store %arg13[%swap3A, %swap3A_77], %add3A_76 {strides = array<i32>} : memref<4096x128xf32, #tpu.memory_space<vmem>>, vector<4096x128xf32>,
    return
  }
}

</mosaic_0001>

<sc_bundles>
// kernel: kernel.12.cloned.1.call-start
scs
__scs_entry_jumppad:
0x0: {  	(pc) =	sbr.rel $0x88, $3  }
0x1: {  	(tag) =	ssettag $0x0;
	lr =	simm.s32 $0x1  }
0x2: {  	[smem:$0x3F90] =	sst lr;
	_ =	strace $0xD0000000  }
0x3: {  	_ = 	snop  }
0x4: {  	_ = 	snop  }
0x5: {  	_ = 	snop  }
0x6: {  	_ = 	snop  }
0x7: {  	_ = 	snop  }
__scs_overlays_trampoline_lowered:
0x8: {  	[smem:$0x3F9F] =	sst s0  }
0x9: {  	[smem:$0x3FA0] =	sst s1  }
0xa: {  	[smem:$0x3FA1] =	sst s2  }
0xb: {  	[smem:$0x3FA2] =	sst s3  }
0xc: {  	[smem:$0x3FA3] =	sst s4  }
0xd: {  	[smem:$0x3FA4] =	sst s5  }
0xe: {  	[smem:$0x3FA5] =	sst s6  }
0xf: {  	[smem:$0x3FA6] =	sst s7  }
0x10: {  	[smem:$0x3FA7] =	sst s8  }
0x11: {  	[smem:$0x3FA8] =	sst s9;
	s0 =	simm.s32 @!p0 $0x0  }
0x12: {  	s1 =	sld [smem:$0x3F8E];
	s0 =	simm.s32 @p0 $0x1  }
0x13: {  	[smem:$0x3FA9] =	sst s0;
	s0 =	simm.s32 @!p1 $0x0  }
0x14: {  	s2 =	sld [smem:$0x3F8D];
	s0 =	simm.s32 @p1 $0x1  }
0x15: {  	[smem:$0x3FAA] =	sst s0;
	s0 =	simm.s32 @!p2 $0x0  }
0x16: {  	s3 =	sld [smem:$0x3FDB];
	s0 =	simm.s32 @p2 $0x1  }
0x17: {  	s4 =	simm.s32 $0x1BF5;
	[smem:$0x3FAC] =	sst s0  }
0x18: {  	s0 =	sld [smem:$0x3F8F];
	_ =	swait.ge [sflag:s4], $0x0  }
0x19: {  	s7 =	sld [smem:$0x3F90]  }
0x1a: {  	s8 =	sadd.s32 $0xFFFFE003, lr  }
0x1b: {  	s9 =	sadd.s32 $0xFFFFFEF7, lr;
	s5 =	simm.s32 $0xFFFFFFFF;
	p2 =	slt.u32 s8, $0xFFFFF086  }
0x1c: {  	p1 =	slt.u32 s9, $0xF7A;
	s5 =	simm.s32 @!p2 $0x0  }
0x1d: {  	s5 =	simm.s32 @p1 $0x1;
	p0 =	seq.s32 s7, s2  }
0x1e: {  	s7 =	smul.u32 @!p0 $0xF7A, s2;
	p2 =	seq.s32 @!p0 s5, $0x0  }
0x1f: {  	s9 =	smul.u32 $0xF7A, s1;
	s8 =	simm.s32 @!p0 $0x1BF5;
	p2 =	por !p2, p0  }
0x20: {  	[sflag:s8] =	ssyncset.s32 @!p0 $0xFFFFF086;
	s6 =	sadd.s32 @!p0 s3, s7;
	s7 =	simm.s32 @!p0 $0x108  }
0x21: {  	s3 =	sadd.s32 s3, s9;
	s6 =	sadd.s32 @!p0 $0x88, s6;
	s7 =	simm.s32 @p2 $0x1082  }
0x22: {  	[simem:s7], [sflag:s8] =	dma.local @!p0 [hbm:s6], $0xF7A  }
0x23: {  	s9 =	sor.u32 $0xD0000000, s2;
	s6 =	simm.s32 $0x108;
	_ =	swait.ge @!p0 [sflag:s8], $0x0  }
0x24: {  	s3 =	sadd.s32 $0x88, s3;
	s6 =	simm.s32 @!p1 $0x1082;
	[sflag:s4] =	ssyncset.s32 $0xFFFFF086  }
0x25: {  	[simem:s6], [sflag:s4] =	dma.local [hbm:s3], $0xF7A  }
0x26: {  	[smem:$0x3F90] =	sst s1;
	(tag) =	ssettag s2;
	_ =	strace s9  }
0x27: {  	s1 =	sld [smem:$0x3FA0]  }
0x28: {  	s2 =	sld [smem:$0x3FA1]  }
0x29: {  	s4 =	sld [smem:$0x3FA3]  }
0x2a: {  	p0 =	seq.s32 s5, $0x0;
	s5 =	sld [smem:$0x3FA4]  }
0x2b: {  	s6 =	sld [smem:$0x3FA5]  }
0x2c: {  	s7 =	sld [smem:$0x3FA6]  }
0x2d: {  	s3 =	simm.s32 $0x108;
	s8 =	sld [smem:$0x3FA7]  }
0x2e: {  	s3 =	simm.s32 @!p0 $0x1082;
	s9 =	sld [smem:$0x3FA8]  }
0x2f: {  	lr =	sadd.s32 s0, s3;
	s0 =	sld [smem:$0x3F9F]  }
0x30: {  	s3 =	sld [smem:$0x3FA2]  }
0x31: {  	[smem:$0x3FAB] =	sst s10  }
0x32: {  	s10 =	sld [smem:$0x3FA9];
	_ =	sdelay $0x3  }
0x33: {  	p0 =	seq.s32 s10, $0x1;
	s10 =	sld [smem:$0x3FAB];
	_ =	sdelay $0x3  }
0x34: {  	[smem:$0x3FAB] =	sst s10  }
0x35: {  	s10 =	sld [smem:$0x3FAA];
	_ =	sdelay $0x3  }
0x36: {  	p1 =	seq.s32 s10, $0x1;
	s10 =	sld [smem:$0x3FAB];
	_ =	sdelay $0x3  }
0x37: {  	[smem:$0x3FAB] =	sst s10  }
0x38: {  	s10 =	sld [smem:$0x3FAC]  }
0x39: {  	_ = 	snop;
	(pc) =	sbr.ind lr, $3  }
0x3a: {  	_ = 	snop  }
0x3b: {  	_ = 	snop  }
0x3c: {  	p2 =	seq.s32 s10, $0x1;
	s10 =	sld [smem:$0x3FAB]  }
0x3d: {  	_ =	shalt  }
0x3e: {  	_ =	shalt  }
0x3f: {  	_ =	shalt  }
0x40: {  	_ =	shalt  }
0x41: {  	_ =	shalt  }
0x42: {  	_ =	shalt  }
0x43: {  	_ =	shalt  }
0x44: {  	_ =	shalt  }
0x45: {  	_ =	shalt  }
0x46: {  	_ =	shalt  }
0x47: {  	_ =	shalt  }
0x48: {  	_ =	shalt  }
0x49: {  	_ =	shalt  }
0x4a: {  	_ =	shalt  }
0x4b: {  	_ =	shalt  }
0x4c: {  	_ =	shalt  }
0x4d: {  	_ =	shalt  }
0x4e: {  	_ =	shalt  }
0x4f: {  	_ =	shalt  }
0x50: {  	_ =	shalt  }
0x51: {  	_ =	shalt  }
0x52: {  	_ =	shalt  }
0x53: {  	_ =	shalt  }
0x54: {  	_ =	shalt  }
0x55: {  	_ =	shalt  }
0x56: {  	_ =	shalt  }
0x57: {  	_ =	shalt  }
0x58: {  	_ =	shalt  }
0x59: {  	_ =	shalt  }
0x5a: {  	_ =	shalt  }
0x5b: {  	_ =	shalt  }
0x5c: {  	_ =	shalt  }
0x5d: {  	_ =	shalt  }
0x5e: {  	_ =	shalt  }
0x5f: {  	_ =	shalt  }
0x60: {  	_ =	shalt  }
0x61: {  	_ =	shalt  }
0x62: {  	_ =	shalt  }
0x63: {  	_ =	shalt  }
0x64: {  	_ =	shalt  }
0x65: {  	_ =	shalt  }
0x66: {  	_ =	shalt  }
0x67: {  	_ =	shalt  }
0x68: {  	_ =	shalt  }
0x69: {  	_ =	shalt  }
0x6a: {  	_ =	shalt  }
0x6b: {  	_ =	shalt  }
0x6c: {  	_ =	shalt  }
0x6d: {  	_ =	shalt  }
0x6e: {  	_ =	shalt  }
0x6f: {  	_ =	shalt  }
0x70: {  	_ =	shalt  }
0x71: {  	_ =	shalt  }
0x72: {  	_ =	shalt  }
0x73: {  	_ =	shalt  }
0x74: {  	_ =	shalt  }
0x75: {  	_ =	shalt  }
0x76: {  	_ =	shalt  }
0x77: {  	_ =	shalt  }
0x78: {  	_ =	shalt  }
0x79: {  	_ =	shalt  }
0x7a: {  	_ =	shalt  }
0x7b: {  	_ =	shalt  }
0x7c: {  	_ =	shalt  }
0x7d: {  	_ =	shalt  }
0x7e: {  	_ =	shalt  }
0x7f: {  	_ =	shalt  }
0x80: {  	_ =	shalt  }
0x81: {  	_ =	shalt  }
0x82: {  	_ =	shalt  }
0x83: {  	_ =	shalt  }
0x84: {  	_ =	shalt  }
0x85: {  	_ =	shalt  }
0x86: {  	_ =	shalt  }
0x87: {  	_ =	shalt  }
.Lfunc_end0:
.L_simem_size_0:
called_computation.2_lowered:
.L_overlay_start_0:
0x88: {  	s2 =	sld [smem:$0x3FD9]  }
0x89: {  	s3 =	sld [smem:$0x3FFE];
	_ =	sdelay $0x1  }
0x8a: {  	s1 =	srdreg.scid  }
0x8b: {  	s0 =	sand.u32 $0x1, s1  }
0x8c: {  	s16 =	sshll.u32 s0, $0xA;
	s2 =	sadd.s32 s3, s2  }
0x8d: {  	s2 =	sadd.s32 s2, s16  }
0x8e: {  	[smem:$0x3FB7] =	sst s2  }
0x8f: {  	_ = 	snop  }
0x90: {  	(tm) =	ssettm $0x1  }
0x91: {  	s17 =	sld [smem:$0x3FFB];
	_ =	sdelay $0x3  }
0x92: {  	_ =	strace s17  }
0x93: {  	s2 =	sld [smem:$0x3FFC];
	_ =	sdelay $0x3  }
0x94: {  	_ =	strace s2  }
0x95: {  	s2 =	sld [smem:$0x3FFD];
	_ =	sdelay $0x3  }
0x96: {  	_ =	strace s2  }
0x97: {  	_ =	strace $0x8FFFFFFF  }
0x98: {  	s18 =	sld [smem:$0x3FDB];
	_ =	sdelay $0x1  }
0x99: {  	s19 =	simm.s32 $_scs_section_size  }
0x9a: {  	s4 =	simm.s32 $_size__tile_overlayer_lowered;
	s5 =	simm.s32 $_tile_overlayer_lowered  }
0x9b: {  	s22 =	simm.s32 $0x1BFF;
	s21 =	sshll.u32 s5, $0x1;
	s2 =	sadd.s32 s19, s18  }
0x9c: {  	s6 =	simm.s32 $0x0;
	s20 =	sshll.u32 s4, $0x1;
	s4 =	sadd.s32 s21, s2  }
0x9d: {  	[timem:s6], [sflag:s22] =	dma.local [hbm:s4], s20  }
0x9e: {  	_ =	swait.ge [sflag:s22], s20  }
0x9f: {  	s3 =	ssub.s32 $0x0, s20;
	[sflag:s22] =	ssyncset.done $0x0  }
0xa0: {  	[sflag:s22] =	ssyncadd.s32 s3;
	_ =	sdelay $0x1  }
0xa1: {  	s23 =	simm.s32 $0x1B8B  }
0xa2: {  	_ =	swait.ge [sflag:s23], $0x1  }
0xa3: {  	[sflag:s23] =	ssyncset.done $0x0  }
0xa4: {  	s25 =	simm.s32 $0x1B8E;
	s24 =	sld [smem:$0x3FFE];
	[sflag:s23] =	ssyncadd.s32 $0xFFFFFFFF  }
0xa5: {  	s26 =	simm.s32 $execute0_lowered;
	[smem:$0x3FD2] =	sst s25  }
0xa6: {  	s4 =	sshll.u32 s26, $0x1;
	_ =	strace $0x8000004C;
	[dreg:$0x1] =	wrdreg $0xFFFFFFFF  }
0xa7: {  	s28 =	simm.s32 $_size_execute0_lowered;
	s2 =	sadd.s32 s2, s4;
	[dreg:$0x0] =	wrdreg $0x0  }
0xa8: {  	s4 =	sshll.u32 s28, $0x1;
	[dreg:$0x2] =	wrdreg s2  }
0xa9: {  	[dreg:$0x3] =	wrdreg s4  }
0xaa: {  	[dreg:$0x4] =	wrdreg $0xC0  }
0xab: {  	_ =	task [dreg:s6], $0x5FFFF  }
0xac: {  	[dreg:$0x1] =	wrdreg $0xFFFFFFFF  }
0xad: {  	[dreg:$0x0] =	wrdreg $0x60  }
0xae: {  	[dreg:$0x2] =	wrdreg s24  }
0xaf: {  	[dreg:$0x3] =	wrdreg $0x9  }
0xb0: {  	_ =	task.clear_ibuf [dreg:s6], $0x4FFFF;
	_ =	strace $0x9000004C  }
0xb1: {  	s29 =	simm.s32 $0x9;
	_ =	strace $0x8000004E  }
0xb2: {  	_ =	swait.ge [sflag:s29], $0x1  }
0xb3: {  	[sflag:s29] =	ssyncadd.s32 $0xFFFFFFFF  }
0xb4: {  	_ =	strace $0x9000004E  }
0xb5: {  	_ =	sfence  }
0xb6: {  	s30 =	sld [smem:$0x0];
	_ =	sdelay $0x2  }
0xb7: {  	s31 =	sshll.u32 s1, $0xD;
	s1 =	sshrl.u32 s1, $0x2  }
0xb8: {  	s3 =	sand.u32 $0x4000, s31;
	s1 =	sadd.s32 s1, s30  }
0xb9: {  	s0 =	sor.u32 s3, s0;
	s1 =	sshll.u32 s1, $0x11  }
0xba: {  	s0 =	sor.u32 s1, s0  }
0xbb: {  	s0 =	sadd.s32 $0x8F2B, s0  }
0xbc: {  	[sflag:s0] =	ssyncadd.remote.s32 $0x1  }
0xbd: {  	_ =	sfence.sel $0xFFFF  }
0xbe: {  	[dreg:$0x0] =	wrdreg $0xFFFFFFFF;
	(pc) =	sbr.abs _section_cstart, $3  }
0xbf: {  	[dreg:$0x1] =	wrdreg $0xFFFFFFFF  }
0xc0: {  	_ =	task.clear_ibuf [dreg:s6], $0x2FFFF;
	_ =	strace $0x9FFFFFFF  }
0xc1: {  	(tm) =	ssettm $0x7FFFFFFF  }
tec
execute0_lowered:
.L_overlay_start_1:
0x0: {  	(tag) =	ssettag $0x1  }
0x1: {  	s0 =	srdreg.scid  }
0x2: {  	s15 =	sand.u32 $0x1, s0  }
0x3: {  	s0 =	stileid.u32;
	s1 =	sshll.u32 s15, $0x4  }
0x4: {  	s14 =	rddreg [dreg:$0x0];
	s2 =	simm.s32 $0x0;
	s17 =	sor.u32 s0, s1  }
0x5: {  	[smem:$0x7FF] =	sst s2;
	s3 =	sshll.u32 s17, $0x5  }
0x6: {  	s1 =	rddreg [dreg:$0x1];
	s3 =	sadd.s32 s3, s14  }
0x7: {  	_ =	strace $0x8000004D;
	s6 =	sadd.s32 $0x2E00, s3;
	s3 =	simm.s32 $0x2  }
0x8: {  	[tilespmem:s2], [sflag:$0x2] =	stream.linear.gather [hbm4b:s6+s2], $0x100, $0x38;
	[tilespmem:$0x14300] =	vst v63  }
0x9: {  	_ =	swait.ge [sflag:s3], $0x100  }
0xa: {  	s4 =	simm.s32 $0x80;
	s10 =	simm.s32 $0x100;
	[sflag:s3] =	ssyncset.done $0x0  }
0xb: {  	s5 =	simm.s32 $0x1;
	s7 =	sadd.s32 $0x3200, s14;
	[sflag:s3] =	ssyncadd.s32 $0xFFFFFF00  }
0xc: {  	[tilespmem:s10], [sflag:$0x1] =	stream.indirect.gather [hbm4b:s7+s4], $0x1, s2, s4, $0xb8;
	[tilespmem:$0x14300] =	vst v63  }
0xd: {  	_ =	swait.ge [sflag:s5], $0x80  }
0xe: {  	[sflag:s5] =	ssyncset.done $0x0  }
0xf: {  	[sflag:s5] =	ssyncadd.s32 $0xFFFFFF80  }
0x10: {  	v0 =	vld [tilespmem:$0x100]  }
0x11: {  	v1 =	vld [tilespmem:$0x160]  }
0x12: {  	v2 =	vld [tilespmem:$0x110]  }
0x13: {  	v3 =	vld [tilespmem:$0x130]  }
0x14: {  	v5 =	vld [tilespmem:$0x120]  }
0x15: {  	v4 =	vld [tilespmem:$0x150];
	v0 =	vadd.s32 $0x2080, v0  }
0x16: {  	v1 =	vadd.s32 $0x2080, v1;
	[tilespmem:$0x200] =	vst v0;
	v0 =	vld [tilespmem:$0x140]  }
0x17: {  	v2 =	vadd.s32 $0x2080, v2;
	[tilespmem:$0x260] =	vst v1;
	v1 =	vld [tilespmem:$0x170]  }
0x18: {  	[tilespmem:$0x210] =	vst v2;
	v2 =	vadd.s32 $0x2080, v3  }
0x19: {  	v3 =	vadd.s32 $0x2080, v5;
	[tilespmem:$0x230] =	vst v2  }
0x1a: {  	v2 =	vadd.s32 $0x2080, v4;
	[tilespmem:$0x220] =	vst v3  }
0x1b: {  	[tilespmem:$0x250] =	vst v2;
	v0 =	vadd.s32 $0x2080, v0  }
0x1c: {  	[tilespmem:$0x240] =	vst v0;
	v0 =	vadd.s32 $0x2080, v1  }
0x1d: {  	s8 =	simm.s32 $0x300;
	s12 =	sadd.s32 $0x75400, s14;
	[tilespmem:$0x270] =	vst v0  }
0x1e: {  	[tilespmem:s8], [sflag:$0x1] =	stream.indirect.gather [hbm4b:s12+s4], $0x80, s10, s4, $0xb8;
	[tilespmem:$0x14300] =	vst v63  }
0x1f: {  	_ =	swait.ge [sflag:s5], $0x4000  }
0x20: {  	[sflag:s5] =	ssyncset.done $0x0  }
0x21: {  	s18 =	simm.s32 $0x200;
	s9 =	simm.s32 $0x8300;
	[sflag:s5] =	ssyncadd.s32 $0xFFFFC000  }
0x22: {  	[tilespmem:s9], [sflag:$0x1] =	stream.indirect.gather [hbm4b:s12+s4], $0x80, s18, s4, $0xb8;
	[tilespmem:$0x14300] =	vst v63  }
0x23: {  	_ =	swait.ge [sflag:s5], $0x4000  }
0x24: {  	[sflag:s5] =	ssyncset.done $0x0  }
0x25: {  	s11 =	simm.s32 $0x10300;
	s13 =	sadd.s32 $0x229200, s14;
	[sflag:s5] =	ssyncadd.s32 $0xFFFFC000  }
0x26: {  	[tilespmem:s11], [sflag:$0x1] =	stream.indirect.gather [hbm4b:s13+s4], $0x40, s2, s4, $0xb8;
	[tilespmem:$0x14300] =	vst v63  }
0x27: {  	s15 =	ssub.s32 $0x2, s15;
	_ =	swait.ge [sflag:s5], $0x2000  }
0x28: {  	s20 =	sshrl.u32 s15, $0x1;
	[sflag:s5] =	ssyncset.done $0x0  }
0x29: {  	s16 =	simm.s32 $0x180;
	s20 =	ssub.s32 s15, s20;
	[sflag:s5] =	ssyncadd.s32 $0xFFFFE000  }
0x2a: {  	[tilespmem:s16], [sflag:$0x1] =	stream.indirect.gather [hbm4b:s7+s4], $0x1, s4, s4, $0xb8;
	[tilespmem:$0x14300] =	vst v63  }
0x2b: {  	s23 =	smax.u32 s20, $0x1;
	_ =	swait.ge [sflag:s5], $0x80  }
0x2c: {  	p0 =	sne.s32 s23, $0x1;
	[sflag:s5] =	ssyncset.done $0x0  }
.Ltmp0:
0x2d: {  	[sflag:s5] =	ssyncadd.s32 $0xFFFFFF80;
	(pc) =	sbr.rel @!p0 .LBB2_2-.Ltmp0, $4  }
0x2e: {  	s21 =	simm.s32 $0x4300;
	s19 =	sshll.u32 s17, $0xC;
	s17 =	sshll.u32 s17, $0xB;
	v0 =	vld [tilespmem:$0x1F0]  }
0x2f: {  	s22 =	simm.s32 $0xC300;
	s19 =	sadd.s32 s19, s14;
	s14 =	sadd.s32 s17, s14;
	v2 =	vld [tilespmem:$0x1E0]  }
0x30: {  	s20 =	simm.s32 $0x12300;
	s17 =	sadd.s32 $0x16400, s19;
	s15 =	sadd.s32 $0x36400, s19;
	v1 =	vld [tilespmem:$0x1D0]  }
0x31: {  	s14 =	sadd.s32 $0x6400, s14;
	s19 =	simm.s32 $0x280;
	s23 =	sadd.s32 $0xFFFFFFFF, s23;
	v3 =	vld [tilespmem:$0x1B0]  }
.LBB2_1:
0x32: {  	p0 =	sne.s32 s23, $0x1;
	s23 =	sadd.s32 $0xFFFFFFFF, s23;
	v4 =	vld [tilespmem:$0x180]  }
0x33: {  	v5 =	vld [tilespmem:$0x1A0];
	v0 =	vadd.s32 $0x2080, v0  }
0x34: {  	v6 =	vld [tilespmem:$0x1C0];
	v2 =	vadd.s32 $0x2080, v2;
	[tilespmem:$0x2F0] =	vst v0  }
0x35: {  	v0 =	vld [tilespmem:$0x190];
	v1 =	vadd.s32 $0x2080, v1;
	[tilespmem:$0x2E0] =	vst v2  }
0x36: {  	v2 =	vadd.s32 $0x2080, v3;
	[tilespmem:$0x2D0] =	vst v1  }
0x37: {  	v1 =	vadd.s32 $0x2080, v4;
	[tilespmem:$0x2B0] =	vst v2  }
0x38: {  	[tilespmem:$0x280] =	vst v1;
	v1 =	vadd.s32 $0x2080, v5  }
0x39: {  	v2 =	vadd.s32 $0x2080, v6  }
0x3a: {  	v0 =	vadd.s32 $0x2080, v0;
	[tilespmem:$0x2A0] =	vst v1  }
0x3b: {  	[tilespmem:$0x2C0] =	vst v2  }
0x3c: {  	[tilespmem:$0x290] =	vst v0  }
0x3d: {  	[tilespmem:s21], [sflag:$0x1] =	stream.indirect.gather [hbm4b:s12+s4], $0x80, s16, s4, $0xb8;
	[tilespmem:$0x14300] =	vst v63  }
0x3e: {  	_ =	swait.ge [sflag:s5], $0x4000  }
0x3f: {  	[sflag:s5] =	ssyncset.done $0x0  }
0x40: {  	[sflag:s5] =	ssyncadd.s32 $0xFFFFC000  }
0x41: {  	[tilespmem:s22], [sflag:$0x1] =	stream.indirect.gather [hbm4b:s12+s4], $0x80, s19, s4, $0xb8;
	[tilespmem:$0x14300] =	vst v63  }
0x42: {  	_ =	swait.ge [sflag:s5], $0x4000  }
0x43: {  	[sflag:s5] =	ssyncset.done $0x0  }
0x44: {  	[sflag:s5] =	ssyncadd.s32 $0xFFFFC000  }
0x45: {  	[tilespmem:s20], [sflag:$0x1] =	stream.indirect.gather [hbm4b:s13+s4], $0x40, s4, s4, $0xb8;
	[tilespmem:$0x14300] =	vst v63  }
0x46: {  	_ =	swait.ge [sflag:s5], $0x2000  }
0x47: {  	[sflag:s5] =	ssyncset.done $0x0  }
0x48: {  	[sflag:s5] =	ssyncadd.s32 $0xFFFFE000  }
0x49: {  	[hbm4b:s17+s2] =	stream.linear.scatter [tilespmem:s8], [sflag:$0x2], $0x8000, $0x38;
	[tilespmem:$0x14300] =	vst v63  }
0x4a: {  	_ =	swait.ge [sflag:s3], $0x8000  }
0x4b: {  	[sflag:s3] =	ssyncset.done $0x0  }
0x4c: {  	[sflag:s3] =	ssyncadd.s32 $0xFFFF8000  }
0x4d: {  	[hbm4b:s15+s2] =	stream.linear.scatter [tilespmem:s9], [sflag:$0x2], $0x8000, $0x38;
	[tilespmem:$0x14300] =	vst v63  }
0x4e: {  	_ =	swait.ge [sflag:s3], $0x8000  }
0x4f: {  	[sflag:s3] =	ssyncset.done $0x0  }
0x50: {  	[sflag:s3] =	ssyncadd.s32 $0xFFFF8000  }
0x51: {  	[hbm4b:s14+s2] =	stream.linear.scatter [tilespmem:s11], [sflag:$0x2], $0x4000, $0x38;
	[tilespmem:$0x14300] =	vst v63  }
0x52: {  	_ =	swait.ge [sflag:s3], $0x4000  }
0x53: {  	[sflag:s3] =	ssyncset.done $0x0  }
0x54: {  	[sflag:s3] =	ssyncadd.s32 $0xFFFFC000  }
0x55: {  	[tilespmem:s2], [sflag:$0x2] =	stream.linear.gather [hbm4b:s6+s2], $0x100, $0x38;
	[tilespmem:$0x14300] =	vst v63  }
0x56: {  	_ =	swait.ge [sflag:s3], $0x100  }
0x57: {  	[sflag:s3] =	ssyncset.done $0x0  }
0x58: {  	[sflag:s3] =	ssyncadd.s32 $0xFFFFFF00  }
0x59: {  	[tilespmem:s10], [sflag:$0x1] =	stream.indirect.gather [hbm4b:s7+s4], $0x1, s2, s4, $0xb8;
	[tilespmem:$0x14300] =	vst v63  }
0x5a: {  	_ =	swait.ge [sflag:s5], $0x80  }
0x5b: {  	[sflag:s5] =	ssyncset.done $0x0  }
0x5c: {  	[sflag:s5] =	ssyncadd.s32 $0xFFFFFF80  }
0x5d: {  	v0 =	vld [tilespmem:$0x100]  }
0x5e: {  	v1 =	vld [tilespmem:$0x160]  }
0x5f: {  	v2 =	vld [tilespmem:$0x110]  }
0x60: {  	v3 =	vld [tilespmem:$0x130]  }
0x61: {  	v4 =	vld [tilespmem:$0x150]  }
0x62: {  	v0 =	vadd.s32 $0x2080, v0;
	v5 =	vld [tilespmem:$0x120]  }
0x63: {  	[tilespmem:$0x200] =	vst v0;
	v0 =	vld [tilespmem:$0x140];
	v1 =	vadd.s32 $0x2080, v1  }
0x64: {  	v2 =	vadd.s32 $0x2080, v2;
	[tilespmem:$0x260] =	vst v1;
	v1 =	vld [tilespmem:$0x170]  }
0x65: {  	[tilespmem:$0x210] =	vst v2;
	v2 =	vadd.s32 $0x2080, v3  }
0x66: {  	[tilespmem:$0x230] =	vst v2;
	v2 =	vadd.s32 $0x2080, v4  }
0x67: {  	v3 =	vadd.s32 $0x2080, v5;
	[tilespmem:$0x250] =	vst v2  }
0x68: {  	[tilespmem:$0x220] =	vst v3;
	v0 =	vadd.s32 $0x2080, v0  }
0x69: {  	[tilespmem:$0x240] =	vst v0;
	v0 =	vadd.s32 $0x2080, v1  }
0x6a: {  	[tilespmem:$0x270] =	vst v0  }
0x6b: {  	[tilespmem:s8], [sflag:$0x1] =	stream.indirect.gather [hbm4b:s12+s4], $0x80, s10, s4, $0xb8;
	[tilespmem:$0x14300] =	vst v63  }
0x6c: {  	_ =	swait.ge [sflag:s5], $0x4000  }
0x6d: {  	[sflag:s5] =	ssyncset.done $0x0  }
0x6e: {  	[sflag:s5] =	ssyncadd.s32 $0xFFFFC000  }
0x6f: {  	[tilespmem:s9], [sflag:$0x1] =	stream.indirect.gather [hbm4b:s12+s4], $0x80, s18, s4, $0xb8;
	[tilespmem:$0x14300] =	vst v63  }
0x70: {  	_ =	swait.ge [sflag:s5], $0x4000  }
0x71: {  	[sflag:s5] =	ssyncset.done $0x0  }
0x72: {  	[sflag:s5] =	ssyncadd.s32 $0xFFFFC000  }
0x73: {  	[tilespmem:s11], [sflag:$0x1] =	stream.indirect.gather [hbm4b:s13+s4], $0x40, s2, s4, $0xb8;
	[tilespmem:$0x14300] =	vst v63  }
0x74: {  	_ =	swait.ge [sflag:s5], $0x2000  }
0x75: {  	[sflag:s5] =	ssyncset.done $0x0  }
0x76: {  	[sflag:s5] =	ssyncadd.s32 $0xFFFFE000  }
0x77: {  	[tilespmem:s16], [sflag:$0x1] =	stream.indirect.gather [hbm4b:s7+s4], $0x1, s4, s4, $0xb8;
	[tilespmem:$0x14300] =	vst v63  }
0x78: {  	_ =	swait.ge [sflag:s5], $0x80  }
0x79: {  	[sflag:s5] =	ssyncset.done $0x0  }
.Ltmp1:
0x7a: {  	[sflag:s5] =	ssyncadd.s32 $0xFFFFFF80;
	(pc) =	sbr.rel @p0 .LBB2_1-.Ltmp1, $4  }
0x7b: {  	v0 =	vld [tilespmem:$0x1F0]  }
0x7c: {  	v2 =	vld [tilespmem:$0x1E0]  }
0x7d: {  	v1 =	vld [tilespmem:$0x1D0]  }
0x7e: {  	v3 =	vld [tilespmem:$0x1B0]  }
.LBB2_2:
0x7f: {  	v4 =	vld [tilespmem:$0x180]  }
0x80: {  	v5 =	vld [tilespmem:$0x1A0];
	v0 =	vadd.s32 $0x2080, v0  }
0x81: {  	v6 =	vld [tilespmem:$0x1C0];
	v2 =	vadd.s32 $0x2080, v2;
	[tilespmem:$0x2F0] =	vst v0  }
0x82: {  	v59 =	vld [tilespmem:$0x190];
	v1 =	vadd.s32 $0x2080, v1;
	[tilespmem:$0x2E0] =	vst v2  }
0x83: {  	v60 =	vadd.s32 $0x2080, v3;
	[tilespmem:$0x2D0] =	vst v1  }
0x84: {  	v61 =	vadd.s32 $0x2080, v4;
	[tilespmem:$0x2B0] =	vst v60  }
0x85: {  	v62 =	vadd.s32 $0x2080, v5;
	[tilespmem:$0x280] =	vst v61  }
0x86: {  	v63 =	vadd.s32 $0x2080, v6;
	[tilespmem:$0x2A0] =	vst v62  }
0x87: {  	v0 =	vadd.s32 $0x2080, v59;
	[tilespmem:$0x2C0] =	vst v63  }
0x88: {  	[tilespmem:$0x290] =	vst v0  }
0x89: {  	[tilespmem:s21], [sflag:$0x1] =	stream.indirect.gather [hbm4b:s12+s4], $0x80, s16, s4, $0xb8;
	[tilespmem:$0x14300] =	vst v63  }
0x8a: {  	_ =	swait.ge [sflag:s5], $0x4000  }
0x8b: {  	[sflag:s5] =	ssyncset.done $0x0  }
0x8c: {  	[sflag:s5] =	ssyncadd.s32 $0xFFFFC000  }
0x8d: {  	[tilespmem:s22], [sflag:$0x1] =	stream.indirect.gather [hbm4b:s12+s4], $0x80, s19, s4, $0xb8;
	[tilespmem:$0x14300] =	vst v63  }
0x8e: {  	_ =	swait.ge [sflag:s5], $0x4000  }
0x8f: {  	[sflag:s5] =	ssyncset.done $0x0  }
0x90: {  	[sflag:s5] =	ssyncadd.s32 $0xFFFFC000  }
0x91: {  	[tilespmem:s20], [sflag:$0x1] =	stream.indirect.gather [hbm4b:s13+s4], $0x40, s4, s4, $0xb8;
	[tilespmem:$0x14300] =	vst v63  }
0x92: {  	_ =	swait.ge [sflag:s5], $0x2000  }
0x93: {  	[sflag:s5] =	ssyncset.done $0x0  }
0x94: {  	[sflag:s5] =	ssyncadd.s32 $0xFFFFE000  }
0x95: {  	[hbm4b:s17+s2] =	stream.linear.scatter [tilespmem:s8], [sflag:$0x2], $0x8000, $0x38;
	[tilespmem:$0x14300] =	vst v63  }
0x96: {  	_ =	swait.ge [sflag:s3], $0x8000  }
0x97: {  	[sflag:s3] =	ssyncset.done $0x0  }
0x98: {  	[sflag:s3] =	ssyncadd.s32 $0xFFFF8000  }
0x99: {  	[hbm4b:s15+s2] =	stream.linear.scatter [tilespmem:s9], [sflag:$0x2], $0x8000, $0x38;
	[tilespmem:$0x14300] =	vst v63  }
0x9a: {  	_ =	swait.ge [sflag:s3], $0x8000  }
0x9b: {  	[sflag:s3] =	ssyncset.done $0x0  }
0x9c: {  	[sflag:s3] =	ssyncadd.s32 $0xFFFF8000  }
0x9d: {  	[hbm4b:s14+s2] =	stream.linear.scatter [tilespmem:s11], [sflag:$0x2], $0x4000, $0x38;
	[tilespmem:$0x14300] =	vst v63  }
0x9e: {  	_ =	swait.ge [sflag:s3], $0x4000  }
0x9f: {  	[sflag:s3] =	ssyncset.done $0x0  }
0xa0: {  	[sflag:s3] =	ssyncadd.s32 $0xFFFFC000  }
0xa1: {  	_ =	sfence.sel $0x180000  }
0xa2: {  	[bflag:$0x0] =	sbarrier.arrive $0xFFFF  }
0xa3: {  	p0 =	sne.s32 s0, $0x0;
	_ =	strace $0x9000004D  }
0xa4: {  	s0 =	sadd.s32 @!p0 $0x100000, s1;
	[bflag:$0x2] =	sbarrier.arrive $0xFFFF  }
0xa5: {  	[sflag:s0] =	ssyncadd.tile.s32 @!p0 $0x1;
	_ =	shalt  }
.Lfunc_end2:
_tile_overlayer_lowered:
.L_overlay_start_2:
0xa6: {  	(tag) =	ssettag $0x2  }
0xa7: {  	s0 =	rddreg [dreg:$0x0];
	s2 =	stileid.u32  }
0xa8: {  	s1 =	rddreg [dreg:$0x1];
	p0 =	sne.s32 s2, $0x0  }
0xa9: {  	s3 =	rddreg [dreg:$0x2];
	[bflag:$0x3] =	sbarrier.arrive $0xFFFF;
	s2 =	simm.s32 @!p0 $0x1C02  }
0xaa: {  	[timem:s3], [sflag:s2] =	dma.local @!p0 [hbm:s0], s1  }
0xab: {  	s0 =	simm.s32 @!p0 $0x2  }
0xac: {  	_ =	swait.ge @!p0 [sflag:s0], s1  }
0xad: {  	s1 =	ssub.s32 @!p0 $0x0, s1;
	[sflag:s0] =	ssyncset.done @!p0 $0x0  }
0xae: {  	[sflag:s0] =	ssyncadd.s32 @!p0 s1  }
0xaf: {  	[bflag:$0x3] =	sbarrier.arrive $0xFFFF  }
0xb0: {  	_ =	shalt  }

// kernel: kernel.6.cloned.1.call-start
scs
__scs_entry_jumppad:
0x0: {  	(pc) =	sbr.rel $0x88, $3  }
0x1: {  	(tag) =	ssettag $0x0;
	lr =	simm.s32 $0x1  }
0x2: {  	[smem:$0x3F90] =	sst lr;
	_ =	strace $0xD0000000  }
0x3: {  	_ = 	snop  }
0x4: {  	_ = 	snop  }
0x5: {  	_ = 	snop  }
0x6: {  	_ = 	snop  }
0x7: {  	_ = 	snop  }
__scs_overlays_trampoline_lowered:
0x8: {  	[smem:$0x3F9F] =	sst s0  }
0x9: {  	[smem:$0x3FA0] =	sst s1  }
0xa: {  	[smem:$0x3FA1] =	sst s2  }
0xb: {  	[smem:$0x3FA2] =	sst s3  }
0xc: {  	[smem:$0x3FA3] =	sst s4  }
0xd: {  	[smem:$0x3FA4] =	sst s5  }
0xe: {  	[smem:$0x3FA5] =	sst s6  }
0xf: {  	[smem:$0x3FA6] =	sst s7  }
0x10: {  	[smem:$0x3FA7] =	sst s8  }
0x11: {  	[smem:$0x3FA8] =	sst s9;
	s0 =	simm.s32 @!p0 $0x0  }
0x12: {  	s1 =	sld [smem:$0x3F8E];
	s0 =	simm.s32 @p0 $0x1  }
0x13: {  	[smem:$0x3FA9] =	sst s0;
	s0 =	simm.s32 @!p1 $0x0  }
0x14: {  	s2 =	sld [smem:$0x3F8D];
	s0 =	simm.s32 @p1 $0x1  }
0x15: {  	[smem:$0x3FAA] =	sst s0;
	s0 =	simm.s32 @!p2 $0x0  }
0x16: {  	s3 =	sld [smem:$0x3FDB];
	s0 =	simm.s32 @p2 $0x1  }
0x17: {  	s4 =	simm.s32 $0x1BF5;
	[smem:$0x3FAC] =	sst s0  }
0x18: {  	s0 =	sld [smem:$0x3F8F];
	_ =	swait.ge [sflag:s4], $0x0  }
0x19: {  	s7 =	sld [smem:$0x3F90]  }
0x1a: {  	s8 =	sadd.s32 $0xFFFFE003, lr  }
0x1b: {  	s9 =	sadd.s32 $0xFFFFFEF7, lr;
	s5 =	simm.s32 $0xFFFFFFFF;
	p2 =	slt.u32 s8, $0xFFFFF086  }
0x1c: {  	p1 =	slt.u32 s9, $0xF7A;
	s5 =	simm.s32 @!p2 $0x0  }
0x1d: {  	s5 =	simm.s32 @p1 $0x1;
	p0 =	seq.s32 s7, s2  }
0x1e: {  	s7 =	smul.u32 @!p0 $0xF7A, s2;
	p2 =	seq.s32 @!p0 s5, $0x0  }
0x1f: {  	s9 =	smul.u32 $0xF7A, s1;
	s8 =	simm.s32 @!p0 $0x1BF5;
	p2 =	por !p2, p0  }
0x20: {  	[sflag:s8] =	ssyncset.s32 @!p0 $0xFFFFF086;
	s6 =	sadd.s32 @!p0 s3, s7;
	s7 =	simm.s32 @!p0 $0x108  }
0x21: {  	s3 =	sadd.s32 s3, s9;
	s6 =	sadd.s32 @!p0 $0x88, s6;
	s7 =	simm.s32 @p2 $0x1082  }
0x22: {  	[simem:s7], [sflag:s8] =	dma.local @!p0 [hbm:s6], $0xF7A  }
0x23: {  	s9 =	sor.u32 $0xD0000000, s2;
	s6 =	simm.s32 $0x108;
	_ =	swait.ge @!p0 [sflag:s8], $0x0  }
0x24: {  	s3 =	sadd.s32 $0x88, s3;
	s6 =	simm.s32 @!p1 $0x1082;
	[sflag:s4] =	ssyncset.s32 $0xFFFFF086  }
0x25: {  	[simem:s6], [sflag:s4] =	dma.local [hbm:s3], $0xF7A  }
0x26: {  	[smem:$0x3F90] =	sst s1;
	(tag) =	ssettag s2;
	_ =	strace s9  }
0x27: {  	s1 =	sld [smem:$0x3FA0]  }
0x28: {  	s2 =	sld [smem:$0x3FA1]  }
0x29: {  	s4 =	sld [smem:$0x3FA3]  }
0x2a: {  	p0 =	seq.s32 s5, $0x0;
	s5 =	sld [smem:$0x3FA4]  }
0x2b: {  	s6 =	sld [smem:$0x3FA5]  }
0x2c: {  	s7 =	sld [smem:$0x3FA6]  }
0x2d: {  	s3 =	simm.s32 $0x108;
	s8 =	sld [smem:$0x3FA7]  }
0x2e: {  	s3 =	simm.s32 @!p0 $0x1082;
	s9 =	sld [smem:$0x3FA8]  }
0x2f: {  	lr =	sadd.s32 s0, s3;
	s0 =	sld [smem:$0x3F9F]  }
0x30: {  	s3 =	sld [smem:$0x3FA2]  }
0x31: {  	[smem:$0x3FAB] =	sst s10  }
0x32: {  	s10 =	sld [smem:$0x3FA9];
	_ =	sdelay $0x3  }
0x33: {  	p0 =	seq.s32 s10, $0x1;
	s10 =	sld [smem:$0x3FAB];
	_ =	sdelay $0x3  }
0x34: {  	[smem:$0x3FAB] =	sst s10  }
0x35: {  	s10 =	sld [smem:$0x3FAA];
	_ =	sdelay $0x3  }
0x36: {  	p1 =	seq.s32 s10, $0x1;
	s10 =	sld [smem:$0x3FAB];
	_ =	sdelay $0x3  }
0x37: {  	[smem:$0x3FAB] =	sst s10  }
0x38: {  	s10 =	sld [smem:$0x3FAC]  }
0x39: {  	_ = 	snop;
	(pc) =	sbr.ind lr, $3  }
0x3a: {  	_ = 	snop  }
0x3b: {  	_ = 	snop  }
0x3c: {  	p2 =	seq.s32 s10, $0x1;
	s10 =	sld [smem:$0x3FAB]  }
0x3d: {  	_ =	shalt  }
0x3e: {  	_ =	shalt  }
0x3f: {  	_ =	shalt  }
0x40: {  	_ =	shalt  }
0x41: {  	_ =	shalt  }
0x42: {  	_ =	shalt  }
0x43: {  	_ =	shalt  }
0x44: {  	_ =	shalt  }
0x45: {  	_ =	shalt  }
0x46: {  	_ =	shalt  }
0x47: {  	_ =	shalt  }
0x48: {  	_ =	shalt  }
0x49: {  	_ =	shalt  }
0x4a: {  	_ =	shalt  }
0x4b: {  	_ =	shalt  }
0x4c: {  	_ =	shalt  }
0x4d: {  	_ =	shalt  }
0x4e: {  	_ =	shalt  }
0x4f: {  	_ =	shalt  }
0x50: {  	_ =	shalt  }
0x51: {  	_ =	shalt  }
0x52: {  	_ =	shalt  }
0x53: {  	_ =	shalt  }
0x54: {  	_ =	shalt  }
0x55: {  	_ =	shalt  }
0x56: {  	_ =	shalt  }
0x57: {  	_ =	shalt  }
0x58: {  	_ =	shalt  }
0x59: {  	_ =	shalt  }
0x5a: {  	_ =	shalt  }
0x5b: {  	_ =	shalt  }
0x5c: {  	_ =	shalt  }
0x5d: {  	_ =	shalt  }
0x5e: {  	_ =	shalt  }
0x5f: {  	_ =	shalt  }
0x60: {  	_ =	shalt  }
0x61: {  	_ =	shalt  }
0x62: {  	_ =	shalt  }
0x63: {  	_ =	shalt  }
0x64: {  	_ =	shalt  }
0x65: {  	_ =	shalt  }
0x66: {  	_ =	shalt  }
0x67: {  	_ =	shalt  }
0x68: {  	_ =	shalt  }
0x69: {  	_ =	shalt  }
0x6a: {  	_ =	shalt  }
0x6b: {  	_ =	shalt  }
0x6c: {  	_ =	shalt  }
0x6d: {  	_ =	shalt  }
0x6e: {  	_ =	shalt  }
0x6f: {  	_ =	shalt  }
0x70: {  	_ =	shalt  }
0x71: {  	_ =	shalt  }
0x72: {  	_ =	shalt  }
0x73: {  	_ =	shalt  }
0x74: {  	_ =	shalt  }
0x75: {  	_ =	shalt  }
0x76: {  	_ =	shalt  }
0x77: {  	_ =	shalt  }
0x78: {  	_ =	shalt  }
0x79: {  	_ =	shalt  }
0x7a: {  	_ =	shalt  }
0x7b: {  	_ =	shalt  }
0x7c: {  	_ =	shalt  }
0x7d: {  	_ =	shalt  }
0x7e: {  	_ =	shalt  }
0x7f: {  	_ =	shalt  }
0x80: {  	_ =	shalt  }
0x81: {  	_ =	shalt  }
0x82: {  	_ =	shalt  }
0x83: {  	_ =	shalt  }
0x84: {  	_ =	shalt  }
0x85: {  	_ =	shalt  }
0x86: {  	_ =	shalt  }
0x87: {  	_ =	shalt  }
.Lfunc_end0:
.L_simem_size_0:
called_computation_lowered:
.L_overlay_start_0:
0x88: {  	s2 =	sld [smem:$0x3FD9]  }
0x89: {  	s3 =	sld [smem:$0x3FFE];
	_ =	sdelay $0x1  }
0x8a: {  	s1 =	srdreg.scid  }
0x8b: {  	s0 =	sand.u32 $0x1, s1  }
0x8c: {  	s16 =	sshll.u32 s0, $0xA;
	s2 =	sadd.s32 s3, s2  }
0x8d: {  	s2 =	sadd.s32 s2, s16  }
0x8e: {  	[smem:$0x3FB7] =	sst s2  }
0x8f: {  	_ = 	snop  }
0x90: {  	(tm) =	ssettm $0x1  }
0x91: {  	s17 =	sld [smem:$0x3FFB];
	_ =	sdelay $0x3  }
0x92: {  	_ =	strace s17  }
0x93: {  	s2 =	sld [smem:$0x3FFC];
	_ =	sdelay $0x3  }
0x94: {  	_ =	strace s2  }
0x95: {  	s2 =	sld [smem:$0x3FFD];
	_ =	sdelay $0x3  }
0x96: {  	_ =	strace s2  }
0x97: {  	_ =	strace $0x8FFFFFFF  }
0x98: {  	s18 =	sld [smem:$0x3FDB];
	_ =	sdelay $0x1  }
0x99: {  	s19 =	simm.s32 $_scs_section_size  }
0x9a: {  	s4 =	simm.s32 $_size__tile_overlayer_lowered;
	s5 =	simm.s32 $_tile_overlayer_lowered  }
0x9b: {  	s22 =	simm.s32 $0x1BFF;
	s21 =	sshll.u32 s5, $0x1;
	s2 =	sadd.s32 s19, s18  }
0x9c: {  	s6 =	simm.s32 $0x0;
	s20 =	sshll.u32 s4, $0x1;
	s4 =	sadd.s32 s21, s2  }
0x9d: {  	[timem:s6], [sflag:s22] =	dma.local [hbm:s4], s20  }
0x9e: {  	_ =	swait.ge [sflag:s22], s20  }
0x9f: {  	s3 =	ssub.s32 $0x0, s20;
	[sflag:s22] =	ssyncset.done $0x0  }
0xa0: {  	[sflag:s22] =	ssyncadd.s32 s3;
	_ =	sdelay $0x1  }
0xa1: {  	s23 =	simm.s32 $0x1B8B  }
0xa2: {  	_ =	swait.ge [sflag:s23], $0x1  }
0xa3: {  	[sflag:s23] =	ssyncset.done $0x0  }
0xa4: {  	s25 =	simm.s32 $0x1B8E;
	s24 =	sld [smem:$0x3FFE];
	[sflag:s23] =	ssyncadd.s32 $0xFFFFFFFF  }
0xa5: {  	s26 =	simm.s32 $execute0_lowered;
	[smem:$0x3FD2] =	sst s25  }
0xa6: {  	s4 =	sshll.u32 s26, $0x1;
	_ =	strace $0x80000046;
	[dreg:$0x1] =	wrdreg $0xFFFFFFFF  }
0xa7: {  	s28 =	simm.s32 $_size_execute0_lowered;
	s2 =	sadd.s32 s2, s4;
	[dreg:$0x0] =	wrdreg $0x0  }
0xa8: {  	s4 =	sshll.u32 s28, $0x1;
	[dreg:$0x2] =	wrdreg s2  }
0xa9: {  	[dreg:$0x3] =	wrdreg s4  }
0xaa: {  	[dreg:$0x4] =	wrdreg $0xC0  }
0xab: {  	_ =	task [dreg:s6], $0x5FFFF  }
0xac: {  	[dreg:$0x1] =	wrdreg $0xFFFFFFFF  }
0xad: {  	[dreg:$0x0] =	wrdreg $0x60  }
0xae: {  	[dreg:$0x2] =	wrdreg s24  }
0xaf: {  	[dreg:$0x3] =	wrdreg $0x9  }
0xb0: {  	_ =	task.clear_ibuf [dreg:s6], $0x4FFFF;
	_ =	strace $0x90000046  }
0xb1: {  	s29 =	simm.s32 $0x9;
	_ =	strace $0x80000048  }
0xb2: {  	_ =	swait.ge [sflag:s29], $0x1  }
0xb3: {  	[sflag:s29] =	ssyncadd.s32 $0xFFFFFFFF  }
0xb4: {  	_ =	strace $0x90000048  }
0xb5: {  	_ =	sfence  }
0xb6: {  	s30 =	sld [smem:$0x0];
	_ =	sdelay $0x2  }
0xb7: {  	s31 =	sshll.u32 s1, $0xD;
	s1 =	sshrl.u32 s1, $0x2  }
0xb8: {  	s3 =	sand.u32 $0x4000, s31;
	s1 =	sadd.s32 s1, s30  }
0xb9: {  	s0 =	sor.u32 s3, s0;
	s1 =	sshll.u32 s1, $0x11  }
0xba: {  	s0 =	sor.u32 s1, s0  }
0xbb: {  	s0 =	sadd.s32 $0x8F2B, s0  }
0xbc: {  	[sflag:s0] =	ssyncadd.remote.s32 $0x1  }
0xbd: {  	_ =	sfence.sel $0xFFFF  }
0xbe: {  	[dreg:$0x0] =	wrdreg $0xFFFFFFFF;
	(pc) =	sbr.abs _section_cstart, $3  }
0xbf: {  	[dreg:$0x1] =	wrdreg $0xFFFFFFFF  }
0xc0: {  	_ =	task.clear_ibuf [dreg:s6], $0x2FFFF;
	_ =	strace $0x9FFFFFFF  }
0xc1: {  	(tm) =	ssettm $0x7FFFFFFF  }
tec
execute0_lowered:
.L_overlay_start_1:
0x0: {  	(tag) =	ssettag $0x1  }
0x1: {  	s1 =	srdreg.scid  }
0x2: {  	s1 =	sand.u32 $0x1, s1  }
0x3: {  	p0 =	seq.s32 s1, $0x1  }
.Ltmp0:
0x4: {  	_ = 	snop;
	(pc) =	sbr.rel @p0 .LBB2_4-.Ltmp0, $4  }
0x5: {  	_ = 	snop  }
0x6: {  	s2 =	rddreg [dreg:$0x0];
	s3 =	simm.s32 $0x0  }
0x7: {  	[smem:$0x7FF] =	sst s3  }
0x8: {  	s0 =	rddreg [dreg:$0x1];
	_ =	strace $0x80000047;
	s1 =	stileid.u32  }
0x9: {  	s3 =	sshll.u32 s1, $0x6;
	s5 =	smul.u32 $0x30E, s1;
	s6 =	simm.s32 $0x40  }
0xa: {  	s7 =	simm.s32 $0x0;
	s3 =	sadd.s32 s3, s2;
	s2 =	sadd.s32 $0x3200, s2  }
0xb: {  	v0 =	vimm.s32 $0xFFFFFFFF;
	s4 =	sadd.s32 $0x2E00, s3;
	s3 =	sadd.s32 $0x2A00, s3;
	s5 =	sadd.s32 s2, s5  }
.LBB2_2:
0xc: {  	p0 =	sne.s32 s6, $0x6180;
	[tilespmem:s7+$0x0] =	vst v0;
	s7 =	smov.u32 s6;
	s6 =	sadd.s32 $0x40, s6  }
.Ltmp1:
0xd: {  	(pc) =	sbr.rel @p0 .LBB2_2-.Ltmp1, $2  }
0xe: {  	_ =	sdelay $0x2  }
0xf: {  	s7 =	sshra.s32 s7, $0x2  }
0x10: {  	[tilespmem:s7+$0x0] =	vst v0;
	s6 =	simm.s32 $0x0;
	s21 =	simm.s32 $0x1  }
0x11: {  	[hbm4b:s5+s6] =	stream.linear.scatter [tilespmem:s6], [sflag:$0x1], $0x1870, $0x38;
	[tilespmem:$0x1C70] =	vst v63  }
0x12: {  	_ =	swait.ge [sflag:s21], $0x1870  }
0x13: {  	[sflag:s21] =	ssyncset.done $0x0  }
0x14: {  	[sflag:s21] =	ssyncadd.s32 $0xFFFFE790  }
0x15: {  	s22 =	simm.s32 $0x1870;
	[bflag:$0x0] =	sbarrier.arrive $0xFFFF  }
0x16: {  	[tilespmem:s22], [sflag:$0x1] =	stream.linear.gather [hbm4b:s4+s6], $0x200, $0x38;
	[tilespmem:$0x1C70] =	vst v63  }
0x17: {  	_ =	swait.ge [sflag:s21], $0x200  }
0x18: {  	[sflag:s21] =	ssyncset.done $0x0  }
0x19: {  	s23 =	simm.s32 $0x1A70;
	[sflag:s21] =	ssyncadd.s32 $0xFFFFFE00  }
0x1a: {  	[tilespmem:s23], [sflag:$0x1] =	stream.linear.gather [hbm4b:s3+s6], $0x200, $0x38;
	[tilespmem:$0x1C70] =	vst v63  }
0x1b: {  	_ =	swait.ge [sflag:s21], $0x200  }
0x1c: {  	[sflag:s21] =	ssyncset.done $0x0  }
0x1d: {  	s24 =	simm.s32 $0x80;
	[sflag:s21] =	ssyncadd.s32 $0xFFFFFE00  }
0x1e: {  	[hbm4b:s2+s24] =	stream.indirect.scatter [tilespmem:s23], [sflag:$0x1], $0x1, s22, s24, $0xb8;
	[tilespmem:$0x1C70] =	vst v63  }
0x1f: {  	_ =	swait.ge [sflag:s21], $0x80  }
0x20: {  	[sflag:s21] =	ssyncset.done $0x0  }
0x21: {  	s25 =	simm.s32 $0x18F0;
	s26 =	simm.s32 $0x1AF0;
	[sflag:s21] =	ssyncadd.s32 $0xFFFFFF80  }
0x22: {  	[hbm4b:s2+s24] =	stream.indirect.scatter [tilespmem:s26], [sflag:$0x1], $0x1, s25, s24, $0xb8;
	[tilespmem:$0x1C70] =	vst v63  }
0x23: {  	_ =	swait.ge [sflag:s21], $0x80  }
0x24: {  	[sflag:s21] =	ssyncset.done $0x0  }
0x25: {  	s28 =	simm.s32 $0x1970;
	s29 =	simm.s32 $0x1B70;
	[sflag:s21] =	ssyncadd.s32 $0xFFFFFF80  }
0x26: {  	[hbm4b:s2+s24] =	stream.indirect.scatter [tilespmem:s29], [sflag:$0x1], $0x1, s28, s24, $0xb8;
	[tilespmem:$0x1C70] =	vst v63  }
0x27: {  	_ =	swait.ge [sflag:s21], $0x80  }
0x28: {  	[sflag:s21] =	ssyncset.done $0x0  }
0x29: {  	s30 =	simm.s32 $0x19F0;
	s31 =	simm.s32 $0x1BF0;
	[sflag:s21] =	ssyncadd.s32 $0xFFFFFF80  }
0x2a: {  	[hbm4b:s2+s24] =	stream.indirect.scatter [tilespmem:s31], [sflag:$0x1], $0x1, s30, s24, $0xb8;
	[tilespmem:$0x1C70] =	vst v63  }
0x2b: {  	_ =	swait.ge [sflag:s21], $0x80  }
0x2c: {  	[sflag:s21] =	ssyncset.done $0x0  }
0x2d: {  	[sflag:s21] =	ssyncadd.s32 $0xFFFFFF80  }
.LBB2_4:
0x2e: {  	_ =	sfence.sel $0x180000  }
0x2f: {  	[bflag:$0x0] =	sbarrier.arrive $0xFFFF  }
0x30: {  	p0 =	sne.s32 s1, $0x0;
	_ =	strace $0x90000047  }
0x31: {  	s0 =	sadd.s32 @!p0 $0x100000, s0;
	[bflag:$0x2] =	sbarrier.arrive $0xFFFF  }
0x32: {  	[sflag:s0] =	ssyncadd.tile.s32 @!p0 $0x1;
	_ =	shalt  }
.Lfunc_end2:
_tile_overlayer_lowered:
.L_overlay_start_2:
0x33: {  	(tag) =	ssettag $0x2  }
0x34: {  	s0 =	rddreg [dreg:$0x0];
	s2 =	stileid.u32  }
0x35: {  	s1 =	rddreg [dreg:$0x1];
	p0 =	sne.s32 s2, $0x0  }
0x36: {  	s3 =	rddreg [dreg:$0x2];
	[bflag:$0x3] =	sbarrier.arrive $0xFFFF;
	s2 =	simm.s32 @!p0 $0x1C01  }
0x37: {  	[timem:s3], [sflag:s2] =	dma.local @!p0 [hbm:s0], s1  }
0x38: {  	s0 =	simm.s32 @!p0 $0x1  }
0x39: {  	_ =	swait.ge @!p0 [sflag:s0], s1  }
0x3a: {  	s1 =	ssub.s32 @!p0 $0x0, s1;
	[sflag:s0] =	ssyncset.done @!p0 $0x0  }
0x3b: {  	[sflag:s0] =	ssyncadd.s32 @!p0 s1  }
0x3c: {  	[bflag:$0x3] =	sbarrier.arrive $0xFFFF  }
0x3d: {  	_ =	shalt  }

// kernel: kernel.9.cloned.1.call-start
scs
__scs_entry_jumppad:
0x0: {  	(pc) =	sbr.rel $0x88, $3  }
0x1: {  	(tag) =	ssettag $0x0;
	lr =	simm.s32 $0x1  }
0x2: {  	[smem:$0x3F90] =	sst lr;
	_ =	strace $0xD0000000  }
0x3: {  	_ = 	snop  }
0x4: {  	_ = 	snop  }
0x5: {  	_ = 	snop  }
0x6: {  	_ = 	snop  }
0x7: {  	_ = 	snop  }
__scs_overlays_trampoline_lowered:
0x8: {  	[smem:$0x3F9F] =	sst s0  }
0x9: {  	[smem:$0x3FA0] =	sst s1  }
0xa: {  	[smem:$0x3FA1] =	sst s2  }
0xb: {  	[smem:$0x3FA2] =	sst s3  }
0xc: {  	[smem:$0x3FA3] =	sst s4  }
0xd: {  	[smem:$0x3FA4] =	sst s5  }
0xe: {  	[smem:$0x3FA5] =	sst s6  }
0xf: {  	[smem:$0x3FA6] =	sst s7  }
0x10: {  	[smem:$0x3FA7] =	sst s8  }
0x11: {  	[smem:$0x3FA8] =	sst s9;
	s0 =	simm.s32 @!p0 $0x0  }
0x12: {  	s1 =	sld [smem:$0x3F8E];
	s0 =	simm.s32 @p0 $0x1  }
0x13: {  	[smem:$0x3FA9] =	sst s0;
	s0 =	simm.s32 @!p1 $0x0  }
0x14: {  	s2 =	sld [smem:$0x3F8D];
	s0 =	simm.s32 @p1 $0x1  }
0x15: {  	[smem:$0x3FAA] =	sst s0;
	s0 =	simm.s32 @!p2 $0x0  }
0x16: {  	s3 =	sld [smem:$0x3FDB];
	s0 =	simm.s32 @p2 $0x1  }
0x17: {  	s4 =	simm.s32 $0x1BF5;
	[smem:$0x3FAC] =	sst s0  }
0x18: {  	s0 =	sld [smem:$0x3F8F];
	_ =	swait.ge [sflag:s4], $0x0  }
0x19: {  	s7 =	sld [smem:$0x3F90]  }
0x1a: {  	s8 =	sadd.s32 $0xFFFFE003, lr  }
0x1b: {  	s9 =	sadd.s32 $0xFFFFFEF7, lr;
	s5 =	simm.s32 $0xFFFFFFFF;
	p2 =	slt.u32 s8, $0xFFFFF086  }
0x1c: {  	p1 =	slt.u32 s9, $0xF7A;
	s5 =	simm.s32 @!p2 $0x0  }
0x1d: {  	s5 =	simm.s32 @p1 $0x1;
	p0 =	seq.s32 s7, s2  }
0x1e: {  	s7 =	smul.u32 @!p0 $0xF7A, s2;
	p2 =	seq.s32 @!p0 s5, $0x0  }
0x1f: {  	s9 =	smul.u32 $0xF7A, s1;
	s8 =	simm.s32 @!p0 $0x1BF5;
	p2 =	por !p2, p0  }
0x20: {  	[sflag:s8] =	ssyncset.s32 @!p0 $0xFFFFF086;
	s6 =	sadd.s32 @!p0 s3, s7;
	s7 =	simm.s32 @!p0 $0x108  }
0x21: {  	s3 =	sadd.s32 s3, s9;
	s6 =	sadd.s32 @!p0 $0x88, s6;
	s7 =	simm.s32 @p2 $0x1082  }
0x22: {  	[simem:s7], [sflag:s8] =	dma.local @!p0 [hbm:s6], $0xF7A  }
0x23: {  	s9 =	sor.u32 $0xD0000000, s2;
	s6 =	simm.s32 $0x108;
	_ =	swait.ge @!p0 [sflag:s8], $0x0  }
0x24: {  	s3 =	sadd.s32 $0x88, s3;
	s6 =	simm.s32 @!p1 $0x1082;
	[sflag:s4] =	ssyncset.s32 $0xFFFFF086  }
0x25: {  	[simem:s6], [sflag:s4] =	dma.local [hbm:s3], $0xF7A  }
0x26: {  	[smem:$0x3F90] =	sst s1;
	(tag) =	ssettag s2;
	_ =	strace s9  }
0x27: {  	s1 =	sld [smem:$0x3FA0]  }
0x28: {  	s2 =	sld [smem:$0x3FA1]  }
0x29: {  	s4 =	sld [smem:$0x3FA3]  }
0x2a: {  	p0 =	seq.s32 s5, $0x0;
	s5 =	sld [smem:$0x3FA4]  }
0x2b: {  	s6 =	sld [smem:$0x3FA5]  }
0x2c: {  	s7 =	sld [smem:$0x3FA6]  }
0x2d: {  	s3 =	simm.s32 $0x108;
	s8 =	sld [smem:$0x3FA7]  }
0x2e: {  	s3 =	simm.s32 @!p0 $0x1082;
	s9 =	sld [smem:$0x3FA8]  }
0x2f: {  	lr =	sadd.s32 s0, s3;
	s0 =	sld [smem:$0x3F9F]  }
0x30: {  	s3 =	sld [smem:$0x3FA2]  }
0x31: {  	[smem:$0x3FAB] =	sst s10  }
0x32: {  	s10 =	sld [smem:$0x3FA9];
	_ =	sdelay $0x3  }
0x33: {  	p0 =	seq.s32 s10, $0x1;
	s10 =	sld [smem:$0x3FAB];
	_ =	sdelay $0x3  }
0x34: {  	[smem:$0x3FAB] =	sst s10  }
0x35: {  	s10 =	sld [smem:$0x3FAA];
	_ =	sdelay $0x3  }
0x36: {  	p1 =	seq.s32 s10, $0x1;
	s10 =	sld [smem:$0x3FAB];
	_ =	sdelay $0x3  }
0x37: {  	[smem:$0x3FAB] =	sst s10  }
0x38: {  	s10 =	sld [smem:$0x3FAC]  }
0x39: {  	_ = 	snop;
	(pc) =	sbr.ind lr, $3  }
0x3a: {  	_ = 	snop  }
0x3b: {  	_ = 	snop  }
0x3c: {  	p2 =	seq.s32 s10, $0x1;
	s10 =	sld [smem:$0x3FAB]  }
0x3d: {  	_ =	shalt  }
0x3e: {  	_ =	shalt  }
0x3f: {  	_ =	shalt  }
0x40: {  	_ =	shalt  }
0x41: {  	_ =	shalt  }
0x42: {  	_ =	shalt  }
0x43: {  	_ =	shalt  }
0x44: {  	_ =	shalt  }
0x45: {  	_ =	shalt  }
0x46: {  	_ =	shalt  }
0x47: {  	_ =	shalt  }
0x48: {  	_ =	shalt  }
0x49: {  	_ =	shalt  }
0x4a: {  	_ =	shalt  }
0x4b: {  	_ =	shalt  }
0x4c: {  	_ =	shalt  }
0x4d: {  	_ =	shalt  }
0x4e: {  	_ =	shalt  }
0x4f: {  	_ =	shalt  }
0x50: {  	_ =	shalt  }
0x51: {  	_ =	shalt  }
0x52: {  	_ =	shalt  }
0x53: {  	_ =	shalt  }
0x54: {  	_ =	shalt  }
0x55: {  	_ =	shalt  }
0x56: {  	_ =	shalt  }
0x57: {  	_ =	shalt  }
0x58: {  	_ =	shalt  }
0x59: {  	_ =	shalt  }
0x5a: {  	_ =	shalt  }
0x5b: {  	_ =	shalt  }
0x5c: {  	_ =	shalt  }
0x5d: {  	_ =	shalt  }
0x5e: {  	_ =	shalt  }
0x5f: {  	_ =	shalt  }
0x60: {  	_ =	shalt  }
0x61: {  	_ =	shalt  }
0x62: {  	_ =	shalt  }
0x63: {  	_ =	shalt  }
0x64: {  	_ =	shalt  }
0x65: {  	_ =	shalt  }
0x66: {  	_ =	shalt  }
0x67: {  	_ =	shalt  }
0x68: {  	_ =	shalt  }
0x69: {  	_ =	shalt  }
0x6a: {  	_ =	shalt  }
0x6b: {  	_ =	shalt  }
0x6c: {  	_ =	shalt  }
0x6d: {  	_ =	shalt  }
0x6e: {  	_ =	shalt  }
0x6f: {  	_ =	shalt  }
0x70: {  	_ =	shalt  }
0x71: {  	_ =	shalt  }
0x72: {  	_ =	shalt  }
0x73: {  	_ =	shalt  }
0x74: {  	_ =	shalt  }
0x75: {  	_ =	shalt  }
0x76: {  	_ =	shalt  }
0x77: {  	_ =	shalt  }
0x78: {  	_ =	shalt  }
0x79: {  	_ =	shalt  }
0x7a: {  	_ =	shalt  }
0x7b: {  	_ =	shalt  }
0x7c: {  	_ =	shalt  }
0x7d: {  	_ =	shalt  }
0x7e: {  	_ =	shalt  }
0x7f: {  	_ =	shalt  }
0x80: {  	_ =	shalt  }
0x81: {  	_ =	shalt  }
0x82: {  	_ =	shalt  }
0x83: {  	_ =	shalt  }
0x84: {  	_ =	shalt  }
0x85: {  	_ =	shalt  }
0x86: {  	_ =	shalt  }
0x87: {  	_ =	shalt  }
.Lfunc_end0:
.L_simem_size_0:
called_computation.1_lowered:
.L_overlay_start_0:
0x88: {  	s2 =	sld [smem:$0x3FD9]  }
0x89: {  	s3 =	sld [smem:$0x3FFE];
	_ =	sdelay $0x1  }
0x8a: {  	s1 =	srdreg.scid  }
0x8b: {  	s0 =	sand.u32 $0x1, s1  }
0x8c: {  	s16 =	sshll.u32 s0, $0xA;
	s2 =	sadd.s32 s3, s2  }
0x8d: {  	s2 =	sadd.s32 s2, s16  }
0x8e: {  	[smem:$0x3FB7] =	sst s2  }
0x8f: {  	_ = 	snop  }
0x90: {  	(tm) =	ssettm $0x1  }
0x91: {  	s17 =	sld [smem:$0x3FFB];
	_ =	sdelay $0x3  }
0x92: {  	_ =	strace s17  }
0x93: {  	s2 =	sld [smem:$0x3FFC];
	_ =	sdelay $0x3  }
0x94: {  	_ =	strace s2  }
0x95: {  	s2 =	sld [smem:$0x3FFD];
	_ =	sdelay $0x3  }
0x96: {  	_ =	strace s2  }
0x97: {  	_ =	strace $0x8FFFFFFF  }
0x98: {  	s18 =	sld [smem:$0x3FDB];
	_ =	sdelay $0x1  }
0x99: {  	s19 =	simm.s32 $_scs_section_size  }
0x9a: {  	s4 =	simm.s32 $_size__tile_overlayer_lowered;
	s5 =	simm.s32 $_tile_overlayer_lowered  }
0x9b: {  	s22 =	simm.s32 $0x1BFF;
	s21 =	sshll.u32 s5, $0x1;
	s2 =	sadd.s32 s19, s18  }
0x9c: {  	s6 =	simm.s32 $0x0;
	s20 =	sshll.u32 s4, $0x1;
	s4 =	sadd.s32 s21, s2  }
0x9d: {  	[timem:s6], [sflag:s22] =	dma.local [hbm:s4], s20  }
0x9e: {  	_ =	swait.ge [sflag:s22], s20  }
0x9f: {  	s3 =	ssub.s32 $0x0, s20;
	[sflag:s22] =	ssyncset.done $0x0  }
0xa0: {  	[sflag:s22] =	ssyncadd.s32 s3;
	_ =	sdelay $0x1  }
0xa1: {  	s23 =	simm.s32 $0x1B8B  }
0xa2: {  	_ =	swait.ge [sflag:s23], $0x1  }
0xa3: {  	[sflag:s23] =	ssyncset.done $0x0  }
0xa4: {  	s25 =	simm.s32 $0x1B8E;
	s24 =	sld [smem:$0x3FFE];
	[sflag:s23] =	ssyncadd.s32 $0xFFFFFFFF  }
0xa5: {  	s26 =	simm.s32 $execute0_lowered;
	[smem:$0x3FD2] =	sst s25  }
0xa6: {  	s4 =	sshll.u32 s26, $0x1;
	_ =	strace $0x80000049;
	[dreg:$0x1] =	wrdreg $0xFFFFFFFF  }
0xa7: {  	s28 =	simm.s32 $_size_execute0_lowered;
	s2 =	sadd.s32 s2, s4;
	[dreg:$0x0] =	wrdreg $0x0  }
0xa8: {  	s4 =	sshll.u32 s28, $0x1;
	[dreg:$0x2] =	wrdreg s2  }
0xa9: {  	[dreg:$0x3] =	wrdreg s4  }
0xaa: {  	[dreg:$0x4] =	wrdreg $0xC0  }
0xab: {  	_ =	task [dreg:s6], $0x5FFFF  }
0xac: {  	[dreg:$0x1] =	wrdreg $0xFFFFFFFF  }
0xad: {  	[dreg:$0x0] =	wrdreg $0x60  }
0xae: {  	[dreg:$0x2] =	wrdreg s24  }
0xaf: {  	[dreg:$0x3] =	wrdreg $0x0  }
0xb0: {  	[dreg:$0x4] =	wrdreg $0x9  }
0xb1: {  	_ =	task.clear_ibuf [dreg:s6], $0x5FFFF;
	_ =	strace $0x90000049  }
0xb2: {  	s29 =	simm.s32 $0x9;
	_ =	strace $0x8000004B  }
0xb3: {  	_ =	swait.ge [sflag:s29], $0x1  }
0xb4: {  	[sflag:s29] =	ssyncadd.s32 $0xFFFFFFFF  }
0xb5: {  	_ =	strace $0x9000004B  }
0xb6: {  	_ =	sfence  }
0xb7: {  	s30 =	sld [smem:$0x0];
	_ =	sdelay $0x2  }
0xb8: {  	s31 =	sshll.u32 s1, $0xD;
	s1 =	sshrl.u32 s1, $0x2  }
0xb9: {  	s3 =	sand.u32 $0x4000, s31;
	s1 =	sadd.s32 s1, s30  }
0xba: {  	s0 =	sor.u32 s3, s0;
	s1 =	sshll.u32 s1, $0x11  }
0xbb: {  	s0 =	sor.u32 s1, s0  }
0xbc: {  	s0 =	sadd.s32 $0x8F2B, s0  }
0xbd: {  	[sflag:s0] =	ssyncadd.remote.s32 $0x1  }
0xbe: {  	_ =	sfence.sel $0xFFFF  }
0xbf: {  	[dreg:$0x0] =	wrdreg $0xFFFFFFFF;
	(pc) =	sbr.abs _section_cstart, $3  }
0xc0: {  	[dreg:$0x1] =	wrdreg $0xFFFFFFFF  }
0xc1: {  	_ =	task.clear_ibuf [dreg:s6], $0x2FFFF;
	_ =	strace $0x9FFFFFFF  }
0xc2: {  	(tm) =	ssettm $0x7FFFFFFF  }
0xc3: {  	_ =	shalt  }
tec
execute0_lowered:
.L_overlay_start_1:
0x0: {  	(tag) =	ssettag $0x1  }
0x1: {  	s0 =	rddreg [dreg:$0x0]  }
0x2: {  	s1 =	rddreg [dreg:$0x1];
	s2 =	simm.s32 $0x0;
	s19 =	srdreg.scid  }
0x3: {  	s11 =	stileid.u32;
	s12 =	simm.s32 $0x10680;
	s13 =	simm.s32 $0x11280  }
0x4: {  	s14 =	simm.s32 $0x10700;
	s15 =	simm.s32 $0x11300;
	s16 =	simm.s32 $0x10780  }
0x5: {  	s17 =	simm.s32 $0x11380;
	[smem:$0x7FF] =	sst s2;
	s2 =	sand.u32 $0x1, s19  }
0x6: {  	s3 =	smul.u32 $0x2080, s11;
	s4 =	sadd.s32 $0x2B400, s0;
	s5 =	sadd.s32 $0x6400, s0  }
0x7: {  	s6 =	sadd.s32 $0x50400, s0;
	s7 =	sadd.s32 $0x3200, s0;
	s10 =	smul.u32 $0x41000, s11  }
0x8: {  	s8 =	sadd.s32 $0x229200, s0;
	s19 =	simm.s32 $0x1;
	_ =	strace $0x8000004A  }
0x9: {  	s9 =	smul.u32 $0x20800, s2;
	s20 =	ssub.s32 $0x2, s2;
	s2 =	sshll.u32 s2, $0x4  }
0xa: {  	s21 =	sshrl.u32 s20, $0x1;
	s10 =	sshrl.u32 s10, $0x2;
	s2 =	sor.u32 s11, s2  }
0xb: {  	s11 =	simm.s32 $0x11200;
	s3 =	sadd.s32 s3, s9;
	s10 =	sadd.s32 s10, s1  }
0xc: {  	s18 =	smul.u32 $0x25, s2;
	s22 =	sadd.s32 $0x2000, s10;
	[dreg:$0x3] =	wrdreg s10  }
0xd: {  	s9 =	simm.s32 $0x2;
	s23 =	sadd.s32 $0x4000, s10;
	[dreg:$0x4] =	wrdreg s22  }
0xe: {  	s2 =	simm.s32 $0x0;
	s24 =	sadd.s32 $0x6000, s10;
	[dreg:$0x5] =	wrdreg s23  }
0xf: {  	s0 =	sadd.s32 s3, s0;
	s25 =	sadd.s32 $0x8000, s10;
	[dreg:$0x6] =	wrdreg s24  }
0x10: {  	s3 =	ssub.s32 s20, s21;
	s26 =	sadd.s32 $0xA000, s10;
	[dreg:$0x7] =	wrdreg s25  }
0x11: {  	s28 =	sadd.s32 $0xC000, s10;
	s29 =	sadd.s32 $0xE000, s10;
	[dreg:$0x8] =	wrdreg s26  }
.Ltmp0:
0x12: {  	s30 =	sadd.s32 $0x10000, s10;
	[dreg:$0x9] =	wrdreg s28;
	(pc) =	sbr.rel .LBB2_1-.Ltmp0, $4  }
0x13: {  	s20 =	simm.s32 $0x12200;
	s21 =	simm.s32 $0x12180;
	[dreg:$0xa] =	wrdreg s29  }
0x14: {  	[dreg:$0xb] =	wrdreg s30;
	s0 =	sadd.s32 $0x75400, s0;
	s31 =	smax.u32 s3, $0x1  }
0x15: {  	s22 =	simm.s32 $0x3;
	s23 =	simm.s32 $0x10400;
	[dreg:$0xc] =	wrdreg s0  }
0x16: {  	v0 =	vimm.f32 $0.0e+00;
	v1 =	vimm.s32 $0x2000;
	v2 =	vimm.s32 $0x0;
	s26 =	simm.s32 $0x80;
	s24 =	simm.s32 $0x14200;
	[dreg:$0xd] =	wrdreg s31  }
.LBB2_11:
0x17: {  	s0 =	stileid.u32;
	[bflag:$0x0] =	sbarrier.arrive $0xFFFF  }
0x18: {  	s0 =	sshll.u32 s0, $0x6;
	s10 =	rddreg [dreg:$0x3]  }
0x19: {  	s3 =	rddreg [dreg:$0xc];
	s0 =	sor.u32 $0x1C03, s0;
	s2 =	sshrl.u32 s10, $0x3  }
0x1a: {  	[hbm:s3], [sflag:s0] =	dma.local [spmem:s2], $0x2080  }
0x1b: {  	_ =	swait.ge [sflag:s22], $0x2080  }
0x1c: {  	s30 =	rddreg [dreg:$0xe]  }
0x1d: {  	s31 =	rddreg [dreg:$0xd];
	s2 =	sadd.s32 $0x1, s30  }
0x1e: {  	p0 =	sne.s32 s2, s31  }
.Ltmp1:
0x1f: {  	_ = 	snop;
	(pc) =	sbr.rel @!p0 .LBB2_12-.Ltmp1, $3  }
0x20: {  	_ =	sdelay $0x1  }
0x21: {  	[sflag:s22] =	ssyncset.done $0x0  }
0x22: {  	[sflag:s22] =	ssyncadd.s32 $0xFFFFDF80  }
.LBB2_1:
0x23: {  	s31 =	simm.s32 $0x0  }
0x24: {  	s0 =	sand.u32 $0x7E00, s31  }
0x25: {  	[dreg:$0xe] =	wrdreg s2;
	s2 =	sand.u32 $0x70, s31;
	s3 =	sshrl.u32 s0, $0x2  }
0x26: {  	s0 =	simm.s32 $0x40;
	s3 =	sor.u32 s2, s3;
	s2 =	simm.s32 $0x0  }
.LBB2_2:
0x27: {  	p0 =	sne.s32 s0, $0x7FC0  }
0x28: {  	[tilespmem:s3+$0x18200] =	vst v0;
	s2 =	sadd.s32 $0x10, s2;
	s3 =	smov.u32 s0;
	s0 =	sadd.s32 $0x40, s0  }
.Ltmp2:
0x29: {  	(pc) =	sbr.rel @p0 .LBB2_2-.Ltmp2, $4  }
0x2a: {  	_ = 	snop  }
0x2b: {  	s3 =	sand.u32 $0x7E00, s3  }
0x2c: {  	s25 =	sand.u32 $0x70, s2;
	s3 =	sshrl.u32 s3, $0x2  }
0x2d: {  	s3 =	sor.u32 s25, s3  }
0x2e: {  	[tilespmem:s3+$0x18200] =	vst v0;
	s2 =	simm.s32 $0x18200  }
0x2f: {  	[spmem:s10] =	stream.linear.scatter [tilespmem:s2], [sflag:$0x3], $0x2000, $0x38;
	[tilespmem:$0x1A200] =	vst v63  }
0x30: {  	_ =	swait.ge [sflag:s22], $0x2000  }
0x31: {  	[sflag:s22] =	ssyncset.done $0x0  }
0x32: {  	s0 =	rddreg [dreg:$0x4];
	[sflag:s22] =	ssyncadd.s32 $0xFFFFE000  }
0x33: {  	[spmem:s0] =	stream.linear.scatter [tilespmem:s2], [sflag:$0x3], $0x2000, $0x38;
	[tilespmem:$0x1A200] =	vst v63  }
0x34: {  	_ =	swait.ge [sflag:s22], $0x2000  }
0x35: {  	[sflag:s22] =	ssyncset.done $0x0  }
0x36: {  	s31 =	rddreg [dreg:$0x5];
	[sflag:s22] =	ssyncadd.s32 $0xFFFFE000  }
0x37: {  	[spmem:s31] =	stream.linear.scatter [tilespmem:s2], [sflag:$0x3], $0x2000, $0x38;
	[tilespmem:$0x1A200] =	vst v63  }
0x38: {  	_ =	swait.ge [sflag:s22], $0x2000  }
0x39: {  	[sflag:s22] =	ssyncset.done $0x0  }
0x3a: {  	s3 =	rddreg [dreg:$0x6];
	[sflag:s22] =	ssyncadd.s32 $0xFFFFE000  }
0x3b: {  	[spmem:s3] =	stream.linear.scatter [tilespmem:s2], [sflag:$0x3], $0x2000, $0x38;
	[tilespmem:$0x1A200] =	vst v63  }
0x3c: {  	_ =	swait.ge [sflag:s22], $0x2000  }
0x3d: {  	[sflag:s22] =	ssyncset.done $0x0  }
0x3e: {  	s10 =	rddreg [dreg:$0x7];
	[sflag:s22] =	ssyncadd.s32 $0xFFFFE000  }
0x3f: {  	[spmem:s10] =	stream.linear.scatter [tilespmem:s2], [sflag:$0x3], $0x2000, $0x38;
	[tilespmem:$0x1A200] =	vst v63  }
0x40: {  	_ =	swait.ge [sflag:s22], $0x2000  }
0x41: {  	[sflag:s22] =	ssyncset.done $0x0  }
0x42: {  	s25 =	rddreg [dreg:$0x8];
	[sflag:s22] =	ssyncadd.s32 $0xFFFFE000  }
0x43: {  	[spmem:s25] =	stream.linear.scatter [tilespmem:s2], [sflag:$0x3], $0x2000, $0x38;
	[tilespmem:$0x1A200] =	vst v63  }
0x44: {  	_ =	swait.ge [sflag:s22], $0x2000  }
0x45: {  	[sflag:s22] =	ssyncset.done $0x0  }
0x46: {  	s29 =	rddreg [dreg:$0x9];
	[sflag:s22] =	ssyncadd.s32 $0xFFFFE000  }
0x47: {  	[spmem:s29] =	stream.linear.scatter [tilespmem:s2], [sflag:$0x3], $0x2000, $0x38;
	[tilespmem:$0x1A200] =	vst v63  }
0x48: {  	_ =	swait.ge [sflag:s22], $0x2000  }
0x49: {  	[sflag:s22] =	ssyncset.done $0x0  }
0x4a: {  	s30 =	rddreg [dreg:$0xa];
	[sflag:s22] =	ssyncadd.s32 $0xFFFFE000  }
0x4b: {  	[spmem:s30] =	stream.linear.scatter [tilespmem:s2], [sflag:$0x3], $0x2000, $0x38;
	[tilespmem:$0x1A200] =	vst v63  }
0x4c: {  	_ =	swait.ge [sflag:s22], $0x2000  }
0x4d: {  	[sflag:s22] =	ssyncset.done $0x0  }
0x4e: {  	s31 =	rddreg [dreg:$0xb];
	[sflag:s22] =	ssyncadd.s32 $0xFFFFE000  }
0x4f: {  	[spmem:s31] =	stream.linear.scatter [tilespmem:s2], [sflag:$0x3], $0x400, $0x38;
	[tilespmem:$0x1A200] =	vst v63  }
.Ltmp3:
0x50: {  	_ =	swait.ge [sflag:s22], $0x400;
	(pc) =	sbr.rel .LBB2_4-.Ltmp3, $4  }
0x51: {  	[sflag:s22] =	ssyncset.done $0x0  }
0x52: {  	[sflag:s22] =	ssyncadd.s32 $0xFFFFFC00  }
0x53: {  	[bflag:$0x0] =	sbarrier.arrive $0xFFFF  }
0x54: {  	s28 =	simm.s32 $0x0;
	s25 =	simm.s32 $0x0  }
.LBB2_10:
0x55: {  	s28 =	sadd.s32 $0x1, s28  }
0x56: {  	p0 =	sne.s32 s28, $0x25  }
.Ltmp4:
0x57: {  	_ = 	snop;
	(pc) =	sbr.rel @!p0 .LBB2_11-.Ltmp4, $1  }
0x58: {  	_ =	sdelay $0x3  }
.LBB2_4:
0x59: {  	s0 =	sadd.s32 s18, s28  }
0x5a: {  	s0 =	sshll.u32 s0, $0x7  }
0x5b: {  	s2 =	sadd.s32 s4, s0  }
0x5c: {  	[tilespmem:s23], [sflag:$0x3] =	stream.linear.gather [hbm4b:s2+s25], $0x400, $0x38;
	[tilespmem:$0x1A200] =	vst v63  }
0x5d: {  	_ =	swait.ge [sflag:s22], $0x400  }
0x5e: {  	[sflag:s22] =	ssyncset.done $0x0  }
0x5f: {  	s3 =	simm.s32 $0x10800;
	s30 =	sadd.s32 s5, s0;
	[sflag:s22] =	ssyncadd.s32 $0xFFFFFC00  }
0x60: {  	[tilespmem:s3], [sflag:$0x3] =	stream.linear.gather [hbm4b:s30+s25], $0x400, $0x38;
	[tilespmem:$0x1A200] =	vst v63  }
0x61: {  	_ =	swait.ge [sflag:s22], $0x400  }
0x62: {  	[sflag:s22] =	ssyncset.done $0x0  }
0x63: {  	s31 =	simm.s32 $0x10C00;
	s0 =	sadd.s32 s6, s0;
	[sflag:s22] =	ssyncadd.s32 $0xFFFFFC00  }
0x64: {  	[tilespmem:s31], [sflag:$0x3] =	stream.linear.gather [hbm4b:s0+s25], $0x400, $0x38;
	[tilespmem:$0x1A200] =	vst v63  }
0x65: {  	_ =	swait.ge [sflag:s22], $0x400  }
0x66: {  	[sflag:s22] =	ssyncset.done $0x0  }
0x67: {  	s2 =	simm.s32 $0x11000;
	[sflag:s22] =	ssyncadd.s32 $0xFFFFFC00  }
0x68: {  	[tilespmem:s2], [sflag:$0x1] =	stream.indirect.gather [hbm4b:s7+s26], $0x1, s23, s26, $0xb8;
	[tilespmem:$0x1A200] =	vst v63  }
0x69: {  	s10 =	simm.s32 $0x11080;
	s3 =	simm.s32 $0x10480  }
0x6a: {  	[tilespmem:s10], [sflag:$0x1] =	stream.indirect.gather [hbm4b:s7+s26], $0x1, s3, s26, $0xb8;
	[tilespmem:$0x1A200] =	vst v63  }
0x6b: {  	s30 =	simm.s32 $0x10500;
	s31 =	simm.s32 $0x11100  }
0x6c: {  	[tilespmem:s31], [sflag:$0x1] =	stream.indirect.gather [hbm4b:s7+s26], $0x1, s30, s26, $0xb8;
	[tilespmem:$0x1A200] =	vst v63  }
0x6d: {  	s3 =	simm.s32 $0x10580;
	s10 =	simm.s32 $0x11180  }
0x6e: {  	[tilespmem:s10], [sflag:$0x1] =	stream.indirect.gather [hbm4b:s7+s26], $0x1, s3, s26, $0xb8;
	[tilespmem:$0x1A200] =	vst v63  }
0x6f: {  	s30 =	simm.s32 $0x10600  }
0x70: {  	[tilespmem:s11], [sflag:$0x1] =	stream.indirect.gather [hbm4b:s7+s26], $0x1, s30, s26, $0xb8;
	[tilespmem:$0x1A200] =	vst v63  }
0x71: {  	_ = 	snop  }
0x72: {  	[tilespmem:s13], [sflag:$0x1] =	stream.indirect.gather [hbm4b:s7+s26], $0x1, s12, s26, $0xb8;
	[tilespmem:$0x1A200] =	vst v63  }
0x73: {  	_ = 	snop  }
0x74: {  	[tilespmem:s15], [sflag:$0x1] =	stream.indirect.gather [hbm4b:s7+s26], $0x1, s14, s26, $0xb8;
	[tilespmem:$0x1A200] =	vst v63  }
0x75: {  	_ = 	snop  }
0x76: {  	[tilespmem:s17], [sflag:$0x1] =	stream.indirect.gather [hbm4b:s7+s26], $0x1, s16, s26, $0xb8;
	[tilespmem:$0x1A200] =	vst v63  }
0x77: {  	_ =	swait.ge [sflag:s19], $0x80  }
0x78: {  	[sflag:s19] =	ssyncset.done $0x0  }
0x79: {  	[sflag:s19] =	ssyncadd.s32 $0xFFFFFF80  }
0x7a: {  	_ =	swait.ge [sflag:s19], $0x80  }
0x7b: {  	[sflag:s19] =	ssyncset.done $0x0  }
0x7c: {  	[sflag:s19] =	ssyncadd.s32 $0xFFFFFF80  }
0x7d: {  	_ =	swait.ge [sflag:s19], $0x80  }
0x7e: {  	[sflag:s19] =	ssyncset.done $0x0  }
0x7f: {  	[sflag:s19] =	ssyncadd.s32 $0xFFFFFF80  }
0x80: {  	_ =	swait.ge [sflag:s19], $0x80  }
0x81: {  	[sflag:s19] =	ssyncset.done $0x0  }
0x82: {  	[sflag:s19] =	ssyncadd.s32 $0xFFFFFF80  }
0x83: {  	_ =	swait.ge [sflag:s19], $0x80  }
0x84: {  	[sflag:s19] =	ssyncset.done $0x0  }
0x85: {  	[sflag:s19] =	ssyncadd.s32 $0xFFFFFF80  }
0x86: {  	_ =	swait.ge [sflag:s19], $0x80  }
0x87: {  	[sflag:s19] =	ssyncset.done $0x0  }
0x88: {  	[sflag:s19] =	ssyncadd.s32 $0xFFFFFF80  }
0x89: {  	_ =	swait.ge [sflag:s19], $0x80  }
0x8a: {  	[sflag:s19] =	ssyncset.done $0x0  }
0x8b: {  	[sflag:s19] =	ssyncadd.s32 $0xFFFFFF80  }
0x8c: {  	_ =	swait.ge [sflag:s19], $0x80  }
0x8d: {  	[sflag:s19] =	ssyncset.done $0x0  }
0x8e: {  	s31 =	simm.s32 $0x0;
	[sflag:s19] =	ssyncadd.s32 $0xFFFFFF80  }
0x8f: {  	v3 =	vld [tilespmem:s31+$0x11000]  }
0x90: {  	v4 =	vld [tilespmem:s31+$0x10800];
	_ =	sdelay $0x1  }
0x91: {  	v5 =	vld [tilespmem:s31+$0x10C00];
	_ =	sdelay $0x1  }
0x92: {  	vm0 =	vgt.s32 v3, $0xFFFFFFFF;
	v3 =	vxor.u32 $0x80000000, v3  }
0x93: {  	v6 =	vmpcnt.ones.xlane vm0;
	(xrf1) =	vsort.dscd.msk.u32 $0xffff, v3, v4;
	_ =	sdelay $0x1  }
0x94: {  	(xrf1) =	vsort.dscd.msk.u32 $0xffff, v3, v5;
	(v2sf) =	vpush v6, $0x0;
	_ =	sdelay $0xb  }
0x95: {  	v3, v4, _ =	vpop (xrf1)  }
0x96: {  	v3 =	vxor.u32 $0x80000000, v3;
	[tilespmem:s25+$0x11880] =	vst v4  }
0x97: {  	s0 =	simm.s32 $0x0;
	_, v63, _ =	vpop (xrf1);
	[tilespmem:s25+$0x11400] =	vst v3  }
0x98: {  	s2 =	simm.s32 $0x80;
	s3 =	simm.s32 $0x10;
	[tilespmem:s25+$0x11D00] =	vst v63;
	s29 =	spop (v2sf)  }
.LBB2_5:
0x99: {  	p0 =	sne.s32 s2, $0xFC0  }
0x9a: {  	v3 =	vld [tilespmem:s3+$0x11000];
	s0 =	sadd.s32 s0, s29;
	s29 =	smov.u32 s2;
	s2 =	sadd.s32 $0x40, s2  }
0x9b: {  	v4 =	vld [tilespmem:s3+$0x10800]  }
0x9c: {  	v5 =	vld [tilespmem:s3+$0x10C00];
	_ =	sdelay $0x2  }
0x9d: {  	vm0 =	vgt.s32 v3, $0xFFFFFFFF;
	v3 =	vxor.u32 $0x80000000, v3  }
0x9e: {  	v6 =	vmpcnt.ones.xlane vm0;
	(xrf1) =	vsort.dscd.msk.u32 $0xffff, v3, v4  }
0x9f: {  	(xrf1) =	vsort.dscd.msk.u32 $0xffff, v3, v5  }
0xa0: {  	(v2sf) =	vpush v6, $0x0;
	_ =	sdelay $0xa  }
.Ltmp5:
0xa1: {  	(pc) =	sbr.rel @p0 .LBB2_5-.Ltmp5, $4  }
0xa2: {  	v3, v4, _ =	vpop (xrf1)  }
0xa3: {  	v3 =	vxor.u32 $0x80000000, v3;
	[tilespmem:s0+$0x11880] =	vst v4;
	_, v4, _ =	vpop (xrf1)  }
0xa4: {  	[tilespmem:s0+$0x11400] =	vst v3  }
0xa5: {  	s3 =	sshra.s32 s29, $0x2;
	[tilespmem:s0+$0x11D00] =	vst v4;
	s29 =	spop (v2sf)  }
0xa6: {  	v3 =	vld [tilespmem:s3+$0x11000];
	_ =	sdelay $0x1  }
0xa7: {  	v4 =	vld [tilespmem:s3+$0x10800];
	_ =	sdelay $0x1  }
0xa8: {  	v5 =	vld [tilespmem:s3+$0x10C00]  }
0xa9: {  	vm0 =	vgt.s32 v3, $0xFFFFFFFF  }
0xaa: {  	v3 =	vxor.u32 $0x80000000, v3;
	v6 =	vmpcnt.ones.xlane vm0  }
0xab: {  	(xrf1) =	vsort.dscd.msk.u32 $0xffff, v3, v4  }
0xac: {  	(v2sf) =	vpush v6, $0x0  }
0xad: {  	(xrf1) =	vsort.dscd.msk.u32 $0xffff, v3, v5;
	_ =	sdelay $0xb  }
0xae: {  	s0 =	sadd.s32 s0, s29;
	v3, v4, _ =	vpop (xrf1)  }
0xaf: {  	v3 =	vxor.u32 $0x80000000, v3;
	[tilespmem:s0+$0x11880] =	vst v4  }
0xb0: {  	_, v63, _ =	vpop (xrf1);
	[tilespmem:s0+$0x11400] =	vst v3;
	s2 =	spop (v2sf)  }
0xb1: {  	[tilespmem:s0+$0x11D00] =	vst v63;
	s0 =	sadd.s32 s0, s2  }
0xb2: {  	[tilespmem:s0+$0x11400] =	vst v1  }
0xb3: {  	[tilespmem:s0+$0x11880] =	vst v2  }
0xb4: {  	[tilespmem:s0+$0x11D00] =	vst v0  }
0xb5: {  	[tilespmem:s0+$0x11410] =	vst v1  }
0xb6: {  	[tilespmem:s0+$0x11890] =	vst v2  }
0xb7: {  	[tilespmem:s0+$0x11D10] =	vst v0  }
0xb8: {  	[tilespmem:s0+$0x11420] =	vst v1  }
0xb9: {  	[tilespmem:s0+$0x118A0] =	vst v2  }
0xba: {  	[tilespmem:s0+$0x11D20] =	vst v0  }
0xbb: {  	[tilespmem:s0+$0x11430] =	vst v1  }
0xbc: {  	[tilespmem:s0+$0x118B0] =	vst v2  }
0xbd: {  	[tilespmem:s0+$0x11D30] =	vst v0;
	s2 =	sadd.s32 $0x7F, s0  }
0xbe: {  	[tilespmem:s0+$0x11440] =	vst v1;
	s10 =	sand.u32 $0x7F, s2  }
0xbf: {  	[tilespmem:s0+$0x118C0] =	vst v2;
	p1 =	slt.s32 s2, $0x1;
	p0 =	sne.s32 s10, $0x0;
	s10 =	sshra.s32 s2, $0x1F  }
0xc0: {  	[tilespmem:s0+$0x11D40] =	vst v0;
	s3 =	sshrl.u32 s10, $0x19;
	p0 =	por !p1, !p0  }
0xc1: {  	[tilespmem:s0+$0x11450] =	vst v1;
	s2 =	sadd.s32 s3, s2;
	p0 =	por !p0, !p0;
	s3 =	simm.s32 $0x1  }
0xc2: {  	[tilespmem:s0+$0x118D0] =	vst v2;
	s2 =	sshra.s32 s2, $0x7;
	s3 =	simm.s32 @!p0 $0x0  }
0xc3: {  	[tilespmem:s0+$0x11D50] =	vst v0;
	s29 =	ssub.s32 s2, s3  }
0xc4: {  	[tilespmem:s0+$0x11460] =	vst v1;
	p0 =	slt.s32 s29, $0x1  }
.Ltmp6:
0xc5: {  	[tilespmem:s0+$0x118E0] =	vst v2;
	(pc) =	sbr.rel @p0 .LBB2_10-.Ltmp6, $4  }
0xc6: {  	[tilespmem:s0+$0x11D60] =	vst v0  }
0xc7: {  	[tilespmem:s0+$0x11470] =	vst v1  }
0xc8: {  	[tilespmem:s0+$0x118F0] =	vst v2  }
0xc9: {  	s30 =	simm.s32 $0x0;
	s31 =	simm.s32 $0x11D00;
	[tilespmem:s0+$0x11D70] =	vst v0  }
.LBB2_7:
0xca: {  	s0 =	sshll.u32 s30, $0x7  }
0xcb: {  	s2 =	sadd.s32 $0x11880, s0  }
0xcc: {  	[tilespmem:s20], [sflag:$0x2] =	stream.indirect.gather [hbm4b:s8+s26], $0x40, s2, s26, $0xb8;
	[tilespmem:$0x1A200] =	vst v63  }
0xcd: {  	_ =	swait.ge [sflag:s9], $0x2000  }
0xce: {  	[sflag:s9] =	ssyncset.done $0x0  }
0xcf: {  	[sflag:s9] =	ssyncadd.s32 $0xFFFFE000  }
0xd0: {  	v3 =	vld [tilespmem:s0+$0x11400];
	_ =	sdelay $0x4  }
0xd1: {  	[tilespmem:$0x12180] =	vst v3  }
0xd2: {  	v3 =	vld [tilespmem:s0+$0x11410];
	_ =	sdelay $0x4  }
0xd3: {  	[tilespmem:$0x12190] =	vst v3  }
0xd4: {  	v3 =	vld [tilespmem:s0+$0x11420];
	_ =	sdelay $0x4  }
0xd5: {  	[tilespmem:$0x121A0] =	vst v3  }
0xd6: {  	v3 =	vld [tilespmem:s0+$0x11430];
	_ =	sdelay $0x4  }
0xd7: {  	[tilespmem:$0x121B0] =	vst v3  }
0xd8: {  	v3 =	vld [tilespmem:s0+$0x11440];
	_ =	sdelay $0x4  }
0xd9: {  	[tilespmem:$0x121C0] =	vst v3  }
0xda: {  	v3 =	vld [tilespmem:s0+$0x11450];
	_ =	sdelay $0x4  }
0xdb: {  	[tilespmem:$0x121D0] =	vst v3  }
0xdc: {  	v3 =	vld [tilespmem:s0+$0x11460];
	_ =	sdelay $0x4  }
0xdd: {  	[tilespmem:$0x121E0] =	vst v3  }
0xde: {  	v3 =	vld [tilespmem:s0+$0x11470];
	_ =	sdelay $0x4  }
0xdf: {  	[tilespmem:$0x121F0] =	vst v3;
	v3 =	vmov s31;
	_ =	sdelay $0x2  }
0xe0: {  	s3 =	simm.s32 $0x0;
	s2 =	simm.s32 $0x14600;
	s0 =	simm.s32 $0x12400  }
.LBB2_8:
0xe1: {  	s10 =	sshra.s32 s3, $0x2  }
0xe2: {  	v4 =	vld.idx.msk [tilespmem:v3+s10+$0x0 ss:$0x1], $0xffff;
	_ =	sdelay $0x1  }
0xe3: {  	v5 =	vld [tilespmem:s0+$0xFFFFFE00];
	_ =	sdelay $0x2  }
0xe4: {  	v6 =	vbroadcast v4, $0x0;
	_ =	sdelay $0x1  }
0xe5: {  	v7 =	vmul.f32 v5, v6;
	_ =	sdelay $0x1  }
0xe6: {  	v5 =	vmul.f32 v7, v5  }
0xe7: {  	[tilespmem:s2+$0xFFFFFC00] =	vst v7  }
0xe8: {  	[tilespmem:s2+$0xFFFFFC40] =	vst v5  }
0xe9: {  	v5 =	vld [tilespmem:s0+$0xFFFFFE10];
	_ =	sdelay $0x4  }
0xea: {  	v58 =	vmul.f32 v5, v6;
	_ =	sdelay $0x1  }
0xeb: {  	v5 =	vmul.f32 v58, v5  }
0xec: {  	[tilespmem:s2+$0xFFFFFC10] =	vst v58  }
0xed: {  	[tilespmem:s2+$0xFFFFFC50] =	vst v5  }
0xee: {  	v5 =	vld [tilespmem:s0+$0xFFFFFE20];
	_ =	sdelay $0x4  }
0xef: {  	v59 =	vmul.f32 v5, v6;
	_ =	sdelay $0x1  }
0xf0: {  	v5 =	vmul.f32 v59, v5  }
0xf1: {  	[tilespmem:s2+$0xFFFFFC20] =	vst v59  }
0xf2: {  	[tilespmem:s2+$0xFFFFFC60] =	vst v5  }
0xf3: {  	v5 =	vld [tilespmem:s0+$0xFFFFFE30];
	_ =	sdelay $0x4  }
0xf4: {  	v6 =	vmul.f32 v5, v6;
	_ =	sdelay $0x1  }
0xf5: {  	v5 =	vmul.f32 v6, v5  }
0xf6: {  	[tilespmem:s2+$0xFFFFFC30] =	vst v6  }
0xf7: {  	[tilespmem:s2+$0xFFFFFC70] =	vst v5  }
0xf8: {  	v5 =	vld [tilespmem:s0+$0xFFFFFE40];
	_ =	sdelay $0x2  }
0xf9: {  	v60 =	vbroadcast v4, $0x1;
	_ =	sdelay $0x1  }
0xfa: {  	v61 =	vmul.f32 v5, v60;
	_ =	sdelay $0x1  }
0xfb: {  	v5 =	vmul.f32 v61, v5  }
0xfc: {  	[tilespmem:s2+$0xFFFFFC80] =	vst v61  }
0xfd: {  	[tilespmem:s2+$0xFFFFFCC0] =	vst v5  }
0xfe: {  	v5 =	vld [tilespmem:s0+$0xFFFFFE50];
	_ =	sdelay $0x4  }
0xff: {  	v62 =	vmul.f32 v5, v60;
	_ =	sdelay $0x1  }
0x100: {  	v5 =	vmul.f32 v62, v5  }
0x101: {  	[tilespmem:s2+$0xFFFFFC90] =	vst v62  }
0x102: {  	[tilespmem:s2+$0xFFFFFCD0] =	vst v5  }
0x103: {  	v5 =	vld [tilespmem:s0+$0xFFFFFE60];
	_ =	sdelay $0x4  }
0x104: {  	v63 =	vmul.f32 v5, v60;
	_ =	sdelay $0x1  }
0x105: {  	v5 =	vmul.f32 v63, v5  }
0x106: {  	[tilespmem:s2+$0xFFFFFCA0] =	vst v63  }
0x107: {  	[tilespmem:s2+$0xFFFFFCE0] =	vst v5  }
0x108: {  	v5 =	vld [tilespmem:s0+$0xFFFFFE70];
	_ =	sdelay $0x4  }
0x109: {  	v6 =	vmul.f32 v5, v60;
	_ =	sdelay $0x1  }
0x10a: {  	v5 =	vmul.f32 v6, v5  }
0x10b: {  	[tilespmem:s2+$0xFFFFFCB0] =	vst v6  }
0x10c: {  	[tilespmem:s2+$0xFFFFFCF0] =	vst v5  }
0x10d: {  	v5 =	vld [tilespmem:s0+$0xFFFFFE80];
	_ =	sdelay $0x2  }
0x10e: {  	v9 =	vbroadcast v4, $0x2;
	_ =	sdelay $0x1  }
0x10f: {  	v10 =	vmul.f32 v5, v9;
	_ =	sdelay $0x1  }
0x110: {  	v5 =	vmul.f32 v10, v5  }
0x111: {  	[tilespmem:s2+$0xFFFFFD00] =	vst v10  }
0x112: {  	[tilespmem:s2+$0xFFFFFD40] =	vst v5  }
0x113: {  	v5 =	vld [tilespmem:s0+$0xFFFFFE90];
	_ =	sdelay $0x4  }
0x114: {  	v11 =	vmul.f32 v5, v9;
	_ =	sdelay $0x1  }
0x115: {  	v5 =	vmul.f32 v11, v5  }
0x116: {  	[tilespmem:s2+$0xFFFFFD10] =	vst v11  }
0x117: {  	[tilespmem:s2+$0xFFFFFD50] =	vst v5  }
0x118: {  	v5 =	vld [tilespmem:s0+$0xFFFFFEA0];
	_ =	sdelay $0x4  }
0x119: {  	v12 =	vmul.f32 v5, v9;
	_ =	sdelay $0x1  }
0x11a: {  	v5 =	vmul.f32 v12, v5  }
0x11b: {  	[tilespmem:s2+$0xFFFFFD20] =	vst v12  }
0x11c: {  	[tilespmem:s2+$0xFFFFFD60] =	vst v5  }
0x11d: {  	v5 =	vld [tilespmem:s0+$0xFFFFFEB0];
	_ =	sdelay $0x4  }
0x11e: {  	v6 =	vmul.f32 v5, v9;
	_ =	sdelay $0x1  }
0x11f: {  	v5 =	vmul.f32 v6, v5  }
0x120: {  	[tilespmem:s2+$0xFFFFFD30] =	vst v6  }
0x121: {  	[tilespmem:s2+$0xFFFFFD70] =	vst v5  }
0x122: {  	v5 =	vld [tilespmem:s0+$0xFFFFFEC0];
	_ =	sdelay $0x2  }
0x123: {  	v13 =	vbroadcast v4, $0x3;
	_ =	sdelay $0x1  }
0x124: {  	v14 =	vmul.f32 v5, v13;
	_ =	sdelay $0x1  }
0x125: {  	v5 =	vmul.f32 v14, v5  }
0x126: {  	[tilespmem:s2+$0xFFFFFD80] =	vst v14  }
0x127: {  	[tilespmem:s2+$0xFFFFFDC0] =	vst v5  }
0x128: {  	v5 =	vld [tilespmem:s0+$0xFFFFFED0];
	_ =	sdelay $0x4  }
0x129: {  	v15 =	vmul.f32 v5, v13;
	_ =	sdelay $0x1  }
0x12a: {  	v5 =	vmul.f32 v15, v5  }
0x12b: {  	[tilespmem:s2+$0xFFFFFD90] =	vst v15  }
0x12c: {  	[tilespmem:s2+$0xFFFFFDD0] =	vst v5  }
0x12d: {  	v5 =	vld [tilespmem:s0+$0xFFFFFEE0];
	_ =	sdelay $0x4  }
0x12e: {  	v16 =	vmul.f32 v5, v13;
	_ =	sdelay $0x1  }
0x12f: {  	v5 =	vmul.f32 v16, v5  }
0x130: {  	[tilespmem:s2+$0xFFFFFDA0] =	vst v16  }
0x131: {  	[tilespmem:s2+$0xFFFFFDE0] =	vst v5  }
0x132: {  	v5 =	vld [tilespmem:s0+$0xFFFFFEF0];
	_ =	sdelay $0x4  }
0x133: {  	v6 =	vmul.f32 v5, v13;
	_ =	sdelay $0x1  }
0x134: {  	v5 =	vmul.f32 v6, v5  }
0x135: {  	[tilespmem:s2+$0xFFFFFDB0] =	vst v6  }
0x136: {  	[tilespmem:s2+$0xFFFFFDF0] =	vst v5  }
0x137: {  	v5 =	vld [tilespmem:s0+$0xFFFFFF00];
	_ =	sdelay $0x2  }
0x138: {  	v17 =	vbroadcast v4, $0x4;
	_ =	sdelay $0x1  }
0x139: {  	v18 =	vmul.f32 v5, v17;
	_ =	sdelay $0x1  }
0x13a: {  	v5 =	vmul.f32 v18, v5  }
0x13b: {  	[tilespmem:s2+$0xFFFFFE00] =	vst v18  }
0x13c: {  	[tilespmem:s2+$0xFFFFFE40] =	vst v5  }
0x13d: {  	v5 =	vld [tilespmem:s0+$0xFFFFFF10];
	_ =	sdelay $0x4  }
0x13e: {  	v19 =	vmul.f32 v5, v17;
	_ =	sdelay $0x1  }
0x13f: {  	v5 =	vmul.f32 v19, v5  }
0x140: {  	[tilespmem:s2+$0xFFFFFE10] =	vst v19  }
0x141: {  	[tilespmem:s2+$0xFFFFFE50] =	vst v5  }
0x142: {  	v5 =	vld [tilespmem:s0+$0xFFFFFF20];
	_ =	sdelay $0x4  }
0x143: {  	v20 =	vmul.f32 v5, v17;
	_ =	sdelay $0x1  }
0x144: {  	v5 =	vmul.f32 v20, v5  }
0x145: {  	[tilespmem:s2+$0xFFFFFE20] =	vst v20  }
0x146: {  	[tilespmem:s2+$0xFFFFFE60] =	vst v5  }
0x147: {  	v5 =	vld [tilespmem:s0+$0xFFFFFF30];
	_ =	sdelay $0x4  }
0x148: {  	v6 =	vmul.f32 v5, v17;
	_ =	sdelay $0x1  }
0x149: {  	v5 =	vmul.f32 v6, v5  }
0x14a: {  	[tilespmem:s2+$0xFFFFFE30] =	vst v6  }
0x14b: {  	[tilespmem:s2+$0xFFFFFE70] =	vst v5  }
0x14c: {  	v5 =	vld [tilespmem:s0+$0xFFFFFF40];
	_ =	sdelay $0x2  }
0x14d: {  	v21 =	vbroadcast v4, $0x5;
	_ =	sdelay $0x1  }
0x14e: {  	v22 =	vmul.f32 v5, v21;
	_ =	sdelay $0x1  }
0x14f: {  	v5 =	vmul.f32 v22, v5  }
0x150: {  	[tilespmem:s2+$0xFFFFFE80] =	vst v22  }
0x151: {  	[tilespmem:s2+$0xFFFFFEC0] =	vst v5  }
0x152: {  	v5 =	vld [tilespmem:s0+$0xFFFFFF50];
	_ =	sdelay $0x4  }
0x153: {  	v23 =	vmul.f32 v5, v21;
	_ =	sdelay $0x1  }
0x154: {  	v5 =	vmul.f32 v23, v5  }
0x155: {  	[tilespmem:s2+$0xFFFFFE90] =	vst v23  }
0x156: {  	[tilespmem:s2+$0xFFFFFED0] =	vst v5  }
0x157: {  	v5 =	vld [tilespmem:s0+$0xFFFFFF60];
	_ =	sdelay $0x4  }
0x158: {  	v24 =	vmul.f32 v5, v21;
	_ =	sdelay $0x1  }
0x159: {  	v5 =	vmul.f32 v24, v5  }
0x15a: {  	[tilespmem:s2+$0xFFFFFEA0] =	vst v24  }
0x15b: {  	[tilespmem:s2+$0xFFFFFEE0] =	vst v5  }
0x15c: {  	v5 =	vld [tilespmem:s0+$0xFFFFFF70];
	_ =	sdelay $0x4  }
0x15d: {  	v6 =	vmul.f32 v5, v21;
	_ =	sdelay $0x1  }
0x15e: {  	v5 =	vmul.f32 v6, v5  }
0x15f: {  	[tilespmem:s2+$0xFFFFFEB0] =	vst v6  }
0x160: {  	[tilespmem:s2+$0xFFFFFEF0] =	vst v5  }
0x161: {  	v5 =	vld [tilespmem:s0+$0xFFFFFF80];
	_ =	sdelay $0x2  }
0x162: {  	v25 =	vbroadcast v4, $0x6;
	_ =	sdelay $0x1  }
0x163: {  	v26 =	vmul.f32 v5, v25;
	_ =	sdelay $0x1  }
0x164: {  	v5 =	vmul.f32 v26, v5  }
0x165: {  	[tilespmem:s2+$0xFFFFFF00] =	vst v26  }
0x166: {  	[tilespmem:s2+$0xFFFFFF40] =	vst v5  }
0x167: {  	v5 =	vld [tilespmem:s0+$0xFFFFFF90];
	_ =	sdelay $0x4  }
0x168: {  	v27 =	vmul.f32 v5, v25;
	_ =	sdelay $0x1  }
0x169: {  	v5 =	vmul.f32 v27, v5  }
0x16a: {  	[tilespmem:s2+$0xFFFFFF10] =	vst v27  }
0x16b: {  	[tilespmem:s2+$0xFFFFFF50] =	vst v5  }
0x16c: {  	v5 =	vld [tilespmem:s0+$0xFFFFFFA0];
	_ =	sdelay $0x4  }
0x16d: {  	v28 =	vmul.f32 v5, v25;
	_ =	sdelay $0x1  }
0x16e: {  	v5 =	vmul.f32 v28, v5  }
0x16f: {  	[tilespmem:s2+$0xFFFFFF20] =	vst v28  }
0x170: {  	[tilespmem:s2+$0xFFFFFF60] =	vst v5  }
0x171: {  	v5 =	vld [tilespmem:s0+$0xFFFFFFB0];
	_ =	sdelay $0x4  }
0x172: {  	v6 =	vmul.f32 v5, v25;
	_ =	sdelay $0x1  }
0x173: {  	v5 =	vmul.f32 v6, v5  }
0x174: {  	[tilespmem:s2+$0xFFFFFF30] =	vst v6  }
0x175: {  	[tilespmem:s2+$0xFFFFFF70] =	vst v5  }
0x176: {  	v5 =	vld [tilespmem:s0+$0xFFFFFFC0];
	_ =	sdelay $0x2  }
0x177: {  	v29 =	vbroadcast v4, $0x7;
	_ =	sdelay $0x1  }
0x178: {  	v30 =	vmul.f32 v5, v29;
	_ =	sdelay $0x1  }
0x179: {  	v5 =	vmul.f32 v30, v5  }
0x17a: {  	[tilespmem:s2+$0xFFFFFF80] =	vst v30  }
0x17b: {  	[tilespmem:s2+$0xFFFFFFC0] =	vst v5  }
0x17c: {  	v5 =	vld [tilespmem:s0+$0xFFFFFFD0];
	_ =	sdelay $0x4  }
0x17d: {  	v31 =	vmul.f32 v5, v29;
	_ =	sdelay $0x1  }
0x17e: {  	v5 =	vmul.f32 v31, v5  }
0x17f: {  	[tilespmem:s2+$0xFFFFFF90] =	vst v31  }
0x180: {  	[tilespmem:s2+$0xFFFFFFD0] =	vst v5  }
0x181: {  	v5 =	vld [tilespmem:s0+$0xFFFFFFE0];
	_ =	sdelay $0x4  }
0x182: {  	v32 =	vmul.f32 v5, v29;
	_ =	sdelay $0x1  }
0x183: {  	v5 =	vmul.f32 v32, v5  }
0x184: {  	[tilespmem:s2+$0xFFFFFFA0] =	vst v32  }
0x185: {  	[tilespmem:s2+$0xFFFFFFE0] =	vst v5  }
0x186: {  	v5 =	vld [tilespmem:s0+$0xFFFFFFF0];
	_ =	sdelay $0x4  }
0x187: {  	v6 =	vmul.f32 v5, v29;
	_ =	sdelay $0x1  }
0x188: {  	v5 =	vmul.f32 v6, v5  }
0x189: {  	[tilespmem:s2+$0xFFFFFFB0] =	vst v6  }
0x18a: {  	[tilespmem:s2+$0xFFFFFFF0] =	vst v5  }
0x18b: {  	v5 =	vld [tilespmem:s0+$0x0];
	_ =	sdelay $0x2  }
0x18c: {  	v33 =	vbroadcast v4, $0x8;
	_ =	sdelay $0x1  }
0x18d: {  	v34 =	vmul.f32 v5, v33;
	_ =	sdelay $0x1  }
0x18e: {  	v5 =	vmul.f32 v34, v5  }
0x18f: {  	[tilespmem:s2+$0x0] =	vst v34  }
0x190: {  	[tilespmem:s2+$0x40] =	vst v5  }
0x191: {  	v5 =	vld [tilespmem:s0+$0x10];
	_ =	sdelay $0x4  }
0x192: {  	v35 =	vmul.f32 v5, v33;
	_ =	sdelay $0x1  }
0x193: {  	v5 =	vmul.f32 v35, v5  }
0x194: {  	[tilespmem:s2+$0x10] =	vst v35  }
0x195: {  	[tilespmem:s2+$0x50] =	vst v5  }
0x196: {  	v5 =	vld [tilespmem:s0+$0x20];
	_ =	sdelay $0x4  }
0x197: {  	v36 =	vmul.f32 v5, v33;
	_ =	sdelay $0x1  }
0x198: {  	v5 =	vmul.f32 v36, v5  }
0x199: {  	[tilespmem:s2+$0x20] =	vst v36  }
0x19a: {  	[tilespmem:s2+$0x60] =	vst v5  }
0x19b: {  	v5 =	vld [tilespmem:s0+$0x30];
	_ =	sdelay $0x4  }
0x19c: {  	v6 =	vmul.f32 v5, v33;
	_ =	sdelay $0x1  }
0x19d: {  	v5 =	vmul.f32 v6, v5  }
0x19e: {  	[tilespmem:s2+$0x30] =	vst v6  }
0x19f: {  	[tilespmem:s2+$0x70] =	vst v5  }
0x1a0: {  	v5 =	vld [tilespmem:s0+$0x40];
	_ =	sdelay $0x2  }
0x1a1: {  	v37 =	vbroadcast v4, $0x9;
	_ =	sdelay $0x1  }
0x1a2: {  	v38 =	vmul.f32 v5, v37;
	_ =	sdelay $0x1  }
0x1a3: {  	v5 =	vmul.f32 v38, v5  }
0x1a4: {  	[tilespmem:s2+$0x80] =	vst v38  }
0x1a5: {  	[tilespmem:s2+$0xC0] =	vst v5  }
0x1a6: {  	v5 =	vld [tilespmem:s0+$0x50];
	_ =	sdelay $0x4  }
0x1a7: {  	v39 =	vmul.f32 v5, v37;
	_ =	sdelay $0x1  }
0x1a8: {  	v5 =	vmul.f32 v39, v5  }
0x1a9: {  	[tilespmem:s2+$0x90] =	vst v39  }
0x1aa: {  	[tilespmem:s2+$0xD0] =	vst v5  }
0x1ab: {  	v5 =	vld [tilespmem:s0+$0x60];
	_ =	sdelay $0x4  }
0x1ac: {  	v40 =	vmul.f32 v5, v37;
	_ =	sdelay $0x1  }
0x1ad: {  	v5 =	vmul.f32 v40, v5  }
0x1ae: {  	[tilespmem:s2+$0xA0] =	vst v40  }
0x1af: {  	[tilespmem:s2+$0xE0] =	vst v5  }
0x1b0: {  	v5 =	vld [tilespmem:s0+$0x70];
	_ =	sdelay $0x4  }
0x1b1: {  	v6 =	vmul.f32 v5, v37;
	_ =	sdelay $0x1  }
0x1b2: {  	v5 =	vmul.f32 v6, v5  }
0x1b3: {  	[tilespmem:s2+$0xB0] =	vst v6  }
0x1b4: {  	[tilespmem:s2+$0xF0] =	vst v5  }
0x1b5: {  	v5 =	vld [tilespmem:s0+$0x80];
	_ =	sdelay $0x2  }
0x1b6: {  	v41 =	vbroadcast v4, $0xA;
	_ =	sdelay $0x1  }
0x1b7: {  	v42 =	vmul.f32 v5, v41;
	_ =	sdelay $0x1  }
0x1b8: {  	v5 =	vmul.f32 v42, v5  }
0x1b9: {  	[tilespmem:s2+$0x100] =	vst v42  }
0x1ba: {  	[tilespmem:s2+$0x140] =	vst v5  }
0x1bb: {  	v5 =	vld [tilespmem:s0+$0x90];
	_ =	sdelay $0x4  }
0x1bc: {  	v43 =	vmul.f32 v5, v41;
	_ =	sdelay $0x1  }
0x1bd: {  	v5 =	vmul.f32 v43, v5  }
0x1be: {  	[tilespmem:s2+$0x110] =	vst v43  }
0x1bf: {  	[tilespmem:s2+$0x150] =	vst v5  }
0x1c0: {  	v5 =	vld [tilespmem:s0+$0xA0];
	_ =	sdelay $0x4  }
0x1c1: {  	v44 =	vmul.f32 v5, v41;
	_ =	sdelay $0x1  }
0x1c2: {  	v5 =	vmul.f32 v44, v5  }
0x1c3: {  	[tilespmem:s2+$0x120] =	vst v44  }
0x1c4: {  	[tilespmem:s2+$0x160] =	vst v5  }
0x1c5: {  	v5 =	vld [tilespmem:s0+$0xB0];
	_ =	sdelay $0x4  }
0x1c6: {  	v6 =	vmul.f32 v5, v41;
	_ =	sdelay $0x1  }
0x1c7: {  	v5 =	vmul.f32 v6, v5  }
0x1c8: {  	[tilespmem:s2+$0x130] =	vst v6  }
0x1c9: {  	[tilespmem:s2+$0x170] =	vst v5  }
0x1ca: {  	v5 =	vld [tilespmem:s0+$0xC0];
	_ =	sdelay $0x2  }
0x1cb: {  	v45 =	vbroadcast v4, $0xB;
	_ =	sdelay $0x1  }
0x1cc: {  	v46 =	vmul.f32 v5, v45;
	_ =	sdelay $0x1  }
0x1cd: {  	v5 =	vmul.f32 v46, v5  }
0x1ce: {  	[tilespmem:s2+$0x180] =	vst v46  }
0x1cf: {  	[tilespmem:s2+$0x1C0] =	vst v5  }
0x1d0: {  	v5 =	vld [tilespmem:s0+$0xD0];
	_ =	sdelay $0x4  }
0x1d1: {  	v47 =	vmul.f32 v5, v45;
	_ =	sdelay $0x1  }
0x1d2: {  	v5 =	vmul.f32 v47, v5  }
0x1d3: {  	[tilespmem:s2+$0x190] =	vst v47  }
0x1d4: {  	[tilespmem:s2+$0x1D0] =	vst v5  }
0x1d5: {  	v5 =	vld [tilespmem:s0+$0xE0];
	_ =	sdelay $0x4  }
0x1d6: {  	v48 =	vmul.f32 v5, v45;
	_ =	sdelay $0x1  }
0x1d7: {  	v5 =	vmul.f32 v48, v5  }
0x1d8: {  	[tilespmem:s2+$0x1A0] =	vst v48  }
0x1d9: {  	[tilespmem:s2+$0x1E0] =	vst v5  }
0x1da: {  	v5 =	vld [tilespmem:s0+$0xF0];
	_ =	sdelay $0x4  }
0x1db: {  	v6 =	vmul.f32 v5, v45;
	_ =	sdelay $0x1  }
0x1dc: {  	v5 =	vmul.f32 v6, v5  }
0x1dd: {  	[tilespmem:s2+$0x1B0] =	vst v6  }
0x1de: {  	[tilespmem:s2+$0x1F0] =	vst v5  }
0x1df: {  	v5 =	vld [tilespmem:s0+$0x100];
	_ =	sdelay $0x2  }
0x1e0: {  	v49 =	vbroadcast v4, $0xC;
	_ =	sdelay $0x1  }
0x1e1: {  	v50 =	vmul.f32 v5, v49;
	_ =	sdelay $0x1  }
0x1e2: {  	v5 =	vmul.f32 v50, v5  }
0x1e3: {  	[tilespmem:s2+$0x200] =	vst v50  }
0x1e4: {  	[tilespmem:s2+$0x240] =	vst v5  }
0x1e5: {  	v5 =	vld [tilespmem:s0+$0x110];
	_ =	sdelay $0x4  }
0x1e6: {  	v51 =	vmul.f32 v5, v49;
	_ =	sdelay $0x1  }
0x1e7: {  	v5 =	vmul.f32 v51, v5  }
0x1e8: {  	[tilespmem:s2+$0x210] =	vst v51  }
0x1e9: {  	[tilespmem:s2+$0x250] =	vst v5  }
0x1ea: {  	v5 =	vld [tilespmem:s0+$0x120];
	_ =	sdelay $0x4  }
0x1eb: {  	v52 =	vmul.f32 v5, v49;
	_ =	sdelay $0x1  }
0x1ec: {  	v5 =	vmul.f32 v52, v5  }
0x1ed: {  	[tilespmem:s2+$0x220] =	vst v52  }
0x1ee: {  	[tilespmem:s2+$0x260] =	vst v5  }
0x1ef: {  	v5 =	vld [tilespmem:s0+$0x130];
	_ =	sdelay $0x4  }
0x1f0: {  	v6 =	vmul.f32 v5, v49;
	_ =	sdelay $0x1  }
0x1f1: {  	v5 =	vmul.f32 v6, v5  }
0x1f2: {  	[tilespmem:s2+$0x230] =	vst v6  }
0x1f3: {  	[tilespmem:s2+$0x270] =	vst v5  }
0x1f4: {  	v5 =	vld [tilespmem:s0+$0x140];
	_ =	sdelay $0x2  }
0x1f5: {  	v53 =	vbroadcast v4, $0xD;
	_ =	sdelay $0x1  }
0x1f6: {  	v54 =	vmul.f32 v5, v53;
	_ =	sdelay $0x1  }
0x1f7: {  	v5 =	vmul.f32 v54, v5  }
0x1f8: {  	[tilespmem:s2+$0x280] =	vst v54  }
0x1f9: {  	[tilespmem:s2+$0x2C0] =	vst v5  }
0x1fa: {  	v5 =	vld [tilespmem:s0+$0x150];
	_ =	sdelay $0x4  }
0x1fb: {  	v55 =	vmul.f32 v5, v53;
	_ =	sdelay $0x1  }
0x1fc: {  	v5 =	vmul.f32 v55, v5  }
0x1fd: {  	[tilespmem:s2+$0x290] =	vst v55  }
0x1fe: {  	[tilespmem:s2+$0x2D0] =	vst v5  }
0x1ff: {  	v5 =	vld [tilespmem:s0+$0x160];
	_ =	sdelay $0x4  }
0x200: {  	v56 =	vmul.f32 v5, v53;
	_ =	sdelay $0x1  }
0x201: {  	v5 =	vmul.f32 v56, v5  }
0x202: {  	[tilespmem:s2+$0x2A0] =	vst v56  }
0x203: {  	[tilespmem:s2+$0x2E0] =	vst v5  }
0x204: {  	v5 =	vld [tilespmem:s0+$0x170];
	_ =	sdelay $0x4  }
0x205: {  	v6 =	vmul.f32 v5, v53;
	_ =	sdelay $0x1  }
0x206: {  	v5 =	vmul.f32 v6, v5  }
0x207: {  	[tilespmem:s2+$0x2B0] =	vst v6  }
0x208: {  	[tilespmem:s2+$0x2F0] =	vst v5  }
0x209: {  	v5 =	vld [tilespmem:s0+$0x180];
	_ =	sdelay $0x2  }
0x20a: {  	v57 =	vbroadcast v4, $0xE;
	_ =	sdelay $0x1  }
0x20b: {  	v58 =	vmul.f32 v5, v57;
	_ =	sdelay $0x1  }
0x20c: {  	v5 =	vmul.f32 v58, v5  }
0x20d: {  	[tilespmem:s2+$0x300] =	vst v58  }
0x20e: {  	[tilespmem:s2+$0x340] =	vst v5  }
0x20f: {  	v5 =	vld [tilespmem:s0+$0x190];
	_ =	sdelay $0x4  }
0x210: {  	v59 =	vmul.f32 v5, v57;
	_ =	sdelay $0x1  }
0x211: {  	v5 =	vmul.f32 v59, v5  }
0x212: {  	[tilespmem:s2+$0x310] =	vst v59  }
0x213: {  	[tilespmem:s2+$0x350] =	vst v5  }
0x214: {  	v5 =	vld [tilespmem:s0+$0x1A0];
	_ =	sdelay $0x4  }
0x215: {  	v60 =	vmul.f32 v5, v57;
	_ =	sdelay $0x1  }
0x216: {  	v5 =	vmul.f32 v60, v5  }
0x217: {  	[tilespmem:s2+$0x320] =	vst v60  }
0x218: {  	[tilespmem:s2+$0x360] =	vst v5  }
0x219: {  	v5 =	vld [tilespmem:s0+$0x1B0];
	_ =	sdelay $0x4  }
0x21a: {  	v6 =	vmul.f32 v5, v57;
	_ =	sdelay $0x1  }
0x21b: {  	v5 =	vmul.f32 v6, v5  }
0x21c: {  	[tilespmem:s2+$0x330] =	vst v6  }
0x21d: {  	[tilespmem:s2+$0x370] =	vst v5  }
0x21e: {  	v5 =	vld [tilespmem:s0+$0x1C0];
	_ =	sdelay $0x2  }
0x21f: {  	v4 =	vbroadcast v4, $0xF;
	_ =	sdelay $0x1  }
0x220: {  	v61 =	vmul.f32 v5, v4;
	_ =	sdelay $0x1  }
0x221: {  	v5 =	vmul.f32 v61, v5  }
0x222: {  	[tilespmem:s2+$0x380] =	vst v61  }
0x223: {  	[tilespmem:s2+$0x3C0] =	vst v5  }
0x224: {  	v5 =	vld [tilespmem:s0+$0x1D0];
	_ =	sdelay $0x4  }
0x225: {  	v62 =	vmul.f32 v5, v4;
	_ =	sdelay $0x1  }
0x226: {  	v5 =	vmul.f32 v62, v5  }
0x227: {  	[tilespmem:s2+$0x390] =	vst v62  }
0x228: {  	[tilespmem:s2+$0x3D0] =	vst v5  }
0x229: {  	v5 =	vld [tilespmem:s0+$0x1E0];
	_ =	sdelay $0x4  }
0x22a: {  	v63 =	vmul.f32 v5, v4;
	_ =	sdelay $0x1  }
0x22b: {  	v5 =	vmul.f32 v63, v5  }
0x22c: {  	[tilespmem:s2+$0x3A0] =	vst v63  }
0x22d: {  	[tilespmem:s2+$0x3E0] =	vst v5  }
0x22e: {  	v5 =	vld [tilespmem:s0+$0x1F0];
	_ =	sdelay $0x3  }
0x22f: {  	p0 =	sne.s32 s3, $0x1C0  }
.Ltmp7:
0x230: {  	v4 =	vmul.f32 v5, v4;
	(pc) =	sbr.rel @p0 .LBB2_8-.Ltmp7, $4  }
0x231: {  	_ = 	snop  }
0x232: {  	v5 =	vmul.f32 v4, v5  }
0x233: {  	[tilespmem:s2+$0x3B0] =	vst v4  }
0x234: {  	s3 =	sadd.s32 $0x40, s3;
	s0 =	sadd.s32 $0x400, s0;
	[tilespmem:s2+$0x3F0] =	vst v5;
	s2 =	sadd.s32 $0x800, s2  }
0x235: {  	[spmem:s1] =	stream.indirect.scatter.add.f32 [tilespmem:s24], [sflag:$0x3], $0x80, s21, s26, $0xb8;
	[tilespmem:$0x1A200] =	vst v63  }
0x236: {  	s30 =	sadd.s32 $0x1, s30  }
0x237: {  	p0 =	sne.s32 s30, s29  }
.Ltmp8:
0x238: {  	_ = 	snop;
	(pc) =	sbr.rel @p0 .LBB2_7-.Ltmp8, $4  }
.Ltmp9:
0x239: {  	_ = 	snop;
	(pc) =	sbr.rel @!p0 .LBB2_10-.Ltmp9, $4  }
0x23a: {  	_ =	swait.ge [sflag:s22], $0x4000  }
0x23b: {  	[sflag:s22] =	ssyncset.done $0x0  }
0x23c: {  	s31 =	sadd.s32 $0x80, s31;
	[sflag:s22] =	ssyncadd.s32 $0xFFFFC000  }
0x23d: {  	_ = 	snop  }
.LBB2_12:
0x23e: {  	_ =	sfence.sel $0x180000  }
0x23f: {  	[bflag:$0x0] =	sbarrier.arrive $0xFFFF  }
0x240: {  	_ =	strace $0x9000004A  }
0x241: {  	s0 =	stileid.u32;
	[bflag:$0x2] =	sbarrier.arrive $0xFFFF  }
0x242: {  	p0 =	sne.s32 s0, $0x0;
	s0 =	rddreg [dreg:$0x2]  }
0x243: {  	s0 =	sadd.s32 @!p0 $0x100000, s0  }
0x244: {  	[sflag:s0] =	ssyncadd.tile.s32 @!p0 $0x1;
	_ =	shalt  }
.Lfunc_end2:
_tile_overlayer_lowered:
.L_overlay_start_2:
0x245: {  	(tag) =	ssettag $0x2  }
0x246: {  	s0 =	rddreg [dreg:$0x0];
	s2 =	stileid.u32  }
0x247: {  	s1 =	rddreg [dreg:$0x1];
	p0 =	sne.s32 s2, $0x0  }
0x248: {  	s3 =	rddreg [dreg:$0x2];
	[bflag:$0x3] =	sbarrier.arrive $0xFFFF;
	s2 =	simm.s32 @!p0 $0x1C03  }
0x249: {  	[timem:s3], [sflag:s2] =	dma.local @!p0 [hbm:s0], s1  }
0x24a: {  	s0 =	simm.s32 @!p0 $0x3  }
0x24b: {  	_ =	swait.ge @!p0 [sflag:s0], s1  }
0x24c: {  	s1 =	ssub.s32 @!p0 $0x0, s1;
	[sflag:s0] =	ssyncset.done @!p0 $0x0  }
0x24d: {  	[sflag:s0] =	ssyncadd.s32 @!p0 s1  }
0x24e: {  	[bflag:$0x3] =	sbarrier.arrive $0xFFFF  }
0x24f: {  	_ =	shalt  }

</sc_bundles>
